<compile_context>
chip_gen: v7x
topology: tpu7x:2x2x1
jax: 0.10.2.dev20260603
libtpu: 0.0.44.dev20260713+nightly
codegen_flags: <defaults>
</compile_context>

<pallas_src>
import functools

import jax
import jax.numpy as jnp
from jax import lax
from jax.experimental import pallas as pl
from jax.experimental.pallas import tpu as pltpu
from jax.experimental.pallas import tpu_sc as plsc

N = 10000
E = 320000
D = 128
KS = (5000, 2500, 1250)

NC = 2
NS = 16
NW = NC * NS
CH = 128
EPW = E // NW
NFULL = EPW // CH
REM = EPW - NFULL * CH
STRIPE = 624

NPAD = 10240
SROWS = NPAD // 128
RB = 2000
GA = N // RB
IMIN = -2147483648


def _sc_scatter_body(x_hbm, src_hbm, dst_hbm, out_hbm,
                     s0, d0, s1, d1, s2, d2, s3, d3, s4, d4, s5, d5,
                     rows_a, rows_b, rows_c, acc,
                     sem_i, sem_ga, sem_gb, sem_gc, sem_sa, sem_sb, sem_sc):
    srcs = [s0, s1, s2, s3, s4, s5]
    dsts = [d0, d1, d2, d3, d4, d5]
    cid = lax.axis_index("c")
    sid = lax.axis_index("s")
    wid = sid * NC + cid

    def zrow(i, carry):
        for j in range(8):
            rows_a[i, pl.ds(j * 16, 16)] = jnp.zeros((16,), jnp.float32)
        return carry
    lax.fori_loop(0, CH, zrow, 0)
    base = sid * STRIPE
    for t in range(4):
        pltpu.sync_copy(rows_a.at[pl.ds(0, CH)], acc.at[pl.ds(base + t * CH, CH)])
    pltpu.sync_copy(rows_a.at[pl.ds(0, STRIPE - 4 * CH)],
                    acc.at[pl.ds(base + 4 * CH, STRIPE - 4 * CH)])

    @pl.when(sid == NS - 1)
    def _():
        pltpu.sync_copy(rows_a.at[pl.ds(0, N - NS * STRIPE)],
                        acc.at[pl.ds(NS * STRIPE, N - NS * STRIPE)])
    plsc.subcore_barrier()

    ebase = wid * EPW

    for t in range(3):
        pltpu.async_copy(src_hbm.at[pl.ds(ebase + t * CH, CH)], srcs[t], sem_i)
        pltpu.async_copy(dst_hbm.at[pl.ds(ebase + t * CH, CH)], dsts[t], sem_i)

    def hexad(g, carry):
        c0 = ebase + 6 * g * CH

        def idx_wait():
            pltpu.make_async_copy(src_hbm.at[pl.ds(c0, CH)], srcs[0], sem_i).wait()

        for t in range(3, 6):
            pltpu.async_copy(src_hbm.at[pl.ds(c0 + t * CH, CH)], srcs[t], sem_i)
            pltpu.async_copy(dst_hbm.at[pl.ds(c0 + t * CH, CH)], dsts[t], sem_i)
        for _ in range(6):
            idx_wait()
        g0 = pltpu.async_copy(x_hbm.at[srcs[0]], rows_a, sem_ga)
        g1 = pltpu.async_copy(x_hbm.at[srcs[1]], rows_b, sem_gb)
        g2 = pltpu.async_copy(x_hbm.at[srcs[2]], rows_c, sem_gc)
        g0.wait()
        s0 = pltpu.async_copy(rows_a, acc.at[dsts[0]], sem_sa, add=True)
        g1.wait()
        s1 = pltpu.async_copy(rows_b, acc.at[dsts[1]], sem_sb, add=True)
        g2.wait()
        s2 = pltpu.async_copy(rows_c, acc.at[dsts[2]], sem_sc, add=True)
        for _ in range(6):
            idx_wait()
        s0.wait()
        g0 = pltpu.async_copy(x_hbm.at[srcs[3]], rows_a, sem_ga)
        s1.wait()
        g1 = pltpu.async_copy(x_hbm.at[srcs[4]], rows_b, sem_gb)
        s2.wait()
        g2 = pltpu.async_copy(x_hbm.at[srcs[5]], rows_c, sem_gc)

        @pl.when(g + 1 < NFULL // 6)
        def _():
            for t in range(3):
                pltpu.async_copy(src_hbm.at[pl.ds(c0 + (6 + t) * CH, CH)], srcs[t], sem_i)
                pltpu.async_copy(dst_hbm.at[pl.ds(c0 + (6 + t) * CH, CH)], dsts[t], sem_i)
        g0.wait()
        s0 = pltpu.async_copy(rows_a, acc.at[dsts[3]], sem_sa, add=True)
        g1.wait()
        s1 = pltpu.async_copy(rows_b, acc.at[dsts[4]], sem_sb, add=True)
        g2.wait()
        s2 = pltpu.async_copy(rows_c, acc.at[dsts[5]], sem_sc, add=True)
        s0.wait()
        s1.wait()
        s2.wait()
        return carry
    lax.fori_loop(0, NFULL // 6, hexad, 0)

    b = ebase + NFULL * CH
    pltpu.sync_copy(src_hbm.at[pl.ds(b, REM)], srcs[0].at[pl.ds(0, REM)])
    pltpu.sync_copy(dst_hbm.at[pl.ds(b, REM)], dsts[0].at[pl.ds(0, REM)])
    pltpu.async_copy(x_hbm.at[srcs[0].at[pl.ds(0, REM)]], rows_a.at[pl.ds(0, REM)], sem_ga).wait()
    pltpu.sync_copy(rows_a.at[pl.ds(0, REM)], acc.at[dsts[0].at[pl.ds(0, REM)]], add=True)

    plsc.subcore_barrier()
    pltpu.sync_copy(acc.at[pl.ds(base, STRIPE)],
                    out_hbm.at[cid, pl.ds(base, STRIPE)])

    @pl.when(sid == NS - 1)
    def _():
        pltpu.sync_copy(acc.at[pl.ds(NS * STRIPE, N - NS * STRIPE)],
                        out_hbm.at[cid, pl.ds(NS * STRIPE, N - NS * STRIPE)])


_sc_scatter = functools.partial(
    pl.kernel,
    out_type=jax.ShapeDtypeStruct((NC, N, D), jnp.float32),
    mesh=plsc.VectorSubcoreMesh(core_axis_name="c", subcore_axis_name="s"),
    scratch_types=(
        [pltpu.VMEM((CH,), jnp.int32)] * 12
        + [pltpu.VMEM((CH, D), jnp.float32)] * 3
        + [pltpu.VMEM_SHARED((N, D), jnp.float32)]
        + [pltpu.SemaphoreType.DMA] * 7
    ),
)(_sc_scatter_body)


def _dense_body(aggp_ref, xm_ref, wr_ref, wroot_ref, b_ref, p_ref, h_ref, s_ref):
    aggp = aggp_ref[...]
    agg = aggp[0] + aggp[1]
    pre = (jnp.dot(agg, wr_ref[...], preferred_element_type=jnp.float32)
           + jnp.dot(xm_ref[...], wroot_ref[...], preferred_element_type=jnp.float32)
           + b_ref[...])
    h = jnp.maximum(pre, 0.0)
    p = p_ref[...]
    nrm = jnp.sqrt(jnp.sum(p * p))
    h_ref[...] = h
    s_ref[...] = jnp.tanh(jnp.dot(h, p, preferred_element_type=jnp.float32) / nrm)


def _dense(parts, xm, wr, wroot, bb, p):
    return pl.pallas_call(
        _dense_body,
        grid=(GA,),
        in_specs=[
            pl.BlockSpec((NC, RB, D), lambda i: (0, i, 0)),
            pl.BlockSpec((RB, D), lambda i: (i, 0)),
            pl.BlockSpec((D, D), lambda i: (0, 0)),
            pl.BlockSpec((D, D), lambda i: (0, 0)),
            pl.BlockSpec((1, D), lambda i: (0, 0)),
            pl.BlockSpec((D, 1), lambda i: (0, 0)),
        ],
        out_specs=[pl.BlockSpec((RB, D), lambda i: (i, 0)),
                   pl.BlockSpec((RB, 1), lambda i: (i, 0))],
        out_shape=[jax.ShapeDtypeStruct((N, D), jnp.float32),
                   jax.ShapeDtypeStruct((N, 1), jnp.float32)],
    )(parts, xm, wr, wroot, bb, p)


def _sortable(s):
    ibits = lax.bitcast_convert_type(s, jnp.int32)
    return jnp.where(ibits < 0, ibits ^ jnp.int32(0x7FFFFFFF), ibits)


def _select_thresholds(k, s2, m2, prev_keys2):
    skey = _sortable(s2)
    r = lax.broadcasted_iota(jnp.int32, (SROWS, 128), 0)
    c = lax.broadcasted_iota(jnp.int32, (SROWS, 128), 1)
    gidx = r * 128 + c
    valid = (m2 > 0) & (gidx < N)

    eq = valid
    need = jnp.int32(k)
    ts = []
    for key_full in [skey] + prev_keys2:
        key = jnp.where(eq, key_full, jnp.int32(IMIN))

        def tbit(i, pu):
            bb = 31 - i
            trial = pu | (jnp.int32(1) << bb)
            thr = trial ^ jnp.int32(IMIN)
            cnt = jnp.sum((key >= thr).astype(jnp.int32))
            return jnp.where(cnt >= need, trial, pu)
        pu = lax.fori_loop(0, 32, tbit, jnp.int32(0))
        t = pu ^ jnp.int32(IMIN)
        ts.append(t)
        need = need - jnp.sum((eq & (key > t)).astype(jnp.int32))
        eq = eq & (key == t)

    def jbit(i, jj):
        bb = 13 - i
        trial = jj | (jnp.int32(1) << bb)
        g = jnp.sum((eq & (gidx < trial)).astype(jnp.int32))
        return jnp.where(g < need, trial, jj)
    jmax = lax.fori_loop(0, 14, jbit, jnp.int32(0))
    return skey, ts, jmax, need


def _reconstruct(ts, jmax, needf, valid, keys, gidx):
    eq = valid
    sel = jnp.zeros_like(valid)
    for key_full, t in zip(keys, ts):
        key = jnp.where(eq, key_full, jnp.int32(IMIN))
        sel = sel | (eq & (key > t))
        eq = eq & (key == t)
    return sel | (eq & (gidx <= jmax) & (needf > 0))


def _layerB_body(k, nprev, h_ref, s_ref, s2_ref, m2_ref, mcol_ref, *refs):
    prev2 = [refs[i][...] for i in range(nprev)]
    prevcol = [refs[nprev + i][...] for i in range(nprev)]
    (y_ref, nm2_ref, nmcol_ref, skey2_ref, skeycol_ref,
     rmax_ref, rsum_ref) = refs[2 * nprev:]

    s2 = s2_ref[...]
    skey2, ts, jmax, needf = _select_thresholds(k, s2, m2_ref[...], prev2)
    sel2 = _reconstruct(
        ts, jmax, needf,
        (m2_ref[...] > 0) & ((lax.broadcasted_iota(jnp.int32, (SROWS, 128), 0) * 128
                              + lax.broadcasted_iota(jnp.int32, (SROWS, 128), 1)) < N),
        [skey2] + prev2,
        lax.broadcasted_iota(jnp.int32, (SROWS, 128), 0) * 128
        + lax.broadcasted_iota(jnp.int32, (SROWS, 128), 1))

    s = s_ref[...]
    skeycol = _sortable(s)
    gcol = lax.broadcasted_iota(jnp.int32, (N, 1), 0)
    selcol = _reconstruct(ts, jmax, needf, mcol_ref[...] > 0,
                          [skeycol] + prevcol, gcol)
    nmc = selcol.astype(jnp.float32)

    h = h_ref[...]
    y = h * (s * nmc)
    rmax = jnp.max(jnp.where(selcol, y, -jnp.inf), axis=0, keepdims=True)
    rsum = jnp.sum(y, axis=0, keepdims=True)

    y_ref[...] = y
    nm2_ref[...] = sel2.astype(jnp.float32)
    nmcol_ref[...] = nmc
    skey2_ref[...] = skey2
    skeycol_ref[...] = skeycol
    rmax_ref[...] = rmax
    rsum_ref[...] = rsum


def _layerB(k, nprev, h, s, s2, m2, mcol, prev2, prevcol):
    return pl.pallas_call(
        functools.partial(_layerB_body, k, nprev),
        out_shape=[jax.ShapeDtypeStruct((N, D), jnp.float32),
                   jax.ShapeDtypeStruct((SROWS, 128), jnp.float32),
                   jax.ShapeDtypeStruct((N, 1), jnp.float32),
                   jax.ShapeDtypeStruct((SROWS, 128), jnp.int32),
                   jax.ShapeDtypeStruct((N, 1), jnp.int32),
                   jax.ShapeDtypeStruct((1, D), jnp.float32),
                   jax.ShapeDtypeStruct((1, D), jnp.float32)],
    )(h, s, s2, m2, mcol, *prev2, *prevcol)


def _layer3B_body(k, nprev, h_ref, s_ref, s2_ref, m2_ref, mcol_ref, *refs):
    prev2 = [refs[i][...] for i in range(nprev)]
    prevcol = [refs[nprev + i][...] for i in range(nprev)]
    (mx1, sm1, mx2, sm2, wa, wb, b1, w2, b2, w3, b3, out_ref) = refs[2 * nprev:]

    s2 = s2_ref[...]
    skey2, ts, jmax, needf = _select_thresholds(k, s2, m2_ref[...], prev2)
    s = s_ref[...]
    skeycol = _sortable(s)
    gcol = lax.broadcasted_iota(jnp.int32, (N, 1), 0)
    selcol = _reconstruct(ts, jmax, needf, mcol_ref[...] > 0,
                          [skeycol] + prevcol, gcol)
    nmc = selcol.astype(jnp.float32)

    h = h_ref[...]
    y = h * (s * nmc)
    rmax = jnp.max(jnp.where(selcol, y, -jnp.inf), axis=0, keepdims=True)
    rsum = jnp.sum(y, axis=0, keepdims=True)

    zmax = mx1[...] + mx2[...] + rmax
    zmean = sm1[...] / KS[0] + sm2[...] / KS[1] + rsum / KS[2]
    a = jnp.maximum(jnp.dot(zmax, wa[...], preferred_element_type=jnp.float32)
                    + jnp.dot(zmean, wb[...], preferred_element_type=jnp.float32)
                    + b1[...], 0.0)
    a = jnp.maximum(jnp.dot(a, w2[...], preferred_element_type=jnp.float32)
                    + b2[...], 0.0)
    lg = jnp.dot(a, w3[...], preferred_element_type=jnp.float32) + b3[...]
    mx = jnp.max(lg, axis=1, keepdims=True)
    e = jnp.exp(lg - mx)
    out_ref[...] = lg - mx - jnp.log(jnp.sum(e, axis=1, keepdims=True))


def _layer3B(k, nprev, h, s, s2, m2, mcol, prev2, prevcol, reads,
             L1W, L1b, L2W, L2b, L3W, L3b):
    (mx1, sm1), (mx2, sm2) = reads
    return pl.pallas_call(
        functools.partial(_layer3B_body, k, nprev),
        out_shape=jax.ShapeDtypeStruct((1, 16), jnp.float32),
    )(h, s, s2, m2, mcol, *prev2, *prevcol,
      mx1, sm1, mx2, sm2, L1W[:D], L1W[D:], L1b.reshape(1, -1),
      L2W, L2b.reshape(1, -1), L3W, L3b.reshape(1, -1))


def kernel(x, edge_index, batch, W1r, b1, W1root, p1, W2r, b2, W2root, p2,
           W3r, b3, W3root, p3, L1W, L1b, L2W, L2b, L3W, L3b):
    src = edge_index[0]
    dst = edge_index[1]
    Ws = ((W1r, b1, W1root, p1), (W2r, b2, W2root, p2), (W3r, b3, W3root, p3))

    xm = x
    m2 = jnp.ones((SROWS, 128), jnp.float32)
    mcol = jnp.ones((N, 1), jnp.float32)
    prev2, prevcol = [], []
    reads = []
    for l in range(2):
        Wr, bb, Wroot, p = Ws[l]
        parts = _sc_scatter(xm, src, dst)
        h, s = _dense(parts, xm, Wr, Wroot, bb.reshape(1, D), p.reshape(D, 1))
        s2 = jnp.reshape(jnp.pad(s, ((0, NPAD - N), (0, 0))), (SROWS, 128))
        (xm, m2, mcol, skey2, skeycol, rmax, rsum) = _layerB(
            KS[l], len(prev2), h, s, s2, m2, mcol, prev2, prevcol)
        prev2.insert(0, skey2)
        prevcol.insert(0, skeycol)
        reads.append((rmax, rsum))

    Wr, bb, Wroot, p = Ws[2]
    parts = _sc_scatter(xm, src, dst)
    h, s = _dense(parts, xm, Wr, Wroot, bb.reshape(1, D), p.reshape(D, 1))
    s2 = jnp.reshape(jnp.pad(s, ((0, NPAD - N), (0, 0))), (SROWS, 128))
    return _layer3B(KS[2], len(prev2), h, s, s2, m2, mcol, prev2, prevcol,
                    reads, L1W, L1b, L2W, L2b, L3W, L3b)

# --- scband reference (transcript-rebuilt; emitter-appended) ---
"""Pipeline reference for scband-diff-pool-decoder-36670430773837 (READ-ONLY COPY).

The authoritative reference and input builder live on the scoring server;
editing this copy changes nothing except your own understanding.
"""

import jax, jax.numpy as jnp
import numpy as np
import math

N_NODES = 10000
N_EDGES = 320000
D_IN = 128
HID = 128
OUT_DIM = 16
RATIO = 0.5


def _glorot(key, shape):
    fan_in = shape[0]
    return jax.random.normal(key, shape, dtype=jnp.float32) / np.sqrt(fan_in)


def setup_inputs(seed=0):
    key = jax.random.key(seed)
    ks = jax.random.split(key, 24)
    inp = {}
    inp['x'] = jax.random.normal(ks[0], (N_NODES, D_IN), dtype=jnp.float32)
    inp['edge_index'] = jax.random.randint(ks[1], (2, N_EDGES), 0, N_NODES, dtype=jnp.int32)
    inp['batch'] = jnp.zeros((N_NODES,), dtype=jnp.int32)
    inp['W1r'] = _glorot(ks[2], (D_IN, HID)); inp['b1'] = jnp.zeros((HID,), jnp.float32)
    inp['W1root'] = _glorot(ks[3], (D_IN, HID)); inp['p1'] = _glorot(ks[4], (HID,))
    inp['W2r'] = _glorot(ks[5], (HID, HID)); inp['b2'] = jnp.zeros((HID,), jnp.float32)
    inp['W2root'] = _glorot(ks[6], (HID, HID)); inp['p2'] = _glorot(ks[7], (HID,))
    inp['W3r'] = _glorot(ks[8], (HID, HID)); inp['b3'] = jnp.zeros((HID,), jnp.float32)
    inp['W3root'] = _glorot(ks[9], (HID, HID)); inp['p3'] = _glorot(ks[10], (HID,))
    inp['L1W'] = _glorot(ks[11], (2 * HID, HID)); inp['L1b'] = jnp.zeros((HID,), jnp.float32)
    inp['L2W'] = _glorot(ks[12], (HID, 64)); inp['L2b'] = jnp.zeros((64,), jnp.float32)
    inp['L3W'] = _glorot(ks[13], (64, OUT_DIM)); inp['L3b'] = jnp.zeros((OUT_DIM,), jnp.float32)
    return inp


def _graph_conv(x, src, dst, valid, Wrel, brel, Wroot):
    # PyG GraphConv: out = lin_rel(sum_{j in N(i)} x_j) + lin_root(x_i)
    n = x.shape[0]
    vm = valid.astype(x.dtype)[:, None]
    msg = x[jnp.clip(src, 0, n - 1)] * vm
    agg = jnp.zeros((n, x.shape[1]), x.dtype).at[jnp.clip(dst, 0, n - 1)].add(msg)
    return agg @ Wrel + brel + x @ Wroot


def _topk_pool(x, src, dst, valid, p, ratio):
    # PyG TopKPooling (single graph): score = tanh(x.p/||p||); keep top ceil(ratio*n)
    n = x.shape[0]
    k = int(math.ceil(ratio * n))
    score = jnp.tanh((x @ p) / jnp.linalg.norm(p))
    top_scores, perm = jax.lax.top_k(score, k)
    x_new = x[perm] * top_scores[:, None]
    new_id = jnp.full((n,), -1, dtype=src.dtype).at[perm].set(jnp.arange(k, dtype=src.dtype))
    s2 = jnp.where(valid, new_id[jnp.clip(src, 0, n - 1)], -1)
    d2 = jnp.where(valid, new_id[jnp.clip(dst, 0, n - 1)], -1)
    v2 = (s2 >= 0) & (d2 >= 0)
    return x_new, s2, d2, v2


def _readout(x):
    # global_max_pool + global_mean_pool, single graph (batch all zeros)
    return jnp.concatenate([jnp.max(x, axis=0), jnp.mean(x, axis=0)])[None, :]


def _forward(x, edge_index, batch, W1r, b1, W1root, p1, W2r, b2, W2root, p2, W3r, b3, W3root, p3, L1W, L1b, L2W, L2b, L3W, L3b):
    src, dst = edge_index[0], edge_index[1]
    valid = jnp.ones((src.shape[0],), dtype=bool)
    h = jax.nn.relu(_graph_conv(x, src, dst, valid, W1r, b1, W1root))
    h, src, dst, valid = _topk_pool(h, src, dst, valid, p1, RATIO)
    x1 = _readout(h)
    h = jax.nn.relu(_graph_conv(h, src, dst, valid, W2r, b2, W2root))
    h, src, dst, valid = _topk_pool(h, src, dst, valid, p2, RATIO)
    x2 = _readout(h)
    h = jax.nn.relu(_graph_conv(h, src, dst, valid, W3r, b3, W3root))
    h, src, dst, valid = _topk_pool(h, src, dst, valid, p3, RATIO)
    x3 = _readout(h)
    z = x1 + x2 + x3
    z = jax.nn.relu(z @ L1W + L1b)
    # dropout p=0.0 (eval mode) -> no-op
    z = jax.nn.relu(z @ L2W + L2b)
    return jax.nn.log_softmax(z @ L3W + L3b, axis=-1)


def reference(x, edge_index, batch, W1r, b1, W1root, p1, W2r, b2, W2root, p2, W3r, b3, W3root, p3, L1W, L1b, L2W, L2b, L3W, L3b):
    return _forward(x, edge_index, batch, W1r, b1, W1root, p1, W2r, b2, W2root, p2, W3r, b3, W3root, p3, L1W, L1b, L2W, L2b, L3W, L3b)

if __name__ == "__main__":
    import jax
    _d = setup_inputs()
    print(jax.jit(kernel)(*tuple(_d.values())))

</pallas_src>

<mosaic_0001>
#map = affine_map<(d0, d1) -> (0, 0)>
#map1 = affine_map<(d0, d1) -> (0)>
#map2 = affine_map<(d0, d1) -> (0, 0, 0)>
module attributes {stable_mosaic.version = 14 : i64} {
  func.func @_sc_scatter_body(%arg0: i32, %arg1: i32, %arg2: memref<10000x128xf32, #tpu.memory_space<hbm>>, %arg3: memref<320000xi32, #tpu.memory_space<hbm>>, %arg4: memref<320000xi32, #tpu.memory_space<hbm>>, %arg5: memref<2x10000x128xf32, #tpu.memory_space<hbm>>, %arg6: memref<128xi32, #tpu.memory_space<vmem>>, %arg7: memref<128xi32, #tpu.memory_space<vmem>>, %arg8: memref<128xi32, #tpu.memory_space<vmem>>, %arg9: memref<128xi32, #tpu.memory_space<vmem>>, %arg10: memref<128xi32, #tpu.memory_space<vmem>>, %arg11: memref<128xi32, #tpu.memory_space<vmem>>, %arg12: memref<128xi32, #tpu.memory_space<vmem>>, %arg13: memref<128xi32, #tpu.memory_space<vmem>>, %arg14: memref<128xi32, #tpu.memory_space<vmem>>, %arg15: memref<128xi32, #tpu.memory_space<vmem>>, %arg16: memref<128xi32, #tpu.memory_space<vmem>>, %arg17: memref<128xi32, #tpu.memory_space<vmem>>, %arg18: memref<128x128xf32, #tpu.memory_space<vmem>>, %arg19: memref<128x128xf32, #tpu.memory_space<vmem>>, %arg20: memref<128x128xf32, #tpu.memory_space<vmem>>, %arg21: memref<10000x128xf32, #tpu.memory_space<vmem_shared>>, %arg22: memref<!tpu.dma_semaphore, #tpu.memory_space<semaphore_mem>>, %arg23: memref<!tpu.dma_semaphore, #tpu.memory_space<semaphore_mem>>, %arg24: memref<!tpu.dma_semaphore, #tpu.memory_space<semaphore_mem>>, %arg25: memref<!tpu.dma_semaphore, #tpu.memory_space<semaphore_mem>>, %arg26: memref<!tpu.dma_semaphore, #tpu.memory_space<semaphore_mem>>, %arg27: memref<!tpu.dma_semaphore, #tpu.memory_space<semaphore_mem>>, %arg28: memref<!tpu.dma_semaphore, #tpu.memory_space<semaphore_mem>>) attributes {dimension_semantics = [#tpu.dimension_semantics<core_parallel>, #tpu.dimension_semantics<subcore_parallel>], iteration_bounds = array<i64: 2, 16>, scalar_prefetch = 0 : i64, scratch_operands = 23 : i64, tpu.core_type = #tpu.core_type<sc_vector_subcore>, window_params = [{transform_indices = #map}, {transform_indices = #map1}, {transform_indices = #map1}, {transform_indices = #map2}]} {
    %mul3A = arith.constant 2 : i32
    %mul3A_0 = arith.muli %arg1, %mul3A : i32
    %add3A = arith.addi %mul3A_0, %arg0 : i32
    %scan3A = arith.constant 0 : i32
    %scan3A_1 = arith.constant 0 : i32
    %scan3A_2 = arith.constant 128 : i32
    %scan3A_3 = arith.addi %scan3A_1, %scan3A_2 : i32
    %scan3A_4 = arith.constant 1 : i32
    scf.for %scan3A_74 = %scan3A_1 to %scan3A_3 step %scan3A_4  : i32 {
      %broadcast_in_dim3A = arith.constant 0.000000e+00 : f32
      %broadcast_in_dim3A_75 = vector.broadcast %broadcast_in_dim3A : f32 to vector<16xf32>
      %swap3A = arith.index_cast %scan3A_74 : i32 to index
      %swap3A_76 = arith.constant 0 : index
      %swap3A_77 = tpu.vector_load %arg18[%swap3A, %swap3A_76] {strides = array<i32>} : memref<128x128xf32, #tpu.memory_space<vmem>>, vector<1x16xf32>,
      %swap3A_78 = vector.shape_cast %swap3A_77 : vector<1x16xf32> to vector<16xf32>
      %swap3A_79 = vector.shape_cast %broadcast_in_dim3A_75 : vector<16xf32> to vector<1x16xf32>
      tpu.vector_store %arg18[%swap3A, %swap3A_76], %swap3A_79 {strides = array<i32>} : memref<128x128xf32, #tpu.memory_space<vmem>>, vector<1x16xf32>,
      %broadcast_in_dim3A_80 = arith.constant 0.000000e+00 : f32
      %broadcast_in_dim3A_81 = vector.broadcast %broadcast_in_dim3A_80 : f32 to vector<16xf32>
      %swap3A_82 = arith.index_cast %scan3A_74 : i32 to index
      %swap3A_83 = arith.constant 16 : index
      %swap3A_84 = tpu.vector_load %arg18[%swap3A_82, %swap3A_83] {strides = array<i32>} : memref<128x128xf32, #tpu.memory_space<vmem>>, vector<1x16xf32>,
      %swap3A_85 = vector.shape_cast %swap3A_84 : vector<1x16xf32> to vector<16xf32>
      %swap3A_86 = vector.shape_cast %broadcast_in_dim3A_81 : vector<16xf32> to vector<1x16xf32>
      tpu.vector_store %arg18[%swap3A_82, %swap3A_83], %swap3A_86 {strides = array<i32>} : memref<128x128xf32, #tpu.memory_space<vmem>>, vector<1x16xf32>,
      %broadcast_in_dim3A_87 = arith.constant 0.000000e+00 : f32
      %broadcast_in_dim3A_88 = vector.broadcast %broadcast_in_dim3A_87 : f32 to vector<16xf32>
      %swap3A_89 = arith.index_cast %scan3A_74 : i32 to index
      %swap3A_90 = arith.constant 32 : index
      %swap3A_91 = tpu.vector_load %arg18[%swap3A_89, %swap3A_90] {strides = array<i32>} : memref<128x128xf32, #tpu.memory_space<vmem>>, vector<1x16xf32>,
      %swap3A_92 = vector.shape_cast %swap3A_91 : vector<1x16xf32> to vector<16xf32>
      %swap3A_93 = vector.shape_cast %broadcast_in_dim3A_88 : vector<16xf32> to vector<1x16xf32>
      tpu.vector_store %arg18[%swap3A_89, %swap3A_90], %swap3A_93 {strides = array<i32>} : memref<128x128xf32, #tpu.memory_space<vmem>>, vector<1x16xf32>,
      %broadcast_in_dim3A_94 = arith.constant 0.000000e+00 : f32
      %broadcast_in_dim3A_95 = vector.broadcast %broadcast_in_dim3A_94 : f32 to vector<16xf32>
      %swap3A_96 = arith.index_cast %scan3A_74 : i32 to index
      %swap3A_97 = arith.constant 48 : index
      %swap3A_98 = tpu.vector_load %arg18[%swap3A_96, %swap3A_97] {strides = array<i32>} : memref<128x128xf32, #tpu.memory_space<vmem>>, vector<1x16xf32>,
      %swap3A_99 = vector.shape_cast %swap3A_98 : vector<1x16xf32> to vector<16xf32>
      %swap3A_100 = vector.shape_cast %broadcast_in_dim3A_95 : vector<16xf32> to vector<1x16xf32>
      tpu.vector_store %arg18[%swap3A_96, %swap3A_97], %swap3A_100 {strides = array<i32>} : memref<128x128xf32, #tpu.memory_space<vmem>>, vector<1x16xf32>,
      %broadcast_in_dim3A_101 = arith.constant 0.000000e+00 : f32
      %broadcast_in_dim3A_102 = vector.broadcast %broadcast_in_dim3A_101 : f32 to vector<16xf32>
      %swap3A_103 = arith.index_cast %scan3A_74 : i32 to index
      %swap3A_104 = arith.constant 64 : index
      %swap3A_105 = tpu.vector_load %arg18[%swap3A_103, %swap3A_104] {strides = array<i32>} : memref<128x128xf32, #tpu.memory_space<vmem>>, vector<1x16xf32>,
      %swap3A_106 = vector.shape_cast %swap3A_105 : vector<1x16xf32> to vector<16xf32>
      %swap3A_107 = vector.shape_cast %broadcast_in_dim3A_102 : vector<16xf32> to vector<1x16xf32>
      tpu.vector_store %arg18[%swap3A_103, %swap3A_104], %swap3A_107 {strides = array<i32>} : memref<128x128xf32, #tpu.memory_space<vmem>>, vector<1x16xf32>,
      %broadcast_in_dim3A_108 = arith.constant 0.000000e+00 : f32
      %broadcast_in_dim3A_109 = vector.broadcast %broadcast_in_dim3A_108 : f32 to vector<16xf32>
      %swap3A_110 = arith.index_cast %scan3A_74 : i32 to index
      %swap3A_111 = arith.constant 80 : index
      %swap3A_112 = tpu.vector_load %arg18[%swap3A_110, %swap3A_111] {strides = array<i32>} : memref<128x128xf32, #tpu.memory_space<vmem>>, vector<1x16xf32>,
      %swap3A_113 = vector.shape_cast %swap3A_112 : vector<1x16xf32> to vector<16xf32>
      %swap3A_114 = vector.shape_cast %broadcast_in_dim3A_109 : vector<16xf32> to vector<1x16xf32>
      tpu.vector_store %arg18[%swap3A_110, %swap3A_111], %swap3A_114 {strides = array<i32>} : memref<128x128xf32, #tpu.memory_space<vmem>>, vector<1x16xf32>,
      %broadcast_in_dim3A_115 = arith.constant 0.000000e+00 : f32
      %broadcast_in_dim3A_116 = vector.broadcast %broadcast_in_dim3A_115 : f32 to vector<16xf32>
      %swap3A_117 = arith.index_cast %scan3A_74 : i32 to index
      %swap3A_118 = arith.constant 96 : index
      %swap3A_119 = tpu.vector_load %arg18[%swap3A_117, %swap3A_118] {strides = array<i32>} : memref<128x128xf32, #tpu.memory_space<vmem>>, vector<1x16xf32>,
      %swap3A_120 = vector.shape_cast %swap3A_119 : vector<1x16xf32> to vector<16xf32>
      %swap3A_121 = vector.shape_cast %broadcast_in_dim3A_116 : vector<16xf32> to vector<1x16xf32>
      tpu.vector_store %arg18[%swap3A_117, %swap3A_118], %swap3A_121 {strides = array<i32>} : memref<128x128xf32, #tpu.memory_space<vmem>>, vector<1x16xf32>,
      %broadcast_in_dim3A_122 = arith.constant 0.000000e+00 : f32
      %broadcast_in_dim3A_123 = vector.broadcast %broadcast_in_dim3A_122 : f32 to vector<16xf32>
      %swap3A_124 = arith.index_cast %scan3A_74 : i32 to index
      %swap3A_125 = arith.constant 112 : index
      %swap3A_126 = tpu.vector_load %arg18[%swap3A_124, %swap3A_125] {strides = array<i32>} : memref<128x128xf32, #tpu.memory_space<vmem>>, vector<1x16xf32>,
      %swap3A_127 = vector.shape_cast %swap3A_126 : vector<1x16xf32> to vector<16xf32>
      %swap3A_128 = vector.shape_cast %broadcast_in_dim3A_123 : vector<16xf32> to vector<1x16xf32>
      tpu.vector_store %arg18[%swap3A_124, %swap3A_125], %swap3A_128 {strides = array<i32>} : memref<128x128xf32, #tpu.memory_space<vmem>>, vector<1x16xf32>,
    }
    %scan3A_5 = arith.constant 128 : i32
    %mul3A_6 = arith.constant 624 : i32
    %mul3A_7 = arith.muli %arg1, %mul3A_6 : i32
    %add3A_8 = arith.constant 0 : i32
    %add3A_9 = arith.addi %mul3A_7, %add3A_8 : i32
    "tpu.region"() ({
      %run_scoped3A = tpu.sem_alloc : memref<!tpu.dma_semaphore, #tpu.memory_space<semaphore_mem>>
      %dma_start3A_74 = arith.constant 0 : i32
      %dma_start3A_75 = arith.constant 0 : i32
      %dma_start3A_76 = tpu.memref_slice %arg18[%dma_start3A_74, %dma_start3A_75] : memref<128x128xf32, #tpu.memory_space<vmem>> -> memref<128x128xf32, #tpu.memory_space<vmem>>
      %dma_start3A_77 = arith.constant 0 : i32
      %dma_start3A_78 = tpu.memref_slice %arg21[%add3A_9, %dma_start3A_77] : memref<10000x128xf32, #tpu.memory_space<vmem_shared>> -> memref<128x128xf32, #tpu.memory_space<vmem_shared>>
      %dma_start3A_79 = arith.constant 0 : i32
      %dma_start3A_80 = tpu.memref_slice %arg21[%add3A_9, %dma_start3A_79] : memref<10000x128xf32, #tpu.memory_space<vmem_shared>> -> memref<128x128xf32, #tpu.memory_space<vmem_shared>>
      %dma_start3A_81 = arith.constant 0 : i32
      %dma_start3A_82 = arith.constant 0 : i32
      %dma_start3A_83 = tpu.memref_slice %arg18[%dma_start3A_81, %dma_start3A_82] : memref<128x128xf32, #tpu.memory_space<vmem>> -> memref<128x128xf32, #tpu.memory_space<vmem>>
      tpu.enqueue_dma source(%dma_start3A_83 : memref<128x128xf32, #tpu.memory_space<vmem>>) target(%dma_start3A_80 : memref<128x128xf32, #tpu.memory_space<vmem_shared>>) target_semaphore(%run_scoped3A : memref<!tpu.dma_semaphore, #tpu.memory_space<semaphore_mem>>)
      %dma_wait3A_84 = arith.constant 0 : i32
      %dma_wait3A_85 = arith.constant 0 : i32
      %dma_wait3A_86 = tpu.memref_slice %arg18[%dma_wait3A_84, %dma_wait3A_85] : memref<128x128xf32, #tpu.memory_space<vmem>> -> memref<128x128xf32, #tpu.memory_space<vmem>>
      %dma_wait3A_87 = arith.constant 0 : i32
      %dma_wait3A_88 = tpu.memref_slice %arg21[%add3A_9, %dma_wait3A_87] : memref<10000x128xf32, #tpu.memory_space<vmem_shared>> -> memref<128x128xf32, #tpu.memory_space<vmem_shared>>
      %dma_wait3A_89 = arith.constant 0 : i32
      %dma_wait3A_90 = tpu.memref_slice %arg21[%add3A_9, %dma_wait3A_89] : memref<10000x128xf32, #tpu.memory_space<vmem_shared>> -> memref<128x128xf32, #tpu.memory_space<vmem_shared>>
      %dma_wait3A_91 = arith.constant 0 : i32
      %dma_wait3A_92 = arith.constant 0 : i32
      %dma_wait3A_93 = tpu.memref_slice %arg18[%dma_wait3A_91, %dma_wait3A_92] : memref<128x128xf32, #tpu.memory_space<vmem>> -> memref<128x128xf32, #tpu.memory_space<vmem>>
      tpu.wait_dma2 semaphore(%run_scoped3A : memref<!tpu.dma_semaphore, #tpu.memory_space<semaphore_mem>>) src(%dma_wait3A_93 : memref<128x128xf32, #tpu.memory_space<vmem>>) dst(%dma_wait3A_90 : memref<128x128xf32, #tpu.memory_space<vmem_shared>>)
      tpu.yield
    }) : () -> ()
    %add3A_10 = arith.constant 128 : i32
    %add3A_11 = arith.addi %mul3A_7, %add3A_10 : i32
    "tpu.region"() ({
      %run_scoped3A = tpu.sem_alloc : memref<!tpu.dma_semaphore, #tpu.memory_space<semaphore_mem>>
      %dma_start3A_74 = arith.constant 0 : i32
      %dma_start3A_75 = arith.constant 0 : i32
      %dma_start3A_76 = tpu.memref_slice %arg18[%dma_start3A_74, %dma_start3A_75] : memref<128x128xf32, #tpu.memory_space<vmem>> -> memref<128x128xf32, #tpu.memory_space<vmem>>
      %dma_start3A_77 = arith.constant 0 : i32
      %dma_start3A_78 = tpu.memref_slice %arg21[%add3A_11, %dma_start3A_77] : memref<10000x128xf32, #tpu.memory_space<vmem_shared>> -> memref<128x128xf32, #tpu.memory_space<vmem_shared>>
      %dma_start3A_79 = arith.constant 0 : i32
      %dma_start3A_80 = tpu.memref_slice %arg21[%add3A_11, %dma_start3A_79] : memref<10000x128xf32, #tpu.memory_space<vmem_shared>> -> memref<128x128xf32, #tpu.memory_space<vmem_shared>>
      %dma_start3A_81 = arith.constant 0 : i32
      %dma_start3A_82 = arith.constant 0 : i32
      %dma_start3A_83 = tpu.memref_slice %arg18[%dma_start3A_81, %dma_start3A_82] : memref<128x128xf32, #tpu.memory_space<vmem>> -> memref<128x128xf32, #tpu.memory_space<vmem>>
      tpu.enqueue_dma source(%dma_start3A_83 : memref<128x128xf32, #tpu.memory_space<vmem>>) target(%dma_start3A_80 : memref<128x128xf32, #tpu.memory_space<vmem_shared>>) target_semaphore(%run_scoped3A : memref<!tpu.dma_semaphore, #tpu.memory_space<semaphore_mem>>)
      %dma_wait3A_84 = arith.constant 0 : i32
      %dma_wait3A_85 = arith.constant 0 : i32
      %dma_wait3A_86 = tpu.memref_slice %arg18[%dma_wait3A_84, %dma_wait3A_85] : memref<128x128xf32, #tpu.memory_space<vmem>> -> memref<128x128xf32, #tpu.memory_space<vmem>>
      %dma_wait3A_87 = arith.constant 0 : i32
      %dma_wait3A_88 = tpu.memref_slice %arg21[%add3A_11, %dma_wait3A_87] : memref<10000x128xf32, #tpu.memory_space<vmem_shared>> -> memref<128x128xf32, #tpu.memory_space<vmem_shared>>
      %dma_wait3A_89 = arith.constant 0 : i32
      %dma_wait3A_90 = tpu.memref_slice %arg21[%add3A_11, %dma_wait3A_89] : memref<10000x128xf32, #tpu.memory_space<vmem_shared>> -> memref<128x128xf32, #tpu.memory_space<vmem_shared>>
      %dma_wait3A_91 = arith.constant 0 : i32
      %dma_wait3A_92 = arith.constant 0 : i32
      %dma_wait3A_93 = tpu.memref_slice %arg18[%dma_wait3A_91, %dma_wait3A_92] : memref<128x128xf32, #tpu.memory_space<vmem>> -> memref<128x128xf32, #tpu.memory_space<vmem>>
      tpu.wait_dma2 semaphore(%run_scoped3A : memref<!tpu.dma_semaphore, #tpu.memory_space<semaphore_mem>>) src(%dma_wait3A_93 : memref<128x128xf32, #tpu.memory_space<vmem>>) dst(%dma_wait3A_90 : memref<128x128xf32, #tpu.memory_space<vmem_shared>>)
      tpu.yield
    }) : () -> ()
    %add3A_12 = arith.constant 256 : i32
    %add3A_13 = arith.addi %mul3A_7, %add3A_12 : i32
    "tpu.region"() ({
      %run_scoped3A = tpu.sem_alloc : memref<!tpu.dma_semaphore, #tpu.memory_space<semaphore_mem>>
      %dma_start3A_74 = arith.constant 0 : i32
      %dma_start3A_75 = arith.constant 0 : i32
      %dma_start3A_76 = tpu.memref_slice %arg18[%dma_start3A_74, %dma_start3A_75] : memref<128x128xf32, #tpu.memory_space<vmem>> -> memref<128x128xf32, #tpu.memory_space<vmem>>
      %dma_start3A_77 = arith.constant 0 : i32
      %dma_start3A_78 = tpu.memref_slice %arg21[%add3A_13, %dma_start3A_77] : memref<10000x128xf32, #tpu.memory_space<vmem_shared>> -> memref<128x128xf32, #tpu.memory_space<vmem_shared>>
      %dma_start3A_79 = arith.constant 0 : i32
      %dma_start3A_80 = tpu.memref_slice %arg21[%add3A_13, %dma_start3A_79] : memref<10000x128xf32, #tpu.memory_space<vmem_shared>> -> memref<128x128xf32, #tpu.memory_space<vmem_shared>>
      %dma_start3A_81 = arith.constant 0 : i32
      %dma_start3A_82 = arith.constant 0 : i32
      %dma_start3A_83 = tpu.memref_slice %arg18[%dma_start3A_81, %dma_start3A_82] : memref<128x128xf32, #tpu.memory_space<vmem>> -> memref<128x128xf32, #tpu.memory_space<vmem>>
      tpu.enqueue_dma source(%dma_start3A_83 : memref<128x128xf32, #tpu.memory_space<vmem>>) target(%dma_start3A_80 : memref<128x128xf32, #tpu.memory_space<vmem_shared>>) target_semaphore(%run_scoped3A : memref<!tpu.dma_semaphore, #tpu.memory_space<semaphore_mem>>)
      %dma_wait3A_84 = arith.constant 0 : i32
      %dma_wait3A_85 = arith.constant 0 : i32
      %dma_wait3A_86 = tpu.memref_slice %arg18[%dma_wait3A_84, %dma_wait3A_85] : memref<128x128xf32, #tpu.memory_space<vmem>> -> memref<128x128xf32, #tpu.memory_space<vmem>>
      %dma_wait3A_87 = arith.constant 0 : i32
      %dma_wait3A_88 = tpu.memref_slice %arg21[%add3A_13, %dma_wait3A_87] : memref<10000x128xf32, #tpu.memory_space<vmem_shared>> -> memref<128x128xf32, #tpu.memory_space<vmem_shared>>
      %dma_wait3A_89 = arith.constant 0 : i32
      %dma_wait3A_90 = tpu.memref_slice %arg21[%add3A_13, %dma_wait3A_89] : memref<10000x128xf32, #tpu.memory_space<vmem_shared>> -> memref<128x128xf32, #tpu.memory_space<vmem_shared>>
      %dma_wait3A_91 = arith.constant 0 : i32
      %dma_wait3A_92 = arith.constant 0 : i32
      %dma_wait3A_93 = tpu.memref_slice %arg18[%dma_wait3A_91, %dma_wait3A_92] : memref<128x128xf32, #tpu.memory_space<vmem>> -> memref<128x128xf32, #tpu.memory_space<vmem>>
      tpu.wait_dma2 semaphore(%run_scoped3A : memref<!tpu.dma_semaphore, #tpu.memory_space<semaphore_mem>>) src(%dma_wait3A_93 : memref<128x128xf32, #tpu.memory_space<vmem>>) dst(%dma_wait3A_90 : memref<128x128xf32, #tpu.memory_space<vmem_shared>>)
      tpu.yield
    }) : () -> ()
    %add3A_14 = arith.constant 384 : i32
    %add3A_15 = arith.addi %mul3A_7, %add3A_14 : i32
    "tpu.region"() ({
      %run_scoped3A = tpu.sem_alloc : memref<!tpu.dma_semaphore, #tpu.memory_space<semaphore_mem>>
      %dma_start3A_74 = arith.constant 0 : i32
      %dma_start3A_75 = arith.constant 0 : i32
      %dma_start3A_76 = tpu.memref_slice %arg18[%dma_start3A_74, %dma_start3A_75] : memref<128x128xf32, #tpu.memory_space<vmem>> -> memref<128x128xf32, #tpu.memory_space<vmem>>
      %dma_start3A_77 = arith.constant 0 : i32
      %dma_start3A_78 = tpu.memref_slice %arg21[%add3A_15, %dma_start3A_77] : memref<10000x128xf32, #tpu.memory_space<vmem_shared>> -> memref<128x128xf32, #tpu.memory_space<vmem_shared>>
      %dma_start3A_79 = arith.constant 0 : i32
      %dma_start3A_80 = tpu.memref_slice %arg21[%add3A_15, %dma_start3A_79] : memref<10000x128xf32, #tpu.memory_space<vmem_shared>> -> memref<128x128xf32, #tpu.memory_space<vmem_shared>>
      %dma_start3A_81 = arith.constant 0 : i32
      %dma_start3A_82 = arith.constant 0 : i32
      %dma_start3A_83 = tpu.memref_slice %arg18[%dma_start3A_81, %dma_start3A_82] : memref<128x128xf32, #tpu.memory_space<vmem>> -> memref<128x128xf32, #tpu.memory_space<vmem>>
      tpu.enqueue_dma source(%dma_start3A_83 : memref<128x128xf32, #tpu.memory_space<vmem>>) target(%dma_start3A_80 : memref<128x128xf32, #tpu.memory_space<vmem_shared>>) target_semaphore(%run_scoped3A : memref<!tpu.dma_semaphore, #tpu.memory_space<semaphore_mem>>)
      %dma_wait3A_84 = arith.constant 0 : i32
      %dma_wait3A_85 = arith.constant 0 : i32
      %dma_wait3A_86 = tpu.memref_slice %arg18[%dma_wait3A_84, %dma_wait3A_85] : memref<128x128xf32, #tpu.memory_space<vmem>> -> memref<128x128xf32, #tpu.memory_space<vmem>>
      %dma_wait3A_87 = arith.constant 0 : i32
      %dma_wait3A_88 = tpu.memref_slice %arg21[%add3A_15, %dma_wait3A_87] : memref<10000x128xf32, #tpu.memory_space<vmem_shared>> -> memref<128x128xf32, #tpu.memory_space<vmem_shared>>
      %dma_wait3A_89 = arith.constant 0 : i32
      %dma_wait3A_90 = tpu.memref_slice %arg21[%add3A_15, %dma_wait3A_89] : memref<10000x128xf32, #tpu.memory_space<vmem_shared>> -> memref<128x128xf32, #tpu.memory_space<vmem_shared>>
      %dma_wait3A_91 = arith.constant 0 : i32
      %dma_wait3A_92 = arith.constant 0 : i32
      %dma_wait3A_93 = tpu.memref_slice %arg18[%dma_wait3A_91, %dma_wait3A_92] : memref<128x128xf32, #tpu.memory_space<vmem>> -> memref<128x128xf32, #tpu.memory_space<vmem>>
      tpu.wait_dma2 semaphore(%run_scoped3A : memref<!tpu.dma_semaphore, #tpu.memory_space<semaphore_mem>>) src(%dma_wait3A_93 : memref<128x128xf32, #tpu.memory_space<vmem>>) dst(%dma_wait3A_90 : memref<128x128xf32, #tpu.memory_space<vmem_shared>>)
      tpu.yield
    }) : () -> ()
    %add3A_16 = arith.constant 512 : i32
    %add3A_17 = arith.addi %mul3A_7, %add3A_16 : i32
    "tpu.region"() ({
      %run_scoped3A = tpu.sem_alloc : memref<!tpu.dma_semaphore, #tpu.memory_space<semaphore_mem>>
      %dma_start3A_74 = arith.constant 0 : i32
      %dma_start3A_75 = arith.constant 0 : i32
      %dma_start3A_76 = tpu.memref_slice %arg18[%dma_start3A_74, %dma_start3A_75] : memref<128x128xf32, #tpu.memory_space<vmem>> -> memref<112x128xf32, #tpu.memory_space<vmem>>
      %dma_start3A_77 = arith.constant 0 : i32
      %dma_start3A_78 = tpu.memref_slice %arg21[%add3A_17, %dma_start3A_77] : memref<10000x128xf32, #tpu.memory_space<vmem_shared>> -> memref<112x128xf32, #tpu.memory_space<vmem_shared>>
      %dma_start3A_79 = arith.constant 0 : i32
      %dma_start3A_80 = tpu.memref_slice %arg21[%add3A_17, %dma_start3A_79] : memref<10000x128xf32, #tpu.memory_space<vmem_shared>> -> memref<112x128xf32, #tpu.memory_space<vmem_shared>>
      %dma_start3A_81 = arith.constant 0 : i32
      %dma_start3A_82 = arith.constant 0 : i32
      %dma_start3A_83 = tpu.memref_slice %arg18[%dma_start3A_81, %dma_start3A_82] : memref<128x128xf32, #tpu.memory_space<vmem>> -> memref<112x128xf32, #tpu.memory_space<vmem>>
      tpu.enqueue_dma source(%dma_start3A_83 : memref<112x128xf32, #tpu.memory_space<vmem>>) target(%dma_start3A_80 : memref<112x128xf32, #tpu.memory_space<vmem_shared>>) target_semaphore(%run_scoped3A : memref<!tpu.dma_semaphore, #tpu.memory_space<semaphore_mem>>)
      %dma_wait3A_84 = arith.constant 0 : i32
      %dma_wait3A_85 = arith.constant 0 : i32
      %dma_wait3A_86 = tpu.memref_slice %arg18[%dma_wait3A_84, %dma_wait3A_85] : memref<128x128xf32, #tpu.memory_space<vmem>> -> memref<112x128xf32, #tpu.memory_space<vmem>>
      %dma_wait3A_87 = arith.constant 0 : i32
      %dma_wait3A_88 = tpu.memref_slice %arg21[%add3A_17, %dma_wait3A_87] : memref<10000x128xf32, #tpu.memory_space<vmem_shared>> -> memref<112x128xf32, #tpu.memory_space<vmem_shared>>
      %dma_wait3A_89 = arith.constant 0 : i32
      %dma_wait3A_90 = tpu.memref_slice %arg21[%add3A_17, %dma_wait3A_89] : memref<10000x128xf32, #tpu.memory_space<vmem_shared>> -> memref<112x128xf32, #tpu.memory_space<vmem_shared>>
      %dma_wait3A_91 = arith.constant 0 : i32
      %dma_wait3A_92 = arith.constant 0 : i32
      %dma_wait3A_93 = tpu.memref_slice %arg18[%dma_wait3A_91, %dma_wait3A_92] : memref<128x128xf32, #tpu.memory_space<vmem>> -> memref<112x128xf32, #tpu.memory_space<vmem>>
      tpu.wait_dma2 semaphore(%run_scoped3A : memref<!tpu.dma_semaphore, #tpu.memory_space<semaphore_mem>>) src(%dma_wait3A_93 : memref<112x128xf32, #tpu.memory_space<vmem>>) dst(%dma_wait3A_90 : memref<112x128xf32, #tpu.memory_space<vmem_shared>>)
      tpu.yield
    }) : () -> ()
    %eq3A = arith.constant 15 : i32
    %eq3A_18 = arith.cmpi eq, %arg1, %eq3A : i32
    %convert_element_type3A = arith.extui %eq3A_18 : i1 to i32
    %cond3A = arith.constant 0 : i32
    %cond3A_19 = arith.cmpi ne, %convert_element_type3A, %cond3A : i32
    scf.if %cond3A_19 {
      "tpu.region"() ({
        %run_scoped3A = tpu.sem_alloc : memref<!tpu.dma_semaphore, #tpu.memory_space<semaphore_mem>>
        %dma_start3A_74 = arith.constant 0 : i32
        %dma_start3A_75 = arith.constant 0 : i32
        %dma_start3A_76 = tpu.memref_slice %arg18[%dma_start3A_74, %dma_start3A_75] : memref<128x128xf32, #tpu.memory_space<vmem>> -> memref<16x128xf32, #tpu.memory_space<vmem>>
        %dma_start3A_77 = arith.constant 9984 : i32
        %dma_start3A_78 = arith.constant 0 : i32
        %dma_start3A_79 = tpu.memref_slice %arg21[%dma_start3A_77, %dma_start3A_78] : memref<10000x128xf32, #tpu.memory_space<vmem_shared>> -> memref<16x128xf32, #tpu.memory_space<vmem_shared>>
        %dma_start3A_80 = arith.constant 9984 : i32
        %dma_start3A_81 = arith.constant 0 : i32
        %dma_start3A_82 = tpu.memref_slice %arg21[%dma_start3A_80, %dma_start3A_81] : memref<10000x128xf32, #tpu.memory_space<vmem_shared>> -> memref<16x128xf32, #tpu.memory_space<vmem_shared>>
        %dma_start3A_83 = arith.constant 0 : i32
        %dma_start3A_84 = arith.constant 0 : i32
        %dma_start3A_85 = tpu.memref_slice %arg18[%dma_start3A_83, %dma_start3A_84] : memref<128x128xf32, #tpu.memory_space<vmem>> -> memref<16x128xf32, #tpu.memory_space<vmem>>
        tpu.enqueue_dma source(%dma_start3A_85 : memref<16x128xf32, #tpu.memory_space<vmem>>) target(%dma_start3A_82 : memref<16x128xf32, #tpu.memory_space<vmem_shared>>) target_semaphore(%run_scoped3A : memref<!tpu.dma_semaphore, #tpu.memory_space<semaphore_mem>>)
        %dma_wait3A_86 = arith.constant 0 : i32
        %dma_wait3A_87 = arith.constant 0 : i32
        %dma_wait3A_88 = tpu.memref_slice %arg18[%dma_wait3A_86, %dma_wait3A_87] : memref<128x128xf32, #tpu.memory_space<vmem>> -> memref<16x128xf32, #tpu.memory_space<vmem>>
        %dma_wait3A_89 = arith.constant 9984 : i32
        %dma_wait3A_90 = arith.constant 0 : i32
        %dma_wait3A_91 = tpu.memref_slice %arg21[%dma_wait3A_89, %dma_wait3A_90] : memref<10000x128xf32, #tpu.memory_space<vmem_shared>> -> memref<16x128xf32, #tpu.memory_space<vmem_shared>>
        %dma_wait3A_92 = arith.constant 9984 : i32
        %dma_wait3A_93 = arith.constant 0 : i32
        %dma_wait3A_94 = tpu.memref_slice %arg21[%dma_wait3A_92, %dma_wait3A_93] : memref<10000x128xf32, #tpu.memory_space<vmem_shared>> -> memref<16x128xf32, #tpu.memory_space<vmem_shared>>
        %dma_wait3A_95 = arith.constant 0 : i32
        %dma_wait3A_96 = arith.constant 0 : i32
        %dma_wait3A_97 = tpu.memref_slice %arg18[%dma_wait3A_95, %dma_wait3A_96] : memref<128x128xf32, #tpu.memory_space<vmem>> -> memref<16x128xf32, #tpu.memory_space<vmem>>
        tpu.wait_dma2 semaphore(%run_scoped3A : memref<!tpu.dma_semaphore, #tpu.memory_space<semaphore_mem>>) src(%dma_wait3A_97 : memref<16x128xf32, #tpu.memory_space<vmem>>) dst(%dma_wait3A_94 : memref<16x128xf32, #tpu.memory_space<vmem_shared>>)
        tpu.yield
      }) : () -> ()
    } else {
    }
    %barrier3A = arith.constant 0 : index
    tpu.barrier barrier_id(%barrier3A)
    %mul3A_20 = arith.constant 10000 : i32
    %mul3A_21 = arith.muli %add3A, %mul3A_20 : i32
    %add3A_22 = arith.constant 0 : i32
    %add3A_23 = arith.addi %mul3A_21, %add3A_22 : i32
    %dma_start3A = tpu.memref_slice %arg3[%add3A_23] : memref<320000xi32, #tpu.memory_space<hbm>> -> memref<128xi32, #tpu.memory_space<hbm>>
    %dma_start3A_24 = tpu.memref_slice %arg3[%add3A_23] : memref<320000xi32, #tpu.memory_space<hbm>> -> memref<128xi32, #tpu.memory_space<hbm>>
    tpu.enqueue_dma source(%dma_start3A_24 : memref<128xi32, #tpu.memory_space<hbm>>) target(%arg6 : memref<128xi32, #tpu.memory_space<vmem>>) target_semaphore(%arg22 : memref<!tpu.dma_semaphore, #tpu.memory_space<semaphore_mem>>)
    %add3A_25 = arith.constant 0 : i32
    %add3A_26 = arith.addi %mul3A_21, %add3A_25 : i32
    %dma_start3A_27 = tpu.memref_slice %arg4[%add3A_26] : memref<320000xi32, #tpu.memory_space<hbm>> -> memref<128xi32, #tpu.memory_space<hbm>>
    %dma_start3A_28 = tpu.memref_slice %arg4[%add3A_26] : memref<320000xi32, #tpu.memory_space<hbm>> -> memref<128xi32, #tpu.memory_space<hbm>>
    tpu.enqueue_dma source(%dma_start3A_28 : memref<128xi32, #tpu.memory_space<hbm>>) target(%arg7 : memref<128xi32, #tpu.memory_space<vmem>>) target_semaphore(%arg22 : memref<!tpu.dma_semaphore, #tpu.memory_space<semaphore_mem>>)
    %add3A_29 = arith.constant 128 : i32
    %add3A_30 = arith.addi %mul3A_21, %add3A_29 : i32
    %dma_start3A_31 = tpu.memref_slice %arg3[%add3A_30] : memref<320000xi32, #tpu.memory_space<hbm>> -> memref<128xi32, #tpu.memory_space<hbm>>
    %dma_start3A_32 = tpu.memref_slice %arg3[%add3A_30] : memref<320000xi32, #tpu.memory_space<hbm>> -> memref<128xi32, #tpu.memory_space<hbm>>
    tpu.enqueue_dma source(%dma_start3A_32 : memref<128xi32, #tpu.memory_space<hbm>>) target(%arg8 : memref<128xi32, #tpu.memory_space<vmem>>) target_semaphore(%arg22 : memref<!tpu.dma_semaphore, #tpu.memory_space<semaphore_mem>>)
    %add3A_33 = arith.constant 128 : i32
    %add3A_34 = arith.addi %mul3A_21, %add3A_33 : i32
    %dma_start3A_35 = tpu.memref_slice %arg4[%add3A_34] : memref<320000xi32, #tpu.memory_space<hbm>> -> memref<128xi32, #tpu.memory_space<hbm>>
    %dma_start3A_36 = tpu.memref_slice %arg4[%add3A_34] : memref<320000xi32, #tpu.memory_space<hbm>> -> memref<128xi32, #tpu.memory_space<hbm>>
    tpu.enqueue_dma source(%dma_start3A_36 : memref<128xi32, #tpu.memory_space<hbm>>) target(%arg9 : memref<128xi32, #tpu.memory_space<vmem>>) target_semaphore(%arg22 : memref<!tpu.dma_semaphore, #tpu.memory_space<semaphore_mem>>)
    %add3A_37 = arith.constant 256 : i32
    %add3A_38 = arith.addi %mul3A_21, %add3A_37 : i32
    %dma_start3A_39 = tpu.memref_slice %arg3[%add3A_38] : memref<320000xi32, #tpu.memory_space<hbm>> -> memref<128xi32, #tpu.memory_space<hbm>>
    %dma_start3A_40 = tpu.memref_slice %arg3[%add3A_38] : memref<320000xi32, #tpu.memory_space<hbm>> -> memref<128xi32, #tpu.memory_space<hbm>>
    tpu.enqueue_dma source(%dma_start3A_40 : memref<128xi32, #tpu.memory_space<hbm>>) target(%arg10 : memref<128xi32, #tpu.memory_space<vmem>>) target_semaphore(%arg22 : memref<!tpu.dma_semaphore, #tpu.memory_space<semaphore_mem>>)
    %add3A_41 = arith.constant 256 : i32
    %add3A_42 = arith.addi %mul3A_21, %add3A_41 : i32
    %dma_start3A_43 = tpu.memref_slice %arg4[%add3A_42] : memref<320000xi32, #tpu.memory_space<hbm>> -> memref<128xi32, #tpu.memory_space<hbm>>
    %dma_start3A_44 = tpu.memref_slice %arg4[%add3A_42] : memref<320000xi32, #tpu.memory_space<hbm>> -> memref<128xi32, #tpu.memory_space<hbm>>
    tpu.enqueue_dma source(%dma_start3A_44 : memref<128xi32, #tpu.memory_space<hbm>>) target(%arg11 : memref<128xi32, #tpu.memory_space<vmem>>) target_semaphore(%arg22 : memref<!tpu.dma_semaphore, #tpu.memory_space<semaphore_mem>>)
    %scan3A_45 = arith.constant 0 : i32
    %scan3A_46 = arith.constant 0 : i32
    %scan3A_47 = arith.constant 13 : i32
    %scan3A_48 = arith.addi %scan3A_46, %scan3A_47 : i32
    %scan3A_49 = arith.constant 1 : i32
    scf.for %scan3A_74 = %scan3A_46 to %scan3A_48 step %scan3A_49  : i32 {
      %mul3A_75 = arith.constant 6 : i32
      %mul3A_76 = arith.muli %mul3A_75, %scan3A_74 : i32
      %mul3A_77 = arith.constant 128 : i32
      %mul3A_78 = arith.muli %mul3A_76, %mul3A_77 : i32
      %add3A_79 = arith.addi %mul3A_21, %mul3A_78 : i32
      %add3A_80 = arith.constant 384 : i32
      %add3A_81 = arith.addi %add3A_79, %add3A_80 : i32
      %dma_start3A_82 = tpu.memref_slice %arg3[%add3A_81] : memref<320000xi32, #tpu.memory_space<hbm>> -> memref<128xi32, #tpu.memory_space<hbm>>
      %dma_start3A_83 = tpu.memref_slice %arg3[%add3A_81] : memref<320000xi32, #tpu.memory_space<hbm>> -> memref<128xi32, #tpu.memory_space<hbm>>
      tpu.enqueue_dma source(%dma_start3A_83 : memref<128xi32, #tpu.memory_space<hbm>>) target(%arg12 : memref<128xi32, #tpu.memory_space<vmem>>) target_semaphore(%arg22 : memref<!tpu.dma_semaphore, #tpu.memory_space<semaphore_mem>>)
      %add3A_84 = arith.constant 384 : i32
      %add3A_85 = arith.addi %add3A_79, %add3A_84 : i32
      %dma_start3A_86 = tpu.memref_slice %arg4[%add3A_85] : memref<320000xi32, #tpu.memory_space<hbm>> -> memref<128xi32, #tpu.memory_space<hbm>>
      %dma_start3A_87 = tpu.memref_slice %arg4[%add3A_85] : memref<320000xi32, #tpu.memory_space<hbm>> -> memref<128xi32, #tpu.memory_space<hbm>>
      tpu.enqueue_dma source(%dma_start3A_87 : memref<128xi32, #tpu.memory_space<hbm>>) target(%arg13 : memref<128xi32, #tpu.memory_space<vmem>>) target_semaphore(%arg22 : memref<!tpu.dma_semaphore, #tpu.memory_space<semaphore_mem>>)
      %add3A_88 = arith.constant 512 : i32
      %add3A_89 = arith.addi %add3A_79, %add3A_88 : i32
      %dma_start3A_90 = tpu.memref_slice %arg3[%add3A_89] : memref<320000xi32, #tpu.memory_space<hbm>> -> memref<128xi32, #tpu.memory_space<hbm>>
      %dma_start3A_91 = tpu.memref_slice %arg3[%add3A_89] : memref<320000xi32, #tpu.memory_space<hbm>> -> memref<128xi32, #tpu.memory_space<hbm>>
      tpu.enqueue_dma source(%dma_start3A_91 : memref<128xi32, #tpu.memory_space<hbm>>) target(%arg14 : memref<128xi32, #tpu.memory_space<vmem>>) target_semaphore(%arg22 : memref<!tpu.dma_semaphore, #tpu.memory_space<semaphore_mem>>)
      %add3A_92 = arith.constant 512 : i32
      %add3A_93 = arith.addi %add3A_79, %add3A_92 : i32
      %dma_start3A_94 = tpu.memref_slice %arg4[%add3A_93] : memref<320000xi32, #tpu.memory_space<hbm>> -> memref<128xi32, #tpu.memory_space<hbm>>
      %dma_start3A_95 = tpu.memref_slice %arg4[%add3A_93] : memref<320000xi32, #tpu.memory_space<hbm>> -> memref<128xi32, #tpu.memory_space<hbm>>
      tpu.enqueue_dma source(%dma_start3A_95 : memref<128xi32, #tpu.memory_space<hbm>>) target(%arg15 : memref<128xi32, #tpu.memory_space<vmem>>) target_semaphore(%arg22 : memref<!tpu.dma_semaphore, #tpu.memory_space<semaphore_mem>>)
      %add3A_96 = arith.constant 640 : i32
      %add3A_97 = arith.addi %add3A_79, %add3A_96 : i32
      %dma_start3A_98 = tpu.memref_slice %arg3[%add3A_97] : memref<320000xi32, #tpu.memory_space<hbm>> -> memref<128xi32, #tpu.memory_space<hbm>>
      %dma_start3A_99 = tpu.memref_slice %arg3[%add3A_97] : memref<320000xi32, #tpu.memory_space<hbm>> -> memref<128xi32, #tpu.memory_space<hbm>>
      tpu.enqueue_dma source(%dma_start3A_99 : memref<128xi32, #tpu.memory_space<hbm>>) target(%arg16 : memref<128xi32, #tpu.memory_space<vmem>>) target_semaphore(%arg22 : memref<!tpu.dma_semaphore, #tpu.memory_space<semaphore_mem>>)
      %add3A_100 = arith.constant 640 : i32
      %add3A_101 = arith.addi %add3A_79, %add3A_100 : i32
      %dma_start3A_102 = tpu.memref_slice %arg4[%add3A_101] : memref<320000xi32, #tpu.memory_space<hbm>> -> memref<128xi32, #tpu.memory_space<hbm>>
      %dma_start3A_103 = tpu.memref_slice %arg4[%add3A_101] : memref<320000xi32, #tpu.memory_space<hbm>> -> memref<128xi32, #tpu.memory_space<hbm>>
      tpu.enqueue_dma source(%dma_start3A_103 : memref<128xi32, #tpu.memory_space<hbm>>) target(%arg17 : memref<128xi32, #tpu.memory_space<vmem>>) target_semaphore(%arg22 : memref<!tpu.dma_semaphore, #tpu.memory_space<semaphore_mem>>)
      %dma_wait3A_104 = tpu.memref_slice %arg3[%add3A_79] : memref<320000xi32, #tpu.memory_space<hbm>> -> memref<128xi32, #tpu.memory_space<hbm>>
      %dma_wait3A_105 = tpu.memref_slice %arg3[%add3A_79] : memref<320000xi32, #tpu.memory_space<hbm>> -> memref<128xi32, #tpu.memory_space<hbm>>
      tpu.wait_dma2 semaphore(%arg22 : memref<!tpu.dma_semaphore, #tpu.memory_space<semaphore_mem>>) src(%dma_wait3A_105 : memref<128xi32, #tpu.memory_space<hbm>>) dst(%arg6 : memref<128xi32, #tpu.memory_space<vmem>>)
      %dma_wait3A_106 = tpu.memref_slice %arg3[%add3A_79] : memref<320000xi32, #tpu.memory_space<hbm>> -> memref<128xi32, #tpu.memory_space<hbm>>
      %dma_wait3A_107 = tpu.memref_slice %arg3[%add3A_79] : memref<320000xi32, #tpu.memory_space<hbm>> -> memref<128xi32, #tpu.memory_space<hbm>>
      tpu.wait_dma2 semaphore(%arg22 : memref<!tpu.dma_semaphore, #tpu.memory_space<semaphore_mem>>) src(%dma_wait3A_107 : memref<128xi32, #tpu.memory_space<hbm>>) dst(%arg6 : memref<128xi32, #tpu.memory_space<vmem>>)
      %dma_wait3A_108 = tpu.memref_slice %arg3[%add3A_79] : memref<320000xi32, #tpu.memory_space<hbm>> -> memref<128xi32, #tpu.memory_space<hbm>>
      %dma_wait3A_109 = tpu.memref_slice %arg3[%add3A_79] : memref<320000xi32, #tpu.memory_space<hbm>> -> memref<128xi32, #tpu.memory_space<hbm>>
      tpu.wait_dma2 semaphore(%arg22 : memref<!tpu.dma_semaphore, #tpu.memory_space<semaphore_mem>>) src(%dma_wait3A_109 : memref<128xi32, #tpu.memory_space<hbm>>) dst(%arg6 : memref<128xi32, #tpu.memory_space<vmem>>)
      %dma_wait3A_110 = tpu.memref_slice %arg3[%add3A_79] : memref<320000xi32, #tpu.memory_space<hbm>> -> memref<128xi32, #tpu.memory_space<hbm>>
      %dma_wait3A_111 = tpu.memref_slice %arg3[%add3A_79] : memref<320000xi32, #tpu.memory_space<hbm>> -> memref<128xi32, #tpu.memory_space<hbm>>
      tpu.wait_dma2 semaphore(%arg22 : memref<!tpu.dma_semaphore, #tpu.memory_space<semaphore_mem>>) src(%dma_wait3A_111 : memref<128xi32, #tpu.memory_space<hbm>>) dst(%arg6 : memref<128xi32, #tpu.memory_space<vmem>>)
      %dma_wait3A_112 = tpu.memref_slice %arg3[%add3A_79] : memref<320000xi32, #tpu.memory_space<hbm>> -> memref<128xi32, #tpu.memory_space<hbm>>
      %dma_wait3A_113 = tpu.memref_slice %arg3[%add3A_79] : memref<320000xi32, #tpu.memory_space<hbm>> -> memref<128xi32, #tpu.memory_space<hbm>>
      tpu.wait_dma2 semaphore(%arg22 : memref<!tpu.dma_semaphore, #tpu.memory_space<semaphore_mem>>) src(%dma_wait3A_113 : memref<128xi32, #tpu.memory_space<hbm>>) dst(%arg6 : memref<128xi32, #tpu.memory_space<vmem>>)
      %dma_wait3A_114 = tpu.memref_slice %arg3[%add3A_79] : memref<320000xi32, #tpu.memory_space<hbm>> -> memref<128xi32, #tpu.memory_space<hbm>>
      %dma_wait3A_115 = tpu.memref_slice %arg3[%add3A_79] : memref<320000xi32, #tpu.memory_space<hbm>> -> memref<128xi32, #tpu.memory_space<hbm>>
      tpu.wait_dma2 semaphore(%arg22 : memref<!tpu.dma_semaphore, #tpu.memory_space<semaphore_mem>>) src(%dma_wait3A_115 : memref<128xi32, #tpu.memory_space<hbm>>) dst(%arg6 : memref<128xi32, #tpu.memory_space<vmem>>)
      %dma_start3A_116 = arith.constant 0 : i32
      %dma_start3A_117 = arith.constant 0 : i32
      %dma_start3A_118 = tpu.memref_slice %arg2[%dma_start3A_116, %dma_start3A_117] : memref<10000x128xf32, #tpu.memory_space<hbm>> -> memref<10000x128xf32, #tpu.memory_space<hbm>>
      tpu.enqueue_indirect_dma source(%dma_start3A_118 : memref<10000x128xf32, #tpu.memory_space<hbm>>) target(%arg18 : memref<128x128xf32, #tpu.memory_space<vmem>>) offsets(%arg6 : memref<128xi32, #tpu.memory_space<vmem>>) semaphore(%arg23 : memref<!tpu.dma_semaphore, #tpu.memory_space<semaphore_mem>>)
      %dma_start3A_119 = arith.constant 0 : i32
      %dma_start3A_120 = arith.constant 0 : i32
      %dma_start3A_121 = tpu.memref_slice %arg2[%dma_start3A_119, %dma_start3A_120] : memref<10000x128xf32, #tpu.memory_space<hbm>> -> memref<10000x128xf32, #tpu.memory_space<hbm>>
      tpu.enqueue_indirect_dma source(%dma_start3A_121 : memref<10000x128xf32, #tpu.memory_space<hbm>>) target(%arg19 : memref<128x128xf32, #tpu.memory_space<vmem>>) offsets(%arg8 : memref<128xi32, #tpu.memory_space<vmem>>) semaphore(%arg24 : memref<!tpu.dma_semaphore, #tpu.memory_space<semaphore_mem>>)
      %dma_start3A_122 = arith.constant 0 : i32
      %dma_start3A_123 = arith.constant 0 : i32
      %dma_start3A_124 = tpu.memref_slice %arg2[%dma_start3A_122, %dma_start3A_123] : memref<10000x128xf32, #tpu.memory_space<hbm>> -> memref<10000x128xf32, #tpu.memory_space<hbm>>
      tpu.enqueue_indirect_dma source(%dma_start3A_124 : memref<10000x128xf32, #tpu.memory_space<hbm>>) target(%arg20 : memref<128x128xf32, #tpu.memory_space<vmem>>) offsets(%arg10 : memref<128xi32, #tpu.memory_space<vmem>>) semaphore(%arg25 : memref<!tpu.dma_semaphore, #tpu.memory_space<semaphore_mem>>)
      %dma_wait3A_125 = arith.constant 0 : i32
      %dma_wait3A_126 = arith.constant 0 : i32
      %dma_wait3A_127 = tpu.memref_slice %arg2[%dma_wait3A_125, %dma_wait3A_126] : memref<10000x128xf32, #tpu.memory_space<hbm>> -> memref<10000x128xf32, #tpu.memory_space<hbm>>
      tpu.wait_indirect_dma semaphore(%arg23 : memref<!tpu.dma_semaphore, #tpu.memory_space<semaphore_mem>>) src(%dma_wait3A_127 : memref<10000x128xf32, #tpu.memory_space<hbm>>) dst(%arg18 : memref<128x128xf32, #tpu.memory_space<vmem>>)
      %dma_start3A_128 = arith.constant 0 : i32
      %dma_start3A_129 = arith.constant 0 : i32
      %dma_start3A_130 = tpu.memref_slice %arg21[%dma_start3A_128, %dma_start3A_129] : memref<10000x128xf32, #tpu.memory_space<vmem_shared>> -> memref<10000x128xf32, #tpu.memory_space<vmem_shared>>
      tpu.enqueue_indirect_dma source(%arg18 : memref<128x128xf32, #tpu.memory_space<vmem>>) target(%dma_start3A_130 : memref<10000x128xf32, #tpu.memory_space<vmem_shared>>) offsets(%arg7 : memref<128xi32, #tpu.memory_space<vmem>>) semaphore(%arg26 : memref<!tpu.dma_semaphore, #tpu.memory_space<semaphore_mem>>) {add = true}
      %dma_wait3A_131 = arith.constant 0 : i32
      %dma_wait3A_132 = arith.constant 0 : i32
      %dma_wait3A_133 = tpu.memref_slice %arg2[%dma_wait3A_131, %dma_wait3A_132] : memref<10000x128xf32, #tpu.memory_space<hbm>> -> memref<10000x128xf32, #tpu.memory_space<hbm>>
      tpu.wait_indirect_dma semaphore(%arg24 : memref<!tpu.dma_semaphore, #tpu.memory_space<semaphore_mem>>) src(%dma_wait3A_133 : memref<10000x128xf32, #tpu.memory_space<hbm>>) dst(%arg19 : memref<128x128xf32, #tpu.memory_space<vmem>>)
      %dma_start3A_134 = arith.constant 0 : i32
      %dma_start3A_135 = arith.constant 0 : i32
      %dma_start3A_136 = tpu.memref_slice %arg21[%dma_start3A_134, %dma_start3A_135] : memref<10000x128xf32, #tpu.memory_space<vmem_shared>> -> memref<10000x128xf32, #tpu.memory_space<vmem_shared>>
      tpu.enqueue_indirect_dma source(%arg19 : memref<128x128xf32, #tpu.memory_space<vmem>>) target(%dma_start3A_136 : memref<10000x128xf32, #tpu.memory_space<vmem_shared>>) offsets(%arg9 : memref<128xi32, #tpu.memory_space<vmem>>) semaphore(%arg27 : memref<!tpu.dma_semaphore, #tpu.memory_space<semaphore_mem>>) {add = true}
      %dma_wait3A_137 = arith.constant 0 : i32
      %dma_wait3A_138 = arith.constant 0 : i32
      %dma_wait3A_139 = tpu.memref_slice %arg2[%dma_wait3A_137, %dma_wait3A_138] : memref<10000x128xf32, #tpu.memory_space<hbm>> -> memref<10000x128xf32, #tpu.memory_space<hbm>>
      tpu.wait_indirect_dma semaphore(%arg25 : memref<!tpu.dma_semaphore, #tpu.memory_space<semaphore_mem>>) src(%dma_wait3A_139 : memref<10000x128xf32, #tpu.memory_space<hbm>>) dst(%arg20 : memref<128x128xf32, #tpu.memory_space<vmem>>)
      %dma_start3A_140 = arith.constant 0 : i32
      %dma_start3A_141 = arith.constant 0 : i32
      %dma_start3A_142 = tpu.memref_slice %arg21[%dma_start3A_140, %dma_start3A_141] : memref<10000x128xf32, #tpu.memory_space<vmem_shared>> -> memref<10000x128xf32, #tpu.memory_space<vmem_shared>>
      tpu.enqueue_indirect_dma source(%arg20 : memref<128x128xf32, #tpu.memory_space<vmem>>) target(%dma_start3A_142 : memref<10000x128xf32, #tpu.memory_space<vmem_shared>>) offsets(%arg11 : memref<128xi32, #tpu.memory_space<vmem>>) semaphore(%arg28 : memref<!tpu.dma_semaphore, #tpu.memory_space<semaphore_mem>>) {add = true}
      %dma_wait3A_143 = tpu.memref_slice %arg3[%add3A_79] : memref<320000xi32, #tpu.memory_space<hbm>> -> memref<128xi32, #tpu.memory_space<hbm>>
      %dma_wait3A_144 = tpu.memref_slice %arg3[%add3A_79] : memref<320000xi32, #tpu.memory_space<hbm>> -> memref<128xi32, #tpu.memory_space<hbm>>
      tpu.wait_dma2 semaphore(%arg22 : memref<!tpu.dma_semaphore, #tpu.memory_space<semaphore_mem>>) src(%dma_wait3A_144 : memref<128xi32, #tpu.memory_space<hbm>>) dst(%arg6 : memref<128xi32, #tpu.memory_space<vmem>>)
      %dma_wait3A_145 = tpu.memref_slice %arg3[%add3A_79] : memref<320000xi32, #tpu.memory_space<hbm>> -> memref<128xi32, #tpu.memory_space<hbm>>
      %dma_wait3A_146 = tpu.memref_slice %arg3[%add3A_79] : memref<320000xi32, #tpu.memory_space<hbm>> -> memref<128xi32, #tpu.memory_space<hbm>>
      tpu.wait_dma2 semaphore(%arg22 : memref<!tpu.dma_semaphore, #tpu.memory_space<semaphore_mem>>) src(%dma_wait3A_146 : memref<128xi32, #tpu.memory_space<hbm>>) dst(%arg6 : memref<128xi32, #tpu.memory_space<vmem>>)
      %dma_wait3A_147 = tpu.memref_slice %arg3[%add3A_79] : memref<320000xi32, #tpu.memory_space<hbm>> -> memref<128xi32, #tpu.memory_space<hbm>>
      %dma_wait3A_148 = tpu.memref_slice %arg3[%add3A_79] : memref<320000xi32, #tpu.memory_space<hbm>> -> memref<128xi32, #tpu.memory_space<hbm>>
      tpu.wait_dma2 semaphore(%arg22 : memref<!tpu.dma_semaphore, #tpu.memory_space<semaphore_mem>>) src(%dma_wait3A_148 : memref<128xi32, #tpu.memory_space<hbm>>) dst(%arg6 : memref<128xi32, #tpu.memory_space<vmem>>)
      %dma_wait3A_149 = tpu.memref_slice %arg3[%add3A_79] : memref<320000xi32, #tpu.memory_space<hbm>> -> memref<128xi32, #tpu.memory_space<hbm>>
      %dma_wait3A_150 = tpu.memref_slice %arg3[%add3A_79] : memref<320000xi32, #tpu.memory_space<hbm>> -> memref<128xi32, #tpu.memory_space<hbm>>
      tpu.wait_dma2 semaphore(%arg22 : memref<!tpu.dma_semaphore, #tpu.memory_space<semaphore_mem>>) src(%dma_wait3A_150 : memref<128xi32, #tpu.memory_space<hbm>>) dst(%arg6 : memref<128xi32, #tpu.memory_space<vmem>>)
      %dma_wait3A_151 = tpu.memref_slice %arg3[%add3A_79] : memref<320000xi32, #tpu.memory_space<hbm>> -> memref<128xi32, #tpu.memory_space<hbm>>
      %dma_wait3A_152 = tpu.memref_slice %arg3[%add3A_79] : memref<320000xi32, #tpu.memory_space<hbm>> -> memref<128xi32, #tpu.memory_space<hbm>>
      tpu.wait_dma2 semaphore(%arg22 : memref<!tpu.dma_semaphore, #tpu.memory_space<semaphore_mem>>) src(%dma_wait3A_152 : memref<128xi32, #tpu.memory_space<hbm>>) dst(%arg6 : memref<128xi32, #tpu.memory_space<vmem>>)
      %dma_wait3A_153 = tpu.memref_slice %arg3[%add3A_79] : memref<320000xi32, #tpu.memory_space<hbm>> -> memref<128xi32, #tpu.memory_space<hbm>>
      %dma_wait3A_154 = tpu.memref_slice %arg3[%add3A_79] : memref<320000xi32, #tpu.memory_space<hbm>> -> memref<128xi32, #tpu.memory_space<hbm>>
      tpu.wait_dma2 semaphore(%arg22 : memref<!tpu.dma_semaphore, #tpu.memory_space<semaphore_mem>>) src(%dma_wait3A_154 : memref<128xi32, #tpu.memory_space<hbm>>) dst(%arg6 : memref<128xi32, #tpu.memory_space<vmem>>)
      %dma_wait3A_155 = arith.constant 0 : i32
      %dma_wait3A_156 = arith.constant 0 : i32
      %dma_wait3A_157 = tpu.memref_slice %arg21[%dma_wait3A_155, %dma_wait3A_156] : memref<10000x128xf32, #tpu.memory_space<vmem_shared>> -> memref<10000x128xf32, #tpu.memory_space<vmem_shared>>
      tpu.wait_indirect_dma semaphore(%arg26 : memref<!tpu.dma_semaphore, #tpu.memory_space<semaphore_mem>>) src(%arg18 : memref<128x128xf32, #tpu.memory_space<vmem>>) dst(%dma_wait3A_157 : memref<10000x128xf32, #tpu.memory_space<vmem_shared>>)
      %dma_start3A_158 = arith.constant 0 : i32
      %dma_start3A_159 = arith.constant 0 : i32
      %dma_start3A_160 = tpu.memref_slice %arg2[%dma_start3A_158, %dma_start3A_159] : memref<10000x128xf32, #tpu.memory_space<hbm>> -> memref<10000x128xf32, #tpu.memory_space<hbm>>
      tpu.enqueue_indirect_dma source(%dma_start3A_160 : memref<10000x128xf32, #tpu.memory_space<hbm>>) target(%arg18 : memref<128x128xf32, #tpu.memory_space<vmem>>) offsets(%arg12 : memref<128xi32, #tpu.memory_space<vmem>>) semaphore(%arg23 : memref<!tpu.dma_semaphore, #tpu.memory_space<semaphore_mem>>)
      %dma_wait3A_161 = arith.constant 0 : i32
      %dma_wait3A_162 = arith.constant 0 : i32
      %dma_wait3A_163 = tpu.memref_slice %arg21[%dma_wait3A_161, %dma_wait3A_162] : memref<10000x128xf32, #tpu.memory_space<vmem_shared>> -> memref<10000x128xf32, #tpu.memory_space<vmem_shared>>
      tpu.wait_indirect_dma semaphore(%arg27 : memref<!tpu.dma_semaphore, #tpu.memory_space<semaphore_mem>>) src(%arg19 : memref<128x128xf32, #tpu.memory_space<vmem>>) dst(%dma_wait3A_163 : memref<10000x128xf32, #tpu.memory_space<vmem_shared>>)
      %dma_start3A_164 = arith.constant 0 : i32
      %dma_start3A_165 = arith.constant 0 : i32
      %dma_start3A_166 = tpu.memref_slice %arg2[%dma_start3A_164, %dma_start3A_165] : memref<10000x128xf32, #tpu.memory_space<hbm>> -> memref<10000x128xf32, #tpu.memory_space<hbm>>
      tpu.enqueue_indirect_dma source(%dma_start3A_166 : memref<10000x128xf32, #tpu.memory_space<hbm>>) target(%arg19 : memref<128x128xf32, #tpu.memory_space<vmem>>) offsets(%arg14 : memref<128xi32, #tpu.memory_space<vmem>>) semaphore(%arg24 : memref<!tpu.dma_semaphore, #tpu.memory_space<semaphore_mem>>)
      %dma_wait3A_167 = arith.constant 0 : i32
      %dma_wait3A_168 = arith.constant 0 : i32
      %dma_wait3A_169 = tpu.memref_slice %arg21[%dma_wait3A_167, %dma_wait3A_168] : memref<10000x128xf32, #tpu.memory_space<vmem_shared>> -> memref<10000x128xf32, #tpu.memory_space<vmem_shared>>
      tpu.wait_indirect_dma semaphore(%arg28 : memref<!tpu.dma_semaphore, #tpu.memory_space<semaphore_mem>>) src(%arg20 : memref<128x128xf32, #tpu.memory_space<vmem>>) dst(%dma_wait3A_169 : memref<10000x128xf32, #tpu.memory_space<vmem_shared>>)
      %dma_start3A_170 = arith.constant 0 : i32
      %dma_start3A_171 = arith.constant 0 : i32
      %dma_start3A_172 = tpu.memref_slice %arg2[%dma_start3A_170, %dma_start3A_171] : memref<10000x128xf32, #tpu.memory_space<hbm>> -> memref<10000x128xf32, #tpu.memory_space<hbm>>
      tpu.enqueue_indirect_dma source(%dma_start3A_172 : memref<10000x128xf32, #tpu.memory_space<hbm>>) target(%arg20 : memref<128x128xf32, #tpu.memory_space<vmem>>) offsets(%arg16 : memref<128xi32, #tpu.memory_space<vmem>>) semaphore(%arg25 : memref<!tpu.dma_semaphore, #tpu.memory_space<semaphore_mem>>)
      %add3A_173 = arith.constant 1 : i32
      %add3A_174 = arith.addi %scan3A_74, %add3A_173 : i32
      %lt3A = arith.constant 13 : i32
      %lt3A_175 = arith.cmpi slt, %add3A_174, %lt3A : i32
      %convert_element_type3A_176 = arith.extui %lt3A_175 : i1 to i32
      %cond3A_177 = arith.constant 0 : i32
      %cond3A_178 = arith.cmpi ne, %convert_element_type3A_176, %cond3A_177 : i32
      scf.if %cond3A_178 {
        %add3A_206 = arith.constant 768 : i32
        %add3A_207 = arith.addi %add3A_79, %add3A_206 : i32
        %dma_start3A_208 = tpu.memref_slice %arg3[%add3A_207] : memref<320000xi32, #tpu.memory_space<hbm>> -> memref<128xi32, #tpu.memory_space<hbm>>
        %dma_start3A_209 = tpu.memref_slice %arg3[%add3A_207] : memref<320000xi32, #tpu.memory_space<hbm>> -> memref<128xi32, #tpu.memory_space<hbm>>
        tpu.enqueue_dma source(%dma_start3A_209 : memref<128xi32, #tpu.memory_space<hbm>>) target(%arg6 : memref<128xi32, #tpu.memory_space<vmem>>) target_semaphore(%arg22 : memref<!tpu.dma_semaphore, #tpu.memory_space<semaphore_mem>>)
        %add3A_210 = arith.constant 768 : i32
        %add3A_211 = arith.addi %add3A_79, %add3A_210 : i32
        %dma_start3A_212 = tpu.memref_slice %arg4[%add3A_211] : memref<320000xi32, #tpu.memory_space<hbm>> -> memref<128xi32, #tpu.memory_space<hbm>>
        %dma_start3A_213 = tpu.memref_slice %arg4[%add3A_211] : memref<320000xi32, #tpu.memory_space<hbm>> -> memref<128xi32, #tpu.memory_space<hbm>>
        tpu.enqueue_dma source(%dma_start3A_213 : memref<128xi32, #tpu.memory_space<hbm>>) target(%arg7 : memref<128xi32, #tpu.memory_space<vmem>>) target_semaphore(%arg22 : memref<!tpu.dma_semaphore, #tpu.memory_space<semaphore_mem>>)
        %add3A_214 = arith.constant 896 : i32
        %add3A_215 = arith.addi %add3A_79, %add3A_214 : i32
        %dma_start3A_216 = tpu.memref_slice %arg3[%add3A_215] : memref<320000xi32, #tpu.memory_space<hbm>> -> memref<128xi32, #tpu.memory_space<hbm>>
        %dma_start3A_217 = tpu.memref_slice %arg3[%add3A_215] : memref<320000xi32, #tpu.memory_space<hbm>> -> memref<128xi32, #tpu.memory_space<hbm>>
        tpu.enqueue_dma source(%dma_start3A_217 : memref<128xi32, #tpu.memory_space<hbm>>) target(%arg8 : memref<128xi32, #tpu.memory_space<vmem>>) target_semaphore(%arg22 : memref<!tpu.dma_semaphore, #tpu.memory_space<semaphore_mem>>)
        %add3A_218 = arith.constant 896 : i32
        %add3A_219 = arith.addi %add3A_79, %add3A_218 : i32
        %dma_start3A_220 = tpu.memref_slice %arg4[%add3A_219] : memref<320000xi32, #tpu.memory_space<hbm>> -> memref<128xi32, #tpu.memory_space<hbm>>
        %dma_start3A_221 = tpu.memref_slice %arg4[%add3A_219] : memref<320000xi32, #tpu.memory_space<hbm>> -> memref<128xi32, #tpu.memory_space<hbm>>
        tpu.enqueue_dma source(%dma_start3A_221 : memref<128xi32, #tpu.memory_space<hbm>>) target(%arg9 : memref<128xi32, #tpu.memory_space<vmem>>) target_semaphore(%arg22 : memref<!tpu.dma_semaphore, #tpu.memory_space<semaphore_mem>>)
        %add3A_222 = arith.constant 1024 : i32
        %add3A_223 = arith.addi %add3A_79, %add3A_222 : i32
        %dma_start3A_224 = tpu.memref_slice %arg3[%add3A_223] : memref<320000xi32, #tpu.memory_space<hbm>> -> memref<128xi32, #tpu.memory_space<hbm>>
        %dma_start3A_225 = tpu.memref_slice %arg3[%add3A_223] : memref<320000xi32, #tpu.memory_space<hbm>> -> memref<128xi32, #tpu.memory_space<hbm>>
        tpu.enqueue_dma source(%dma_start3A_225 : memref<128xi32, #tpu.memory_space<hbm>>) target(%arg10 : memref<128xi32, #tpu.memory_space<vmem>>) target_semaphore(%arg22 : memref<!tpu.dma_semaphore, #tpu.memory_space<semaphore_mem>>)
        %add3A_226 = arith.constant 1024 : i32
        %add3A_227 = arith.addi %add3A_79, %add3A_226 : i32
        %dma_start3A_228 = tpu.memref_slice %arg4[%add3A_227] : memref<320000xi32, #tpu.memory_space<hbm>> -> memref<128xi32, #tpu.memory_space<hbm>>
        %dma_start3A_229 = tpu.memref_slice %arg4[%add3A_227] : memref<320000xi32, #tpu.memory_space<hbm>> -> memref<128xi32, #tpu.memory_space<hbm>>
        tpu.enqueue_dma source(%dma_start3A_229 : memref<128xi32, #tpu.memory_space<hbm>>) target(%arg11 : memref<128xi32, #tpu.memory_space<vmem>>) target_semaphore(%arg22 : memref<!tpu.dma_semaphore, #tpu.memory_space<semaphore_mem>>)
      } else {
      }
      %dma_wait3A_179 = arith.constant 0 : i32
      %dma_wait3A_180 = arith.constant 0 : i32
      %dma_wait3A_181 = tpu.memref_slice %arg2[%dma_wait3A_179, %dma_wait3A_180] : memref<10000x128xf32, #tpu.memory_space<hbm>> -> memref<10000x128xf32, #tpu.memory_space<hbm>>
      tpu.wait_indirect_dma semaphore(%arg23 : memref<!tpu.dma_semaphore, #tpu.memory_space<semaphore_mem>>) src(%dma_wait3A_181 : memref<10000x128xf32, #tpu.memory_space<hbm>>) dst(%arg18 : memref<128x128xf32, #tpu.memory_space<vmem>>)
      %dma_start3A_182 = arith.constant 0 : i32
      %dma_start3A_183 = arith.constant 0 : i32
      %dma_start3A_184 = tpu.memref_slice %arg21[%dma_start3A_182, %dma_start3A_183] : memref<10000x128xf32, #tpu.memory_space<vmem_shared>> -> memref<10000x128xf32, #tpu.memory_space<vmem_shared>>
      tpu.enqueue_indirect_dma source(%arg18 : memref<128x128xf32, #tpu.memory_space<vmem>>) target(%dma_start3A_184 : memref<10000x128xf32, #tpu.memory_space<vmem_shared>>) offsets(%arg13 : memref<128xi32, #tpu.memory_space<vmem>>) semaphore(%arg26 : memref<!tpu.dma_semaphore, #tpu.memory_space<semaphore_mem>>) {add = true}
      %dma_wait3A_185 = arith.constant 0 : i32
      %dma_wait3A_186 = arith.constant 0 : i32
      %dma_wait3A_187 = tpu.memref_slice %arg2[%dma_wait3A_185, %dma_wait3A_186] : memref<10000x128xf32, #tpu.memory_space<hbm>> -> memref<10000x128xf32, #tpu.memory_space<hbm>>
      tpu.wait_indirect_dma semaphore(%arg24 : memref<!tpu.dma_semaphore, #tpu.memory_space<semaphore_mem>>) src(%dma_wait3A_187 : memref<10000x128xf32, #tpu.memory_space<hbm>>) dst(%arg19 : memref<128x128xf32, #tpu.memory_space<vmem>>)
      %dma_start3A_188 = arith.constant 0 : i32
      %dma_start3A_189 = arith.constant 0 : i32
      %dma_start3A_190 = tpu.memref_slice %arg21[%dma_start3A_188, %dma_start3A_189] : memref<10000x128xf32, #tpu.memory_space<vmem_shared>> -> memref<10000x128xf32, #tpu.memory_space<vmem_shared>>
      tpu.enqueue_indirect_dma source(%arg19 : memref<128x128xf32, #tpu.memory_space<vmem>>) target(%dma_start3A_190 : memref<10000x128xf32, #tpu.memory_space<vmem_shared>>) offsets(%arg15 : memref<128xi32, #tpu.memory_space<vmem>>) semaphore(%arg27 : memref<!tpu.dma_semaphore, #tpu.memory_space<semaphore_mem>>) {add = true}
      %dma_wait3A_191 = arith.constant 0 : i32
      %dma_wait3A_192 = arith.constant 0 : i32
      %dma_wait3A_193 = tpu.memref_slice %arg2[%dma_wait3A_191, %dma_wait3A_192] : memref<10000x128xf32, #tpu.memory_space<hbm>> -> memref<10000x128xf32, #tpu.memory_space<hbm>>
      tpu.wait_indirect_dma semaphore(%arg25 : memref<!tpu.dma_semaphore, #tpu.memory_space<semaphore_mem>>) src(%dma_wait3A_193 : memref<10000x128xf32, #tpu.memory_space<hbm>>) dst(%arg20 : memref<128x128xf32, #tpu.memory_space<vmem>>)
      %dma_start3A_194 = arith.constant 0 : i32
      %dma_start3A_195 = arith.constant 0 : i32
      %dma_start3A_196 = tpu.memref_slice %arg21[%dma_start3A_194, %dma_start3A_195] : memref<10000x128xf32, #tpu.memory_space<vmem_shared>> -> memref<10000x128xf32, #tpu.memory_space<vmem_shared>>
      tpu.enqueue_indirect_dma source(%arg20 : memref<128x128xf32, #tpu.memory_space<vmem>>) target(%dma_start3A_196 : memref<10000x128xf32, #tpu.memory_space<vmem_shared>>) offsets(%arg17 : memref<128xi32, #tpu.memory_space<vmem>>) semaphore(%arg28 : memref<!tpu.dma_semaphore, #tpu.memory_space<semaphore_mem>>) {add = true}
      %dma_wait3A_197 = arith.constant 0 : i32
      %dma_wait3A_198 = arith.constant 0 : i32
      %dma_wait3A_199 = tpu.memref_slice %arg21[%dma_wait3A_197, %dma_wait3A_198] : memref<10000x128xf32, #tpu.memory_space<vmem_shared>> -> memref<10000x128xf32, #tpu.memory_space<vmem_shared>>
      tpu.wait_indirect_dma semaphore(%arg26 : memref<!tpu.dma_semaphore, #tpu.memory_space<semaphore_mem>>) src(%arg18 : memref<128x128xf32, #tpu.memory_space<vmem>>) dst(%dma_wait3A_199 : memref<10000x128xf32, #tpu.memory_space<vmem_shared>>)
      %dma_wait3A_200 = arith.constant 0 : i32
      %dma_wait3A_201 = arith.constant 0 : i32
      %dma_wait3A_202 = tpu.memref_slice %arg21[%dma_wait3A_200, %dma_wait3A_201] : memref<10000x128xf32, #tpu.memory_space<vmem_shared>> -> memref<10000x128xf32, #tpu.memory_space<vmem_shared>>
      tpu.wait_indirect_dma semaphore(%arg27 : memref<!tpu.dma_semaphore, #tpu.memory_space<semaphore_mem>>) src(%arg19 : memref<128x128xf32, #tpu.memory_space<vmem>>) dst(%dma_wait3A_202 : memref<10000x128xf32, #tpu.memory_space<vmem_shared>>)
      %dma_wait3A_203 = arith.constant 0 : i32
      %dma_wait3A_204 = arith.constant 0 : i32
      %dma_wait3A_205 = tpu.memref_slice %arg21[%dma_wait3A_203, %dma_wait3A_204] : memref<10000x128xf32, #tpu.memory_space<vmem_shared>> -> memref<10000x128xf32, #tpu.memory_space<vmem_shared>>
      tpu.wait_indirect_dma semaphore(%arg28 : memref<!tpu.dma_semaphore, #tpu.memory_space<semaphore_mem>>) src(%arg20 : memref<128x128xf32, #tpu.memory_space<vmem>>) dst(%dma_wait3A_205 : memref<10000x128xf32, #tpu.memory_space<vmem_shared>>)
    }
    %scan3A_50 = arith.constant 13 : i32
    %add3A_51 = arith.constant 9984 : i32
    %add3A_52 = arith.addi %mul3A_21, %add3A_51 : i32
    "tpu.region"() ({
      %run_scoped3A = tpu.sem_alloc : memref<!tpu.dma_semaphore, #tpu.memory_space<semaphore_mem>>
      %dma_start3A_74 = arith.constant 0 : i32
      %dma_start3A_75 = tpu.memref_slice %arg6[%dma_start3A_74] : memref<128xi32, #tpu.memory_space<vmem>> -> memref<16xi32, #tpu.memory_space<vmem>>
      %dma_start3A_76 = tpu.memref_slice %arg3[%add3A_52] : memref<320000xi32, #tpu.memory_space<hbm>> -> memref<16xi32, #tpu.memory_space<hbm>>
      %dma_start3A_77 = arith.constant 0 : i32
      %dma_start3A_78 = tpu.memref_slice %arg6[%dma_start3A_77] : memref<128xi32, #tpu.memory_space<vmem>> -> memref<16xi32, #tpu.memory_space<vmem>>
      %dma_start3A_79 = tpu.memref_slice %arg3[%add3A_52] : memref<320000xi32, #tpu.memory_space<hbm>> -> memref<16xi32, #tpu.memory_space<hbm>>
      tpu.enqueue_dma source(%dma_start3A_79 : memref<16xi32, #tpu.memory_space<hbm>>) target(%dma_start3A_78 : memref<16xi32, #tpu.memory_space<vmem>>) target_semaphore(%run_scoped3A : memref<!tpu.dma_semaphore, #tpu.memory_space<semaphore_mem>>)
      %dma_wait3A_80 = arith.constant 0 : i32
      %dma_wait3A_81 = tpu.memref_slice %arg6[%dma_wait3A_80] : memref<128xi32, #tpu.memory_space<vmem>> -> memref<16xi32, #tpu.memory_space<vmem>>
      %dma_wait3A_82 = tpu.memref_slice %arg3[%add3A_52] : memref<320000xi32, #tpu.memory_space<hbm>> -> memref<16xi32, #tpu.memory_space<hbm>>
      %dma_wait3A_83 = arith.constant 0 : i32
      %dma_wait3A_84 = tpu.memref_slice %arg6[%dma_wait3A_83] : memref<128xi32, #tpu.memory_space<vmem>> -> memref<16xi32, #tpu.memory_space<vmem>>
      %dma_wait3A_85 = tpu.memref_slice %arg3[%add3A_52] : memref<320000xi32, #tpu.memory_space<hbm>> -> memref<16xi32, #tpu.memory_space<hbm>>
      tpu.wait_dma2 semaphore(%run_scoped3A : memref<!tpu.dma_semaphore, #tpu.memory_space<semaphore_mem>>) src(%dma_wait3A_85 : memref<16xi32, #tpu.memory_space<hbm>>) dst(%dma_wait3A_84 : memref<16xi32, #tpu.memory_space<vmem>>)
      tpu.yield
    }) : () -> ()
    "tpu.region"() ({
      %run_scoped3A = tpu.sem_alloc : memref<!tpu.dma_semaphore, #tpu.memory_space<semaphore_mem>>
      %dma_start3A_74 = arith.constant 0 : i32
      %dma_start3A_75 = tpu.memref_slice %arg7[%dma_start3A_74] : memref<128xi32, #tpu.memory_space<vmem>> -> memref<16xi32, #tpu.memory_space<vmem>>
      %dma_start3A_76 = tpu.memref_slice %arg4[%add3A_52] : memref<320000xi32, #tpu.memory_space<hbm>> -> memref<16xi32, #tpu.memory_space<hbm>>
      %dma_start3A_77 = arith.constant 0 : i32
      %dma_start3A_78 = tpu.memref_slice %arg7[%dma_start3A_77] : memref<128xi32, #tpu.memory_space<vmem>> -> memref<16xi32, #tpu.memory_space<vmem>>
      %dma_start3A_79 = tpu.memref_slice %arg4[%add3A_52] : memref<320000xi32, #tpu.memory_space<hbm>> -> memref<16xi32, #tpu.memory_space<hbm>>
      tpu.enqueue_dma source(%dma_start3A_79 : memref<16xi32, #tpu.memory_space<hbm>>) target(%dma_start3A_78 : memref<16xi32, #tpu.memory_space<vmem>>) target_semaphore(%run_scoped3A : memref<!tpu.dma_semaphore, #tpu.memory_space<semaphore_mem>>)
      %dma_wait3A_80 = arith.constant 0 : i32
      %dma_wait3A_81 = tpu.memref_slice %arg7[%dma_wait3A_80] : memref<128xi32, #tpu.memory_space<vmem>> -> memref<16xi32, #tpu.memory_space<vmem>>
      %dma_wait3A_82 = tpu.memref_slice %arg4[%add3A_52] : memref<320000xi32, #tpu.memory_space<hbm>> -> memref<16xi32, #tpu.memory_space<hbm>>
      %dma_wait3A_83 = arith.constant 0 : i32
      %dma_wait3A_84 = tpu.memref_slice %arg7[%dma_wait3A_83] : memref<128xi32, #tpu.memory_space<vmem>> -> memref<16xi32, #tpu.memory_space<vmem>>
      %dma_wait3A_85 = tpu.memref_slice %arg4[%add3A_52] : memref<320000xi32, #tpu.memory_space<hbm>> -> memref<16xi32, #tpu.memory_space<hbm>>
      tpu.wait_dma2 semaphore(%run_scoped3A : memref<!tpu.dma_semaphore, #tpu.memory_space<semaphore_mem>>) src(%dma_wait3A_85 : memref<16xi32, #tpu.memory_space<hbm>>) dst(%dma_wait3A_84 : memref<16xi32, #tpu.memory_space<vmem>>)
      tpu.yield
    }) : () -> ()
    %dma_start3A_53 = arith.constant 0 : i32
    %dma_start3A_54 = arith.constant 0 : i32
    %dma_start3A_55 = tpu.memref_slice %arg18[%dma_start3A_53, %dma_start3A_54] : memref<128x128xf32, #tpu.memory_space<vmem>> -> memref<16x128xf32, #tpu.memory_space<vmem>>
    %dma_start3A_56 = arith.constant 0 : i32
    %dma_start3A_57 = tpu.memref_slice %arg6[%dma_start3A_56] : memref<128xi32, #tpu.memory_space<vmem>> -> memref<16xi32, #tpu.memory_space<vmem>>
    %dma_start3A_58 = arith.constant 0 : i32
    %dma_start3A_59 = arith.constant 0 : i32
    %dma_start3A_60 = tpu.memref_slice %arg2[%dma_start3A_58, %dma_start3A_59] : memref<10000x128xf32, #tpu.memory_space<hbm>> -> memref<10000x128xf32, #tpu.memory_space<hbm>>
    tpu.enqueue_indirect_dma source(%dma_start3A_60 : memref<10000x128xf32, #tpu.memory_space<hbm>>) target(%dma_start3A_55 : memref<16x128xf32, #tpu.memory_space<vmem>>) offsets(%dma_start3A_57 : memref<16xi32, #tpu.memory_space<vmem>>) semaphore(%arg23 : memref<!tpu.dma_semaphore, #tpu.memory_space<semaphore_mem>>)
    %dma_wait3A = arith.constant 0 : i32
    %dma_wait3A_61 = arith.constant 0 : i32
    %dma_wait3A_62 = tpu.memref_slice %arg18[%dma_wait3A, %dma_wait3A_61] : memref<128x128xf32, #tpu.memory_space<vmem>> -> memref<16x128xf32, #tpu.memory_space<vmem>>
    %dma_wait3A_63 = arith.constant 0 : i32
    %dma_wait3A_64 = tpu.memref_slice %arg6[%dma_wait3A_63] : memref<128xi32, #tpu.memory_space<vmem>> -> memref<16xi32, #tpu.memory_space<vmem>>
    %dma_wait3A_65 = arith.constant 0 : i32
    %dma_wait3A_66 = arith.constant 0 : i32
    %dma_wait3A_67 = tpu.memref_slice %arg2[%dma_wait3A_65, %dma_wait3A_66] : memref<10000x128xf32, #tpu.memory_space<hbm>> -> memref<10000x128xf32, #tpu.memory_space<hbm>>
    tpu.wait_indirect_dma semaphore(%arg23 : memref<!tpu.dma_semaphore, #tpu.memory_space<semaphore_mem>>) src(%dma_wait3A_67 : memref<10000x128xf32, #tpu.memory_space<hbm>>) dst(%dma_wait3A_62 : memref<16x128xf32, #tpu.memory_space<vmem>>)
    "tpu.region"() ({
      %run_scoped3A = tpu.sem_alloc : memref<!tpu.dma_semaphore, #tpu.memory_space<semaphore_mem>>
      %dma_start3A_74 = arith.constant 0 : i32
      %dma_start3A_75 = arith.constant 0 : i32
      %dma_start3A_76 = tpu.memref_slice %arg18[%dma_start3A_74, %dma_start3A_75] : memref<128x128xf32, #tpu.memory_space<vmem>> -> memref<16x128xf32, #tpu.memory_space<vmem>>
      %dma_start3A_77 = arith.constant 0 : i32
      %dma_start3A_78 = tpu.memref_slice %arg7[%dma_start3A_77] : memref<128xi32, #tpu.memory_space<vmem>> -> memref<16xi32, #tpu.memory_space<vmem>>
      %dma_start3A_79 = arith.constant 0 : i32
      %dma_start3A_80 = arith.constant 0 : i32
      %dma_start3A_81 = tpu.memref_slice %arg21[%dma_start3A_79, %dma_start3A_80] : memref<10000x128xf32, #tpu.memory_space<vmem_shared>> -> memref<10000x128xf32, #tpu.memory_space<vmem_shared>>
      tpu.enqueue_indirect_dma source(%dma_start3A_76 : memref<16x128xf32, #tpu.memory_space<vmem>>) target(%dma_start3A_81 : memref<10000x128xf32, #tpu.memory_space<vmem_shared>>) offsets(%dma_start3A_78 : memref<16xi32, #tpu.memory_space<vmem>>) semaphore(%run_scoped3A : memref<!tpu.dma_semaphore, #tpu.memory_space<semaphore_mem>>) {add = true}
      %dma_wait3A_82 = arith.constant 0 : i32
      %dma_wait3A_83 = arith.constant 0 : i32
      %dma_wait3A_84 = tpu.memref_slice %arg18[%dma_wait3A_82, %dma_wait3A_83] : memref<128x128xf32, #tpu.memory_space<vmem>> -> memref<16x128xf32, #tpu.memory_space<vmem>>
      %dma_wait3A_85 = arith.constant 0 : i32
      %dma_wait3A_86 = tpu.memref_slice %arg7[%dma_wait3A_85] : memref<128xi32, #tpu.memory_space<vmem>> -> memref<16xi32, #tpu.memory_space<vmem>>
      %dma_wait3A_87 = arith.constant 0 : i32
      %dma_wait3A_88 = arith.constant 0 : i32
      %dma_wait3A_89 = tpu.memref_slice %arg21[%dma_wait3A_87, %dma_wait3A_88] : memref<10000x128xf32, #tpu.memory_space<vmem_shared>> -> memref<10000x128xf32, #tpu.memory_space<vmem_shared>>
      tpu.wait_indirect_dma semaphore(%run_scoped3A : memref<!tpu.dma_semaphore, #tpu.memory_space<semaphore_mem>>) src(%dma_wait3A_84 : memref<16x128xf32, #tpu.memory_space<vmem>>) dst(%dma_wait3A_89 : memref<10000x128xf32, #tpu.memory_space<vmem_shared>>)
      tpu.yield
    }) : () -> ()
    %barrier3A_68 = arith.constant 0 : index
    tpu.barrier barrier_id(%barrier3A_68)
    "tpu.region"() ({
      %run_scoped3A = tpu.sem_alloc : memref<!tpu.dma_semaphore, #tpu.memory_space<semaphore_mem>>
      %dma_start3A_74 = arith.constant 0 : i32
      %dma_start3A_75 = tpu.memref_slice %arg5[%arg0, %mul3A_7, %dma_start3A_74] : memref<2x10000x128xf32, #tpu.memory_space<hbm>> -> memref<1x624x128xf32, #tpu.memory_space<hbm>>
      %dma_start3A_76 = tpu.memref_squeeze %dma_start3A_75 : memref<1x624x128xf32, #tpu.memory_space<hbm>> -> memref<624x128xf32, #tpu.memory_space<hbm>>
      %dma_start3A_77 = arith.constant 0 : i32
      %dma_start3A_78 = tpu.memref_slice %arg21[%mul3A_7, %dma_start3A_77] : memref<10000x128xf32, #tpu.memory_space<vmem_shared>> -> memref<624x128xf32, #tpu.memory_space<vmem_shared>>
      tpu.enqueue_dma source(%dma_start3A_78 : memref<624x128xf32, #tpu.memory_space<vmem_shared>>) target(%dma_start3A_76 : memref<624x128xf32, #tpu.memory_space<hbm>>) target_semaphore(%run_scoped3A : memref<!tpu.dma_semaphore, #tpu.memory_space<semaphore_mem>>)
      %dma_wait3A_79 = arith.constant 0 : i32
      %dma_wait3A_80 = tpu.memref_slice %arg5[%arg0, %mul3A_7, %dma_wait3A_79] : memref<2x10000x128xf32, #tpu.memory_space<hbm>> -> memref<1x624x128xf32, #tpu.memory_space<hbm>>
      %dma_wait3A_81 = tpu.memref_squeeze %dma_wait3A_80 : memref<1x624x128xf32, #tpu.memory_space<hbm>> -> memref<624x128xf32, #tpu.memory_space<hbm>>
      %dma_wait3A_82 = arith.constant 0 : i32
      %dma_wait3A_83 = tpu.memref_slice %arg21[%mul3A_7, %dma_wait3A_82] : memref<10000x128xf32, #tpu.memory_space<vmem_shared>> -> memref<624x128xf32, #tpu.memory_space<vmem_shared>>
      tpu.wait_dma2 semaphore(%run_scoped3A : memref<!tpu.dma_semaphore, #tpu.memory_space<semaphore_mem>>) src(%dma_wait3A_83 : memref<624x128xf32, #tpu.memory_space<vmem_shared>>) dst(%dma_wait3A_81 : memref<624x128xf32, #tpu.memory_space<hbm>>)
      tpu.yield
    }) : () -> ()
    %eq3A_69 = arith.constant 15 : i32
    %eq3A_70 = arith.cmpi eq, %arg1, %eq3A_69 : i32
    %convert_element_type3A_71 = arith.extui %eq3A_70 : i1 to i32
    %cond3A_72 = arith.constant 0 : i32
    %cond3A_73 = arith.cmpi ne, %convert_element_type3A_71, %cond3A_72 : i32
    scf.if %cond3A_73 {
      "tpu.region"() ({
        %run_scoped3A = tpu.sem_alloc : memref<!tpu.dma_semaphore, #tpu.memory_space<semaphore_mem>>
        %dma_start3A_74 = arith.constant 9984 : i32
        %dma_start3A_75 = arith.constant 0 : i32
        %dma_start3A_76 = tpu.memref_slice %arg5[%arg0, %dma_start3A_74, %dma_start3A_75] : memref<2x10000x128xf32, #tpu.memory_space<hbm>> -> memref<1x16x128xf32, #tpu.memory_space<hbm>>
        %dma_start3A_77 = tpu.memref_squeeze %dma_start3A_76 : memref<1x16x128xf32, #tpu.memory_space<hbm>> -> memref<16x128xf32, #tpu.memory_space<hbm>>
        %dma_start3A_78 = arith.constant 9984 : i32
        %dma_start3A_79 = arith.constant 0 : i32
        %dma_start3A_80 = tpu.memref_slice %arg21[%dma_start3A_78, %dma_start3A_79] : memref<10000x128xf32, #tpu.memory_space<vmem_shared>> -> memref<16x128xf32, #tpu.memory_space<vmem_shared>>
        tpu.enqueue_dma source(%dma_start3A_80 : memref<16x128xf32, #tpu.memory_space<vmem_shared>>) target(%dma_start3A_77 : memref<16x128xf32, #tpu.memory_space<hbm>>) target_semaphore(%run_scoped3A : memref<!tpu.dma_semaphore, #tpu.memory_space<semaphore_mem>>)
        %dma_wait3A_81 = arith.constant 9984 : i32
        %dma_wait3A_82 = arith.constant 0 : i32
        %dma_wait3A_83 = tpu.memref_slice %arg5[%arg0, %dma_wait3A_81, %dma_wait3A_82] : memref<2x10000x128xf32, #tpu.memory_space<hbm>> -> memref<1x16x128xf32, #tpu.memory_space<hbm>>
        %dma_wait3A_84 = tpu.memref_squeeze %dma_wait3A_83 : memref<1x16x128xf32, #tpu.memory_space<hbm>> -> memref<16x128xf32, #tpu.memory_space<hbm>>
        %dma_wait3A_85 = arith.constant 9984 : i32
        %dma_wait3A_86 = arith.constant 0 : i32
        %dma_wait3A_87 = tpu.memref_slice %arg21[%dma_wait3A_85, %dma_wait3A_86] : memref<10000x128xf32, #tpu.memory_space<vmem_shared>> -> memref<16x128xf32, #tpu.memory_space<vmem_shared>>
        tpu.wait_dma2 semaphore(%run_scoped3A : memref<!tpu.dma_semaphore, #tpu.memory_space<semaphore_mem>>) src(%dma_wait3A_87 : memref<16x128xf32, #tpu.memory_space<vmem_shared>>) dst(%dma_wait3A_84 : memref<16x128xf32, #tpu.memory_space<hbm>>)
        tpu.yield
      }) : () -> ()
    } else {
    }
    return
  }
}

#map = affine_map<(d0, d1) -> (0, 0)>
#map1 = affine_map<(d0, d1) -> (0)>
#map2 = affine_map<(d0, d1) -> (0, 0, 0)>
module attributes {stable_mosaic.version = 14 : i64} {
  func.func @_sc_scatter_body(%arg0: i32, %arg1: i32, %arg2: memref<10000x128xf32, #tpu.memory_space<hbm>>, %arg3: memref<320000xi32, #tpu.memory_space<hbm>>, %arg4: memref<320000xi32, #tpu.memory_space<hbm>>, %arg5: memref<2x10000x128xf32, #tpu.memory_space<hbm>>, %arg6: memref<128xi32, #tpu.memory_space<vmem>>, %arg7: memref<128xi32, #tpu.memory_space<vmem>>, %arg8: memref<128xi32, #tpu.memory_space<vmem>>, %arg9: memref<128xi32, #tpu.memory_space<vmem>>, %arg10: memref<128xi32, #tpu.memory_space<vmem>>, %arg11: memref<128xi32, #tpu.memory_space<vmem>>, %arg12: memref<128xi32, #tpu.memory_space<vmem>>, %arg13: memref<128xi32, #tpu.memory_space<vmem>>, %arg14: memref<128xi32, #tpu.memory_space<vmem>>, %arg15: memref<128xi32, #tpu.memory_space<vmem>>, %arg16: memref<128xi32, #tpu.memory_space<vmem>>, %arg17: memref<128xi32, #tpu.memory_space<vmem>>, %arg18: memref<128x128xf32, #tpu.memory_space<vmem>>, %arg19: memref<128x128xf32, #tpu.memory_space<vmem>>, %arg20: memref<128x128xf32, #tpu.memory_space<vmem>>, %arg21: memref<10000x128xf32, #tpu.memory_space<vmem_shared>>, %arg22: memref<!tpu.dma_semaphore, #tpu.memory_space<semaphore_mem>>, %arg23: memref<!tpu.dma_semaphore, #tpu.memory_space<semaphore_mem>>, %arg24: memref<!tpu.dma_semaphore, #tpu.memory_space<semaphore_mem>>, %arg25: memref<!tpu.dma_semaphore, #tpu.memory_space<semaphore_mem>>, %arg26: memref<!tpu.dma_semaphore, #tpu.memory_space<semaphore_mem>>, %arg27: memref<!tpu.dma_semaphore, #tpu.memory_space<semaphore_mem>>, %arg28: memref<!tpu.dma_semaphore, #tpu.memory_space<semaphore_mem>>) attributes {dimension_semantics = [#tpu.dimension_semantics<core_parallel>, #tpu.dimension_semantics<subcore_parallel>], iteration_bounds = array<i64: 2, 16>, scalar_prefetch = 0 : i64, scratch_operands = 23 : i64, tpu.core_type = #tpu.core_type<sc_vector_subcore>, window_params = [{transform_indices = #map}, {transform_indices = #map1}, {transform_indices = #map1}, {transform_indices = #map2}]} {
    %mul3A = arith.constant 2 : i32
    %mul3A_0 = arith.muli %arg1, %mul3A : i32
    %add3A = arith.addi %mul3A_0, %arg0 : i32
    %scan3A = arith.constant 0 : i32
    %scan3A_1 = arith.constant 0 : i32
    %scan3A_2 = arith.constant 128 : i32
    %scan3A_3 = arith.addi %scan3A_1, %scan3A_2 : i32
    %scan3A_4 = arith.constant 1 : i32
    scf.for %scan3A_74 = %scan3A_1 to %scan3A_3 step %scan3A_4  : i32 {
      %broadcast_in_dim3A = arith.constant 0.000000e+00 : f32
      %broadcast_in_dim3A_75 = vector.broadcast %broadcast_in_dim3A : f32 to vector<16xf32>
      %swap3A = arith.index_cast %scan3A_74 : i32 to index
      %swap3A_76 = arith.constant 0 : index
      %swap3A_77 = tpu.vector_load %arg18[%swap3A, %swap3A_76] {strides = array<i32>} : memref<128x128xf32, #tpu.memory_space<vmem>>, vector<1x16xf32>,
      %swap3A_78 = vector.shape_cast %swap3A_77 : vector<1x16xf32> to vector<16xf32>
      %swap3A_79 = vector.shape_cast %broadcast_in_dim3A_75 : vector<16xf32> to vector<1x16xf32>
      tpu.vector_store %arg18[%swap3A, %swap3A_76], %swap3A_79 {strides = array<i32>} : memref<128x128xf32, #tpu.memory_space<vmem>>, vector<1x16xf32>,
      %broadcast_in_dim3A_80 = arith.constant 0.000000e+00 : f32
      %broadcast_in_dim3A_81 = vector.broadcast %broadcast_in_dim3A_80 : f32 to vector<16xf32>
      %swap3A_82 = arith.index_cast %scan3A_74 : i32 to index
      %swap3A_83 = arith.constant 16 : index
      %swap3A_84 = tpu.vector_load %arg18[%swap3A_82, %swap3A_83] {strides = array<i32>} : memref<128x128xf32, #tpu.memory_space<vmem>>, vector<1x16xf32>,
      %swap3A_85 = vector.shape_cast %swap3A_84 : vector<1x16xf32> to vector<16xf32>
      %swap3A_86 = vector.shape_cast %broadcast_in_dim3A_81 : vector<16xf32> to vector<1x16xf32>
      tpu.vector_store %arg18[%swap3A_82, %swap3A_83], %swap3A_86 {strides = array<i32>} : memref<128x128xf32, #tpu.memory_space<vmem>>, vector<1x16xf32>,
      %broadcast_in_dim3A_87 = arith.constant 0.000000e+00 : f32
      %broadcast_in_dim3A_88 = vector.broadcast %broadcast_in_dim3A_87 : f32 to vector<16xf32>
      %swap3A_89 = arith.index_cast %scan3A_74 : i32 to index
      %swap3A_90 = arith.constant 32 : index
      %swap3A_91 = tpu.vector_load %arg18[%swap3A_89, %swap3A_90] {strides = array<i32>} : memref<128x128xf32, #tpu.memory_space<vmem>>, vector<1x16xf32>,
      %swap3A_92 = vector.shape_cast %swap3A_91 : vector<1x16xf32> to vector<16xf32>
      %swap3A_93 = vector.shape_cast %broadcast_in_dim3A_88 : vector<16xf32> to vector<1x16xf32>
      tpu.vector_store %arg18[%swap3A_89, %swap3A_90], %swap3A_93 {strides = array<i32>} : memref<128x128xf32, #tpu.memory_space<vmem>>, vector<1x16xf32>,
      %broadcast_in_dim3A_94 = arith.constant 0.000000e+00 : f32
      %broadcast_in_dim3A_95 = vector.broadcast %broadcast_in_dim3A_94 : f32 to vector<16xf32>
      %swap3A_96 = arith.index_cast %scan3A_74 : i32 to index
      %swap3A_97 = arith.constant 48 : index
      %swap3A_98 = tpu.vector_load %arg18[%swap3A_96, %swap3A_97] {strides = array<i32>} : memref<128x128xf32, #tpu.memory_space<vmem>>, vector<1x16xf32>,
      %swap3A_99 = vector.shape_cast %swap3A_98 : vector<1x16xf32> to vector<16xf32>
      %swap3A_100 = vector.shape_cast %broadcast_in_dim3A_95 : vector<16xf32> to vector<1x16xf32>
      tpu.vector_store %arg18[%swap3A_96, %swap3A_97], %swap3A_100 {strides = array<i32>} : memref<128x128xf32, #tpu.memory_space<vmem>>, vector<1x16xf32>,
      %broadcast_in_dim3A_101 = arith.constant 0.000000e+00 : f32
      %broadcast_in_dim3A_102 = vector.broadcast %broadcast_in_dim3A_101 : f32 to vector<16xf32>
      %swap3A_103 = arith.index_cast %scan3A_74 : i32 to index
      %swap3A_104 = arith.constant 64 : index
      %swap3A_105 = tpu.vector_load %arg18[%swap3A_103, %swap3A_104] {strides = array<i32>} : memref<128x128xf32, #tpu.memory_space<vmem>>, vector<1x16xf32>,
      %swap3A_106 = vector.shape_cast %swap3A_105 : vector<1x16xf32> to vector<16xf32>
      %swap3A_107 = vector.shape_cast %broadcast_in_dim3A_102 : vector<16xf32> to vector<1x16xf32>
      tpu.vector_store %arg18[%swap3A_103, %swap3A_104], %swap3A_107 {strides = array<i32>} : memref<128x128xf32, #tpu.memory_space<vmem>>, vector<1x16xf32>,
      %broadcast_in_dim3A_108 = arith.constant 0.000000e+00 : f32
      %broadcast_in_dim3A_109 = vector.broadcast %broadcast_in_dim3A_108 : f32 to vector<16xf32>
      %swap3A_110 = arith.index_cast %scan3A_74 : i32 to index
      %swap3A_111 = arith.constant 80 : index
      %swap3A_112 = tpu.vector_load %arg18[%swap3A_110, %swap3A_111] {strides = array<i32>} : memref<128x128xf32, #tpu.memory_space<vmem>>, vector<1x16xf32>,
      %swap3A_113 = vector.shape_cast %swap3A_112 : vector<1x16xf32> to vector<16xf32>
      %swap3A_114 = vector.shape_cast %broadcast_in_dim3A_109 : vector<16xf32> to vector<1x16xf32>
      tpu.vector_store %arg18[%swap3A_110, %swap3A_111], %swap3A_114 {strides = array<i32>} : memref<128x128xf32, #tpu.memory_space<vmem>>, vector<1x16xf32>,
      %broadcast_in_dim3A_115 = arith.constant 0.000000e+00 : f32
      %broadcast_in_dim3A_116 = vector.broadcast %broadcast_in_dim3A_115 : f32 to vector<16xf32>
      %swap3A_117 = arith.index_cast %scan3A_74 : i32 to index
      %swap3A_118 = arith.constant 96 : index
      %swap3A_119 = tpu.vector_load %arg18[%swap3A_117, %swap3A_118] {strides = array<i32>} : memref<128x128xf32, #tpu.memory_space<vmem>>, vector<1x16xf32>,
      %swap3A_120 = vector.shape_cast %swap3A_119 : vector<1x16xf32> to vector<16xf32>
      %swap3A_121 = vector.shape_cast %broadcast_in_dim3A_116 : vector<16xf32> to vector<1x16xf32>
      tpu.vector_store %arg18[%swap3A_117, %swap3A_118], %swap3A_121 {strides = array<i32>} : memref<128x128xf32, #tpu.memory_space<vmem>>, vector<1x16xf32>,
      %broadcast_in_dim3A_122 = arith.constant 0.000000e+00 : f32
      %broadcast_in_dim3A_123 = vector.broadcast %broadcast_in_dim3A_122 : f32 to vector<16xf32>
      %swap3A_124 = arith.index_cast %scan3A_74 : i32 to index
      %swap3A_125 = arith.constant 112 : index
      %swap3A_126 = tpu.vector_load %arg18[%swap3A_124, %swap3A_125] {strides = array<i32>} : memref<128x128xf32, #tpu.memory_space<vmem>>, vector<1x16xf32>,
      %swap3A_127 = vector.shape_cast %swap3A_126 : vector<1x16xf32> to vector<16xf32>
      %swap3A_128 = vector.shape_cast %broadcast_in_dim3A_123 : vector<16xf32> to vector<1x16xf32>
      tpu.vector_store %arg18[%swap3A_124, %swap3A_125], %swap3A_128 {strides = array<i32>} : memref<128x128xf32, #tpu.memory_space<vmem>>, vector<1x16xf32>,
    }
    %scan3A_5 = arith.constant 128 : i32
    %mul3A_6 = arith.constant 624 : i32
    %mul3A_7 = arith.muli %arg1, %mul3A_6 : i32
    %add3A_8 = arith.constant 0 : i32
    %add3A_9 = arith.addi %mul3A_7, %add3A_8 : i32
    "tpu.region"() ({
      %run_scoped3A = tpu.sem_alloc : memref<!tpu.dma_semaphore, #tpu.memory_space<semaphore_mem>>
      %dma_start3A_74 = arith.constant 0 : i32
      %dma_start3A_75 = arith.constant 0 : i32
      %dma_start3A_76 = tpu.memref_slice %arg18[%dma_start3A_74, %dma_start3A_75] : memref<128x128xf32, #tpu.memory_space<vmem>> -> memref<128x128xf32, #tpu.memory_space<vmem>>
      %dma_start3A_77 = arith.constant 0 : i32
      %dma_start3A_78 = tpu.memref_slice %arg21[%add3A_9, %dma_start3A_77] : memref<10000x128xf32, #tpu.memory_space<vmem_shared>> -> memref<128x128xf32, #tpu.memory_space<vmem_shared>>
      %dma_start3A_79 = arith.constant 0 : i32
      %dma_start3A_80 = tpu.memref_slice %arg21[%add3A_9, %dma_start3A_79] : memref<10000x128xf32, #tpu.memory_space<vmem_shared>> -> memref<128x128xf32, #tpu.memory_space<vmem_shared>>
      %dma_start3A_81 = arith.constant 0 : i32
      %dma_start3A_82 = arith.constant 0 : i32
      %dma_start3A_83 = tpu.memref_slice %arg18[%dma_start3A_81, %dma_start3A_82] : memref<128x128xf32, #tpu.memory_space<vmem>> -> memref<128x128xf32, #tpu.memory_space<vmem>>
      tpu.enqueue_dma source(%dma_start3A_83 : memref<128x128xf32, #tpu.memory_space<vmem>>) target(%dma_start3A_80 : memref<128x128xf32, #tpu.memory_space<vmem_shared>>) target_semaphore(%run_scoped3A : memref<!tpu.dma_semaphore, #tpu.memory_space<semaphore_mem>>)
      %dma_wait3A_84 = arith.constant 0 : i32
      %dma_wait3A_85 = arith.constant 0 : i32
      %dma_wait3A_86 = tpu.memref_slice %arg18[%dma_wait3A_84, %dma_wait3A_85] : memref<128x128xf32, #tpu.memory_space<vmem>> -> memref<128x128xf32, #tpu.memory_space<vmem>>
      %dma_wait3A_87 = arith.constant 0 : i32
      %dma_wait3A_88 = tpu.memref_slice %arg21[%add3A_9, %dma_wait3A_87] : memref<10000x128xf32, #tpu.memory_space<vmem_shared>> -> memref<128x128xf32, #tpu.memory_space<vmem_shared>>
      %dma_wait3A_89 = arith.constant 0 : i32
      %dma_wait3A_90 = tpu.memref_slice %arg21[%add3A_9, %dma_wait3A_89] : memref<10000x128xf32, #tpu.memory_space<vmem_shared>> -> memref<128x128xf32, #tpu.memory_space<vmem_shared>>
      %dma_wait3A_91 = arith.constant 0 : i32
      %dma_wait3A_92 = arith.constant 0 : i32
      %dma_wait3A_93 = tpu.memref_slice %arg18[%dma_wait3A_91, %dma_wait3A_92] : memref<128x128xf32, #tpu.memory_space<vmem>> -> memref<128x128xf32, #tpu.memory_space<vmem>>
      tpu.wait_dma2 semaphore(%run_scoped3A : memref<!tpu.dma_semaphore, #tpu.memory_space<semaphore_mem>>) src(%dma_wait3A_93 : memref<128x128xf32, #tpu.memory_space<vmem>>) dst(%dma_wait3A_90 : memref<128x128xf32, #tpu.memory_space<vmem_shared>>)
      tpu.yield
    }) : () -> ()
    %add3A_10 = arith.constant 128 : i32
    %add3A_11 = arith.addi %mul3A_7, %add3A_10 : i32
    "tpu.region"() ({
      %run_scoped3A = tpu.sem_alloc : memref<!tpu.dma_semaphore, #tpu.memory_space<semaphore_mem>>
      %dma_start3A_74 = arith.constant 0 : i32
      %dma_start3A_75 = arith.constant 0 : i32
      %dma_start3A_76 = tpu.memref_slice %arg18[%dma_start3A_74, %dma_start3A_75] : memref<128x128xf32, #tpu.memory_space<vmem>> -> memref<128x128xf32, #tpu.memory_space<vmem>>
      %dma_start3A_77 = arith.constant 0 : i32
      %dma_start3A_78 = tpu.memref_slice %arg21[%add3A_11, %dma_start3A_77] : memref<10000x128xf32, #tpu.memory_space<vmem_shared>> -> memref<128x128xf32, #tpu.memory_space<vmem_shared>>
      %dma_start3A_79 = arith.constant 0 : i32
      %dma_start3A_80 = tpu.memref_slice %arg21[%add3A_11, %dma_start3A_79] : memref<10000x128xf32, #tpu.memory_space<vmem_shared>> -> memref<128x128xf32, #tpu.memory_space<vmem_shared>>
      %dma_start3A_81 = arith.constant 0 : i32
      %dma_start3A_82 = arith.constant 0 : i32
      %dma_start3A_83 = tpu.memref_slice %arg18[%dma_start3A_81, %dma_start3A_82] : memref<128x128xf32, #tpu.memory_space<vmem>> -> memref<128x128xf32, #tpu.memory_space<vmem>>
      tpu.enqueue_dma source(%dma_start3A_83 : memref<128x128xf32, #tpu.memory_space<vmem>>) target(%dma_start3A_80 : memref<128x128xf32, #tpu.memory_space<vmem_shared>>) target_semaphore(%run_scoped3A : memref<!tpu.dma_semaphore, #tpu.memory_space<semaphore_mem>>)
      %dma_wait3A_84 = arith.constant 0 : i32
      %dma_wait3A_85 = arith.constant 0 : i32
      %dma_wait3A_86 = tpu.memref_slice %arg18[%dma_wait3A_84, %dma_wait3A_85] : memref<128x128xf32, #tpu.memory_space<vmem>> -> memref<128x128xf32, #tpu.memory_space<vmem>>
      %dma_wait3A_87 = arith.constant 0 : i32
      %dma_wait3A_88 = tpu.memref_slice %arg21[%add3A_11, %dma_wait3A_87] : memref<10000x128xf32, #tpu.memory_space<vmem_shared>> -> memref<128x128xf32, #tpu.memory_space<vmem_shared>>
      %dma_wait3A_89 = arith.constant 0 : i32
      %dma_wait3A_90 = tpu.memref_slice %arg21[%add3A_11, %dma_wait3A_89] : memref<10000x128xf32, #tpu.memory_space<vmem_shared>> -> memref<128x128xf32, #tpu.memory_space<vmem_shared>>
      %dma_wait3A_91 = arith.constant 0 : i32
      %dma_wait3A_92 = arith.constant 0 : i32
      %dma_wait3A_93 = tpu.memref_slice %arg18[%dma_wait3A_91, %dma_wait3A_92] : memref<128x128xf32, #tpu.memory_space<vmem>> -> memref<128x128xf32, #tpu.memory_space<vmem>>
      tpu.wait_dma2 semaphore(%run_scoped3A : memref<!tpu.dma_semaphore, #tpu.memory_space<semaphore_mem>>) src(%dma_wait3A_93 : memref<128x128xf32, #tpu.memory_space<vmem>>) dst(%dma_wait3A_90 : memref<128x128xf32, #tpu.memory_space<vmem_shared>>)
      tpu.yield
    }) : () -> ()
    %add3A_12 = arith.constant 256 : i32
    %add3A_13 = arith.addi %mul3A_7, %add3A_12 : i32
    "tpu.region"() ({
      %run_scoped3A = tpu.sem_alloc : memref<!tpu.dma_semaphore, #tpu.memory_space<semaphore_mem>>
      %dma_start3A_74 = arith.constant 0 : i32
      %dma_start3A_75 = arith.constant 0 : i32
      %dma_start3A_76 = tpu.memref_slice %arg18[%dma_start3A_74, %dma_start3A_75] : memref<128x128xf32, #tpu.memory_space<vmem>> -> memref<128x128xf32, #tpu.memory_space<vmem>>
      %dma_start3A_77 = arith.constant 0 : i32
      %dma_start3A_78 = tpu.memref_slice %arg21[%add3A_13, %dma_start3A_77] : memref<10000x128xf32, #tpu.memory_space<vmem_shared>> -> memref<128x128xf32, #tpu.memory_space<vmem_shared>>
      %dma_start3A_79 = arith.constant 0 : i32
      %dma_start3A_80 = tpu.memref_slice %arg21[%add3A_13, %dma_start3A_79] : memref<10000x128xf32, #tpu.memory_space<vmem_shared>> -> memref<128x128xf32, #tpu.memory_space<vmem_shared>>
      %dma_start3A_81 = arith.constant 0 : i32
      %dma_start3A_82 = arith.constant 0 : i32
      %dma_start3A_83 = tpu.memref_slice %arg18[%dma_start3A_81, %dma_start3A_82] : memref<128x128xf32, #tpu.memory_space<vmem>> -> memref<128x128xf32, #tpu.memory_space<vmem>>
      tpu.enqueue_dma source(%dma_start3A_83 : memref<128x128xf32, #tpu.memory_space<vmem>>) target(%dma_start3A_80 : memref<128x128xf32, #tpu.memory_space<vmem_shared>>) target_semaphore(%run_scoped3A : memref<!tpu.dma_semaphore, #tpu.memory_space<semaphore_mem>>)
      %dma_wait3A_84 = arith.constant 0 : i32
      %dma_wait3A_85 = arith.constant 0 : i32
      %dma_wait3A_86 = tpu.memref_slice %arg18[%dma_wait3A_84, %dma_wait3A_85] : memref<128x128xf32, #tpu.memory_space<vmem>> -> memref<128x128xf32, #tpu.memory_space<vmem>>
      %dma_wait3A_87 = arith.constant 0 : i32
      %dma_wait3A_88 = tpu.memref_slice %arg21[%add3A_13, %dma_wait3A_87] : memref<10000x128xf32, #tpu.memory_space<vmem_shared>> -> memref<128x128xf32, #tpu.memory_space<vmem_shared>>
      %dma_wait3A_89 = arith.constant 0 : i32
      %dma_wait3A_90 = tpu.memref_slice %arg21[%add3A_13, %dma_wait3A_89] : memref<10000x128xf32, #tpu.memory_space<vmem_shared>> -> memref<128x128xf32, #tpu.memory_space<vmem_shared>>
      %dma_wait3A_91 = arith.constant 0 : i32
      %dma_wait3A_92 = arith.constant 0 : i32
      %dma_wait3A_93 = tpu.memref_slice %arg18[%dma_wait3A_91, %dma_wait3A_92] : memref<128x128xf32, #tpu.memory_space<vmem>> -> memref<128x128xf32, #tpu.memory_space<vmem>>
      tpu.wait_dma2 semaphore(%run_scoped3A : memref<!tpu.dma_semaphore, #tpu.memory_space<semaphore_mem>>) src(%dma_wait3A_93 : memref<128x128xf32, #tpu.memory_space<vmem>>) dst(%dma_wait3A_90 : memref<128x128xf32, #tpu.memory_space<vmem_shared>>)
      tpu.yield
    }) : () -> ()
    %add3A_14 = arith.constant 384 : i32
    %add3A_15 = arith.addi %mul3A_7, %add3A_14 : i32
    "tpu.region"() ({
      %run_scoped3A = tpu.sem_alloc : memref<!tpu.dma_semaphore, #tpu.memory_space<semaphore_mem>>
      %dma_start3A_74 = arith.constant 0 : i32
      %dma_start3A_75 = arith.constant 0 : i32
      %dma_start3A_76 = tpu.memref_slice %arg18[%dma_start3A_74, %dma_start3A_75] : memref<128x128xf32, #tpu.memory_space<vmem>> -> memref<128x128xf32, #tpu.memory_space<vmem>>
      %dma_start3A_77 = arith.constant 0 : i32
      %dma_start3A_78 = tpu.memref_slice %arg21[%add3A_15, %dma_start3A_77] : memref<10000x128xf32, #tpu.memory_space<vmem_shared>> -> memref<128x128xf32, #tpu.memory_space<vmem_shared>>
      %dma_start3A_79 = arith.constant 0 : i32
      %dma_start3A_80 = tpu.memref_slice %arg21[%add3A_15, %dma_start3A_79] : memref<10000x128xf32, #tpu.memory_space<vmem_shared>> -> memref<128x128xf32, #tpu.memory_space<vmem_shared>>
      %dma_start3A_81 = arith.constant 0 : i32
      %dma_start3A_82 = arith.constant 0 : i32
      %dma_start3A_83 = tpu.memref_slice %arg18[%dma_start3A_81, %dma_start3A_82] : memref<128x128xf32, #tpu.memory_space<vmem>> -> memref<128x128xf32, #tpu.memory_space<vmem>>
      tpu.enqueue_dma source(%dma_start3A_83 : memref<128x128xf32, #tpu.memory_space<vmem>>) target(%dma_start3A_80 : memref<128x128xf32, #tpu.memory_space<vmem_shared>>) target_semaphore(%run_scoped3A : memref<!tpu.dma_semaphore, #tpu.memory_space<semaphore_mem>>)
      %dma_wait3A_84 = arith.constant 0 : i32
      %dma_wait3A_85 = arith.constant 0 : i32
      %dma_wait3A_86 = tpu.memref_slice %arg18[%dma_wait3A_84, %dma_wait3A_85] : memref<128x128xf32, #tpu.memory_space<vmem>> -> memref<128x128xf32, #tpu.memory_space<vmem>>
      %dma_wait3A_87 = arith.constant 0 : i32
      %dma_wait3A_88 = tpu.memref_slice %arg21[%add3A_15, %dma_wait3A_87] : memref<10000x128xf32, #tpu.memory_space<vmem_shared>> -> memref<128x128xf32, #tpu.memory_space<vmem_shared>>
      %dma_wait3A_89 = arith.constant 0 : i32
      %dma_wait3A_90 = tpu.memref_slice %arg21[%add3A_15, %dma_wait3A_89] : memref<10000x128xf32, #tpu.memory_space<vmem_shared>> -> memref<128x128xf32, #tpu.memory_space<vmem_shared>>
      %dma_wait3A_91 = arith.constant 0 : i32
      %dma_wait3A_92 = arith.constant 0 : i32
      %dma_wait3A_93 = tpu.memref_slice %arg18[%dma_wait3A_91, %dma_wait3A_92] : memref<128x128xf32, #tpu.memory_space<vmem>> -> memref<128x128xf32, #tpu.memory_space<vmem>>
      tpu.wait_dma2 semaphore(%run_scoped3A : memref<!tpu.dma_semaphore, #tpu.memory_space<semaphore_mem>>) src(%dma_wait3A_93 : memref<128x128xf32, #tpu.memory_space<vmem>>) dst(%dma_wait3A_90 : memref<128x128xf32, #tpu.memory_space<vmem_shared>>)
      tpu.yield
    }) : () -> ()
    %add3A_16 = arith.constant 512 : i32
    %add3A_17 = arith.addi %mul3A_7, %add3A_16 : i32
    "tpu.region"() ({
      %run_scoped3A = tpu.sem_alloc : memref<!tpu.dma_semaphore, #tpu.memory_space<semaphore_mem>>
      %dma_start3A_74 = arith.constant 0 : i32
      %dma_start3A_75 = arith.constant 0 : i32
      %dma_start3A_76 = tpu.memref_slice %arg18[%dma_start3A_74, %dma_start3A_75] : memref<128x128xf32, #tpu.memory_space<vmem>> -> memref<112x128xf32, #tpu.memory_space<vmem>>
      %dma_start3A_77 = arith.constant 0 : i32
      %dma_start3A_78 = tpu.memref_slice %arg21[%add3A_17, %dma_start3A_77] : memref<10000x128xf32, #tpu.memory_space<vmem_shared>> -> memref<112x128xf32, #tpu.memory_space<vmem_shared>>
      %dma_start3A_79 = arith.constant 0 : i32
      %dma_start3A_80 = tpu.memref_slice %arg21[%add3A_17, %dma_start3A_79] : memref<10000x128xf32, #tpu.memory_space<vmem_shared>> -> memref<112x128xf32, #tpu.memory_space<vmem_shared>>
      %dma_start3A_81 = arith.constant 0 : i32
      %dma_start3A_82 = arith.constant 0 : i32
      %dma_start3A_83 = tpu.memref_slice %arg18[%dma_start3A_81, %dma_start3A_82] : memref<128x128xf32, #tpu.memory_space<vmem>> -> memref<112x128xf32, #tpu.memory_space<vmem>>
      tpu.enqueue_dma source(%dma_start3A_83 : memref<112x128xf32, #tpu.memory_space<vmem>>) target(%dma_start3A_80 : memref<112x128xf32, #tpu.memory_space<vmem_shared>>) target_semaphore(%run_scoped3A : memref<!tpu.dma_semaphore, #tpu.memory_space<semaphore_mem>>)
      %dma_wait3A_84 = arith.constant 0 : i32
      %dma_wait3A_85 = arith.constant 0 : i32
      %dma_wait3A_86 = tpu.memref_slice %arg18[%dma_wait3A_84, %dma_wait3A_85] : memref<128x128xf32, #tpu.memory_space<vmem>> -> memref<112x128xf32, #tpu.memory_space<vmem>>
      %dma_wait3A_87 = arith.constant 0 : i32
      %dma_wait3A_88 = tpu.memref_slice %arg21[%add3A_17, %dma_wait3A_87] : memref<10000x128xf32, #tpu.memory_space<vmem_shared>> -> memref<112x128xf32, #tpu.memory_space<vmem_shared>>
      %dma_wait3A_89 = arith.constant 0 : i32
      %dma_wait3A_90 = tpu.memref_slice %arg21[%add3A_17, %dma_wait3A_89] : memref<10000x128xf32, #tpu.memory_space<vmem_shared>> -> memref<112x128xf32, #tpu.memory_space<vmem_shared>>
      %dma_wait3A_91 = arith.constant 0 : i32
      %dma_wait3A_92 = arith.constant 0 : i32
      %dma_wait3A_93 = tpu.memref_slice %arg18[%dma_wait3A_91, %dma_wait3A_92] : memref<128x128xf32, #tpu.memory_space<vmem>> -> memref<112x128xf32, #tpu.memory_space<vmem>>
      tpu.wait_dma2 semaphore(%run_scoped3A : memref<!tpu.dma_semaphore, #tpu.memory_space<semaphore_mem>>) src(%dma_wait3A_93 : memref<112x128xf32, #tpu.memory_space<vmem>>) dst(%dma_wait3A_90 : memref<112x128xf32, #tpu.memory_space<vmem_shared>>)
      tpu.yield
    }) : () -> ()
    %eq3A = arith.constant 15 : i32
    %eq3A_18 = arith.cmpi eq, %arg1, %eq3A : i32
    %convert_element_type3A = arith.extui %eq3A_18 : i1 to i32
    %cond3A = arith.constant 0 : i32
    %cond3A_19 = arith.cmpi ne, %convert_element_type3A, %cond3A : i32
    scf.if %cond3A_19 {
      "tpu.region"() ({
        %run_scoped3A = tpu.sem_alloc : memref<!tpu.dma_semaphore, #tpu.memory_space<semaphore_mem>>
        %dma_start3A_74 = arith.constant 0 : i32
        %dma_start3A_75 = arith.constant 0 : i32
        %dma_start3A_76 = tpu.memref_slice %arg18[%dma_start3A_74, %dma_start3A_75] : memref<128x128xf32, #tpu.memory_space<vmem>> -> memref<16x128xf32, #tpu.memory_space<vmem>>
        %dma_start3A_77 = arith.constant 9984 : i32
        %dma_start3A_78 = arith.constant 0 : i32
        %dma_start3A_79 = tpu.memref_slice %arg21[%dma_start3A_77, %dma_start3A_78] : memref<10000x128xf32, #tpu.memory_space<vmem_shared>> -> memref<16x128xf32, #tpu.memory_space<vmem_shared>>
        %dma_start3A_80 = arith.constant 9984 : i32
        %dma_start3A_81 = arith.constant 0 : i32
        %dma_start3A_82 = tpu.memref_slice %arg21[%dma_start3A_80, %dma_start3A_81] : memref<10000x128xf32, #tpu.memory_space<vmem_shared>> -> memref<16x128xf32, #tpu.memory_space<vmem_shared>>
        %dma_start3A_83 = arith.constant 0 : i32
        %dma_start3A_84 = arith.constant 0 : i32
        %dma_start3A_85 = tpu.memref_slice %arg18[%dma_start3A_83, %dma_start3A_84] : memref<128x128xf32, #tpu.memory_space<vmem>> -> memref<16x128xf32, #tpu.memory_space<vmem>>
        tpu.enqueue_dma source(%dma_start3A_85 : memref<16x128xf32, #tpu.memory_space<vmem>>) target(%dma_start3A_82 : memref<16x128xf32, #tpu.memory_space<vmem_shared>>) target_semaphore(%run_scoped3A : memref<!tpu.dma_semaphore, #tpu.memory_space<semaphore_mem>>)
        %dma_wait3A_86 = arith.constant 0 : i32
        %dma_wait3A_87 = arith.constant 0 : i32
        %dma_wait3A_88 = tpu.memref_slice %arg18[%dma_wait3A_86, %dma_wait3A_87] : memref<128x128xf32, #tpu.memory_space<vmem>> -> memref<16x128xf32, #tpu.memory_space<vmem>>
        %dma_wait3A_89 = arith.constant 9984 : i32
        %dma_wait3A_90 = arith.constant 0 : i32
        %dma_wait3A_91 = tpu.memref_slice %arg21[%dma_wait3A_89, %dma_wait3A_90] : memref<10000x128xf32, #tpu.memory_space<vmem_shared>> -> memref<16x128xf32, #tpu.memory_space<vmem_shared>>
        %dma_wait3A_92 = arith.constant 9984 : i32
        %dma_wait3A_93 = arith.constant 0 : i32
        %dma_wait3A_94 = tpu.memref_slice %arg21[%dma_wait3A_92, %dma_wait3A_93] : memref<10000x128xf32, #tpu.memory_space<vmem_shared>> -> memref<16x128xf32, #tpu.memory_space<vmem_shared>>
        %dma_wait3A_95 = arith.constant 0 : i32
        %dma_wait3A_96 = arith.constant 0 : i32
        %dma_wait3A_97 = tpu.memref_slice %arg18[%dma_wait3A_95, %dma_wait3A_96] : memref<128x128xf32, #tpu.memory_space<vmem>> -> memref<16x128xf32, #tpu.memory_space<vmem>>
        tpu.wait_dma2 semaphore(%run_scoped3A : memref<!tpu.dma_semaphore, #tpu.memory_space<semaphore_mem>>) src(%dma_wait3A_97 : memref<16x128xf32, #tpu.memory_space<vmem>>) dst(%dma_wait3A_94 : memref<16x128xf32, #tpu.memory_space<vmem_shared>>)
        tpu.yield
      }) : () -> ()
    } else {
    }
    %barrier3A = arith.constant 0 : index
    tpu.barrier barrier_id(%barrier3A)
    %mul3A_20 = arith.constant 10000 : i32
    %mul3A_21 = arith.muli %add3A, %mul3A_20 : i32
    %add3A_22 = arith.constant 0 : i32
    %add3A_23 = arith.addi %mul3A_21, %add3A_22 : i32
    %dma_start3A = tpu.memref_slice %arg3[%add3A_23] : memref<320000xi32, #tpu.memory_space<hbm>> -> memref<128xi32, #tpu.memory_space<hbm>>
    %dma_start3A_24 = tpu.memref_slice %arg3[%add3A_23] : memref<320000xi32, #tpu.memory_space<hbm>> -> memref<128xi32, #tpu.memory_space<hbm>>
    tpu.enqueue_dma source(%dma_start3A_24 : memref<128xi32, #tpu.memory_space<hbm>>) target(%arg6 : memref<128xi32, #tpu.memory_space<vmem>>) target_semaphore(%arg22 : memref<!tpu.dma_semaphore, #tpu.memory_space<semaphore_mem>>)
    %add3A_25 = arith.constant 0 : i32
    %add3A_26 = arith.addi %mul3A_21, %add3A_25 : i32
    %dma_start3A_27 = tpu.memref_slice %arg4[%add3A_26] : memref<320000xi32, #tpu.memory_space<hbm>> -> memref<128xi32, #tpu.memory_space<hbm>>
    %dma_start3A_28 = tpu.memref_slice %arg4[%add3A_26] : memref<320000xi32, #tpu.memory_space<hbm>> -> memref<128xi32, #tpu.memory_space<hbm>>
    tpu.enqueue_dma source(%dma_start3A_28 : memref<128xi32, #tpu.memory_space<hbm>>) target(%arg7 : memref<128xi32, #tpu.memory_space<vmem>>) target_semaphore(%arg22 : memref<!tpu.dma_semaphore, #tpu.memory_space<semaphore_mem>>)
    %add3A_29 = arith.constant 128 : i32
    %add3A_30 = arith.addi %mul3A_21, %add3A_29 : i32
    %dma_start3A_31 = tpu.memref_slice %arg3[%add3A_30] : memref<320000xi32, #tpu.memory_space<hbm>> -> memref<128xi32, #tpu.memory_space<hbm>>
    %dma_start3A_32 = tpu.memref_slice %arg3[%add3A_30] : memref<320000xi32, #tpu.memory_space<hbm>> -> memref<128xi32, #tpu.memory_space<hbm>>
    tpu.enqueue_dma source(%dma_start3A_32 : memref<128xi32, #tpu.memory_space<hbm>>) target(%arg8 : memref<128xi32, #tpu.memory_space<vmem>>) target_semaphore(%arg22 : memref<!tpu.dma_semaphore, #tpu.memory_space<semaphore_mem>>)
    %add3A_33 = arith.constant 128 : i32
    %add3A_34 = arith.addi %mul3A_21, %add3A_33 : i32
    %dma_start3A_35 = tpu.memref_slice %arg4[%add3A_34] : memref<320000xi32, #tpu.memory_space<hbm>> -> memref<128xi32, #tpu.memory_space<hbm>>
    %dma_start3A_36 = tpu.memref_slice %arg4[%add3A_34] : memref<320000xi32, #tpu.memory_space<hbm>> -> memref<128xi32, #tpu.memory_space<hbm>>
    tpu.enqueue_dma source(%dma_start3A_36 : memref<128xi32, #tpu.memory_space<hbm>>) target(%arg9 : memref<128xi32, #tpu.memory_space<vmem>>) target_semaphore(%arg22 : memref<!tpu.dma_semaphore, #tpu.memory_space<semaphore_mem>>)
    %add3A_37 = arith.constant 256 : i32
    %add3A_38 = arith.addi %mul3A_21, %add3A_37 : i32
    %dma_start3A_39 = tpu.memref_slice %arg3[%add3A_38] : memref<320000xi32, #tpu.memory_space<hbm>> -> memref<128xi32, #tpu.memory_space<hbm>>
    %dma_start3A_40 = tpu.memref_slice %arg3[%add3A_38] : memref<320000xi32, #tpu.memory_space<hbm>> -> memref<128xi32, #tpu.memory_space<hbm>>
    tpu.enqueue_dma source(%dma_start3A_40 : memref<128xi32, #tpu.memory_space<hbm>>) target(%arg10 : memref<128xi32, #tpu.memory_space<vmem>>) target_semaphore(%arg22 : memref<!tpu.dma_semaphore, #tpu.memory_space<semaphore_mem>>)
    %add3A_41 = arith.constant 256 : i32
    %add3A_42 = arith.addi %mul3A_21, %add3A_41 : i32
    %dma_start3A_43 = tpu.memref_slice %arg4[%add3A_42] : memref<320000xi32, #tpu.memory_space<hbm>> -> memref<128xi32, #tpu.memory_space<hbm>>
    %dma_start3A_44 = tpu.memref_slice %arg4[%add3A_42] : memref<320000xi32, #tpu.memory_space<hbm>> -> memref<128xi32, #tpu.memory_space<hbm>>
    tpu.enqueue_dma source(%dma_start3A_44 : memref<128xi32, #tpu.memory_space<hbm>>) target(%arg11 : memref<128xi32, #tpu.memory_space<vmem>>) target_semaphore(%arg22 : memref<!tpu.dma_semaphore, #tpu.memory_space<semaphore_mem>>)
    %scan3A_45 = arith.constant 0 : i32
    %scan3A_46 = arith.constant 0 : i32
    %scan3A_47 = arith.constant 13 : i32
    %scan3A_48 = arith.addi %scan3A_46, %scan3A_47 : i32
    %scan3A_49 = arith.constant 1 : i32
    scf.for %scan3A_74 = %scan3A_46 to %scan3A_48 step %scan3A_49  : i32 {
      %mul3A_75 = arith.constant 6 : i32
      %mul3A_76 = arith.muli %mul3A_75, %scan3A_74 : i32
      %mul3A_77 = arith.constant 128 : i32
      %mul3A_78 = arith.muli %mul3A_76, %mul3A_77 : i32
      %add3A_79 = arith.addi %mul3A_21, %mul3A_78 : i32
      %add3A_80 = arith.constant 384 : i32
      %add3A_81 = arith.addi %add3A_79, %add3A_80 : i32
      %dma_start3A_82 = tpu.memref_slice %arg3[%add3A_81] : memref<320000xi32, #tpu.memory_space<hbm>> -> memref<128xi32, #tpu.memory_space<hbm>>
      %dma_start3A_83 = tpu.memref_slice %arg3[%add3A_81] : memref<320000xi32, #tpu.memory_space<hbm>> -> memref<128xi32, #tpu.memory_space<hbm>>
      tpu.enqueue_dma source(%dma_start3A_83 : memref<128xi32, #tpu.memory_space<hbm>>) target(%arg12 : memref<128xi32, #tpu.memory_space<vmem>>) target_semaphore(%arg22 : memref<!tpu.dma_semaphore, #tpu.memory_space<semaphore_mem>>)
      %add3A_84 = arith.constant 384 : i32
      %add3A_85 = arith.addi %add3A_79, %add3A_84 : i32
      %dma_start3A_86 = tpu.memref_slice %arg4[%add3A_85] : memref<320000xi32, #tpu.memory_space<hbm>> -> memref<128xi32, #tpu.memory_space<hbm>>
      %dma_start3A_87 = tpu.memref_slice %arg4[%add3A_85] : memref<320000xi32, #tpu.memory_space<hbm>> -> memref<128xi32, #tpu.memory_space<hbm>>
      tpu.enqueue_dma source(%dma_start3A_87 : memref<128xi32, #tpu.memory_space<hbm>>) target(%arg13 : memref<128xi32, #tpu.memory_space<vmem>>) target_semaphore(%arg22 : memref<!tpu.dma_semaphore, #tpu.memory_space<semaphore_mem>>)
      %add3A_88 = arith.constant 512 : i32
      %add3A_89 = arith.addi %add3A_79, %add3A_88 : i32
      %dma_start3A_90 = tpu.memref_slice %arg3[%add3A_89] : memref<320000xi32, #tpu.memory_space<hbm>> -> memref<128xi32, #tpu.memory_space<hbm>>
      %dma_start3A_91 = tpu.memref_slice %arg3[%add3A_89] : memref<320000xi32, #tpu.memory_space<hbm>> -> memref<128xi32, #tpu.memory_space<hbm>>
      tpu.enqueue_dma source(%dma_start3A_91 : memref<128xi32, #tpu.memory_space<hbm>>) target(%arg14 : memref<128xi32, #tpu.memory_space<vmem>>) target_semaphore(%arg22 : memref<!tpu.dma_semaphore, #tpu.memory_space<semaphore_mem>>)
      %add3A_92 = arith.constant 512 : i32
      %add3A_93 = arith.addi %add3A_79, %add3A_92 : i32
      %dma_start3A_94 = tpu.memref_slice %arg4[%add3A_93] : memref<320000xi32, #tpu.memory_space<hbm>> -> memref<128xi32, #tpu.memory_space<hbm>>
      %dma_start3A_95 = tpu.memref_slice %arg4[%add3A_93] : memref<320000xi32, #tpu.memory_space<hbm>> -> memref<128xi32, #tpu.memory_space<hbm>>
      tpu.enqueue_dma source(%dma_start3A_95 : memref<128xi32, #tpu.memory_space<hbm>>) target(%arg15 : memref<128xi32, #tpu.memory_space<vmem>>) target_semaphore(%arg22 : memref<!tpu.dma_semaphore, #tpu.memory_space<semaphore_mem>>)
      %add3A_96 = arith.constant 640 : i32
      %add3A_97 = arith.addi %add3A_79, %add3A_96 : i32
      %dma_start3A_98 = tpu.memref_slice %arg3[%add3A_97] : memref<320000xi32, #tpu.memory_space<hbm>> -> memref<128xi32, #tpu.memory_space<hbm>>
      %dma_start3A_99 = tpu.memref_slice %arg3[%add3A_97] : memref<320000xi32, #tpu.memory_space<hbm>> -> memref<128xi32, #tpu.memory_space<hbm>>
      tpu.enqueue_dma source(%dma_start3A_99 : memref<128xi32, #tpu.memory_space<hbm>>) target(%arg16 : memref<128xi32, #tpu.memory_space<vmem>>) target_semaphore(%arg22 : memref<!tpu.dma_semaphore, #tpu.memory_space<semaphore_mem>>)
      %add3A_100 = arith.constant 640 : i32
      %add3A_101 = arith.addi %add3A_79, %add3A_100 : i32
      %dma_start3A_102 = tpu.memref_slice %arg4[%add3A_101] : memref<320000xi32, #tpu.memory_space<hbm>> -> memref<128xi32, #tpu.memory_space<hbm>>
      %dma_start3A_103 = tpu.memref_slice %arg4[%add3A_101] : memref<320000xi32, #tpu.memory_space<hbm>> -> memref<128xi32, #tpu.memory_space<hbm>>
      tpu.enqueue_dma source(%dma_start3A_103 : memref<128xi32, #tpu.memory_space<hbm>>) target(%arg17 : memref<128xi32, #tpu.memory_space<vmem>>) target_semaphore(%arg22 : memref<!tpu.dma_semaphore, #tpu.memory_space<semaphore_mem>>)
      %dma_wait3A_104 = tpu.memref_slice %arg3[%add3A_79] : memref<320000xi32, #tpu.memory_space<hbm>> -> memref<128xi32, #tpu.memory_space<hbm>>
      %dma_wait3A_105 = tpu.memref_slice %arg3[%add3A_79] : memref<320000xi32, #tpu.memory_space<hbm>> -> memref<128xi32, #tpu.memory_space<hbm>>
      tpu.wait_dma2 semaphore(%arg22 : memref<!tpu.dma_semaphore, #tpu.memory_space<semaphore_mem>>) src(%dma_wait3A_105 : memref<128xi32, #tpu.memory_space<hbm>>) dst(%arg6 : memref<128xi32, #tpu.memory_space<vmem>>)
      %dma_wait3A_106 = tpu.memref_slice %arg3[%add3A_79] : memref<320000xi32, #tpu.memory_space<hbm>> -> memref<128xi32, #tpu.memory_space<hbm>>
      %dma_wait3A_107 = tpu.memref_slice %arg3[%add3A_79] : memref<320000xi32, #tpu.memory_space<hbm>> -> memref<128xi32, #tpu.memory_space<hbm>>
      tpu.wait_dma2 semaphore(%arg22 : memref<!tpu.dma_semaphore, #tpu.memory_space<semaphore_mem>>) src(%dma_wait3A_107 : memref<128xi32, #tpu.memory_space<hbm>>) dst(%arg6 : memref<128xi32, #tpu.memory_space<vmem>>)
      %dma_wait3A_108 = tpu.memref_slice %arg3[%add3A_79] : memref<320000xi32, #tpu.memory_space<hbm>> -> memref<128xi32, #tpu.memory_space<hbm>>
      %dma_wait3A_109 = tpu.memref_slice %arg3[%add3A_79] : memref<320000xi32, #tpu.memory_space<hbm>> -> memref<128xi32, #tpu.memory_space<hbm>>
      tpu.wait_dma2 semaphore(%arg22 : memref<!tpu.dma_semaphore, #tpu.memory_space<semaphore_mem>>) src(%dma_wait3A_109 : memref<128xi32, #tpu.memory_space<hbm>>) dst(%arg6 : memref<128xi32, #tpu.memory_space<vmem>>)
      %dma_wait3A_110 = tpu.memref_slice %arg3[%add3A_79] : memref<320000xi32, #tpu.memory_space<hbm>> -> memref<128xi32, #tpu.memory_space<hbm>>
      %dma_wait3A_111 = tpu.memref_slice %arg3[%add3A_79] : memref<320000xi32, #tpu.memory_space<hbm>> -> memref<128xi32, #tpu.memory_space<hbm>>
      tpu.wait_dma2 semaphore(%arg22 : memref<!tpu.dma_semaphore, #tpu.memory_space<semaphore_mem>>) src(%dma_wait3A_111 : memref<128xi32, #tpu.memory_space<hbm>>) dst(%arg6 : memref<128xi32, #tpu.memory_space<vmem>>)
      %dma_wait3A_112 = tpu.memref_slice %arg3[%add3A_79] : memref<320000xi32, #tpu.memory_space<hbm>> -> memref<128xi32, #tpu.memory_space<hbm>>
      %dma_wait3A_113 = tpu.memref_slice %arg3[%add3A_79] : memref<320000xi32, #tpu.memory_space<hbm>> -> memref<128xi32, #tpu.memory_space<hbm>>
      tpu.wait_dma2 semaphore(%arg22 : memref<!tpu.dma_semaphore, #tpu.memory_space<semaphore_mem>>) src(%dma_wait3A_113 : memref<128xi32, #tpu.memory_space<hbm>>) dst(%arg6 : memref<128xi32, #tpu.memory_space<vmem>>)
      %dma_wait3A_114 = tpu.memref_slice %arg3[%add3A_79] : memref<320000xi32, #tpu.memory_space<hbm>> -> memref<128xi32, #tpu.memory_space<hbm>>
      %dma_wait3A_115 = tpu.memref_slice %arg3[%add3A_79] : memref<320000xi32, #tpu.memory_space<hbm>> -> memref<128xi32, #tpu.memory_space<hbm>>
      tpu.wait_dma2 semaphore(%arg22 : memref<!tpu.dma_semaphore, #tpu.memory_space<semaphore_mem>>) src(%dma_wait3A_115 : memref<128xi32, #tpu.memory_space<hbm>>) dst(%arg6 : memref<128xi32, #tpu.memory_space<vmem>>)
      %dma_start3A_116 = arith.constant 0 : i32
      %dma_start3A_117 = arith.constant 0 : i32
      %dma_start3A_118 = tpu.memref_slice %arg2[%dma_start3A_116, %dma_start3A_117] : memref<10000x128xf32, #tpu.memory_space<hbm>> -> memref<10000x128xf32, #tpu.memory_space<hbm>>
      tpu.enqueue_indirect_dma source(%dma_start3A_118 : memref<10000x128xf32, #tpu.memory_space<hbm>>) target(%arg18 : memref<128x128xf32, #tpu.memory_space<vmem>>) offsets(%arg6 : memref<128xi32, #tpu.memory_space<vmem>>) semaphore(%arg23 : memref<!tpu.dma_semaphore, #tpu.memory_space<semaphore_mem>>)
      %dma_start3A_119 = arith.constant 0 : i32
      %dma_start3A_120 = arith.constant 0 : i32
      %dma_start3A_121 = tpu.memref_slice %arg2[%dma_start3A_119, %dma_start3A_120] : memref<10000x128xf32, #tpu.memory_space<hbm>> -> memref<10000x128xf32, #tpu.memory_space<hbm>>
      tpu.enqueue_indirect_dma source(%dma_start3A_121 : memref<10000x128xf32, #tpu.memory_space<hbm>>) target(%arg19 : memref<128x128xf32, #tpu.memory_space<vmem>>) offsets(%arg8 : memref<128xi32, #tpu.memory_space<vmem>>) semaphore(%arg24 : memref<!tpu.dma_semaphore, #tpu.memory_space<semaphore_mem>>)
      %dma_start3A_122 = arith.constant 0 : i32
      %dma_start3A_123 = arith.constant 0 : i32
      %dma_start3A_124 = tpu.memref_slice %arg2[%dma_start3A_122, %dma_start3A_123] : memref<10000x128xf32, #tpu.memory_space<hbm>> -> memref<10000x128xf32, #tpu.memory_space<hbm>>
      tpu.enqueue_indirect_dma source(%dma_start3A_124 : memref<10000x128xf32, #tpu.memory_space<hbm>>) target(%arg20 : memref<128x128xf32, #tpu.memory_space<vmem>>) offsets(%arg10 : memref<128xi32, #tpu.memory_space<vmem>>) semaphore(%arg25 : memref<!tpu.dma_semaphore, #tpu.memory_space<semaphore_mem>>)
      %dma_wait3A_125 = arith.constant 0 : i32
      %dma_wait3A_126 = arith.constant 0 : i32
      %dma_wait3A_127 = tpu.memref_slice %arg2[%dma_wait3A_125, %dma_wait3A_126] : memref<10000x128xf32, #tpu.memory_space<hbm>> -> memref<10000x128xf32, #tpu.memory_space<hbm>>
      tpu.wait_indirect_dma semaphore(%arg23 : memref<!tpu.dma_semaphore, #tpu.memory_space<semaphore_mem>>) src(%dma_wait3A_127 : memref<10000x128xf32, #tpu.memory_space<hbm>>) dst(%arg18 : memref<128x128xf32, #tpu.memory_space<vmem>>)
      %dma_start3A_128 = arith.constant 0 : i32
      %dma_start3A_129 = arith.constant 0 : i32
      %dma_start3A_130 = tpu.memref_slice %arg21[%dma_start3A_128, %dma_start3A_129] : memref<10000x128xf32, #tpu.memory_space<vmem_shared>> -> memref<10000x128xf32, #tpu.memory_space<vmem_shared>>
      tpu.enqueue_indirect_dma source(%arg18 : memref<128x128xf32, #tpu.memory_space<vmem>>) target(%dma_start3A_130 : memref<10000x128xf32, #tpu.memory_space<vmem_shared>>) offsets(%arg7 : memref<128xi32, #tpu.memory_space<vmem>>) semaphore(%arg26 : memref<!tpu.dma_semaphore, #tpu.memory_space<semaphore_mem>>) {add = true}
      %dma_wait3A_131 = arith.constant 0 : i32
      %dma_wait3A_132 = arith.constant 0 : i32
      %dma_wait3A_133 = tpu.memref_slice %arg2[%dma_wait3A_131, %dma_wait3A_132] : memref<10000x128xf32, #tpu.memory_space<hbm>> -> memref<10000x128xf32, #tpu.memory_space<hbm>>
      tpu.wait_indirect_dma semaphore(%arg24 : memref<!tpu.dma_semaphore, #tpu.memory_space<semaphore_mem>>) src(%dma_wait3A_133 : memref<10000x128xf32, #tpu.memory_space<hbm>>) dst(%arg19 : memref<128x128xf32, #tpu.memory_space<vmem>>)
      %dma_start3A_134 = arith.constant 0 : i32
      %dma_start3A_135 = arith.constant 0 : i32
      %dma_start3A_136 = tpu.memref_slice %arg21[%dma_start3A_134, %dma_start3A_135] : memref<10000x128xf32, #tpu.memory_space<vmem_shared>> -> memref<10000x128xf32, #tpu.memory_space<vmem_shared>>
      tpu.enqueue_indirect_dma source(%arg19 : memref<128x128xf32, #tpu.memory_space<vmem>>) target(%dma_start3A_136 : memref<10000x128xf32, #tpu.memory_space<vmem_shared>>) offsets(%arg9 : memref<128xi32, #tpu.memory_space<vmem>>) semaphore(%arg27 : memref<!tpu.dma_semaphore, #tpu.memory_space<semaphore_mem>>) {add = true}
      %dma_wait3A_137 = arith.constant 0 : i32
      %dma_wait3A_138 = arith.constant 0 : i32
      %dma_wait3A_139 = tpu.memref_slice %arg2[%dma_wait3A_137, %dma_wait3A_138] : memref<10000x128xf32, #tpu.memory_space<hbm>> -> memref<10000x128xf32, #tpu.memory_space<hbm>>
      tpu.wait_indirect_dma semaphore(%arg25 : memref<!tpu.dma_semaphore, #tpu.memory_space<semaphore_mem>>) src(%dma_wait3A_139 : memref<10000x128xf32, #tpu.memory_space<hbm>>) dst(%arg20 : memref<128x128xf32, #tpu.memory_space<vmem>>)
      %dma_start3A_140 = arith.constant 0 : i32
      %dma_start3A_141 = arith.constant 0 : i32
      %dma_start3A_142 = tpu.memref_slice %arg21[%dma_start3A_140, %dma_start3A_141] : memref<10000x128xf32, #tpu.memory_space<vmem_shared>> -> memref<10000x128xf32, #tpu.memory_space<vmem_shared>>
      tpu.enqueue_indirect_dma source(%arg20 : memref<128x128xf32, #tpu.memory_space<vmem>>) target(%dma_start3A_142 : memref<10000x128xf32, #tpu.memory_space<vmem_shared>>) offsets(%arg11 : memref<128xi32, #tpu.memory_space<vmem>>) semaphore(%arg28 : memref<!tpu.dma_semaphore, #tpu.memory_space<semaphore_mem>>) {add = true}
      %dma_wait3A_143 = tpu.memref_slice %arg3[%add3A_79] : memref<320000xi32, #tpu.memory_space<hbm>> -> memref<128xi32, #tpu.memory_space<hbm>>
      %dma_wait3A_144 = tpu.memref_slice %arg3[%add3A_79] : memref<320000xi32, #tpu.memory_space<hbm>> -> memref<128xi32, #tpu.memory_space<hbm>>
      tpu.wait_dma2 semaphore(%arg22 : memref<!tpu.dma_semaphore, #tpu.memory_space<semaphore_mem>>) src(%dma_wait3A_144 : memref<128xi32, #tpu.memory_space<hbm>>) dst(%arg6 : memref<128xi32, #tpu.memory_space<vmem>>)
      %dma_wait3A_145 = tpu.memref_slice %arg3[%add3A_79] : memref<320000xi32, #tpu.memory_space<hbm>> -> memref<128xi32, #tpu.memory_space<hbm>>
      %dma_wait3A_146 = tpu.memref_slice %arg3[%add3A_79] : memref<320000xi32, #tpu.memory_space<hbm>> -> memref<128xi32, #tpu.memory_space<hbm>>
      tpu.wait_dma2 semaphore(%arg22 : memref<!tpu.dma_semaphore, #tpu.memory_space<semaphore_mem>>) src(%dma_wait3A_146 : memref<128xi32, #tpu.memory_space<hbm>>) dst(%arg6 : memref<128xi32, #tpu.memory_space<vmem>>)
      %dma_wait3A_147 = tpu.memref_slice %arg3[%add3A_79] : memref<320000xi32, #tpu.memory_space<hbm>> -> memref<128xi32, #tpu.memory_space<hbm>>
      %dma_wait3A_148 = tpu.memref_slice %arg3[%add3A_79] : memref<320000xi32, #tpu.memory_space<hbm>> -> memref<128xi32, #tpu.memory_space<hbm>>
      tpu.wait_dma2 semaphore(%arg22 : memref<!tpu.dma_semaphore, #tpu.memory_space<semaphore_mem>>) src(%dma_wait3A_148 : memref<128xi32, #tpu.memory_space<hbm>>) dst(%arg6 : memref<128xi32, #tpu.memory_space<vmem>>)
      %dma_wait3A_149 = tpu.memref_slice %arg3[%add3A_79] : memref<320000xi32, #tpu.memory_space<hbm>> -> memref<128xi32, #tpu.memory_space<hbm>>
      %dma_wait3A_150 = tpu.memref_slice %arg3[%add3A_79] : memref<320000xi32, #tpu.memory_space<hbm>> -> memref<128xi32, #tpu.memory_space<hbm>>
      tpu.wait_dma2 semaphore(%arg22 : memref<!tpu.dma_semaphore, #tpu.memory_space<semaphore_mem>>) src(%dma_wait3A_150 : memref<128xi32, #tpu.memory_space<hbm>>) dst(%arg6 : memref<128xi32, #tpu.memory_space<vmem>>)
      %dma_wait3A_151 = tpu.memref_slice %arg3[%add3A_79] : memref<320000xi32, #tpu.memory_space<hbm>> -> memref<128xi32, #tpu.memory_space<hbm>>
      %dma_wait3A_152 = tpu.memref_slice %arg3[%add3A_79] : memref<320000xi32, #tpu.memory_space<hbm>> -> memref<128xi32, #tpu.memory_space<hbm>>
      tpu.wait_dma2 semaphore(%arg22 : memref<!tpu.dma_semaphore, #tpu.memory_space<semaphore_mem>>) src(%dma_wait3A_152 : memref<128xi32, #tpu.memory_space<hbm>>) dst(%arg6 : memref<128xi32, #tpu.memory_space<vmem>>)
      %dma_wait3A_153 = tpu.memref_slice %arg3[%add3A_79] : memref<320000xi32, #tpu.memory_space<hbm>> -> memref<128xi32, #tpu.memory_space<hbm>>
      %dma_wait3A_154 = tpu.memref_slice %arg3[%add3A_79] : memref<320000xi32, #tpu.memory_space<hbm>> -> memref<128xi32, #tpu.memory_space<hbm>>
      tpu.wait_dma2 semaphore(%arg22 : memref<!tpu.dma_semaphore, #tpu.memory_space<semaphore_mem>>) src(%dma_wait3A_154 : memref<128xi32, #tpu.memory_space<hbm>>) dst(%arg6 : memref<128xi32, #tpu.memory_space<vmem>>)
      %dma_wait3A_155 = arith.constant 0 : i32
      %dma_wait3A_156 = arith.constant 0 : i32
      %dma_wait3A_157 = tpu.memref_slice %arg21[%dma_wait3A_155, %dma_wait3A_156] : memref<10000x128xf32, #tpu.memory_space<vmem_shared>> -> memref<10000x128xf32, #tpu.memory_space<vmem_shared>>
      tpu.wait_indirect_dma semaphore(%arg26 : memref<!tpu.dma_semaphore, #tpu.memory_space<semaphore_mem>>) src(%arg18 : memref<128x128xf32, #tpu.memory_space<vmem>>) dst(%dma_wait3A_157 : memref<10000x128xf32, #tpu.memory_space<vmem_shared>>)
      %dma_start3A_158 = arith.constant 0 : i32
      %dma_start3A_159 = arith.constant 0 : i32
      %dma_start3A_160 = tpu.memref_slice %arg2[%dma_start3A_158, %dma_start3A_159] : memref<10000x128xf32, #tpu.memory_space<hbm>> -> memref<10000x128xf32, #tpu.memory_space<hbm>>
      tpu.enqueue_indirect_dma source(%dma_start3A_160 : memref<10000x128xf32, #tpu.memory_space<hbm>>) target(%arg18 : memref<128x128xf32, #tpu.memory_space<vmem>>) offsets(%arg12 : memref<128xi32, #tpu.memory_space<vmem>>) semaphore(%arg23 : memref<!tpu.dma_semaphore, #tpu.memory_space<semaphore_mem>>)
      %dma_wait3A_161 = arith.constant 0 : i32
      %dma_wait3A_162 = arith.constant 0 : i32
      %dma_wait3A_163 = tpu.memref_slice %arg21[%dma_wait3A_161, %dma_wait3A_162] : memref<10000x128xf32, #tpu.memory_space<vmem_shared>> -> memref<10000x128xf32, #tpu.memory_space<vmem_shared>>
      tpu.wait_indirect_dma semaphore(%arg27 : memref<!tpu.dma_semaphore, #tpu.memory_space<semaphore_mem>>) src(%arg19 : memref<128x128xf32, #tpu.memory_space<vmem>>) dst(%dma_wait3A_163 : memref<10000x128xf32, #tpu.memory_space<vmem_shared>>)
      %dma_start3A_164 = arith.constant 0 : i32
      %dma_start3A_165 = arith.constant 0 : i32
      %dma_start3A_166 = tpu.memref_slice %arg2[%dma_start3A_164, %dma_start3A_165] : memref<10000x128xf32, #tpu.memory_space<hbm>> -> memref<10000x128xf32, #tpu.memory_space<hbm>>
      tpu.enqueue_indirect_dma source(%dma_start3A_166 : memref<10000x128xf32, #tpu.memory_space<hbm>>) target(%arg19 : memref<128x128xf32, #tpu.memory_space<vmem>>) offsets(%arg14 : memref<128xi32, #tpu.memory_space<vmem>>) semaphore(%arg24 : memref<!tpu.dma_semaphore, #tpu.memory_space<semaphore_mem>>)
      %dma_wait3A_167 = arith.constant 0 : i32
      %dma_wait3A_168 = arith.constant 0 : i32
      %dma_wait3A_169 = tpu.memref_slice %arg21[%dma_wait3A_167, %dma_wait3A_168] : memref<10000x128xf32, #tpu.memory_space<vmem_shared>> -> memref<10000x128xf32, #tpu.memory_space<vmem_shared>>
      tpu.wait_indirect_dma semaphore(%arg28 : memref<!tpu.dma_semaphore, #tpu.memory_space<semaphore_mem>>) src(%arg20 : memref<128x128xf32, #tpu.memory_space<vmem>>) dst(%dma_wait3A_169 : memref<10000x128xf32, #tpu.memory_space<vmem_shared>>)
      %dma_start3A_170 = arith.constant 0 : i32
      %dma_start3A_171 = arith.constant 0 : i32
      %dma_start3A_172 = tpu.memref_slice %arg2[%dma_start3A_170, %dma_start3A_171] : memref<10000x128xf32, #tpu.memory_space<hbm>> -> memref<10000x128xf32, #tpu.memory_space<hbm>>
      tpu.enqueue_indirect_dma source(%dma_start3A_172 : memref<10000x128xf32, #tpu.memory_space<hbm>>) target(%arg20 : memref<128x128xf32, #tpu.memory_space<vmem>>) offsets(%arg16 : memref<128xi32, #tpu.memory_space<vmem>>) semaphore(%arg25 : memref<!tpu.dma_semaphore, #tpu.memory_space<semaphore_mem>>)
      %add3A_173 = arith.constant 1 : i32
      %add3A_174 = arith.addi %scan3A_74, %add3A_173 : i32
      %lt3A = arith.constant 13 : i32
      %lt3A_175 = arith.cmpi slt, %add3A_174, %lt3A : i32
      %convert_element_type3A_176 = arith.extui %lt3A_175 : i1 to i32
      %cond3A_177 = arith.constant 0 : i32
      %cond3A_178 = arith.cmpi ne, %convert_element_type3A_176, %cond3A_177 : i32
      scf.if %cond3A_178 {
        %add3A_206 = arith.constant 768 : i32
        %add3A_207 = arith.addi %add3A_79, %add3A_206 : i32
        %dma_start3A_208 = tpu.memref_slice %arg3[%add3A_207] : memref<320000xi32, #tpu.memory_space<hbm>> -> memref<128xi32, #tpu.memory_space<hbm>>
        %dma_start3A_209 = tpu.memref_slice %arg3[%add3A_207] : memref<320000xi32, #tpu.memory_space<hbm>> -> memref<128xi32, #tpu.memory_space<hbm>>
        tpu.enqueue_dma source(%dma_start3A_209 : memref<128xi32, #tpu.memory_space<hbm>>) target(%arg6 : memref<128xi32, #tpu.memory_space<vmem>>) target_semaphore(%arg22 : memref<!tpu.dma_semaphore, #tpu.memory_space<semaphore_mem>>)
        %add3A_210 = arith.constant 768 : i32
        %add3A_211 = arith.addi %add3A_79, %add3A_210 : i32
        %dma_start3A_212 = tpu.memref_slice %arg4[%add3A_211] : memref<320000xi32, #tpu.memory_space<hbm>> -> memref<128xi32, #tpu.memory_space<hbm>>
        %dma_start3A_213 = tpu.memref_slice %arg4[%add3A_211] : memref<320000xi32, #tpu.memory_space<hbm>> -> memref<128xi32, #tpu.memory_space<hbm>>
        tpu.enqueue_dma source(%dma_start3A_213 : memref<128xi32, #tpu.memory_space<hbm>>) target(%arg7 : memref<128xi32, #tpu.memory_space<vmem>>) target_semaphore(%arg22 : memref<!tpu.dma_semaphore, #tpu.memory_space<semaphore_mem>>)
        %add3A_214 = arith.constant 896 : i32
        %add3A_215 = arith.addi %add3A_79, %add3A_214 : i32
        %dma_start3A_216 = tpu.memref_slice %arg3[%add3A_215] : memref<320000xi32, #tpu.memory_space<hbm>> -> memref<128xi32, #tpu.memory_space<hbm>>
        %dma_start3A_217 = tpu.memref_slice %arg3[%add3A_215] : memref<320000xi32, #tpu.memory_space<hbm>> -> memref<128xi32, #tpu.memory_space<hbm>>
        tpu.enqueue_dma source(%dma_start3A_217 : memref<128xi32, #tpu.memory_space<hbm>>) target(%arg8 : memref<128xi32, #tpu.memory_space<vmem>>) target_semaphore(%arg22 : memref<!tpu.dma_semaphore, #tpu.memory_space<semaphore_mem>>)
        %add3A_218 = arith.constant 896 : i32
        %add3A_219 = arith.addi %add3A_79, %add3A_218 : i32
        %dma_start3A_220 = tpu.memref_slice %arg4[%add3A_219] : memref<320000xi32, #tpu.memory_space<hbm>> -> memref<128xi32, #tpu.memory_space<hbm>>
        %dma_start3A_221 = tpu.memref_slice %arg4[%add3A_219] : memref<320000xi32, #tpu.memory_space<hbm>> -> memref<128xi32, #tpu.memory_space<hbm>>
        tpu.enqueue_dma source(%dma_start3A_221 : memref<128xi32, #tpu.memory_space<hbm>>) target(%arg9 : memref<128xi32, #tpu.memory_space<vmem>>) target_semaphore(%arg22 : memref<!tpu.dma_semaphore, #tpu.memory_space<semaphore_mem>>)
        %add3A_222 = arith.constant 1024 : i32
        %add3A_223 = arith.addi %add3A_79, %add3A_222 : i32
        %dma_start3A_224 = tpu.memref_slice %arg3[%add3A_223] : memref<320000xi32, #tpu.memory_space<hbm>> -> memref<128xi32, #tpu.memory_space<hbm>>
        %dma_start3A_225 = tpu.memref_slice %arg3[%add3A_223] : memref<320000xi32, #tpu.memory_space<hbm>> -> memref<128xi32, #tpu.memory_space<hbm>>
        tpu.enqueue_dma source(%dma_start3A_225 : memref<128xi32, #tpu.memory_space<hbm>>) target(%arg10 : memref<128xi32, #tpu.memory_space<vmem>>) target_semaphore(%arg22 : memref<!tpu.dma_semaphore, #tpu.memory_space<semaphore_mem>>)
        %add3A_226 = arith.constant 1024 : i32
        %add3A_227 = arith.addi %add3A_79, %add3A_226 : i32
        %dma_start3A_228 = tpu.memref_slice %arg4[%add3A_227] : memref<320000xi32, #tpu.memory_space<hbm>> -> memref<128xi32, #tpu.memory_space<hbm>>
        %dma_start3A_229 = tpu.memref_slice %arg4[%add3A_227] : memref<320000xi32, #tpu.memory_space<hbm>> -> memref<128xi32, #tpu.memory_space<hbm>>
        tpu.enqueue_dma source(%dma_start3A_229 : memref<128xi32, #tpu.memory_space<hbm>>) target(%arg11 : memref<128xi32, #tpu.memory_space<vmem>>) target_semaphore(%arg22 : memref<!tpu.dma_semaphore, #tpu.memory_space<semaphore_mem>>)
      } else {
      }
      %dma_wait3A_179 = arith.constant 0 : i32
      %dma_wait3A_180 = arith.constant 0 : i32
      %dma_wait3A_181 = tpu.memref_slice %arg2[%dma_wait3A_179, %dma_wait3A_180] : memref<10000x128xf32, #tpu.memory_space<hbm>> -> memref<10000x128xf32, #tpu.memory_space<hbm>>
      tpu.wait_indirect_dma semaphore(%arg23 : memref<!tpu.dma_semaphore, #tpu.memory_space<semaphore_mem>>) src(%dma_wait3A_181 : memref<10000x128xf32, #tpu.memory_space<hbm>>) dst(%arg18 : memref<128x128xf32, #tpu.memory_space<vmem>>)
      %dma_start3A_182 = arith.constant 0 : i32
      %dma_start3A_183 = arith.constant 0 : i32
      %dma_start3A_184 = tpu.memref_slice %arg21[%dma_start3A_182, %dma_start3A_183] : memref<10000x128xf32, #tpu.memory_space<vmem_shared>> -> memref<10000x128xf32, #tpu.memory_space<vmem_shared>>
      tpu.enqueue_indirect_dma source(%arg18 : memref<128x128xf32, #tpu.memory_space<vmem>>) target(%dma_start3A_184 : memref<10000x128xf32, #tpu.memory_space<vmem_shared>>) offsets(%arg13 : memref<128xi32, #tpu.memory_space<vmem>>) semaphore(%arg26 : memref<!tpu.dma_semaphore, #tpu.memory_space<semaphore_mem>>) {add = true}
      %dma_wait3A_185 = arith.constant 0 : i32
      %dma_wait3A_186 = arith.constant 0 : i32
      %dma_wait3A_187 = tpu.memref_slice %arg2[%dma_wait3A_185, %dma_wait3A_186] : memref<10000x128xf32, #tpu.memory_space<hbm>> -> memref<10000x128xf32, #tpu.memory_space<hbm>>
      tpu.wait_indirect_dma semaphore(%arg24 : memref<!tpu.dma_semaphore, #tpu.memory_space<semaphore_mem>>) src(%dma_wait3A_187 : memref<10000x128xf32, #tpu.memory_space<hbm>>) dst(%arg19 : memref<128x128xf32, #tpu.memory_space<vmem>>)
      %dma_start3A_188 = arith.constant 0 : i32
      %dma_start3A_189 = arith.constant 0 : i32
      %dma_start3A_190 = tpu.memref_slice %arg21[%dma_start3A_188, %dma_start3A_189] : memref<10000x128xf32, #tpu.memory_space<vmem_shared>> -> memref<10000x128xf32, #tpu.memory_space<vmem_shared>>
      tpu.enqueue_indirect_dma source(%arg19 : memref<128x128xf32, #tpu.memory_space<vmem>>) target(%dma_start3A_190 : memref<10000x128xf32, #tpu.memory_space<vmem_shared>>) offsets(%arg15 : memref<128xi32, #tpu.memory_space<vmem>>) semaphore(%arg27 : memref<!tpu.dma_semaphore, #tpu.memory_space<semaphore_mem>>) {add = true}
      %dma_wait3A_191 = arith.constant 0 : i32
      %dma_wait3A_192 = arith.constant 0 : i32
      %dma_wait3A_193 = tpu.memref_slice %arg2[%dma_wait3A_191, %dma_wait3A_192] : memref<10000x128xf32, #tpu.memory_space<hbm>> -> memref<10000x128xf32, #tpu.memory_space<hbm>>
      tpu.wait_indirect_dma semaphore(%arg25 : memref<!tpu.dma_semaphore, #tpu.memory_space<semaphore_mem>>) src(%dma_wait3A_193 : memref<10000x128xf32, #tpu.memory_space<hbm>>) dst(%arg20 : memref<128x128xf32, #tpu.memory_space<vmem>>)
      %dma_start3A_194 = arith.constant 0 : i32
      %dma_start3A_195 = arith.constant 0 : i32
      %dma_start3A_196 = tpu.memref_slice %arg21[%dma_start3A_194, %dma_start3A_195] : memref<10000x128xf32, #tpu.memory_space<vmem_shared>> -> memref<10000x128xf32, #tpu.memory_space<vmem_shared>>
      tpu.enqueue_indirect_dma source(%arg20 : memref<128x128xf32, #tpu.memory_space<vmem>>) target(%dma_start3A_196 : memref<10000x128xf32, #tpu.memory_space<vmem_shared>>) offsets(%arg17 : memref<128xi32, #tpu.memory_space<vmem>>) semaphore(%arg28 : memref<!tpu.dma_semaphore, #tpu.memory_space<semaphore_mem>>) {add = true}
      %dma_wait3A_197 = arith.constant 0 : i32
      %dma_wait3A_198 = arith.constant 0 : i32
      %dma_wait3A_199 = tpu.memref_slice %arg21[%dma_wait3A_197, %dma_wait3A_198] : memref<10000x128xf32, #tpu.memory_space<vmem_shared>> -> memref<10000x128xf32, #tpu.memory_space<vmem_shared>>
      tpu.wait_indirect_dma semaphore(%arg26 : memref<!tpu.dma_semaphore, #tpu.memory_space<semaphore_mem>>) src(%arg18 : memref<128x128xf32, #tpu.memory_space<vmem>>) dst(%dma_wait3A_199 : memref<10000x128xf32, #tpu.memory_space<vmem_shared>>)
      %dma_wait3A_200 = arith.constant 0 : i32
      %dma_wait3A_201 = arith.constant 0 : i32
      %dma_wait3A_202 = tpu.memref_slice %arg21[%dma_wait3A_200, %dma_wait3A_201] : memref<10000x128xf32, #tpu.memory_space<vmem_shared>> -> memref<10000x128xf32, #tpu.memory_space<vmem_shared>>
      tpu.wait_indirect_dma semaphore(%arg27 : memref<!tpu.dma_semaphore, #tpu.memory_space<semaphore_mem>>) src(%arg19 : memref<128x128xf32, #tpu.memory_space<vmem>>) dst(%dma_wait3A_202 : memref<10000x128xf32, #tpu.memory_space<vmem_shared>>)
      %dma_wait3A_203 = arith.constant 0 : i32
      %dma_wait3A_204 = arith.constant 0 : i32
      %dma_wait3A_205 = tpu.memref_slice %arg21[%dma_wait3A_203, %dma_wait3A_204] : memref<10000x128xf32, #tpu.memory_space<vmem_shared>> -> memref<10000x128xf32, #tpu.memory_space<vmem_shared>>
      tpu.wait_indirect_dma semaphore(%arg28 : memref<!tpu.dma_semaphore, #tpu.memory_space<semaphore_mem>>) src(%arg20 : memref<128x128xf32, #tpu.memory_space<vmem>>) dst(%dma_wait3A_205 : memref<10000x128xf32, #tpu.memory_space<vmem_shared>>)
    }
    %scan3A_50 = arith.constant 13 : i32
    %add3A_51 = arith.constant 9984 : i32
    %add3A_52 = arith.addi %mul3A_21, %add3A_51 : i32
    "tpu.region"() ({
      %run_scoped3A = tpu.sem_alloc : memref<!tpu.dma_semaphore, #tpu.memory_space<semaphore_mem>>
      %dma_start3A_74 = arith.constant 0 : i32
      %dma_start3A_75 = tpu.memref_slice %arg6[%dma_start3A_74] : memref<128xi32, #tpu.memory_space<vmem>> -> memref<16xi32, #tpu.memory_space<vmem>>
      %dma_start3A_76 = tpu.memref_slice %arg3[%add3A_52] : memref<320000xi32, #tpu.memory_space<hbm>> -> memref<16xi32, #tpu.memory_space<hbm>>
      %dma_start3A_77 = arith.constant 0 : i32
      %dma_start3A_78 = tpu.memref_slice %arg6[%dma_start3A_77] : memref<128xi32, #tpu.memory_space<vmem>> -> memref<16xi32, #tpu.memory_space<vmem>>
      %dma_start3A_79 = tpu.memref_slice %arg3[%add3A_52] : memref<320000xi32, #tpu.memory_space<hbm>> -> memref<16xi32, #tpu.memory_space<hbm>>
      tpu.enqueue_dma source(%dma_start3A_79 : memref<16xi32, #tpu.memory_space<hbm>>) target(%dma_start3A_78 : memref<16xi32, #tpu.memory_space<vmem>>) target_semaphore(%run_scoped3A : memref<!tpu.dma_semaphore, #tpu.memory_space<semaphore_mem>>)
      %dma_wait3A_80 = arith.constant 0 : i32
      %dma_wait3A_81 = tpu.memref_slice %arg6[%dma_wait3A_80] : memref<128xi32, #tpu.memory_space<vmem>> -> memref<16xi32, #tpu.memory_space<vmem>>
      %dma_wait3A_82 = tpu.memref_slice %arg3[%add3A_52] : memref<320000xi32, #tpu.memory_space<hbm>> -> memref<16xi32, #tpu.memory_space<hbm>>
      %dma_wait3A_83 = arith.constant 0 : i32
      %dma_wait3A_84 = tpu.memref_slice %arg6[%dma_wait3A_83] : memref<128xi32, #tpu.memory_space<vmem>> -> memref<16xi32, #tpu.memory_space<vmem>>
      %dma_wait3A_85 = tpu.memref_slice %arg3[%add3A_52] : memref<320000xi32, #tpu.memory_space<hbm>> -> memref<16xi32, #tpu.memory_space<hbm>>
      tpu.wait_dma2 semaphore(%run_scoped3A : memref<!tpu.dma_semaphore, #tpu.memory_space<semaphore_mem>>) src(%dma_wait3A_85 : memref<16xi32, #tpu.memory_space<hbm>>) dst(%dma_wait3A_84 : memref<16xi32, #tpu.memory_space<vmem>>)
      tpu.yield
    }) : () -> ()
    "tpu.region"() ({
      %run_scoped3A = tpu.sem_alloc : memref<!tpu.dma_semaphore, #tpu.memory_space<semaphore_mem>>
      %dma_start3A_74 = arith.constant 0 : i32
      %dma_start3A_75 = tpu.memref_slice %arg7[%dma_start3A_74] : memref<128xi32, #tpu.memory_space<vmem>> -> memref<16xi32, #tpu.memory_space<vmem>>
      %dma_start3A_76 = tpu.memref_slice %arg4[%add3A_52] : memref<320000xi32, #tpu.memory_space<hbm>> -> memref<16xi32, #tpu.memory_space<hbm>>
      %dma_start3A_77 = arith.constant 0 : i32
      %dma_start3A_78 = tpu.memref_slice %arg7[%dma_start3A_77] : memref<128xi32, #tpu.memory_space<vmem>> -> memref<16xi32, #tpu.memory_space<vmem>>
      %dma_start3A_79 = tpu.memref_slice %arg4[%add3A_52] : memref<320000xi32, #tpu.memory_space<hbm>> -> memref<16xi32, #tpu.memory_space<hbm>>
      tpu.enqueue_dma source(%dma_start3A_79 : memref<16xi32, #tpu.memory_space<hbm>>) target(%dma_start3A_78 : memref<16xi32, #tpu.memory_space<vmem>>) target_semaphore(%run_scoped3A : memref<!tpu.dma_semaphore, #tpu.memory_space<semaphore_mem>>)
      %dma_wait3A_80 = arith.constant 0 : i32
      %dma_wait3A_81 = tpu.memref_slice %arg7[%dma_wait3A_80] : memref<128xi32, #tpu.memory_space<vmem>> -> memref<16xi32, #tpu.memory_space<vmem>>
      %dma_wait3A_82 = tpu.memref_slice %arg4[%add3A_52] : memref<320000xi32, #tpu.memory_space<hbm>> -> memref<16xi32, #tpu.memory_space<hbm>>
      %dma_wait3A_83 = arith.constant 0 : i32
      %dma_wait3A_84 = tpu.memref_slice %arg7[%dma_wait3A_83] : memref<128xi32, #tpu.memory_space<vmem>> -> memref<16xi32, #tpu.memory_space<vmem>>
      %dma_wait3A_85 = tpu.memref_slice %arg4[%add3A_52] : memref<320000xi32, #tpu.memory_space<hbm>> -> memref<16xi32, #tpu.memory_space<hbm>>
      tpu.wait_dma2 semaphore(%run_scoped3A : memref<!tpu.dma_semaphore, #tpu.memory_space<semaphore_mem>>) src(%dma_wait3A_85 : memref<16xi32, #tpu.memory_space<hbm>>) dst(%dma_wait3A_84 : memref<16xi32, #tpu.memory_space<vmem>>)
      tpu.yield
    }) : () -> ()
    %dma_start3A_53 = arith.constant 0 : i32
    %dma_start3A_54 = arith.constant 0 : i32
    %dma_start3A_55 = tpu.memref_slice %arg18[%dma_start3A_53, %dma_start3A_54] : memref<128x128xf32, #tpu.memory_space<vmem>> -> memref<16x128xf32, #tpu.memory_space<vmem>>
    %dma_start3A_56 = arith.constant 0 : i32
    %dma_start3A_57 = tpu.memref_slice %arg6[%dma_start3A_56] : memref<128xi32, #tpu.memory_space<vmem>> -> memref<16xi32, #tpu.memory_space<vmem>>
    %dma_start3A_58 = arith.constant 0 : i32
    %dma_start3A_59 = arith.constant 0 : i32
    %dma_start3A_60 = tpu.memref_slice %arg2[%dma_start3A_58, %dma_start3A_59] : memref<10000x128xf32, #tpu.memory_space<hbm>> -> memref<10000x128xf32, #tpu.memory_space<hbm>>
    tpu.enqueue_indirect_dma source(%dma_start3A_60 : memref<10000x128xf32, #tpu.memory_space<hbm>>) target(%dma_start3A_55 : memref<16x128xf32, #tpu.memory_space<vmem>>) offsets(%dma_start3A_57 : memref<16xi32, #tpu.memory_space<vmem>>) semaphore(%arg23 : memref<!tpu.dma_semaphore, #tpu.memory_space<semaphore_mem>>)
    %dma_wait3A = arith.constant 0 : i32
    %dma_wait3A_61 = arith.constant 0 : i32
    %dma_wait3A_62 = tpu.memref_slice %arg18[%dma_wait3A, %dma_wait3A_61] : memref<128x128xf32, #tpu.memory_space<vmem>> -> memref<16x128xf32, #tpu.memory_space<vmem>>
    %dma_wait3A_63 = arith.constant 0 : i32
    %dma_wait3A_64 = tpu.memref_slice %arg6[%dma_wait3A_63] : memref<128xi32, #tpu.memory_space<vmem>> -> memref<16xi32, #tpu.memory_space<vmem>>
    %dma_wait3A_65 = arith.constant 0 : i32
    %dma_wait3A_66 = arith.constant 0 : i32
    %dma_wait3A_67 = tpu.memref_slice %arg2[%dma_wait3A_65, %dma_wait3A_66] : memref<10000x128xf32, #tpu.memory_space<hbm>> -> memref<10000x128xf32, #tpu.memory_space<hbm>>
    tpu.wait_indirect_dma semaphore(%arg23 : memref<!tpu.dma_semaphore, #tpu.memory_space<semaphore_mem>>) src(%dma_wait3A_67 : memref<10000x128xf32, #tpu.memory_space<hbm>>) dst(%dma_wait3A_62 : memref<16x128xf32, #tpu.memory_space<vmem>>)
    "tpu.region"() ({
      %run_scoped3A = tpu.sem_alloc : memref<!tpu.dma_semaphore, #tpu.memory_space<semaphore_mem>>
      %dma_start3A_74 = arith.constant 0 : i32
      %dma_start3A_75 = arith.constant 0 : i32
      %dma_start3A_76 = tpu.memref_slice %arg18[%dma_start3A_74, %dma_start3A_75] : memref<128x128xf32, #tpu.memory_space<vmem>> -> memref<16x128xf32, #tpu.memory_space<vmem>>
      %dma_start3A_77 = arith.constant 0 : i32
      %dma_start3A_78 = tpu.memref_slice %arg7[%dma_start3A_77] : memref<128xi32, #tpu.memory_space<vmem>> -> memref<16xi32, #tpu.memory_space<vmem>>
      %dma_start3A_79 = arith.constant 0 : i32
      %dma_start3A_80 = arith.constant 0 : i32
      %dma_start3A_81 = tpu.memref_slice %arg21[%dma_start3A_79, %dma_start3A_80] : memref<10000x128xf32, #tpu.memory_space<vmem_shared>> -> memref<10000x128xf32, #tpu.memory_space<vmem_shared>>
      tpu.enqueue_indirect_dma source(%dma_start3A_76 : memref<16x128xf32, #tpu.memory_space<vmem>>) target(%dma_start3A_81 : memref<10000x128xf32, #tpu.memory_space<vmem_shared>>) offsets(%dma_start3A_78 : memref<16xi32, #tpu.memory_space<vmem>>) semaphore(%run_scoped3A : memref<!tpu.dma_semaphore, #tpu.memory_space<semaphore_mem>>) {add = true}
      %dma_wait3A_82 = arith.constant 0 : i32
      %dma_wait3A_83 = arith.constant 0 : i32
      %dma_wait3A_84 = tpu.memref_slice %arg18[%dma_wait3A_82, %dma_wait3A_83] : memref<128x128xf32, #tpu.memory_space<vmem>> -> memref<16x128xf32, #tpu.memory_space<vmem>>
      %dma_wait3A_85 = arith.constant 0 : i32
      %dma_wait3A_86 = tpu.memref_slice %arg7[%dma_wait3A_85] : memref<128xi32, #tpu.memory_space<vmem>> -> memref<16xi32, #tpu.memory_space<vmem>>
      %dma_wait3A_87 = arith.constant 0 : i32
      %dma_wait3A_88 = arith.constant 0 : i32
      %dma_wait3A_89 = tpu.memref_slice %arg21[%dma_wait3A_87, %dma_wait3A_88] : memref<10000x128xf32, #tpu.memory_space<vmem_shared>> -> memref<10000x128xf32, #tpu.memory_space<vmem_shared>>
      tpu.wait_indirect_dma semaphore(%run_scoped3A : memref<!tpu.dma_semaphore, #tpu.memory_space<semaphore_mem>>) src(%dma_wait3A_84 : memref<16x128xf32, #tpu.memory_space<vmem>>) dst(%dma_wait3A_89 : memref<10000x128xf32, #tpu.memory_space<vmem_shared>>)
      tpu.yield
    }) : () -> ()
    %barrier3A_68 = arith.constant 0 : index
    tpu.barrier barrier_id(%barrier3A_68)
    "tpu.region"() ({
      %run_scoped3A = tpu.sem_alloc : memref<!tpu.dma_semaphore, #tpu.memory_space<semaphore_mem>>
      %dma_start3A_74 = arith.constant 0 : i32
      %dma_start3A_75 = tpu.memref_slice %arg5[%arg0, %mul3A_7, %dma_start3A_74] : memref<2x10000x128xf32, #tpu.memory_space<hbm>> -> memref<1x624x128xf32, #tpu.memory_space<hbm>>
      %dma_start3A_76 = tpu.memref_squeeze %dma_start3A_75 : memref<1x624x128xf32, #tpu.memory_space<hbm>> -> memref<624x128xf32, #tpu.memory_space<hbm>>
      %dma_start3A_77 = arith.constant 0 : i32
      %dma_start3A_78 = tpu.memref_slice %arg21[%mul3A_7, %dma_start3A_77] : memref<10000x128xf32, #tpu.memory_space<vmem_shared>> -> memref<624x128xf32, #tpu.memory_space<vmem_shared>>
      tpu.enqueue_dma source(%dma_start3A_78 : memref<624x128xf32, #tpu.memory_space<vmem_shared>>) target(%dma_start3A_76 : memref<624x128xf32, #tpu.memory_space<hbm>>) target_semaphore(%run_scoped3A : memref<!tpu.dma_semaphore, #tpu.memory_space<semaphore_mem>>)
      %dma_wait3A_79 = arith.constant 0 : i32
      %dma_wait3A_80 = tpu.memref_slice %arg5[%arg0, %mul3A_7, %dma_wait3A_79] : memref<2x10000x128xf32, #tpu.memory_space<hbm>> -> memref<1x624x128xf32, #tpu.memory_space<hbm>>
      %dma_wait3A_81 = tpu.memref_squeeze %dma_wait3A_80 : memref<1x624x128xf32, #tpu.memory_space<hbm>> -> memref<624x128xf32, #tpu.memory_space<hbm>>
      %dma_wait3A_82 = arith.constant 0 : i32
      %dma_wait3A_83 = tpu.memref_slice %arg21[%mul3A_7, %dma_wait3A_82] : memref<10000x128xf32, #tpu.memory_space<vmem_shared>> -> memref<624x128xf32, #tpu.memory_space<vmem_shared>>
      tpu.wait_dma2 semaphore(%run_scoped3A : memref<!tpu.dma_semaphore, #tpu.memory_space<semaphore_mem>>) src(%dma_wait3A_83 : memref<624x128xf32, #tpu.memory_space<vmem_shared>>) dst(%dma_wait3A_81 : memref<624x128xf32, #tpu.memory_space<hbm>>)
      tpu.yield
    }) : () -> ()
    %eq3A_69 = arith.constant 15 : i32
    %eq3A_70 = arith.cmpi eq, %arg1, %eq3A_69 : i32
    %convert_element_type3A_71 = arith.extui %eq3A_70 : i1 to i32
    %cond3A_72 = arith.constant 0 : i32
    %cond3A_73 = arith.cmpi ne, %convert_element_type3A_71, %cond3A_72 : i32
    scf.if %cond3A_73 {
      "tpu.region"() ({
        %run_scoped3A = tpu.sem_alloc : memref<!tpu.dma_semaphore, #tpu.memory_space<semaphore_mem>>
        %dma_start3A_74 = arith.constant 9984 : i32
        %dma_start3A_75 = arith.constant 0 : i32
        %dma_start3A_76 = tpu.memref_slice %arg5[%arg0, %dma_start3A_74, %dma_start3A_75] : memref<2x10000x128xf32, #tpu.memory_space<hbm>> -> memref<1x16x128xf32, #tpu.memory_space<hbm>>
        %dma_start3A_77 = tpu.memref_squeeze %dma_start3A_76 : memref<1x16x128xf32, #tpu.memory_space<hbm>> -> memref<16x128xf32, #tpu.memory_space<hbm>>
        %dma_start3A_78 = arith.constant 9984 : i32
        %dma_start3A_79 = arith.constant 0 : i32
        %dma_start3A_80 = tpu.memref_slice %arg21[%dma_start3A_78, %dma_start3A_79] : memref<10000x128xf32, #tpu.memory_space<vmem_shared>> -> memref<16x128xf32, #tpu.memory_space<vmem_shared>>
        tpu.enqueue_dma source(%dma_start3A_80 : memref<16x128xf32, #tpu.memory_space<vmem_shared>>) target(%dma_start3A_77 : memref<16x128xf32, #tpu.memory_space<hbm>>) target_semaphore(%run_scoped3A : memref<!tpu.dma_semaphore, #tpu.memory_space<semaphore_mem>>)
        %dma_wait3A_81 = arith.constant 9984 : i32
        %dma_wait3A_82 = arith.constant 0 : i32
        %dma_wait3A_83 = tpu.memref_slice %arg5[%arg0, %dma_wait3A_81, %dma_wait3A_82] : memref<2x10000x128xf32, #tpu.memory_space<hbm>> -> memref<1x16x128xf32, #tpu.memory_space<hbm>>
        %dma_wait3A_84 = tpu.memref_squeeze %dma_wait3A_83 : memref<1x16x128xf32, #tpu.memory_space<hbm>> -> memref<16x128xf32, #tpu.memory_space<hbm>>
        %dma_wait3A_85 = arith.constant 9984 : i32
        %dma_wait3A_86 = arith.constant 0 : i32
        %dma_wait3A_87 = tpu.memref_slice %arg21[%dma_wait3A_85, %dma_wait3A_86] : memref<10000x128xf32, #tpu.memory_space<vmem_shared>> -> memref<16x128xf32, #tpu.memory_space<vmem_shared>>
        tpu.wait_dma2 semaphore(%run_scoped3A : memref<!tpu.dma_semaphore, #tpu.memory_space<semaphore_mem>>) src(%dma_wait3A_87 : memref<16x128xf32, #tpu.memory_space<vmem_shared>>) dst(%dma_wait3A_84 : memref<16x128xf32, #tpu.memory_space<hbm>>)
        tpu.yield
      }) : () -> ()
    } else {
    }
    return
  }
}

#map = affine_map<(d0, d1) -> (0, 0)>
#map1 = affine_map<(d0, d1) -> (0)>
#map2 = affine_map<(d0, d1) -> (0, 0, 0)>
module attributes {stable_mosaic.version = 14 : i64} {
  func.func @_sc_scatter_body(%arg0: i32, %arg1: i32, %arg2: memref<10000x128xf32, #tpu.memory_space<hbm>>, %arg3: memref<320000xi32, #tpu.memory_space<hbm>>, %arg4: memref<320000xi32, #tpu.memory_space<hbm>>, %arg5: memref<2x10000x128xf32, #tpu.memory_space<hbm>>, %arg6: memref<128xi32, #tpu.memory_space<vmem>>, %arg7: memref<128xi32, #tpu.memory_space<vmem>>, %arg8: memref<128xi32, #tpu.memory_space<vmem>>, %arg9: memref<128xi32, #tpu.memory_space<vmem>>, %arg10: memref<128xi32, #tpu.memory_space<vmem>>, %arg11: memref<128xi32, #tpu.memory_space<vmem>>, %arg12: memref<128xi32, #tpu.memory_space<vmem>>, %arg13: memref<128xi32, #tpu.memory_space<vmem>>, %arg14: memref<128xi32, #tpu.memory_space<vmem>>, %arg15: memref<128xi32, #tpu.memory_space<vmem>>, %arg16: memref<128xi32, #tpu.memory_space<vmem>>, %arg17: memref<128xi32, #tpu.memory_space<vmem>>, %arg18: memref<128x128xf32, #tpu.memory_space<vmem>>, %arg19: memref<128x128xf32, #tpu.memory_space<vmem>>, %arg20: memref<128x128xf32, #tpu.memory_space<vmem>>, %arg21: memref<10000x128xf32, #tpu.memory_space<vmem_shared>>, %arg22: memref<!tpu.dma_semaphore, #tpu.memory_space<semaphore_mem>>, %arg23: memref<!tpu.dma_semaphore, #tpu.memory_space<semaphore_mem>>, %arg24: memref<!tpu.dma_semaphore, #tpu.memory_space<semaphore_mem>>, %arg25: memref<!tpu.dma_semaphore, #tpu.memory_space<semaphore_mem>>, %arg26: memref<!tpu.dma_semaphore, #tpu.memory_space<semaphore_mem>>, %arg27: memref<!tpu.dma_semaphore, #tpu.memory_space<semaphore_mem>>, %arg28: memref<!tpu.dma_semaphore, #tpu.memory_space<semaphore_mem>>) attributes {dimension_semantics = [#tpu.dimension_semantics<core_parallel>, #tpu.dimension_semantics<subcore_parallel>], iteration_bounds = array<i64: 2, 16>, scalar_prefetch = 0 : i64, scratch_operands = 23 : i64, tpu.core_type = #tpu.core_type<sc_vector_subcore>, window_params = [{transform_indices = #map}, {transform_indices = #map1}, {transform_indices = #map1}, {transform_indices = #map2}]} {
    %mul3A = arith.constant 2 : i32
    %mul3A_0 = arith.muli %arg1, %mul3A : i32
    %add3A = arith.addi %mul3A_0, %arg0 : i32
    %scan3A = arith.constant 0 : i32
    %scan3A_1 = arith.constant 0 : i32
    %scan3A_2 = arith.constant 128 : i32
    %scan3A_3 = arith.addi %scan3A_1, %scan3A_2 : i32
    %scan3A_4 = arith.constant 1 : i32
    scf.for %scan3A_74 = %scan3A_1 to %scan3A_3 step %scan3A_4  : i32 {
      %broadcast_in_dim3A = arith.constant 0.000000e+00 : f32
      %broadcast_in_dim3A_75 = vector.broadcast %broadcast_in_dim3A : f32 to vector<16xf32>
      %swap3A = arith.index_cast %scan3A_74 : i32 to index
      %swap3A_76 = arith.constant 0 : index
      %swap3A_77 = tpu.vector_load %arg18[%swap3A, %swap3A_76] {strides = array<i32>} : memref<128x128xf32, #tpu.memory_space<vmem>>, vector<1x16xf32>,
      %swap3A_78 = vector.shape_cast %swap3A_77 : vector<1x16xf32> to vector<16xf32>
      %swap3A_79 = vector.shape_cast %broadcast_in_dim3A_75 : vector<16xf32> to vector<1x16xf32>
      tpu.vector_store %arg18[%swap3A, %swap3A_76], %swap3A_79 {strides = array<i32>} : memref<128x128xf32, #tpu.memory_space<vmem>>, vector<1x16xf32>,
      %broadcast_in_dim3A_80 = arith.constant 0.000000e+00 : f32
      %broadcast_in_dim3A_81 = vector.broadcast %broadcast_in_dim3A_80 : f32 to vector<16xf32>
      %swap3A_82 = arith.index_cast %scan3A_74 : i32 to index
      %swap3A_83 = arith.constant 16 : index
      %swap3A_84 = tpu.vector_load %arg18[%swap3A_82, %swap3A_83] {strides = array<i32>} : memref<128x128xf32, #tpu.memory_space<vmem>>, vector<1x16xf32>,
      %swap3A_85 = vector.shape_cast %swap3A_84 : vector<1x16xf32> to vector<16xf32>
      %swap3A_86 = vector.shape_cast %broadcast_in_dim3A_81 : vector<16xf32> to vector<1x16xf32>
      tpu.vector_store %arg18[%swap3A_82, %swap3A_83], %swap3A_86 {strides = array<i32>} : memref<128x128xf32, #tpu.memory_space<vmem>>, vector<1x16xf32>,
      %broadcast_in_dim3A_87 = arith.constant 0.000000e+00 : f32
      %broadcast_in_dim3A_88 = vector.broadcast %broadcast_in_dim3A_87 : f32 to vector<16xf32>
      %swap3A_89 = arith.index_cast %scan3A_74 : i32 to index
      %swap3A_90 = arith.constant 32 : index
      %swap3A_91 = tpu.vector_load %arg18[%swap3A_89, %swap3A_90] {strides = array<i32>} : memref<128x128xf32, #tpu.memory_space<vmem>>, vector<1x16xf32>,
      %swap3A_92 = vector.shape_cast %swap3A_91 : vector<1x16xf32> to vector<16xf32>
      %swap3A_93 = vector.shape_cast %broadcast_in_dim3A_88 : vector<16xf32> to vector<1x16xf32>
      tpu.vector_store %arg18[%swap3A_89, %swap3A_90], %swap3A_93 {strides = array<i32>} : memref<128x128xf32, #tpu.memory_space<vmem>>, vector<1x16xf32>,
      %broadcast_in_dim3A_94 = arith.constant 0.000000e+00 : f32
      %broadcast_in_dim3A_95 = vector.broadcast %broadcast_in_dim3A_94 : f32 to vector<16xf32>
      %swap3A_96 = arith.index_cast %scan3A_74 : i32 to index
      %swap3A_97 = arith.constant 48 : index
      %swap3A_98 = tpu.vector_load %arg18[%swap3A_96, %swap3A_97] {strides = array<i32>} : memref<128x128xf32, #tpu.memory_space<vmem>>, vector<1x16xf32>,
      %swap3A_99 = vector.shape_cast %swap3A_98 : vector<1x16xf32> to vector<16xf32>
      %swap3A_100 = vector.shape_cast %broadcast_in_dim3A_95 : vector<16xf32> to vector<1x16xf32>
      tpu.vector_store %arg18[%swap3A_96, %swap3A_97], %swap3A_100 {strides = array<i32>} : memref<128x128xf32, #tpu.memory_space<vmem>>, vector<1x16xf32>,
      %broadcast_in_dim3A_101 = arith.constant 0.000000e+00 : f32
      %broadcast_in_dim3A_102 = vector.broadcast %broadcast_in_dim3A_101 : f32 to vector<16xf32>
      %swap3A_103 = arith.index_cast %scan3A_74 : i32 to index
      %swap3A_104 = arith.constant 64 : index
      %swap3A_105 = tpu.vector_load %arg18[%swap3A_103, %swap3A_104] {strides = array<i32>} : memref<128x128xf32, #tpu.memory_space<vmem>>, vector<1x16xf32>,
      %swap3A_106 = vector.shape_cast %swap3A_105 : vector<1x16xf32> to vector<16xf32>
      %swap3A_107 = vector.shape_cast %broadcast_in_dim3A_102 : vector<16xf32> to vector<1x16xf32>
      tpu.vector_store %arg18[%swap3A_103, %swap3A_104], %swap3A_107 {strides = array<i32>} : memref<128x128xf32, #tpu.memory_space<vmem>>, vector<1x16xf32>,
      %broadcast_in_dim3A_108 = arith.constant 0.000000e+00 : f32
      %broadcast_in_dim3A_109 = vector.broadcast %broadcast_in_dim3A_108 : f32 to vector<16xf32>
      %swap3A_110 = arith.index_cast %scan3A_74 : i32 to index
      %swap3A_111 = arith.constant 80 : index
      %swap3A_112 = tpu.vector_load %arg18[%swap3A_110, %swap3A_111] {strides = array<i32>} : memref<128x128xf32, #tpu.memory_space<vmem>>, vector<1x16xf32>,
      %swap3A_113 = vector.shape_cast %swap3A_112 : vector<1x16xf32> to vector<16xf32>
      %swap3A_114 = vector.shape_cast %broadcast_in_dim3A_109 : vector<16xf32> to vector<1x16xf32>
      tpu.vector_store %arg18[%swap3A_110, %swap3A_111], %swap3A_114 {strides = array<i32>} : memref<128x128xf32, #tpu.memory_space<vmem>>, vector<1x16xf32>,
      %broadcast_in_dim3A_115 = arith.constant 0.000000e+00 : f32
      %broadcast_in_dim3A_116 = vector.broadcast %broadcast_in_dim3A_115 : f32 to vector<16xf32>
      %swap3A_117 = arith.index_cast %scan3A_74 : i32 to index
      %swap3A_118 = arith.constant 96 : index
      %swap3A_119 = tpu.vector_load %arg18[%swap3A_117, %swap3A_118] {strides = array<i32>} : memref<128x128xf32, #tpu.memory_space<vmem>>, vector<1x16xf32>,
      %swap3A_120 = vector.shape_cast %swap3A_119 : vector<1x16xf32> to vector<16xf32>
      %swap3A_121 = vector.shape_cast %broadcast_in_dim3A_116 : vector<16xf32> to vector<1x16xf32>
      tpu.vector_store %arg18[%swap3A_117, %swap3A_118], %swap3A_121 {strides = array<i32>} : memref<128x128xf32, #tpu.memory_space<vmem>>, vector<1x16xf32>,
      %broadcast_in_dim3A_122 = arith.constant 0.000000e+00 : f32
      %broadcast_in_dim3A_123 = vector.broadcast %broadcast_in_dim3A_122 : f32 to vector<16xf32>
      %swap3A_124 = arith.index_cast %scan3A_74 : i32 to index
      %swap3A_125 = arith.constant 112 : index
      %swap3A_126 = tpu.vector_load %arg18[%swap3A_124, %swap3A_125] {strides = array<i32>} : memref<128x128xf32, #tpu.memory_space<vmem>>, vector<1x16xf32>,
      %swap3A_127 = vector.shape_cast %swap3A_126 : vector<1x16xf32> to vector<16xf32>
      %swap3A_128 = vector.shape_cast %broadcast_in_dim3A_123 : vector<16xf32> to vector<1x16xf32>
      tpu.vector_store %arg18[%swap3A_124, %swap3A_125], %swap3A_128 {strides = array<i32>} : memref<128x128xf32, #tpu.memory_space<vmem>>, vector<1x16xf32>,
    }
    %scan3A_5 = arith.constant 128 : i32
    %mul3A_6 = arith.constant 624 : i32
    %mul3A_7 = arith.muli %arg1, %mul3A_6 : i32
    %add3A_8 = arith.constant 0 : i32
    %add3A_9 = arith.addi %mul3A_7, %add3A_8 : i32
    "tpu.region"() ({
      %run_scoped3A = tpu.sem_alloc : memref<!tpu.dma_semaphore, #tpu.memory_space<semaphore_mem>>
      %dma_start3A_74 = arith.constant 0 : i32
      %dma_start3A_75 = arith.constant 0 : i32
      %dma_start3A_76 = tpu.memref_slice %arg18[%dma_start3A_74, %dma_start3A_75] : memref<128x128xf32, #tpu.memory_space<vmem>> -> memref<128x128xf32, #tpu.memory_space<vmem>>
      %dma_start3A_77 = arith.constant 0 : i32
      %dma_start3A_78 = tpu.memref_slice %arg21[%add3A_9, %dma_start3A_77] : memref<10000x128xf32, #tpu.memory_space<vmem_shared>> -> memref<128x128xf32, #tpu.memory_space<vmem_shared>>
      %dma_start3A_79 = arith.constant 0 : i32
      %dma_start3A_80 = tpu.memref_slice %arg21[%add3A_9, %dma_start3A_79] : memref<10000x128xf32, #tpu.memory_space<vmem_shared>> -> memref<128x128xf32, #tpu.memory_space<vmem_shared>>
      %dma_start3A_81 = arith.constant 0 : i32
      %dma_start3A_82 = arith.constant 0 : i32
      %dma_start3A_83 = tpu.memref_slice %arg18[%dma_start3A_81, %dma_start3A_82] : memref<128x128xf32, #tpu.memory_space<vmem>> -> memref<128x128xf32, #tpu.memory_space<vmem>>
      tpu.enqueue_dma source(%dma_start3A_83 : memref<128x128xf32, #tpu.memory_space<vmem>>) target(%dma_start3A_80 : memref<128x128xf32, #tpu.memory_space<vmem_shared>>) target_semaphore(%run_scoped3A : memref<!tpu.dma_semaphore, #tpu.memory_space<semaphore_mem>>)
      %dma_wait3A_84 = arith.constant 0 : i32
      %dma_wait3A_85 = arith.constant 0 : i32
      %dma_wait3A_86 = tpu.memref_slice %arg18[%dma_wait3A_84, %dma_wait3A_85] : memref<128x128xf32, #tpu.memory_space<vmem>> -> memref<128x128xf32, #tpu.memory_space<vmem>>
      %dma_wait3A_87 = arith.constant 0 : i32
      %dma_wait3A_88 = tpu.memref_slice %arg21[%add3A_9, %dma_wait3A_87] : memref<10000x128xf32, #tpu.memory_space<vmem_shared>> -> memref<128x128xf32, #tpu.memory_space<vmem_shared>>
      %dma_wait3A_89 = arith.constant 0 : i32
      %dma_wait3A_90 = tpu.memref_slice %arg21[%add3A_9, %dma_wait3A_89] : memref<10000x128xf32, #tpu.memory_space<vmem_shared>> -> memref<128x128xf32, #tpu.memory_space<vmem_shared>>
      %dma_wait3A_91 = arith.constant 0 : i32
      %dma_wait3A_92 = arith.constant 0 : i32
      %dma_wait3A_93 = tpu.memref_slice %arg18[%dma_wait3A_91, %dma_wait3A_92] : memref<128x128xf32, #tpu.memory_space<vmem>> -> memref<128x128xf32, #tpu.memory_space<vmem>>
      tpu.wait_dma2 semaphore(%run_scoped3A : memref<!tpu.dma_semaphore, #tpu.memory_space<semaphore_mem>>) src(%dma_wait3A_93 : memref<128x128xf32, #tpu.memory_space<vmem>>) dst(%dma_wait3A_90 : memref<128x128xf32, #tpu.memory_space<vmem_shared>>)
      tpu.yield
    }) : () -> ()
    %add3A_10 = arith.constant 128 : i32
    %add3A_11 = arith.addi %mul3A_7, %add3A_10 : i32
    "tpu.region"() ({
      %run_scoped3A = tpu.sem_alloc : memref<!tpu.dma_semaphore, #tpu.memory_space<semaphore_mem>>
      %dma_start3A_74 = arith.constant 0 : i32
      %dma_start3A_75 = arith.constant 0 : i32
      %dma_start3A_76 = tpu.memref_slice %arg18[%dma_start3A_74, %dma_start3A_75] : memref<128x128xf32, #tpu.memory_space<vmem>> -> memref<128x128xf32, #tpu.memory_space<vmem>>
      %dma_start3A_77 = arith.constant 0 : i32
      %dma_start3A_78 = tpu.memref_slice %arg21[%add3A_11, %dma_start3A_77] : memref<10000x128xf32, #tpu.memory_space<vmem_shared>> -> memref<128x128xf32, #tpu.memory_space<vmem_shared>>
      %dma_start3A_79 = arith.constant 0 : i32
      %dma_start3A_80 = tpu.memref_slice %arg21[%add3A_11, %dma_start3A_79] : memref<10000x128xf32, #tpu.memory_space<vmem_shared>> -> memref<128x128xf32, #tpu.memory_space<vmem_shared>>
      %dma_start3A_81 = arith.constant 0 : i32
      %dma_start3A_82 = arith.constant 0 : i32
      %dma_start3A_83 = tpu.memref_slice %arg18[%dma_start3A_81, %dma_start3A_82] : memref<128x128xf32, #tpu.memory_space<vmem>> -> memref<128x128xf32, #tpu.memory_space<vmem>>
      tpu.enqueue_dma source(%dma_start3A_83 : memref<128x128xf32, #tpu.memory_space<vmem>>) target(%dma_start3A_80 : memref<128x128xf32, #tpu.memory_space<vmem_shared>>) target_semaphore(%run_scoped3A : memref<!tpu.dma_semaphore, #tpu.memory_space<semaphore_mem>>)
      %dma_wait3A_84 = arith.constant 0 : i32
      %dma_wait3A_85 = arith.constant 0 : i32
      %dma_wait3A_86 = tpu.memref_slice %arg18[%dma_wait3A_84, %dma_wait3A_85] : memref<128x128xf32, #tpu.memory_space<vmem>> -> memref<128x128xf32, #tpu.memory_space<vmem>>
      %dma_wait3A_87 = arith.constant 0 : i32
      %dma_wait3A_88 = tpu.memref_slice %arg21[%add3A_11, %dma_wait3A_87] : memref<10000x128xf32, #tpu.memory_space<vmem_shared>> -> memref<128x128xf32, #tpu.memory_space<vmem_shared>>
      %dma_wait3A_89 = arith.constant 0 : i32
      %dma_wait3A_90 = tpu.memref_slice %arg21[%add3A_11, %dma_wait3A_89] : memref<10000x128xf32, #tpu.memory_space<vmem_shared>> -> memref<128x128xf32, #tpu.memory_space<vmem_shared>>
      %dma_wait3A_91 = arith.constant 0 : i32
      %dma_wait3A_92 = arith.constant 0 : i32
      %dma_wait3A_93 = tpu.memref_slice %arg18[%dma_wait3A_91, %dma_wait3A_92] : memref<128x128xf32, #tpu.memory_space<vmem>> -> memref<128x128xf32, #tpu.memory_space<vmem>>
      tpu.wait_dma2 semaphore(%run_scoped3A : memref<!tpu.dma_semaphore, #tpu.memory_space<semaphore_mem>>) src(%dma_wait3A_93 : memref<128x128xf32, #tpu.memory_space<vmem>>) dst(%dma_wait3A_90 : memref<128x128xf32, #tpu.memory_space<vmem_shared>>)
      tpu.yield
    }) : () -> ()
    %add3A_12 = arith.constant 256 : i32
    %add3A_13 = arith.addi %mul3A_7, %add3A_12 : i32
    "tpu.region"() ({
      %run_scoped3A = tpu.sem_alloc : memref<!tpu.dma_semaphore, #tpu.memory_space<semaphore_mem>>
      %dma_start3A_74 = arith.constant 0 : i32
      %dma_start3A_75 = arith.constant 0 : i32
      %dma_start3A_76 = tpu.memref_slice %arg18[%dma_start3A_74, %dma_start3A_75] : memref<128x128xf32, #tpu.memory_space<vmem>> -> memref<128x128xf32, #tpu.memory_space<vmem>>
      %dma_start3A_77 = arith.constant 0 : i32
      %dma_start3A_78 = tpu.memref_slice %arg21[%add3A_13, %dma_start3A_77] : memref<10000x128xf32, #tpu.memory_space<vmem_shared>> -> memref<128x128xf32, #tpu.memory_space<vmem_shared>>
      %dma_start3A_79 = arith.constant 0 : i32
      %dma_start3A_80 = tpu.memref_slice %arg21[%add3A_13, %dma_start3A_79] : memref<10000x128xf32, #tpu.memory_space<vmem_shared>> -> memref<128x128xf32, #tpu.memory_space<vmem_shared>>
      %dma_start3A_81 = arith.constant 0 : i32
      %dma_start3A_82 = arith.constant 0 : i32
      %dma_start3A_83 = tpu.memref_slice %arg18[%dma_start3A_81, %dma_start3A_82] : memref<128x128xf32, #tpu.memory_space<vmem>> -> memref<128x128xf32, #tpu.memory_space<vmem>>
      tpu.enqueue_dma source(%dma_start3A_83 : memref<128x128xf32, #tpu.memory_space<vmem>>) target(%dma_start3A_80 : memref<128x128xf32, #tpu.memory_space<vmem_shared>>) target_semaphore(%run_scoped3A : memref<!tpu.dma_semaphore, #tpu.memory_space<semaphore_mem>>)
      %dma_wait3A_84 = arith.constant 0 : i32
      %dma_wait3A_85 = arith.constant 0 : i32
      %dma_wait3A_86 = tpu.memref_slice %arg18[%dma_wait3A_84, %dma_wait3A_85] : memref<128x128xf32, #tpu.memory_space<vmem>> -> memref<128x128xf32, #tpu.memory_space<vmem>>
      %dma_wait3A_87 = arith.constant 0 : i32
      %dma_wait3A_88 = tpu.memref_slice %arg21[%add3A_13, %dma_wait3A_87] : memref<10000x128xf32, #tpu.memory_space<vmem_shared>> -> memref<128x128xf32, #tpu.memory_space<vmem_shared>>
      %dma_wait3A_89 = arith.constant 0 : i32
      %dma_wait3A_90 = tpu.memref_slice %arg21[%add3A_13, %dma_wait3A_89] : memref<10000x128xf32, #tpu.memory_space<vmem_shared>> -> memref<128x128xf32, #tpu.memory_space<vmem_shared>>
      %dma_wait3A_91 = arith.constant 0 : i32
      %dma_wait3A_92 = arith.constant 0 : i32
      %dma_wait3A_93 = tpu.memref_slice %arg18[%dma_wait3A_91, %dma_wait3A_92] : memref<128x128xf32, #tpu.memory_space<vmem>> -> memref<128x128xf32, #tpu.memory_space<vmem>>
      tpu.wait_dma2 semaphore(%run_scoped3A : memref<!tpu.dma_semaphore, #tpu.memory_space<semaphore_mem>>) src(%dma_wait3A_93 : memref<128x128xf32, #tpu.memory_space<vmem>>) dst(%dma_wait3A_90 : memref<128x128xf32, #tpu.memory_space<vmem_shared>>)
      tpu.yield
    }) : () -> ()
    %add3A_14 = arith.constant 384 : i32
    %add3A_15 = arith.addi %mul3A_7, %add3A_14 : i32
    "tpu.region"() ({
      %run_scoped3A = tpu.sem_alloc : memref<!tpu.dma_semaphore, #tpu.memory_space<semaphore_mem>>
      %dma_start3A_74 = arith.constant 0 : i32
      %dma_start3A_75 = arith.constant 0 : i32
      %dma_start3A_76 = tpu.memref_slice %arg18[%dma_start3A_74, %dma_start3A_75] : memref<128x128xf32, #tpu.memory_space<vmem>> -> memref<128x128xf32, #tpu.memory_space<vmem>>
      %dma_start3A_77 = arith.constant 0 : i32
      %dma_start3A_78 = tpu.memref_slice %arg21[%add3A_15, %dma_start3A_77] : memref<10000x128xf32, #tpu.memory_space<vmem_shared>> -> memref<128x128xf32, #tpu.memory_space<vmem_shared>>
      %dma_start3A_79 = arith.constant 0 : i32
      %dma_start3A_80 = tpu.memref_slice %arg21[%add3A_15, %dma_start3A_79] : memref<10000x128xf32, #tpu.memory_space<vmem_shared>> -> memref<128x128xf32, #tpu.memory_space<vmem_shared>>
      %dma_start3A_81 = arith.constant 0 : i32
      %dma_start3A_82 = arith.constant 0 : i32
      %dma_start3A_83 = tpu.memref_slice %arg18[%dma_start3A_81, %dma_start3A_82] : memref<128x128xf32, #tpu.memory_space<vmem>> -> memref<128x128xf32, #tpu.memory_space<vmem>>
      tpu.enqueue_dma source(%dma_start3A_83 : memref<128x128xf32, #tpu.memory_space<vmem>>) target(%dma_start3A_80 : memref<128x128xf32, #tpu.memory_space<vmem_shared>>) target_semaphore(%run_scoped3A : memref<!tpu.dma_semaphore, #tpu.memory_space<semaphore_mem>>)
      %dma_wait3A_84 = arith.constant 0 : i32
      %dma_wait3A_85 = arith.constant 0 : i32
      %dma_wait3A_86 = tpu.memref_slice %arg18[%dma_wait3A_84, %dma_wait3A_85] : memref<128x128xf32, #tpu.memory_space<vmem>> -> memref<128x128xf32, #tpu.memory_space<vmem>>
      %dma_wait3A_87 = arith.constant 0 : i32
      %dma_wait3A_88 = tpu.memref_slice %arg21[%add3A_15, %dma_wait3A_87] : memref<10000x128xf32, #tpu.memory_space<vmem_shared>> -> memref<128x128xf32, #tpu.memory_space<vmem_shared>>
      %dma_wait3A_89 = arith.constant 0 : i32
      %dma_wait3A_90 = tpu.memref_slice %arg21[%add3A_15, %dma_wait3A_89] : memref<10000x128xf32, #tpu.memory_space<vmem_shared>> -> memref<128x128xf32, #tpu.memory_space<vmem_shared>>
      %dma_wait3A_91 = arith.constant 0 : i32
      %dma_wait3A_92 = arith.constant 0 : i32
      %dma_wait3A_93 = tpu.memref_slice %arg18[%dma_wait3A_91, %dma_wait3A_92] : memref<128x128xf32, #tpu.memory_space<vmem>> -> memref<128x128xf32, #tpu.memory_space<vmem>>
      tpu.wait_dma2 semaphore(%run_scoped3A : memref<!tpu.dma_semaphore, #tpu.memory_space<semaphore_mem>>) src(%dma_wait3A_93 : memref<128x128xf32, #tpu.memory_space<vmem>>) dst(%dma_wait3A_90 : memref<128x128xf32, #tpu.memory_space<vmem_shared>>)
      tpu.yield
    }) : () -> ()
    %add3A_16 = arith.constant 512 : i32
    %add3A_17 = arith.addi %mul3A_7, %add3A_16 : i32
    "tpu.region"() ({
      %run_scoped3A = tpu.sem_alloc : memref<!tpu.dma_semaphore, #tpu.memory_space<semaphore_mem>>
      %dma_start3A_74 = arith.constant 0 : i32
      %dma_start3A_75 = arith.constant 0 : i32
      %dma_start3A_76 = tpu.memref_slice %arg18[%dma_start3A_74, %dma_start3A_75] : memref<128x128xf32, #tpu.memory_space<vmem>> -> memref<112x128xf32, #tpu.memory_space<vmem>>
      %dma_start3A_77 = arith.constant 0 : i32
      %dma_start3A_78 = tpu.memref_slice %arg21[%add3A_17, %dma_start3A_77] : memref<10000x128xf32, #tpu.memory_space<vmem_shared>> -> memref<112x128xf32, #tpu.memory_space<vmem_shared>>
      %dma_start3A_79 = arith.constant 0 : i32
      %dma_start3A_80 = tpu.memref_slice %arg21[%add3A_17, %dma_start3A_79] : memref<10000x128xf32, #tpu.memory_space<vmem_shared>> -> memref<112x128xf32, #tpu.memory_space<vmem_shared>>
      %dma_start3A_81 = arith.constant 0 : i32
      %dma_start3A_82 = arith.constant 0 : i32
      %dma_start3A_83 = tpu.memref_slice %arg18[%dma_start3A_81, %dma_start3A_82] : memref<128x128xf32, #tpu.memory_space<vmem>> -> memref<112x128xf32, #tpu.memory_space<vmem>>
      tpu.enqueue_dma source(%dma_start3A_83 : memref<112x128xf32, #tpu.memory_space<vmem>>) target(%dma_start3A_80 : memref<112x128xf32, #tpu.memory_space<vmem_shared>>) target_semaphore(%run_scoped3A : memref<!tpu.dma_semaphore, #tpu.memory_space<semaphore_mem>>)
      %dma_wait3A_84 = arith.constant 0 : i32
      %dma_wait3A_85 = arith.constant 0 : i32
      %dma_wait3A_86 = tpu.memref_slice %arg18[%dma_wait3A_84, %dma_wait3A_85] : memref<128x128xf32, #tpu.memory_space<vmem>> -> memref<112x128xf32, #tpu.memory_space<vmem>>
      %dma_wait3A_87 = arith.constant 0 : i32
      %dma_wait3A_88 = tpu.memref_slice %arg21[%add3A_17, %dma_wait3A_87] : memref<10000x128xf32, #tpu.memory_space<vmem_shared>> -> memref<112x128xf32, #tpu.memory_space<vmem_shared>>
      %dma_wait3A_89 = arith.constant 0 : i32
      %dma_wait3A_90 = tpu.memref_slice %arg21[%add3A_17, %dma_wait3A_89] : memref<10000x128xf32, #tpu.memory_space<vmem_shared>> -> memref<112x128xf32, #tpu.memory_space<vmem_shared>>
      %dma_wait3A_91 = arith.constant 0 : i32
      %dma_wait3A_92 = arith.constant 0 : i32
      %dma_wait3A_93 = tpu.memref_slice %arg18[%dma_wait3A_91, %dma_wait3A_92] : memref<128x128xf32, #tpu.memory_space<vmem>> -> memref<112x128xf32, #tpu.memory_space<vmem>>
      tpu.wait_dma2 semaphore(%run_scoped3A : memref<!tpu.dma_semaphore, #tpu.memory_space<semaphore_mem>>) src(%dma_wait3A_93 : memref<112x128xf32, #tpu.memory_space<vmem>>) dst(%dma_wait3A_90 : memref<112x128xf32, #tpu.memory_space<vmem_shared>>)
      tpu.yield
    }) : () -> ()
    %eq3A = arith.constant 15 : i32
    %eq3A_18 = arith.cmpi eq, %arg1, %eq3A : i32
    %convert_element_type3A = arith.extui %eq3A_18 : i1 to i32
    %cond3A = arith.constant 0 : i32
    %cond3A_19 = arith.cmpi ne, %convert_element_type3A, %cond3A : i32
    scf.if %cond3A_19 {
      "tpu.region"() ({
        %run_scoped3A = tpu.sem_alloc : memref<!tpu.dma_semaphore, #tpu.memory_space<semaphore_mem>>
        %dma_start3A_74 = arith.constant 0 : i32
        %dma_start3A_75 = arith.constant 0 : i32
        %dma_start3A_76 = tpu.memref_slice %arg18[%dma_start3A_74, %dma_start3A_75] : memref<128x128xf32, #tpu.memory_space<vmem>> -> memref<16x128xf32, #tpu.memory_space<vmem>>
        %dma_start3A_77 = arith.constant 9984 : i32
        %dma_start3A_78 = arith.constant 0 : i32
        %dma_start3A_79 = tpu.memref_slice %arg21[%dma_start3A_77, %dma_start3A_78] : memref<10000x128xf32, #tpu.memory_space<vmem_shared>> -> memref<16x128xf32, #tpu.memory_space<vmem_shared>>
        %dma_start3A_80 = arith.constant 9984 : i32
        %dma_start3A_81 = arith.constant 0 : i32
        %dma_start3A_82 = tpu.memref_slice %arg21[%dma_start3A_80, %dma_start3A_81] : memref<10000x128xf32, #tpu.memory_space<vmem_shared>> -> memref<16x128xf32, #tpu.memory_space<vmem_shared>>
        %dma_start3A_83 = arith.constant 0 : i32
        %dma_start3A_84 = arith.constant 0 : i32
        %dma_start3A_85 = tpu.memref_slice %arg18[%dma_start3A_83, %dma_start3A_84] : memref<128x128xf32, #tpu.memory_space<vmem>> -> memref<16x128xf32, #tpu.memory_space<vmem>>
        tpu.enqueue_dma source(%dma_start3A_85 : memref<16x128xf32, #tpu.memory_space<vmem>>) target(%dma_start3A_82 : memref<16x128xf32, #tpu.memory_space<vmem_shared>>) target_semaphore(%run_scoped3A : memref<!tpu.dma_semaphore, #tpu.memory_space<semaphore_mem>>)
        %dma_wait3A_86 = arith.constant 0 : i32
        %dma_wait3A_87 = arith.constant 0 : i32
        %dma_wait3A_88 = tpu.memref_slice %arg18[%dma_wait3A_86, %dma_wait3A_87] : memref<128x128xf32, #tpu.memory_space<vmem>> -> memref<16x128xf32, #tpu.memory_space<vmem>>
        %dma_wait3A_89 = arith.constant 9984 : i32
        %dma_wait3A_90 = arith.constant 0 : i32
        %dma_wait3A_91 = tpu.memref_slice %arg21[%dma_wait3A_89, %dma_wait3A_90] : memref<10000x128xf32, #tpu.memory_space<vmem_shared>> -> memref<16x128xf32, #tpu.memory_space<vmem_shared>>
        %dma_wait3A_92 = arith.constant 9984 : i32
        %dma_wait3A_93 = arith.constant 0 : i32
        %dma_wait3A_94 = tpu.memref_slice %arg21[%dma_wait3A_92, %dma_wait3A_93] : memref<10000x128xf32, #tpu.memory_space<vmem_shared>> -> memref<16x128xf32, #tpu.memory_space<vmem_shared>>
        %dma_wait3A_95 = arith.constant 0 : i32
        %dma_wait3A_96 = arith.constant 0 : i32
        %dma_wait3A_97 = tpu.memref_slice %arg18[%dma_wait3A_95, %dma_wait3A_96] : memref<128x128xf32, #tpu.memory_space<vmem>> -> memref<16x128xf32, #tpu.memory_space<vmem>>
        tpu.wait_dma2 semaphore(%run_scoped3A : memref<!tpu.dma_semaphore, #tpu.memory_space<semaphore_mem>>) src(%dma_wait3A_97 : memref<16x128xf32, #tpu.memory_space<vmem>>) dst(%dma_wait3A_94 : memref<16x128xf32, #tpu.memory_space<vmem_shared>>)
        tpu.yield
      }) : () -> ()
    } else {
    }
    %barrier3A = arith.constant 0 : index
    tpu.barrier barrier_id(%barrier3A)
    %mul3A_20 = arith.constant 10000 : i32
    %mul3A_21 = arith.muli %add3A, %mul3A_20 : i32
    %add3A_22 = arith.constant 0 : i32
    %add3A_23 = arith.addi %mul3A_21, %add3A_22 : i32
    %dma_start3A = tpu.memref_slice %arg3[%add3A_23] : memref<320000xi32, #tpu.memory_space<hbm>> -> memref<128xi32, #tpu.memory_space<hbm>>
    %dma_start3A_24 = tpu.memref_slice %arg3[%add3A_23] : memref<320000xi32, #tpu.memory_space<hbm>> -> memref<128xi32, #tpu.memory_space<hbm>>
    tpu.enqueue_dma source(%dma_start3A_24 : memref<128xi32, #tpu.memory_space<hbm>>) target(%arg6 : memref<128xi32, #tpu.memory_space<vmem>>) target_semaphore(%arg22 : memref<!tpu.dma_semaphore, #tpu.memory_space<semaphore_mem>>)
    %add3A_25 = arith.constant 0 : i32
    %add3A_26 = arith.addi %mul3A_21, %add3A_25 : i32
    %dma_start3A_27 = tpu.memref_slice %arg4[%add3A_26] : memref<320000xi32, #tpu.memory_space<hbm>> -> memref<128xi32, #tpu.memory_space<hbm>>
    %dma_start3A_28 = tpu.memref_slice %arg4[%add3A_26] : memref<320000xi32, #tpu.memory_space<hbm>> -> memref<128xi32, #tpu.memory_space<hbm>>
    tpu.enqueue_dma source(%dma_start3A_28 : memref<128xi32, #tpu.memory_space<hbm>>) target(%arg7 : memref<128xi32, #tpu.memory_space<vmem>>) target_semaphore(%arg22 : memref<!tpu.dma_semaphore, #tpu.memory_space<semaphore_mem>>)
    %add3A_29 = arith.constant 128 : i32
    %add3A_30 = arith.addi %mul3A_21, %add3A_29 : i32
    %dma_start3A_31 = tpu.memref_slice %arg3[%add3A_30] : memref<320000xi32, #tpu.memory_space<hbm>> -> memref<128xi32, #tpu.memory_space<hbm>>
    %dma_start3A_32 = tpu.memref_slice %arg3[%add3A_30] : memref<320000xi32, #tpu.memory_space<hbm>> -> memref<128xi32, #tpu.memory_space<hbm>>
    tpu.enqueue_dma source(%dma_start3A_32 : memref<128xi32, #tpu.memory_space<hbm>>) target(%arg8 : memref<128xi32, #tpu.memory_space<vmem>>) target_semaphore(%arg22 : memref<!tpu.dma_semaphore, #tpu.memory_space<semaphore_mem>>)
    %add3A_33 = arith.constant 128 : i32
    %add3A_34 = arith.addi %mul3A_21, %add3A_33 : i32
    %dma_start3A_35 = tpu.memref_slice %arg4[%add3A_34] : memref<320000xi32, #tpu.memory_space<hbm>> -> memref<128xi32, #tpu.memory_space<hbm>>
    %dma_start3A_36 = tpu.memref_slice %arg4[%add3A_34] : memref<320000xi32, #tpu.memory_space<hbm>> -> memref<128xi32, #tpu.memory_space<hbm>>
    tpu.enqueue_dma source(%dma_start3A_36 : memref<128xi32, #tpu.memory_space<hbm>>) target(%arg9 : memref<128xi32, #tpu.memory_space<vmem>>) target_semaphore(%arg22 : memref<!tpu.dma_semaphore, #tpu.memory_space<semaphore_mem>>)
    %add3A_37 = arith.constant 256 : i32
    %add3A_38 = arith.addi %mul3A_21, %add3A_37 : i32
    %dma_start3A_39 = tpu.memref_slice %arg3[%add3A_38] : memref<320000xi32, #tpu.memory_space<hbm>> -> memref<128xi32, #tpu.memory_space<hbm>>
    %dma_start3A_40 = tpu.memref_slice %arg3[%add3A_38] : memref<320000xi32, #tpu.memory_space<hbm>> -> memref<128xi32, #tpu.memory_space<hbm>>
    tpu.enqueue_dma source(%dma_start3A_40 : memref<128xi32, #tpu.memory_space<hbm>>) target(%arg10 : memref<128xi32, #tpu.memory_space<vmem>>) target_semaphore(%arg22 : memref<!tpu.dma_semaphore, #tpu.memory_space<semaphore_mem>>)
    %add3A_41 = arith.constant 256 : i32
    %add3A_42 = arith.addi %mul3A_21, %add3A_41 : i32
    %dma_start3A_43 = tpu.memref_slice %arg4[%add3A_42] : memref<320000xi32, #tpu.memory_space<hbm>> -> memref<128xi32, #tpu.memory_space<hbm>>
    %dma_start3A_44 = tpu.memref_slice %arg4[%add3A_42] : memref<320000xi32, #tpu.memory_space<hbm>> -> memref<128xi32, #tpu.memory_space<hbm>>
    tpu.enqueue_dma source(%dma_start3A_44 : memref<128xi32, #tpu.memory_space<hbm>>) target(%arg11 : memref<128xi32, #tpu.memory_space<vmem>>) target_semaphore(%arg22 : memref<!tpu.dma_semaphore, #tpu.memory_space<semaphore_mem>>)
    %scan3A_45 = arith.constant 0 : i32
    %scan3A_46 = arith.constant 0 : i32
    %scan3A_47 = arith.constant 13 : i32
    %scan3A_48 = arith.addi %scan3A_46, %scan3A_47 : i32
    %scan3A_49 = arith.constant 1 : i32
    scf.for %scan3A_74 = %scan3A_46 to %scan3A_48 step %scan3A_49  : i32 {
      %mul3A_75 = arith.constant 6 : i32
      %mul3A_76 = arith.muli %mul3A_75, %scan3A_74 : i32
      %mul3A_77 = arith.constant 128 : i32
      %mul3A_78 = arith.muli %mul3A_76, %mul3A_77 : i32
      %add3A_79 = arith.addi %mul3A_21, %mul3A_78 : i32
      %add3A_80 = arith.constant 384 : i32
      %add3A_81 = arith.addi %add3A_79, %add3A_80 : i32
      %dma_start3A_82 = tpu.memref_slice %arg3[%add3A_81] : memref<320000xi32, #tpu.memory_space<hbm>> -> memref<128xi32, #tpu.memory_space<hbm>>
      %dma_start3A_83 = tpu.memref_slice %arg3[%add3A_81] : memref<320000xi32, #tpu.memory_space<hbm>> -> memref<128xi32, #tpu.memory_space<hbm>>
      tpu.enqueue_dma source(%dma_start3A_83 : memref<128xi32, #tpu.memory_space<hbm>>) target(%arg12 : memref<128xi32, #tpu.memory_space<vmem>>) target_semaphore(%arg22 : memref<!tpu.dma_semaphore, #tpu.memory_space<semaphore_mem>>)
      %add3A_84 = arith.constant 384 : i32
      %add3A_85 = arith.addi %add3A_79, %add3A_84 : i32
      %dma_start3A_86 = tpu.memref_slice %arg4[%add3A_85] : memref<320000xi32, #tpu.memory_space<hbm>> -> memref<128xi32, #tpu.memory_space<hbm>>
      %dma_start3A_87 = tpu.memref_slice %arg4[%add3A_85] : memref<320000xi32, #tpu.memory_space<hbm>> -> memref<128xi32, #tpu.memory_space<hbm>>
      tpu.enqueue_dma source(%dma_start3A_87 : memref<128xi32, #tpu.memory_space<hbm>>) target(%arg13 : memref<128xi32, #tpu.memory_space<vmem>>) target_semaphore(%arg22 : memref<!tpu.dma_semaphore, #tpu.memory_space<semaphore_mem>>)
      %add3A_88 = arith.constant 512 : i32
      %add3A_89 = arith.addi %add3A_79, %add3A_88 : i32
      %dma_start3A_90 = tpu.memref_slice %arg3[%add3A_89] : memref<320000xi32, #tpu.memory_space<hbm>> -> memref<128xi32, #tpu.memory_space<hbm>>
      %dma_start3A_91 = tpu.memref_slice %arg3[%add3A_89] : memref<320000xi32, #tpu.memory_space<hbm>> -> memref<128xi32, #tpu.memory_space<hbm>>
      tpu.enqueue_dma source(%dma_start3A_91 : memref<128xi32, #tpu.memory_space<hbm>>) target(%arg14 : memref<128xi32, #tpu.memory_space<vmem>>) target_semaphore(%arg22 : memref<!tpu.dma_semaphore, #tpu.memory_space<semaphore_mem>>)
      %add3A_92 = arith.constant 512 : i32
      %add3A_93 = arith.addi %add3A_79, %add3A_92 : i32
      %dma_start3A_94 = tpu.memref_slice %arg4[%add3A_93] : memref<320000xi32, #tpu.memory_space<hbm>> -> memref<128xi32, #tpu.memory_space<hbm>>
      %dma_start3A_95 = tpu.memref_slice %arg4[%add3A_93] : memref<320000xi32, #tpu.memory_space<hbm>> -> memref<128xi32, #tpu.memory_space<hbm>>
      tpu.enqueue_dma source(%dma_start3A_95 : memref<128xi32, #tpu.memory_space<hbm>>) target(%arg15 : memref<128xi32, #tpu.memory_space<vmem>>) target_semaphore(%arg22 : memref<!tpu.dma_semaphore, #tpu.memory_space<semaphore_mem>>)
      %add3A_96 = arith.constant 640 : i32
      %add3A_97 = arith.addi %add3A_79, %add3A_96 : i32
      %dma_start3A_98 = tpu.memref_slice %arg3[%add3A_97] : memref<320000xi32, #tpu.memory_space<hbm>> -> memref<128xi32, #tpu.memory_space<hbm>>
      %dma_start3A_99 = tpu.memref_slice %arg3[%add3A_97] : memref<320000xi32, #tpu.memory_space<hbm>> -> memref<128xi32, #tpu.memory_space<hbm>>
      tpu.enqueue_dma source(%dma_start3A_99 : memref<128xi32, #tpu.memory_space<hbm>>) target(%arg16 : memref<128xi32, #tpu.memory_space<vmem>>) target_semaphore(%arg22 : memref<!tpu.dma_semaphore, #tpu.memory_space<semaphore_mem>>)
      %add3A_100 = arith.constant 640 : i32
      %add3A_101 = arith.addi %add3A_79, %add3A_100 : i32
      %dma_start3A_102 = tpu.memref_slice %arg4[%add3A_101] : memref<320000xi32, #tpu.memory_space<hbm>> -> memref<128xi32, #tpu.memory_space<hbm>>
      %dma_start3A_103 = tpu.memref_slice %arg4[%add3A_101] : memref<320000xi32, #tpu.memory_space<hbm>> -> memref<128xi32, #tpu.memory_space<hbm>>
      tpu.enqueue_dma source(%dma_start3A_103 : memref<128xi32, #tpu.memory_space<hbm>>) target(%arg17 : memref<128xi32, #tpu.memory_space<vmem>>) target_semaphore(%arg22 : memref<!tpu.dma_semaphore, #tpu.memory_space<semaphore_mem>>)
      %dma_wait3A_104 = tpu.memref_slice %arg3[%add3A_79] : memref<320000xi32, #tpu.memory_space<hbm>> -> memref<128xi32, #tpu.memory_space<hbm>>
      %dma_wait3A_105 = tpu.memref_slice %arg3[%add3A_79] : memref<320000xi32, #tpu.memory_space<hbm>> -> memref<128xi32, #tpu.memory_space<hbm>>
      tpu.wait_dma2 semaphore(%arg22 : memref<!tpu.dma_semaphore, #tpu.memory_space<semaphore_mem>>) src(%dma_wait3A_105 : memref<128xi32, #tpu.memory_space<hbm>>) dst(%arg6 : memref<128xi32, #tpu.memory_space<vmem>>)
      %dma_wait3A_106 = tpu.memref_slice %arg3[%add3A_79] : memref<320000xi32, #tpu.memory_space<hbm>> -> memref<128xi32, #tpu.memory_space<hbm>>
      %dma_wait3A_107 = tpu.memref_slice %arg3[%add3A_79] : memref<320000xi32, #tpu.memory_space<hbm>> -> memref<128xi32, #tpu.memory_space<hbm>>
      tpu.wait_dma2 semaphore(%arg22 : memref<!tpu.dma_semaphore, #tpu.memory_space<semaphore_mem>>) src(%dma_wait3A_107 : memref<128xi32, #tpu.memory_space<hbm>>) dst(%arg6 : memref<128xi32, #tpu.memory_space<vmem>>)
      %dma_wait3A_108 = tpu.memref_slice %arg3[%add3A_79] : memref<320000xi32, #tpu.memory_space<hbm>> -> memref<128xi32, #tpu.memory_space<hbm>>
      %dma_wait3A_109 = tpu.memref_slice %arg3[%add3A_79] : memref<320000xi32, #tpu.memory_space<hbm>> -> memref<128xi32, #tpu.memory_space<hbm>>
      tpu.wait_dma2 semaphore(%arg22 : memref<!tpu.dma_semaphore, #tpu.memory_space<semaphore_mem>>) src(%dma_wait3A_109 : memref<128xi32, #tpu.memory_space<hbm>>) dst(%arg6 : memref<128xi32, #tpu.memory_space<vmem>>)
      %dma_wait3A_110 = tpu.memref_slice %arg3[%add3A_79] : memref<320000xi32, #tpu.memory_space<hbm>> -> memref<128xi32, #tpu.memory_space<hbm>>
      %dma_wait3A_111 = tpu.memref_slice %arg3[%add3A_79] : memref<320000xi32, #tpu.memory_space<hbm>> -> memref<128xi32, #tpu.memory_space<hbm>>
      tpu.wait_dma2 semaphore(%arg22 : memref<!tpu.dma_semaphore, #tpu.memory_space<semaphore_mem>>) src(%dma_wait3A_111 : memref<128xi32, #tpu.memory_space<hbm>>) dst(%arg6 : memref<128xi32, #tpu.memory_space<vmem>>)
      %dma_wait3A_112 = tpu.memref_slice %arg3[%add3A_79] : memref<320000xi32, #tpu.memory_space<hbm>> -> memref<128xi32, #tpu.memory_space<hbm>>
      %dma_wait3A_113 = tpu.memref_slice %arg3[%add3A_79] : memref<320000xi32, #tpu.memory_space<hbm>> -> memref<128xi32, #tpu.memory_space<hbm>>
      tpu.wait_dma2 semaphore(%arg22 : memref<!tpu.dma_semaphore, #tpu.memory_space<semaphore_mem>>) src(%dma_wait3A_113 : memref<128xi32, #tpu.memory_space<hbm>>) dst(%arg6 : memref<128xi32, #tpu.memory_space<vmem>>)
      %dma_wait3A_114 = tpu.memref_slice %arg3[%add3A_79] : memref<320000xi32, #tpu.memory_space<hbm>> -> memref<128xi32, #tpu.memory_space<hbm>>
      %dma_wait3A_115 = tpu.memref_slice %arg3[%add3A_79] : memref<320000xi32, #tpu.memory_space<hbm>> -> memref<128xi32, #tpu.memory_space<hbm>>
      tpu.wait_dma2 semaphore(%arg22 : memref<!tpu.dma_semaphore, #tpu.memory_space<semaphore_mem>>) src(%dma_wait3A_115 : memref<128xi32, #tpu.memory_space<hbm>>) dst(%arg6 : memref<128xi32, #tpu.memory_space<vmem>>)
      %dma_start3A_116 = arith.constant 0 : i32
      %dma_start3A_117 = arith.constant 0 : i32
      %dma_start3A_118 = tpu.memref_slice %arg2[%dma_start3A_116, %dma_start3A_117] : memref<10000x128xf32, #tpu.memory_space<hbm>> -> memref<10000x128xf32, #tpu.memory_space<hbm>>
      tpu.enqueue_indirect_dma source(%dma_start3A_118 : memref<10000x128xf32, #tpu.memory_space<hbm>>) target(%arg18 : memref<128x128xf32, #tpu.memory_space<vmem>>) offsets(%arg6 : memref<128xi32, #tpu.memory_space<vmem>>) semaphore(%arg23 : memref<!tpu.dma_semaphore, #tpu.memory_space<semaphore_mem>>)
      %dma_start3A_119 = arith.constant 0 : i32
      %dma_start3A_120 = arith.constant 0 : i32
      %dma_start3A_121 = tpu.memref_slice %arg2[%dma_start3A_119, %dma_start3A_120] : memref<10000x128xf32, #tpu.memory_space<hbm>> -> memref<10000x128xf32, #tpu.memory_space<hbm>>
      tpu.enqueue_indirect_dma source(%dma_start3A_121 : memref<10000x128xf32, #tpu.memory_space<hbm>>) target(%arg19 : memref<128x128xf32, #tpu.memory_space<vmem>>) offsets(%arg8 : memref<128xi32, #tpu.memory_space<vmem>>) semaphore(%arg24 : memref<!tpu.dma_semaphore, #tpu.memory_space<semaphore_mem>>)
      %dma_start3A_122 = arith.constant 0 : i32
      %dma_start3A_123 = arith.constant 0 : i32
      %dma_start3A_124 = tpu.memref_slice %arg2[%dma_start3A_122, %dma_start3A_123] : memref<10000x128xf32, #tpu.memory_space<hbm>> -> memref<10000x128xf32, #tpu.memory_space<hbm>>
      tpu.enqueue_indirect_dma source(%dma_start3A_124 : memref<10000x128xf32, #tpu.memory_space<hbm>>) target(%arg20 : memref<128x128xf32, #tpu.memory_space<vmem>>) offsets(%arg10 : memref<128xi32, #tpu.memory_space<vmem>>) semaphore(%arg25 : memref<!tpu.dma_semaphore, #tpu.memory_space<semaphore_mem>>)
      %dma_wait3A_125 = arith.constant 0 : i32
      %dma_wait3A_126 = arith.constant 0 : i32
      %dma_wait3A_127 = tpu.memref_slice %arg2[%dma_wait3A_125, %dma_wait3A_126] : memref<10000x128xf32, #tpu.memory_space<hbm>> -> memref<10000x128xf32, #tpu.memory_space<hbm>>
      tpu.wait_indirect_dma semaphore(%arg23 : memref<!tpu.dma_semaphore, #tpu.memory_space<semaphore_mem>>) src(%dma_wait3A_127 : memref<10000x128xf32, #tpu.memory_space<hbm>>) dst(%arg18 : memref<128x128xf32, #tpu.memory_space<vmem>>)
      %dma_start3A_128 = arith.constant 0 : i32
      %dma_start3A_129 = arith.constant 0 : i32
      %dma_start3A_130 = tpu.memref_slice %arg21[%dma_start3A_128, %dma_start3A_129] : memref<10000x128xf32, #tpu.memory_space<vmem_shared>> -> memref<10000x128xf32, #tpu.memory_space<vmem_shared>>
      tpu.enqueue_indirect_dma source(%arg18 : memref<128x128xf32, #tpu.memory_space<vmem>>) target(%dma_start3A_130 : memref<10000x128xf32, #tpu.memory_space<vmem_shared>>) offsets(%arg7 : memref<128xi32, #tpu.memory_space<vmem>>) semaphore(%arg26 : memref<!tpu.dma_semaphore, #tpu.memory_space<semaphore_mem>>) {add = true}
      %dma_wait3A_131 = arith.constant 0 : i32
      %dma_wait3A_132 = arith.constant 0 : i32
      %dma_wait3A_133 = tpu.memref_slice %arg2[%dma_wait3A_131, %dma_wait3A_132] : memref<10000x128xf32, #tpu.memory_space<hbm>> -> memref<10000x128xf32, #tpu.memory_space<hbm>>
      tpu.wait_indirect_dma semaphore(%arg24 : memref<!tpu.dma_semaphore, #tpu.memory_space<semaphore_mem>>) src(%dma_wait3A_133 : memref<10000x128xf32, #tpu.memory_space<hbm>>) dst(%arg19 : memref<128x128xf32, #tpu.memory_space<vmem>>)
      %dma_start3A_134 = arith.constant 0 : i32
      %dma_start3A_135 = arith.constant 0 : i32
      %dma_start3A_136 = tpu.memref_slice %arg21[%dma_start3A_134, %dma_start3A_135] : memref<10000x128xf32, #tpu.memory_space<vmem_shared>> -> memref<10000x128xf32, #tpu.memory_space<vmem_shared>>
      tpu.enqueue_indirect_dma source(%arg19 : memref<128x128xf32, #tpu.memory_space<vmem>>) target(%dma_start3A_136 : memref<10000x128xf32, #tpu.memory_space<vmem_shared>>) offsets(%arg9 : memref<128xi32, #tpu.memory_space<vmem>>) semaphore(%arg27 : memref<!tpu.dma_semaphore, #tpu.memory_space<semaphore_mem>>) {add = true}
      %dma_wait3A_137 = arith.constant 0 : i32
      %dma_wait3A_138 = arith.constant 0 : i32
      %dma_wait3A_139 = tpu.memref_slice %arg2[%dma_wait3A_137, %dma_wait3A_138] : memref<10000x128xf32, #tpu.memory_space<hbm>> -> memref<10000x128xf32, #tpu.memory_space<hbm>>
      tpu.wait_indirect_dma semaphore(%arg25 : memref<!tpu.dma_semaphore, #tpu.memory_space<semaphore_mem>>) src(%dma_wait3A_139 : memref<10000x128xf32, #tpu.memory_space<hbm>>) dst(%arg20 : memref<128x128xf32, #tpu.memory_space<vmem>>)
      %dma_start3A_140 = arith.constant 0 : i32
      %dma_start3A_141 = arith.constant 0 : i32
      %dma_start3A_142 = tpu.memref_slice %arg21[%dma_start3A_140, %dma_start3A_141] : memref<10000x128xf32, #tpu.memory_space<vmem_shared>> -> memref<10000x128xf32, #tpu.memory_space<vmem_shared>>
      tpu.enqueue_indirect_dma source(%arg20 : memref<128x128xf32, #tpu.memory_space<vmem>>) target(%dma_start3A_142 : memref<10000x128xf32, #tpu.memory_space<vmem_shared>>) offsets(%arg11 : memref<128xi32, #tpu.memory_space<vmem>>) semaphore(%arg28 : memref<!tpu.dma_semaphore, #tpu.memory_space<semaphore_mem>>) {add = true}
      %dma_wait3A_143 = tpu.memref_slice %arg3[%add3A_79] : memref<320000xi32, #tpu.memory_space<hbm>> -> memref<128xi32, #tpu.memory_space<hbm>>
      %dma_wait3A_144 = tpu.memref_slice %arg3[%add3A_79] : memref<320000xi32, #tpu.memory_space<hbm>> -> memref<128xi32, #tpu.memory_space<hbm>>
      tpu.wait_dma2 semaphore(%arg22 : memref<!tpu.dma_semaphore, #tpu.memory_space<semaphore_mem>>) src(%dma_wait3A_144 : memref<128xi32, #tpu.memory_space<hbm>>) dst(%arg6 : memref<128xi32, #tpu.memory_space<vmem>>)
      %dma_wait3A_145 = tpu.memref_slice %arg3[%add3A_79] : memref<320000xi32, #tpu.memory_space<hbm>> -> memref<128xi32, #tpu.memory_space<hbm>>
      %dma_wait3A_146 = tpu.memref_slice %arg3[%add3A_79] : memref<320000xi32, #tpu.memory_space<hbm>> -> memref<128xi32, #tpu.memory_space<hbm>>
      tpu.wait_dma2 semaphore(%arg22 : memref<!tpu.dma_semaphore, #tpu.memory_space<semaphore_mem>>) src(%dma_wait3A_146 : memref<128xi32, #tpu.memory_space<hbm>>) dst(%arg6 : memref<128xi32, #tpu.memory_space<vmem>>)
      %dma_wait3A_147 = tpu.memref_slice %arg3[%add3A_79] : memref<320000xi32, #tpu.memory_space<hbm>> -> memref<128xi32, #tpu.memory_space<hbm>>
      %dma_wait3A_148 = tpu.memref_slice %arg3[%add3A_79] : memref<320000xi32, #tpu.memory_space<hbm>> -> memref<128xi32, #tpu.memory_space<hbm>>
      tpu.wait_dma2 semaphore(%arg22 : memref<!tpu.dma_semaphore, #tpu.memory_space<semaphore_mem>>) src(%dma_wait3A_148 : memref<128xi32, #tpu.memory_space<hbm>>) dst(%arg6 : memref<128xi32, #tpu.memory_space<vmem>>)
      %dma_wait3A_149 = tpu.memref_slice %arg3[%add3A_79] : memref<320000xi32, #tpu.memory_space<hbm>> -> memref<128xi32, #tpu.memory_space<hbm>>
      %dma_wait3A_150 = tpu.memref_slice %arg3[%add3A_79] : memref<320000xi32, #tpu.memory_space<hbm>> -> memref<128xi32, #tpu.memory_space<hbm>>
      tpu.wait_dma2 semaphore(%arg22 : memref<!tpu.dma_semaphore, #tpu.memory_space<semaphore_mem>>) src(%dma_wait3A_150 : memref<128xi32, #tpu.memory_space<hbm>>) dst(%arg6 : memref<128xi32, #tpu.memory_space<vmem>>)
      %dma_wait3A_151 = tpu.memref_slice %arg3[%add3A_79] : memref<320000xi32, #tpu.memory_space<hbm>> -> memref<128xi32, #tpu.memory_space<hbm>>
      %dma_wait3A_152 = tpu.memref_slice %arg3[%add3A_79] : memref<320000xi32, #tpu.memory_space<hbm>> -> memref<128xi32, #tpu.memory_space<hbm>>
      tpu.wait_dma2 semaphore(%arg22 : memref<!tpu.dma_semaphore, #tpu.memory_space<semaphore_mem>>) src(%dma_wait3A_152 : memref<128xi32, #tpu.memory_space<hbm>>) dst(%arg6 : memref<128xi32, #tpu.memory_space<vmem>>)
      %dma_wait3A_153 = tpu.memref_slice %arg3[%add3A_79] : memref<320000xi32, #tpu.memory_space<hbm>> -> memref<128xi32, #tpu.memory_space<hbm>>
      %dma_wait3A_154 = tpu.memref_slice %arg3[%add3A_79] : memref<320000xi32, #tpu.memory_space<hbm>> -> memref<128xi32, #tpu.memory_space<hbm>>
      tpu.wait_dma2 semaphore(%arg22 : memref<!tpu.dma_semaphore, #tpu.memory_space<semaphore_mem>>) src(%dma_wait3A_154 : memref<128xi32, #tpu.memory_space<hbm>>) dst(%arg6 : memref<128xi32, #tpu.memory_space<vmem>>)
      %dma_wait3A_155 = arith.constant 0 : i32
      %dma_wait3A_156 = arith.constant 0 : i32
      %dma_wait3A_157 = tpu.memref_slice %arg21[%dma_wait3A_155, %dma_wait3A_156] : memref<10000x128xf32, #tpu.memory_space<vmem_shared>> -> memref<10000x128xf32, #tpu.memory_space<vmem_shared>>
      tpu.wait_indirect_dma semaphore(%arg26 : memref<!tpu.dma_semaphore, #tpu.memory_space<semaphore_mem>>) src(%arg18 : memref<128x128xf32, #tpu.memory_space<vmem>>) dst(%dma_wait3A_157 : memref<10000x128xf32, #tpu.memory_space<vmem_shared>>)
      %dma_start3A_158 = arith.constant 0 : i32
      %dma_start3A_159 = arith.constant 0 : i32
      %dma_start3A_160 = tpu.memref_slice %arg2[%dma_start3A_158, %dma_start3A_159] : memref<10000x128xf32, #tpu.memory_space<hbm>> -> memref<10000x128xf32, #tpu.memory_space<hbm>>
      tpu.enqueue_indirect_dma source(%dma_start3A_160 : memref<10000x128xf32, #tpu.memory_space<hbm>>) target(%arg18 : memref<128x128xf32, #tpu.memory_space<vmem>>) offsets(%arg12 : memref<128xi32, #tpu.memory_space<vmem>>) semaphore(%arg23 : memref<!tpu.dma_semaphore, #tpu.memory_space<semaphore_mem>>)
      %dma_wait3A_161 = arith.constant 0 : i32
      %dma_wait3A_162 = arith.constant 0 : i32
      %dma_wait3A_163 = tpu.memref_slice %arg21[%dma_wait3A_161, %dma_wait3A_162] : memref<10000x128xf32, #tpu.memory_space<vmem_shared>> -> memref<10000x128xf32, #tpu.memory_space<vmem_shared>>
      tpu.wait_indirect_dma semaphore(%arg27 : memref<!tpu.dma_semaphore, #tpu.memory_space<semaphore_mem>>) src(%arg19 : memref<128x128xf32, #tpu.memory_space<vmem>>) dst(%dma_wait3A_163 : memref<10000x128xf32, #tpu.memory_space<vmem_shared>>)
      %dma_start3A_164 = arith.constant 0 : i32
      %dma_start3A_165 = arith.constant 0 : i32
      %dma_start3A_166 = tpu.memref_slice %arg2[%dma_start3A_164, %dma_start3A_165] : memref<10000x128xf32, #tpu.memory_space<hbm>> -> memref<10000x128xf32, #tpu.memory_space<hbm>>
      tpu.enqueue_indirect_dma source(%dma_start3A_166 : memref<10000x128xf32, #tpu.memory_space<hbm>>) target(%arg19 : memref<128x128xf32, #tpu.memory_space<vmem>>) offsets(%arg14 : memref<128xi32, #tpu.memory_space<vmem>>) semaphore(%arg24 : memref<!tpu.dma_semaphore, #tpu.memory_space<semaphore_mem>>)
      %dma_wait3A_167 = arith.constant 0 : i32
      %dma_wait3A_168 = arith.constant 0 : i32
      %dma_wait3A_169 = tpu.memref_slice %arg21[%dma_wait3A_167, %dma_wait3A_168] : memref<10000x128xf32, #tpu.memory_space<vmem_shared>> -> memref<10000x128xf32, #tpu.memory_space<vmem_shared>>
      tpu.wait_indirect_dma semaphore(%arg28 : memref<!tpu.dma_semaphore, #tpu.memory_space<semaphore_mem>>) src(%arg20 : memref<128x128xf32, #tpu.memory_space<vmem>>) dst(%dma_wait3A_169 : memref<10000x128xf32, #tpu.memory_space<vmem_shared>>)
      %dma_start3A_170 = arith.constant 0 : i32
      %dma_start3A_171 = arith.constant 0 : i32
      %dma_start3A_172 = tpu.memref_slice %arg2[%dma_start3A_170, %dma_start3A_171] : memref<10000x128xf32, #tpu.memory_space<hbm>> -> memref<10000x128xf32, #tpu.memory_space<hbm>>
      tpu.enqueue_indirect_dma source(%dma_start3A_172 : memref<10000x128xf32, #tpu.memory_space<hbm>>) target(%arg20 : memref<128x128xf32, #tpu.memory_space<vmem>>) offsets(%arg16 : memref<128xi32, #tpu.memory_space<vmem>>) semaphore(%arg25 : memref<!tpu.dma_semaphore, #tpu.memory_space<semaphore_mem>>)
      %add3A_173 = arith.constant 1 : i32
      %add3A_174 = arith.addi %scan3A_74, %add3A_173 : i32
      %lt3A = arith.constant 13 : i32
      %lt3A_175 = arith.cmpi slt, %add3A_174, %lt3A : i32
      %convert_element_type3A_176 = arith.extui %lt3A_175 : i1 to i32
      %cond3A_177 = arith.constant 0 : i32
      %cond3A_178 = arith.cmpi ne, %convert_element_type3A_176, %cond3A_177 : i32
      scf.if %cond3A_178 {
        %add3A_206 = arith.constant 768 : i32
        %add3A_207 = arith.addi %add3A_79, %add3A_206 : i32
        %dma_start3A_208 = tpu.memref_slice %arg3[%add3A_207] : memref<320000xi32, #tpu.memory_space<hbm>> -> memref<128xi32, #tpu.memory_space<hbm>>
        %dma_start3A_209 = tpu.memref_slice %arg3[%add3A_207] : memref<320000xi32, #tpu.memory_space<hbm>> -> memref<128xi32, #tpu.memory_space<hbm>>
        tpu.enqueue_dma source(%dma_start3A_209 : memref<128xi32, #tpu.memory_space<hbm>>) target(%arg6 : memref<128xi32, #tpu.memory_space<vmem>>) target_semaphore(%arg22 : memref<!tpu.dma_semaphore, #tpu.memory_space<semaphore_mem>>)
        %add3A_210 = arith.constant 768 : i32
        %add3A_211 = arith.addi %add3A_79, %add3A_210 : i32
        %dma_start3A_212 = tpu.memref_slice %arg4[%add3A_211] : memref<320000xi32, #tpu.memory_space<hbm>> -> memref<128xi32, #tpu.memory_space<hbm>>
        %dma_start3A_213 = tpu.memref_slice %arg4[%add3A_211] : memref<320000xi32, #tpu.memory_space<hbm>> -> memref<128xi32, #tpu.memory_space<hbm>>
        tpu.enqueue_dma source(%dma_start3A_213 : memref<128xi32, #tpu.memory_space<hbm>>) target(%arg7 : memref<128xi32, #tpu.memory_space<vmem>>) target_semaphore(%arg22 : memref<!tpu.dma_semaphore, #tpu.memory_space<semaphore_mem>>)
        %add3A_214 = arith.constant 896 : i32
        %add3A_215 = arith.addi %add3A_79, %add3A_214 : i32
        %dma_start3A_216 = tpu.memref_slice %arg3[%add3A_215] : memref<320000xi32, #tpu.memory_space<hbm>> -> memref<128xi32, #tpu.memory_space<hbm>>
        %dma_start3A_217 = tpu.memref_slice %arg3[%add3A_215] : memref<320000xi32, #tpu.memory_space<hbm>> -> memref<128xi32, #tpu.memory_space<hbm>>
        tpu.enqueue_dma source(%dma_start3A_217 : memref<128xi32, #tpu.memory_space<hbm>>) target(%arg8 : memref<128xi32, #tpu.memory_space<vmem>>) target_semaphore(%arg22 : memref<!tpu.dma_semaphore, #tpu.memory_space<semaphore_mem>>)
        %add3A_218 = arith.constant 896 : i32
        %add3A_219 = arith.addi %add3A_79, %add3A_218 : i32
        %dma_start3A_220 = tpu.memref_slice %arg4[%add3A_219] : memref<320000xi32, #tpu.memory_space<hbm>> -> memref<128xi32, #tpu.memory_space<hbm>>
        %dma_start3A_221 = tpu.memref_slice %arg4[%add3A_219] : memref<320000xi32, #tpu.memory_space<hbm>> -> memref<128xi32, #tpu.memory_space<hbm>>
        tpu.enqueue_dma source(%dma_start3A_221 : memref<128xi32, #tpu.memory_space<hbm>>) target(%arg9 : memref<128xi32, #tpu.memory_space<vmem>>) target_semaphore(%arg22 : memref<!tpu.dma_semaphore, #tpu.memory_space<semaphore_mem>>)
        %add3A_222 = arith.constant 1024 : i32
        %add3A_223 = arith.addi %add3A_79, %add3A_222 : i32
        %dma_start3A_224 = tpu.memref_slice %arg3[%add3A_223] : memref<320000xi32, #tpu.memory_space<hbm>> -> memref<128xi32, #tpu.memory_space<hbm>>
        %dma_start3A_225 = tpu.memref_slice %arg3[%add3A_223] : memref<320000xi32, #tpu.memory_space<hbm>> -> memref<128xi32, #tpu.memory_space<hbm>>
        tpu.enqueue_dma source(%dma_start3A_225 : memref<128xi32, #tpu.memory_space<hbm>>) target(%arg10 : memref<128xi32, #tpu.memory_space<vmem>>) target_semaphore(%arg22 : memref<!tpu.dma_semaphore, #tpu.memory_space<semaphore_mem>>)
        %add3A_226 = arith.constant 1024 : i32
        %add3A_227 = arith.addi %add3A_79, %add3A_226 : i32
        %dma_start3A_228 = tpu.memref_slice %arg4[%add3A_227] : memref<320000xi32, #tpu.memory_space<hbm>> -> memref<128xi32, #tpu.memory_space<hbm>>
        %dma_start3A_229 = tpu.memref_slice %arg4[%add3A_227] : memref<320000xi32, #tpu.memory_space<hbm>> -> memref<128xi32, #tpu.memory_space<hbm>>
        tpu.enqueue_dma source(%dma_start3A_229 : memref<128xi32, #tpu.memory_space<hbm>>) target(%arg11 : memref<128xi32, #tpu.memory_space<vmem>>) target_semaphore(%arg22 : memref<!tpu.dma_semaphore, #tpu.memory_space<semaphore_mem>>)
      } else {
      }
      %dma_wait3A_179 = arith.constant 0 : i32
      %dma_wait3A_180 = arith.constant 0 : i32
      %dma_wait3A_181 = tpu.memref_slice %arg2[%dma_wait3A_179, %dma_wait3A_180] : memref<10000x128xf32, #tpu.memory_space<hbm>> -> memref<10000x128xf32, #tpu.memory_space<hbm>>
      tpu.wait_indirect_dma semaphore(%arg23 : memref<!tpu.dma_semaphore, #tpu.memory_space<semaphore_mem>>) src(%dma_wait3A_181 : memref<10000x128xf32, #tpu.memory_space<hbm>>) dst(%arg18 : memref<128x128xf32, #tpu.memory_space<vmem>>)
      %dma_start3A_182 = arith.constant 0 : i32
      %dma_start3A_183 = arith.constant 0 : i32
      %dma_start3A_184 = tpu.memref_slice %arg21[%dma_start3A_182, %dma_start3A_183] : memref<10000x128xf32, #tpu.memory_space<vmem_shared>> -> memref<10000x128xf32, #tpu.memory_space<vmem_shared>>
      tpu.enqueue_indirect_dma source(%arg18 : memref<128x128xf32, #tpu.memory_space<vmem>>) target(%dma_start3A_184 : memref<10000x128xf32, #tpu.memory_space<vmem_shared>>) offsets(%arg13 : memref<128xi32, #tpu.memory_space<vmem>>) semaphore(%arg26 : memref<!tpu.dma_semaphore, #tpu.memory_space<semaphore_mem>>) {add = true}
      %dma_wait3A_185 = arith.constant 0 : i32
      %dma_wait3A_186 = arith.constant 0 : i32
      %dma_wait3A_187 = tpu.memref_slice %arg2[%dma_wait3A_185, %dma_wait3A_186] : memref<10000x128xf32, #tpu.memory_space<hbm>> -> memref<10000x128xf32, #tpu.memory_space<hbm>>
      tpu.wait_indirect_dma semaphore(%arg24 : memref<!tpu.dma_semaphore, #tpu.memory_space<semaphore_mem>>) src(%dma_wait3A_187 : memref<10000x128xf32, #tpu.memory_space<hbm>>) dst(%arg19 : memref<128x128xf32, #tpu.memory_space<vmem>>)
      %dma_start3A_188 = arith.constant 0 : i32
      %dma_start3A_189 = arith.constant 0 : i32
      %dma_start3A_190 = tpu.memref_slice %arg21[%dma_start3A_188, %dma_start3A_189] : memref<10000x128xf32, #tpu.memory_space<vmem_shared>> -> memref<10000x128xf32, #tpu.memory_space<vmem_shared>>
      tpu.enqueue_indirect_dma source(%arg19 : memref<128x128xf32, #tpu.memory_space<vmem>>) target(%dma_start3A_190 : memref<10000x128xf32, #tpu.memory_space<vmem_shared>>) offsets(%arg15 : memref<128xi32, #tpu.memory_space<vmem>>) semaphore(%arg27 : memref<!tpu.dma_semaphore, #tpu.memory_space<semaphore_mem>>) {add = true}
      %dma_wait3A_191 = arith.constant 0 : i32
      %dma_wait3A_192 = arith.constant 0 : i32
      %dma_wait3A_193 = tpu.memref_slice %arg2[%dma_wait3A_191, %dma_wait3A_192] : memref<10000x128xf32, #tpu.memory_space<hbm>> -> memref<10000x128xf32, #tpu.memory_space<hbm>>
      tpu.wait_indirect_dma semaphore(%arg25 : memref<!tpu.dma_semaphore, #tpu.memory_space<semaphore_mem>>) src(%dma_wait3A_193 : memref<10000x128xf32, #tpu.memory_space<hbm>>) dst(%arg20 : memref<128x128xf32, #tpu.memory_space<vmem>>)
      %dma_start3A_194 = arith.constant 0 : i32
      %dma_start3A_195 = arith.constant 0 : i32
      %dma_start3A_196 = tpu.memref_slice %arg21[%dma_start3A_194, %dma_start3A_195] : memref<10000x128xf32, #tpu.memory_space<vmem_shared>> -> memref<10000x128xf32, #tpu.memory_space<vmem_shared>>
      tpu.enqueue_indirect_dma source(%arg20 : memref<128x128xf32, #tpu.memory_space<vmem>>) target(%dma_start3A_196 : memref<10000x128xf32, #tpu.memory_space<vmem_shared>>) offsets(%arg17 : memref<128xi32, #tpu.memory_space<vmem>>) semaphore(%arg28 : memref<!tpu.dma_semaphore, #tpu.memory_space<semaphore_mem>>) {add = true}
      %dma_wait3A_197 = arith.constant 0 : i32
      %dma_wait3A_198 = arith.constant 0 : i32
      %dma_wait3A_199 = tpu.memref_slice %arg21[%dma_wait3A_197, %dma_wait3A_198] : memref<10000x128xf32, #tpu.memory_space<vmem_shared>> -> memref<10000x128xf32, #tpu.memory_space<vmem_shared>>
      tpu.wait_indirect_dma semaphore(%arg26 : memref<!tpu.dma_semaphore, #tpu.memory_space<semaphore_mem>>) src(%arg18 : memref<128x128xf32, #tpu.memory_space<vmem>>) dst(%dma_wait3A_199 : memref<10000x128xf32, #tpu.memory_space<vmem_shared>>)
      %dma_wait3A_200 = arith.constant 0 : i32
      %dma_wait3A_201 = arith.constant 0 : i32
      %dma_wait3A_202 = tpu.memref_slice %arg21[%dma_wait3A_200, %dma_wait3A_201] : memref<10000x128xf32, #tpu.memory_space<vmem_shared>> -> memref<10000x128xf32, #tpu.memory_space<vmem_shared>>
      tpu.wait_indirect_dma semaphore(%arg27 : memref<!tpu.dma_semaphore, #tpu.memory_space<semaphore_mem>>) src(%arg19 : memref<128x128xf32, #tpu.memory_space<vmem>>) dst(%dma_wait3A_202 : memref<10000x128xf32, #tpu.memory_space<vmem_shared>>)
      %dma_wait3A_203 = arith.constant 0 : i32
      %dma_wait3A_204 = arith.constant 0 : i32
      %dma_wait3A_205 = tpu.memref_slice %arg21[%dma_wait3A_203, %dma_wait3A_204] : memref<10000x128xf32, #tpu.memory_space<vmem_shared>> -> memref<10000x128xf32, #tpu.memory_space<vmem_shared>>
      tpu.wait_indirect_dma semaphore(%arg28 : memref<!tpu.dma_semaphore, #tpu.memory_space<semaphore_mem>>) src(%arg20 : memref<128x128xf32, #tpu.memory_space<vmem>>) dst(%dma_wait3A_205 : memref<10000x128xf32, #tpu.memory_space<vmem_shared>>)
    }
    %scan3A_50 = arith.constant 13 : i32
    %add3A_51 = arith.constant 9984 : i32
    %add3A_52 = arith.addi %mul3A_21, %add3A_51 : i32
    "tpu.region"() ({
      %run_scoped3A = tpu.sem_alloc : memref<!tpu.dma_semaphore, #tpu.memory_space<semaphore_mem>>
      %dma_start3A_74 = arith.constant 0 : i32
      %dma_start3A_75 = tpu.memref_slice %arg6[%dma_start3A_74] : memref<128xi32, #tpu.memory_space<vmem>> -> memref<16xi32, #tpu.memory_space<vmem>>
      %dma_start3A_76 = tpu.memref_slice %arg3[%add3A_52] : memref<320000xi32, #tpu.memory_space<hbm>> -> memref<16xi32, #tpu.memory_space<hbm>>
      %dma_start3A_77 = arith.constant 0 : i32
      %dma_start3A_78 = tpu.memref_slice %arg6[%dma_start3A_77] : memref<128xi32, #tpu.memory_space<vmem>> -> memref<16xi32, #tpu.memory_space<vmem>>
      %dma_start3A_79 = tpu.memref_slice %arg3[%add3A_52] : memref<320000xi32, #tpu.memory_space<hbm>> -> memref<16xi32, #tpu.memory_space<hbm>>
      tpu.enqueue_dma source(%dma_start3A_79 : memref<16xi32, #tpu.memory_space<hbm>>) target(%dma_start3A_78 : memref<16xi32, #tpu.memory_space<vmem>>) target_semaphore(%run_scoped3A : memref<!tpu.dma_semaphore, #tpu.memory_space<semaphore_mem>>)
      %dma_wait3A_80 = arith.constant 0 : i32
      %dma_wait3A_81 = tpu.memref_slice %arg6[%dma_wait3A_80] : memref<128xi32, #tpu.memory_space<vmem>> -> memref<16xi32, #tpu.memory_space<vmem>>
      %dma_wait3A_82 = tpu.memref_slice %arg3[%add3A_52] : memref<320000xi32, #tpu.memory_space<hbm>> -> memref<16xi32, #tpu.memory_space<hbm>>
      %dma_wait3A_83 = arith.constant 0 : i32
      %dma_wait3A_84 = tpu.memref_slice %arg6[%dma_wait3A_83] : memref<128xi32, #tpu.memory_space<vmem>> -> memref<16xi32, #tpu.memory_space<vmem>>
      %dma_wait3A_85 = tpu.memref_slice %arg3[%add3A_52] : memref<320000xi32, #tpu.memory_space<hbm>> -> memref<16xi32, #tpu.memory_space<hbm>>
      tpu.wait_dma2 semaphore(%run_scoped3A : memref<!tpu.dma_semaphore, #tpu.memory_space<semaphore_mem>>) src(%dma_wait3A_85 : memref<16xi32, #tpu.memory_space<hbm>>) dst(%dma_wait3A_84 : memref<16xi32, #tpu.memory_space<vmem>>)
      tpu.yield
    }) : () -> ()
    "tpu.region"() ({
      %run_scoped3A = tpu.sem_alloc : memref<!tpu.dma_semaphore, #tpu.memory_space<semaphore_mem>>
      %dma_start3A_74 = arith.constant 0 : i32
      %dma_start3A_75 = tpu.memref_slice %arg7[%dma_start3A_74] : memref<128xi32, #tpu.memory_space<vmem>> -> memref<16xi32, #tpu.memory_space<vmem>>
      %dma_start3A_76 = tpu.memref_slice %arg4[%add3A_52] : memref<320000xi32, #tpu.memory_space<hbm>> -> memref<16xi32, #tpu.memory_space<hbm>>
      %dma_start3A_77 = arith.constant 0 : i32
      %dma_start3A_78 = tpu.memref_slice %arg7[%dma_start3A_77] : memref<128xi32, #tpu.memory_space<vmem>> -> memref<16xi32, #tpu.memory_space<vmem>>
      %dma_start3A_79 = tpu.memref_slice %arg4[%add3A_52] : memref<320000xi32, #tpu.memory_space<hbm>> -> memref<16xi32, #tpu.memory_space<hbm>>
      tpu.enqueue_dma source(%dma_start3A_79 : memref<16xi32, #tpu.memory_space<hbm>>) target(%dma_start3A_78 : memref<16xi32, #tpu.memory_space<vmem>>) target_semaphore(%run_scoped3A : memref<!tpu.dma_semaphore, #tpu.memory_space<semaphore_mem>>)
      %dma_wait3A_80 = arith.constant 0 : i32
      %dma_wait3A_81 = tpu.memref_slice %arg7[%dma_wait3A_80] : memref<128xi32, #tpu.memory_space<vmem>> -> memref<16xi32, #tpu.memory_space<vmem>>
      %dma_wait3A_82 = tpu.memref_slice %arg4[%add3A_52] : memref<320000xi32, #tpu.memory_space<hbm>> -> memref<16xi32, #tpu.memory_space<hbm>>
      %dma_wait3A_83 = arith.constant 0 : i32
      %dma_wait3A_84 = tpu.memref_slice %arg7[%dma_wait3A_83] : memref<128xi32, #tpu.memory_space<vmem>> -> memref<16xi32, #tpu.memory_space<vmem>>
      %dma_wait3A_85 = tpu.memref_slice %arg4[%add3A_52] : memref<320000xi32, #tpu.memory_space<hbm>> -> memref<16xi32, #tpu.memory_space<hbm>>
      tpu.wait_dma2 semaphore(%run_scoped3A : memref<!tpu.dma_semaphore, #tpu.memory_space<semaphore_mem>>) src(%dma_wait3A_85 : memref<16xi32, #tpu.memory_space<hbm>>) dst(%dma_wait3A_84 : memref<16xi32, #tpu.memory_space<vmem>>)
      tpu.yield
    }) : () -> ()
    %dma_start3A_53 = arith.constant 0 : i32
    %dma_start3A_54 = arith.constant 0 : i32
    %dma_start3A_55 = tpu.memref_slice %arg18[%dma_start3A_53, %dma_start3A_54] : memref<128x128xf32, #tpu.memory_space<vmem>> -> memref<16x128xf32, #tpu.memory_space<vmem>>
    %dma_start3A_56 = arith.constant 0 : i32
    %dma_start3A_57 = tpu.memref_slice %arg6[%dma_start3A_56] : memref<128xi32, #tpu.memory_space<vmem>> -> memref<16xi32, #tpu.memory_space<vmem>>
    %dma_start3A_58 = arith.constant 0 : i32
    %dma_start3A_59 = arith.constant 0 : i32
    %dma_start3A_60 = tpu.memref_slice %arg2[%dma_start3A_58, %dma_start3A_59] : memref<10000x128xf32, #tpu.memory_space<hbm>> -> memref<10000x128xf32, #tpu.memory_space<hbm>>
    tpu.enqueue_indirect_dma source(%dma_start3A_60 : memref<10000x128xf32, #tpu.memory_space<hbm>>) target(%dma_start3A_55 : memref<16x128xf32, #tpu.memory_space<vmem>>) offsets(%dma_start3A_57 : memref<16xi32, #tpu.memory_space<vmem>>) semaphore(%arg23 : memref<!tpu.dma_semaphore, #tpu.memory_space<semaphore_mem>>)
    %dma_wait3A = arith.constant 0 : i32
    %dma_wait3A_61 = arith.constant 0 : i32
    %dma_wait3A_62 = tpu.memref_slice %arg18[%dma_wait3A, %dma_wait3A_61] : memref<128x128xf32, #tpu.memory_space<vmem>> -> memref<16x128xf32, #tpu.memory_space<vmem>>
    %dma_wait3A_63 = arith.constant 0 : i32
    %dma_wait3A_64 = tpu.memref_slice %arg6[%dma_wait3A_63] : memref<128xi32, #tpu.memory_space<vmem>> -> memref<16xi32, #tpu.memory_space<vmem>>
    %dma_wait3A_65 = arith.constant 0 : i32
    %dma_wait3A_66 = arith.constant 0 : i32
    %dma_wait3A_67 = tpu.memref_slice %arg2[%dma_wait3A_65, %dma_wait3A_66] : memref<10000x128xf32, #tpu.memory_space<hbm>> -> memref<10000x128xf32, #tpu.memory_space<hbm>>
    tpu.wait_indirect_dma semaphore(%arg23 : memref<!tpu.dma_semaphore, #tpu.memory_space<semaphore_mem>>) src(%dma_wait3A_67 : memref<10000x128xf32, #tpu.memory_space<hbm>>) dst(%dma_wait3A_62 : memref<16x128xf32, #tpu.memory_space<vmem>>)
    "tpu.region"() ({
      %run_scoped3A = tpu.sem_alloc : memref<!tpu.dma_semaphore, #tpu.memory_space<semaphore_mem>>
      %dma_start3A_74 = arith.constant 0 : i32
      %dma_start3A_75 = arith.constant 0 : i32
      %dma_start3A_76 = tpu.memref_slice %arg18[%dma_start3A_74, %dma_start3A_75] : memref<128x128xf32, #tpu.memory_space<vmem>> -> memref<16x128xf32, #tpu.memory_space<vmem>>
      %dma_start3A_77 = arith.constant 0 : i32
      %dma_start3A_78 = tpu.memref_slice %arg7[%dma_start3A_77] : memref<128xi32, #tpu.memory_space<vmem>> -> memref<16xi32, #tpu.memory_space<vmem>>
      %dma_start3A_79 = arith.constant 0 : i32
      %dma_start3A_80 = arith.constant 0 : i32
      %dma_start3A_81 = tpu.memref_slice %arg21[%dma_start3A_79, %dma_start3A_80] : memref<10000x128xf32, #tpu.memory_space<vmem_shared>> -> memref<10000x128xf32, #tpu.memory_space<vmem_shared>>
      tpu.enqueue_indirect_dma source(%dma_start3A_76 : memref<16x128xf32, #tpu.memory_space<vmem>>) target(%dma_start3A_81 : memref<10000x128xf32, #tpu.memory_space<vmem_shared>>) offsets(%dma_start3A_78 : memref<16xi32, #tpu.memory_space<vmem>>) semaphore(%run_scoped3A : memref<!tpu.dma_semaphore, #tpu.memory_space<semaphore_mem>>) {add = true}
      %dma_wait3A_82 = arith.constant 0 : i32
      %dma_wait3A_83 = arith.constant 0 : i32
      %dma_wait3A_84 = tpu.memref_slice %arg18[%dma_wait3A_82, %dma_wait3A_83] : memref<128x128xf32, #tpu.memory_space<vmem>> -> memref<16x128xf32, #tpu.memory_space<vmem>>
      %dma_wait3A_85 = arith.constant 0 : i32
      %dma_wait3A_86 = tpu.memref_slice %arg7[%dma_wait3A_85] : memref<128xi32, #tpu.memory_space<vmem>> -> memref<16xi32, #tpu.memory_space<vmem>>
      %dma_wait3A_87 = arith.constant 0 : i32
      %dma_wait3A_88 = arith.constant 0 : i32
      %dma_wait3A_89 = tpu.memref_slice %arg21[%dma_wait3A_87, %dma_wait3A_88] : memref<10000x128xf32, #tpu.memory_space<vmem_shared>> -> memref<10000x128xf32, #tpu.memory_space<vmem_shared>>
      tpu.wait_indirect_dma semaphore(%run_scoped3A : memref<!tpu.dma_semaphore, #tpu.memory_space<semaphore_mem>>) src(%dma_wait3A_84 : memref<16x128xf32, #tpu.memory_space<vmem>>) dst(%dma_wait3A_89 : memref<10000x128xf32, #tpu.memory_space<vmem_shared>>)
      tpu.yield
    }) : () -> ()
    %barrier3A_68 = arith.constant 0 : index
    tpu.barrier barrier_id(%barrier3A_68)
    "tpu.region"() ({
      %run_scoped3A = tpu.sem_alloc : memref<!tpu.dma_semaphore, #tpu.memory_space<semaphore_mem>>
      %dma_start3A_74 = arith.constant 0 : i32
      %dma_start3A_75 = tpu.memref_slice %arg5[%arg0, %mul3A_7, %dma_start3A_74] : memref<2x10000x128xf32, #tpu.memory_space<hbm>> -> memref<1x624x128xf32, #tpu.memory_space<hbm>>
      %dma_start3A_76 = tpu.memref_squeeze %dma_start3A_75 : memref<1x624x128xf32, #tpu.memory_space<hbm>> -> memref<624x128xf32, #tpu.memory_space<hbm>>
      %dma_start3A_77 = arith.constant 0 : i32
      %dma_start3A_78 = tpu.memref_slice %arg21[%mul3A_7, %dma_start3A_77] : memref<10000x128xf32, #tpu.memory_space<vmem_shared>> -> memref<624x128xf32, #tpu.memory_space<vmem_shared>>
      tpu.enqueue_dma source(%dma_start3A_78 : memref<624x128xf32, #tpu.memory_space<vmem_shared>>) target(%dma_start3A_76 : memref<624x128xf32, #tpu.memory_space<hbm>>) target_semaphore(%run_scoped3A : memref<!tpu.dma_semaphore, #tpu.memory_space<semaphore_mem>>)
      %dma_wait3A_79 = arith.constant 0 : i32
      %dma_wait3A_80 = tpu.memref_slice %arg5[%arg0, %mul3A_7, %dma_wait3A_79] : memref<2x10000x128xf32, #tpu.memory_space<hbm>> -> memref<1x624x128xf32, #tpu.memory_space<hbm>>
      %dma_wait3A_81 = tpu.memref_squeeze %dma_wait3A_80 : memref<1x624x128xf32, #tpu.memory_space<hbm>> -> memref<624x128xf32, #tpu.memory_space<hbm>>
      %dma_wait3A_82 = arith.constant 0 : i32
      %dma_wait3A_83 = tpu.memref_slice %arg21[%mul3A_7, %dma_wait3A_82] : memref<10000x128xf32, #tpu.memory_space<vmem_shared>> -> memref<624x128xf32, #tpu.memory_space<vmem_shared>>
      tpu.wait_dma2 semaphore(%run_scoped3A : memref<!tpu.dma_semaphore, #tpu.memory_space<semaphore_mem>>) src(%dma_wait3A_83 : memref<624x128xf32, #tpu.memory_space<vmem_shared>>) dst(%dma_wait3A_81 : memref<624x128xf32, #tpu.memory_space<hbm>>)
      tpu.yield
    }) : () -> ()
    %eq3A_69 = arith.constant 15 : i32
    %eq3A_70 = arith.cmpi eq, %arg1, %eq3A_69 : i32
    %convert_element_type3A_71 = arith.extui %eq3A_70 : i1 to i32
    %cond3A_72 = arith.constant 0 : i32
    %cond3A_73 = arith.cmpi ne, %convert_element_type3A_71, %cond3A_72 : i32
    scf.if %cond3A_73 {
      "tpu.region"() ({
        %run_scoped3A = tpu.sem_alloc : memref<!tpu.dma_semaphore, #tpu.memory_space<semaphore_mem>>
        %dma_start3A_74 = arith.constant 9984 : i32
        %dma_start3A_75 = arith.constant 0 : i32
        %dma_start3A_76 = tpu.memref_slice %arg5[%arg0, %dma_start3A_74, %dma_start3A_75] : memref<2x10000x128xf32, #tpu.memory_space<hbm>> -> memref<1x16x128xf32, #tpu.memory_space<hbm>>
        %dma_start3A_77 = tpu.memref_squeeze %dma_start3A_76 : memref<1x16x128xf32, #tpu.memory_space<hbm>> -> memref<16x128xf32, #tpu.memory_space<hbm>>
        %dma_start3A_78 = arith.constant 9984 : i32
        %dma_start3A_79 = arith.constant 0 : i32
        %dma_start3A_80 = tpu.memref_slice %arg21[%dma_start3A_78, %dma_start3A_79] : memref<10000x128xf32, #tpu.memory_space<vmem_shared>> -> memref<16x128xf32, #tpu.memory_space<vmem_shared>>
        tpu.enqueue_dma source(%dma_start3A_80 : memref<16x128xf32, #tpu.memory_space<vmem_shared>>) target(%dma_start3A_77 : memref<16x128xf32, #tpu.memory_space<hbm>>) target_semaphore(%run_scoped3A : memref<!tpu.dma_semaphore, #tpu.memory_space<semaphore_mem>>)
        %dma_wait3A_81 = arith.constant 9984 : i32
        %dma_wait3A_82 = arith.constant 0 : i32
        %dma_wait3A_83 = tpu.memref_slice %arg5[%arg0, %dma_wait3A_81, %dma_wait3A_82] : memref<2x10000x128xf32, #tpu.memory_space<hbm>> -> memref<1x16x128xf32, #tpu.memory_space<hbm>>
        %dma_wait3A_84 = tpu.memref_squeeze %dma_wait3A_83 : memref<1x16x128xf32, #tpu.memory_space<hbm>> -> memref<16x128xf32, #tpu.memory_space<hbm>>
        %dma_wait3A_85 = arith.constant 9984 : i32
        %dma_wait3A_86 = arith.constant 0 : i32
        %dma_wait3A_87 = tpu.memref_slice %arg21[%dma_wait3A_85, %dma_wait3A_86] : memref<10000x128xf32, #tpu.memory_space<vmem_shared>> -> memref<16x128xf32, #tpu.memory_space<vmem_shared>>
        tpu.wait_dma2 semaphore(%run_scoped3A : memref<!tpu.dma_semaphore, #tpu.memory_space<semaphore_mem>>) src(%dma_wait3A_87 : memref<16x128xf32, #tpu.memory_space<vmem_shared>>) dst(%dma_wait3A_84 : memref<16x128xf32, #tpu.memory_space<hbm>>)
        tpu.yield
      }) : () -> ()
    } else {
    }
    return
  }
}

module attributes {stable_mosaic.version = 14 : i64} {
  func.func @_dense_body(%arg0: i32, %arg1: memref<2x2000x128xf32, #tpu.memory_space<vmem>>, %arg2: memref<2000x128xf32, #tpu.memory_space<vmem>>, %arg3: memref<128x128xf32, #tpu.memory_space<vmem>>, %arg4: memref<128x128xf32, #tpu.memory_space<vmem>>, %arg5: memref<1x128xf32, #tpu.memory_space<vmem>>, %arg6: memref<128x1xf32, #tpu.memory_space<vmem>>, %arg7: memref<2000x128xf32, #tpu.memory_space<vmem>>, %arg8: memref<2000x1xf32, #tpu.memory_space<vmem>>) attributes {dimension_semantics = [#tpu.dimension_semantics<arbitrary>], iteration_bounds = array<i64: 5>, scalar_prefetch = 0 : i64, scratch_operands = 0 : i64, tpu.core_type = #tpu.core_type<tc>, window_params = [{transform_indices = @transform_0, window_bounds = array<i64: 2, 2000, 128>}, {transform_indices = @transform_1, window_bounds = array<i64: 2000, 128>}, {pipeline_mode = #tpu.pipeline_mode<synchronous>, transform_indices = @transform_2, window_bounds = array<i64: 128, 128>}, {pipeline_mode = #tpu.pipeline_mode<synchronous>, transform_indices = @transform_3, window_bounds = array<i64: 128, 128>}, {pipeline_mode = #tpu.pipeline_mode<synchronous>, transform_indices = @transform_4, window_bounds = array<i64: 1, 128>}, {pipeline_mode = #tpu.pipeline_mode<synchronous>, transform_indices = @transform_5, window_bounds = array<i64: 128, 1>}, {transform_indices = @transform_6, window_bounds = array<i64: 2000, 128>}, {transform_indices = @transform_7, window_bounds = array<i64: 2000, 1>}]} {
    %get3A = arith.constant 0 : index
    %get3A_0 = arith.constant 0 : index
    %get3A_1 = arith.constant 0 : index
    %get3A_2 = vector.load %arg1[%get3A, %get3A_0, %get3A_1] : memref<2x2000x128xf32, #tpu.memory_space<vmem>>, vector<2x2000x128xf32>
    %slice3A = vector.extract_strided_slice %get3A_2 {offsets = [0, 0, 0], sizes = [1, 2000, 128], strides = [1, 1, 1]} : vector<2x2000x128xf32> to vector<1x2000x128xf32>
    %squeeze3A = vector.shape_cast %slice3A : vector<1x2000x128xf32> to vector<2000x128xf32>
    %slice3A_3 = vector.extract_strided_slice %get3A_2 {offsets = [1, 0, 0], sizes = [1, 2000, 128], strides = [1, 1, 1]} : vector<2x2000x128xf32> to vector<1x2000x128xf32>
    %squeeze3A_4 = vector.shape_cast %slice3A_3 : vector<1x2000x128xf32> to vector<2000x128xf32>
    %add3A = arith.addf %squeeze3A, %squeeze3A_4 : vector<2000x128xf32>
    %get3A_5 = arith.constant 0 : index
    %get3A_6 = arith.constant 0 : index
    %get3A_7 = vector.load %arg3[%get3A_5, %get3A_6] : memref<128x128xf32, #tpu.memory_space<vmem>>, vector<128x128xf32>
    %dot_general3A = arith.constant dense<0.000000e+00> : vector<2000x128xf32>
    %dot_general3A_8 = tpu.matmul %add3A, %get3A_7, %dot_general3A {dimension_numbers = #tpu.dot_dimension_numbers<[1], [0], [0], [1], [0, 0, 1, 1], [], []>, transpose_lhs_hint = false} : vector<2000x128xf32>, vector<128x128xf32>, vector<2000x128xf32> -> vector<2000x128xf32>
    %get3A_9 = arith.constant 0 : index
    %get3A_10 = arith.constant 0 : index
    %get3A_11 = vector.load %arg2[%get3A_9, %get3A_10] : memref<2000x128xf32, #tpu.memory_space<vmem>>, vector<2000x128xf32>
    %get3A_12 = arith.constant 0 : index
    %get3A_13 = arith.constant 0 : index
    %get3A_14 = vector.load %arg4[%get3A_12, %get3A_13] : memref<128x128xf32, #tpu.memory_space<vmem>>, vector<128x128xf32>
    %dot_general3A_15 = arith.constant dense<0.000000e+00> : vector<2000x128xf32>
    %dot_general3A_16 = tpu.matmul %get3A_11, %get3A_14, %dot_general3A_15 {dimension_numbers = #tpu.dot_dimension_numbers<[1], [0], [0], [1], [0, 0, 1, 1], [], []>, transpose_lhs_hint = false} : vector<2000x128xf32>, vector<128x128xf32>, vector<2000x128xf32> -> vector<2000x128xf32>
    %add3A_17 = arith.addf %dot_general3A_8, %dot_general3A_16 : vector<2000x128xf32>
    %get3A_18 = arith.constant 0 : index
    %get3A_19 = arith.constant 0 : index
    %get3A_20 = vector.load %arg5[%get3A_18, %get3A_19] : memref<1x128xf32, #tpu.memory_space<vmem>>, vector<1x128xf32>
    %add3A_21 = vector.broadcast %get3A_20 : vector<1x128xf32> to vector<2000x128xf32>
    %add3A_22 = arith.addf %add3A_17, %add3A_21 : vector<2000x128xf32>
    %max3A = arith.constant 0.000000e+00 : f32
    %max3A_23 = vector.broadcast %max3A : f32 to vector<2000x128xf32>
    %max3A_24 = arith.maximumf %add3A_22, %max3A_23 : vector<2000x128xf32>
    %get3A_25 = arith.constant 0 : index
    %get3A_26 = arith.constant 0 : index
    %get3A_27 = vector.load %arg6[%get3A_25, %get3A_26] : memref<128x1xf32, #tpu.memory_space<vmem>>, vector<128x1xf32>
    %mul3A = arith.mulf %get3A_27, %get3A_27 : vector<128x1xf32>
    %reduce_sum3A = vector.shape_cast %mul3A : vector<128x1xf32> to vector<1x128x1xf32>
    %reduce_sum3A_28 = arith.constant dense<0.000000e+00> : vector<1xf32>
    %reduce_sum3A_29 = vector.multi_reduction <add>, %reduce_sum3A, %reduce_sum3A_28 [1, 2] : vector<1x128x1xf32> to vector<1xf32>
    %reduce_sum3A_30 = vector.shape_cast %reduce_sum3A_29 : vector<1xf32> to vector<1x1x1xf32>
    %reduce_sum3A_31 = vector.extract %reduce_sum3A_30[0, 0, 0] : f32 from vector<1x1x1xf32>
    %sqrt3A = math.sqrt %reduce_sum3A_31 : f32
    %swap3A = arith.constant 0 : index
    %swap3A_32 = arith.constant 0 : index
    %swap3A_33 = vector.load %arg7[%swap3A, %swap3A_32] : memref<2000x128xf32, #tpu.memory_space<vmem>>, vector<2000x128xf32>
    tpu.vector_store %arg7[%swap3A, %swap3A_32], %max3A_24 {strides = array<i32>} : memref<2000x128xf32, #tpu.memory_space<vmem>>, vector<2000x128xf32>,
    %dot_general3A_34 = arith.constant dense<0.000000e+00> : vector<2000x1xf32>
    %dot_general3A_35 = tpu.matmul %max3A_24, %get3A_27, %dot_general3A_34 {dimension_numbers = #tpu.dot_dimension_numbers<[1], [0], [0], [1], [0, 0, 1, 1], [], []>, transpose_lhs_hint = false} : vector<2000x128xf32>, vector<128x1xf32>, vector<2000x1xf32> -> vector<2000x1xf32>
    %div3A = vector.broadcast %sqrt3A : f32 to vector<2000x1xf32>
    %div3A_36 = arith.divf %dot_general3A_35, %div3A : vector<2000x1xf32>
    %tanh3A = math.tanh %div3A_36 : vector<2000x1xf32>
    %swap3A_37 = arith.constant 0 : index
    %swap3A_38 = arith.constant 0 : index
    %swap3A_39 = vector.load %arg8[%swap3A_37, %swap3A_38] : memref<2000x1xf32, #tpu.memory_space<vmem>>, vector<2000x1xf32>
    tpu.vector_store %arg8[%swap3A_37, %swap3A_38], %tanh3A {strides = array<i32>} : memref<2000x1xf32, #tpu.memory_space<vmem>>, vector<2000x1xf32>,
    return
  }
  func.func @transform_0(%arg0: i32) -> (i32, i32, i32) {
    %c0_i32 = arith.constant 0 : i32
    %c0_i32_0 = arith.constant 0 : i32
    %c0_i32_1 = arith.constant 0 : i32
    return %c0_i32, %arg0, %c0_i32_0 : i32, i32, i32
  }
  func.func @transform_1(%arg0: i32) -> (i32, i32) {
    %c0_i32 = arith.constant 0 : i32
    %c0_i32_0 = arith.constant 0 : i32
    return %arg0, %c0_i32 : i32, i32
  }
  func.func @transform_2(%arg0: i32) -> (i32, i32) {
    %c0_i32 = arith.constant 0 : i32
    %c0_i32_0 = arith.constant 0 : i32
    %c0_i32_1 = arith.constant 0 : i32
    return %c0_i32, %c0_i32_0 : i32, i32
  }
  func.func @transform_3(%arg0: i32) -> (i32, i32) {
    %c0_i32 = arith.constant 0 : i32
    %c0_i32_0 = arith.constant 0 : i32
    %c0_i32_1 = arith.constant 0 : i32
    return %c0_i32, %c0_i32_0 : i32, i32
  }
  func.func @transform_4(%arg0: i32) -> (i32, i32) {
    %c0_i32 = arith.constant 0 : i32
    %c0_i32_0 = arith.constant 0 : i32
    %c0_i32_1 = arith.constant 0 : i32
    return %c0_i32, %c0_i32_0 : i32, i32
  }
  func.func @transform_5(%arg0: i32) -> (i32, i32) {
    %c0_i32 = arith.constant 0 : i32
    %c0_i32_0 = arith.constant 0 : i32
    %c0_i32_1 = arith.constant 0 : i32
    return %c0_i32, %c0_i32_0 : i32, i32
  }
  func.func @transform_6(%arg0: i32) -> (i32, i32) {
    %c0_i32 = arith.constant 0 : i32
    %c0_i32_0 = arith.constant 0 : i32
    return %arg0, %c0_i32 : i32, i32
  }
  func.func @transform_7(%arg0: i32) -> (i32, i32) {
    %c0_i32 = arith.constant 0 : i32
    %c0_i32_0 = arith.constant 0 : i32
    return %arg0, %c0_i32 : i32, i32
  }
}

module attributes {stable_mosaic.version = 14 : i64} {
  func.func @_layerB_body(%arg0: memref<10000x128xf32, #tpu.memory_space<vmem>>, %arg1: memref<10000x1xf32, #tpu.memory_space<vmem>>, %arg2: memref<80x128xf32, #tpu.memory_space<vmem>>, %arg3: memref<80x128xf32, #tpu.memory_space<vmem>>, %arg4: memref<10000x1xf32, #tpu.memory_space<vmem>>, %arg5: memref<10000x128xf32, #tpu.memory_space<vmem>>, %arg6: memref<80x128xf32, #tpu.memory_space<vmem>>, %arg7: memref<10000x1xf32, #tpu.memory_space<vmem>>, %arg8: memref<80x128xi32, #tpu.memory_space<vmem>>, %arg9: memref<10000x1xi32, #tpu.memory_space<vmem>>, %arg10: memref<1x128xf32, #tpu.memory_space<vmem>>, %arg11: memref<1x128xf32, #tpu.memory_space<vmem>>) attributes {dimension_semantics = [], scalar_prefetch = 0 : i64, scratch_operands = 0 : i64, tpu.core_type = #tpu.core_type<tc>} {
    %get3A = arith.constant 0 : index
    %get3A_0 = arith.constant 0 : index
    %get3A_1 = vector.load %arg2[%get3A, %get3A_0] : memref<80x128xf32, #tpu.memory_space<vmem>>, vector<80x128xf32>
    %get3A_2 = arith.constant 0 : index
    %get3A_3 = arith.constant 0 : index
    %get3A_4 = vector.load %arg3[%get3A_2, %get3A_3] : memref<80x128xf32, #tpu.memory_space<vmem>>, vector<80x128xf32>
    %bitcast_convert_type3A = tpu.bitcast %get3A_1 : vector<80x128xf32> -> vector<80x128xi32>
    %lt3A = arith.constant 0 : i32
    %lt3A_5 = vector.broadcast %lt3A : i32 to vector<80x128xi32>
    %lt3A_6 = arith.cmpi slt, %bitcast_convert_type3A, %lt3A_5 : vector<80x128xi32>
    %xor3A = arith.constant 2147483647 : i32
    %xor3A_7 = vector.broadcast %xor3A : i32 to vector<80x128xi32>
    %xor3A_8 = arith.xori %bitcast_convert_type3A, %xor3A_7 : vector<80x128xi32>
    %select_n3A = arith.select %lt3A_6, %xor3A_8, %bitcast_convert_type3A : vector<80x128xi1>, vector<80x128xi32>
    %iota3A = tpu.iota {dimensions = array<i32: 0>} : vector<80x128xi32>
    %iota3A_9 = tpu.iota {dimensions = array<i32: 1>} : vector<80x128xi32>
    %mul3A = arith.constant 128 : i32
    %mul3A_10 = vector.broadcast %mul3A : i32 to vector<80x128xi32>
    %mul3A_11 = arith.muli %iota3A, %mul3A_10 : vector<80x128xi32>
    %add3A = arith.addi %mul3A_11, %iota3A_9 : vector<80x128xi32>
    %gt3A = arith.constant 0.000000e+00 : f32
    %gt3A_12 = vector.broadcast %gt3A : f32 to vector<80x128xf32>
    %gt3A_13 = arith.cmpf ogt, %get3A_4, %gt3A_12 : vector<80x128xf32>
    %lt3A_14 = arith.constant 10000 : i32
    %lt3A_15 = vector.broadcast %lt3A_14 : i32 to vector<80x128xi32>
    %lt3A_16 = arith.cmpi slt, %add3A, %lt3A_15 : vector<80x128xi32>
    %and3A = arith.andi %gt3A_13, %lt3A_16 : vector<80x128xi1>
    %jit3A = arith.constant -2147483648 : i32
    %broadcast_in_dim3A = vector.broadcast %jit3A : i32 to vector<80x128xi32>
    %select_n3A_17 = arith.select %and3A, %select_n3A, %broadcast_in_dim3A : vector<80x128xi1>, vector<80x128xi32>
    %scan3A = arith.constant 5000 : i32
    %scan3A_18 = arith.constant 0 : i32
    %scan3A_19 = arith.constant 0 : i32
    %scan3A_20 = arith.constant 32 : i32
    %scan3A_21 = arith.addi %scan3A_19, %scan3A_20 : i32
    %scan3A_22 = arith.constant 1 : i32
    %scan3A_23 = scf.for %scan3A_162 = %scan3A_19 to %scan3A_21 step %scan3A_22 iter_args(%scan3A_163 = %scan3A_18) -> (i32)  : i32 {
      %sub3A_164 = arith.constant 31 : i32
      %sub3A_165 = arith.subi %sub3A_164, %scan3A_162 : i32
      %shift_left3A = arith.constant 1 : i32
      %shift_left3A_166 = arith.shli %shift_left3A, %sub3A_165 : i32
      %or3A_167 = arith.ori %scan3A_163, %shift_left3A_166 : i32
      %xor3A_168 = arith.constant -2147483648 : i32
      %xor3A_169 = arith.xori %or3A_167, %xor3A_168 : i32
      %ge3A = vector.broadcast %xor3A_169 : i32 to vector<80x128xi32>
      %ge3A_170 = arith.cmpi sge, %select_n3A_17, %ge3A : vector<80x128xi32>
      %convert_element_type3A_171 = arith.extui %ge3A_170 : vector<80x128xi1> to vector<80x128xi32>
      %reduce_sum3A_172 = vector.shape_cast %convert_element_type3A_171 : vector<80x128xi32> to vector<1x80x128xi32>
      %reduce_sum3A_173 = arith.constant dense<0> : vector<1xi32>
      %reduce_sum3A_174 = vector.multi_reduction <add>, %reduce_sum3A_172, %reduce_sum3A_173 [1, 2] : vector<1x80x128xi32> to vector<1xi32>
      %reduce_sum3A_175 = vector.shape_cast %reduce_sum3A_174 : vector<1xi32> to vector<1x1x1xi32>
      %reduce_sum3A_176 = vector.extract %reduce_sum3A_175[0, 0, 0] : i32 from vector<1x1x1xi32>
      %ge3A_177 = arith.cmpi sge, %reduce_sum3A_176, %scan3A : i32
      %select_n3A_178 = arith.select %ge3A_177, %or3A_167, %scan3A_163 : i32
      scf.yield %select_n3A_178 : i32
    }
    %scan3A_24 = arith.constant 32 : i32
    %xor3A_25 = arith.constant -2147483648 : i32
    %xor3A_26 = arith.xori %scan3A_23, %xor3A_25 : i32
    %gt3A_27 = vector.broadcast %xor3A_26 : i32 to vector<80x128xi32>
    %gt3A_28 = arith.cmpi sgt, %select_n3A_17, %gt3A_27 : vector<80x128xi32>
    %and3A_29 = arith.andi %and3A, %gt3A_28 : vector<80x128xi1>
    %convert_element_type3A = arith.extui %and3A_29 : vector<80x128xi1> to vector<80x128xi32>
    %reduce_sum3A = vector.shape_cast %convert_element_type3A : vector<80x128xi32> to vector<1x80x128xi32>
    %reduce_sum3A_30 = arith.constant dense<0> : vector<1xi32>
    %reduce_sum3A_31 = vector.multi_reduction <add>, %reduce_sum3A, %reduce_sum3A_30 [1, 2] : vector<1x80x128xi32> to vector<1xi32>
    %reduce_sum3A_32 = vector.shape_cast %reduce_sum3A_31 : vector<1xi32> to vector<1x1x1xi32>
    %reduce_sum3A_33 = vector.extract %reduce_sum3A_32[0, 0, 0] : i32 from vector<1x1x1xi32>
    %sub3A = arith.constant 5000 : i32
    %sub3A_34 = arith.subi %sub3A, %reduce_sum3A_33 : i32
    %eq3A = vector.broadcast %xor3A_26 : i32 to vector<80x128xi32>
    %eq3A_35 = arith.cmpi eq, %select_n3A_17, %eq3A : vector<80x128xi32>
    %and3A_36 = arith.andi %and3A, %eq3A_35 : vector<80x128xi1>
    %scan3A_37 = arith.constant 0 : i32
    %scan3A_38 = arith.constant 0 : i32
    %scan3A_39 = arith.constant 14 : i32
    %scan3A_40 = arith.addi %scan3A_38, %scan3A_39 : i32
    %scan3A_41 = arith.constant 1 : i32
    %scan3A_42 = scf.for %scan3A_162 = %scan3A_38 to %scan3A_40 step %scan3A_41 iter_args(%scan3A_163 = %scan3A_37) -> (i32)  : i32 {
      %sub3A_164 = arith.constant 13 : i32
      %sub3A_165 = arith.subi %sub3A_164, %scan3A_162 : i32
      %shift_left3A = arith.constant 1 : i32
      %shift_left3A_166 = arith.shli %shift_left3A, %sub3A_165 : i32
      %or3A_167 = arith.ori %scan3A_163, %shift_left3A_166 : i32
      %lt3A_168 = vector.broadcast %or3A_167 : i32 to vector<80x128xi32>
      %lt3A_169 = arith.cmpi slt, %add3A, %lt3A_168 : vector<80x128xi32>
      %and3A_170 = arith.andi %and3A_36, %lt3A_169 : vector<80x128xi1>
      %convert_element_type3A_171 = arith.extui %and3A_170 : vector<80x128xi1> to vector<80x128xi32>
      %reduce_sum3A_172 = vector.shape_cast %convert_element_type3A_171 : vector<80x128xi32> to vector<1x80x128xi32>
      %reduce_sum3A_173 = arith.constant dense<0> : vector<1xi32>
      %reduce_sum3A_174 = vector.multi_reduction <add>, %reduce_sum3A_172, %reduce_sum3A_173 [1, 2] : vector<1x80x128xi32> to vector<1xi32>
      %reduce_sum3A_175 = vector.shape_cast %reduce_sum3A_174 : vector<1xi32> to vector<1x1x1xi32>
      %reduce_sum3A_176 = vector.extract %reduce_sum3A_175[0, 0, 0] : i32 from vector<1x1x1xi32>
      %lt3A_177 = arith.cmpi slt, %reduce_sum3A_176, %sub3A_34 : i32
      %select_n3A_178 = arith.select %lt3A_177, %or3A_167, %scan3A_163 : i32
      scf.yield %select_n3A_178 : i32
    }
    %scan3A_43 = arith.constant 14 : i32
    %get3A_44 = arith.constant 0 : index
    %get3A_45 = arith.constant 0 : index
    %get3A_46 = vector.load %arg3[%get3A_44, %get3A_45] : memref<80x128xf32, #tpu.memory_space<vmem>>, vector<80x128xf32>
    %gt3A_47 = arith.constant 0.000000e+00 : f32
    %gt3A_48 = vector.broadcast %gt3A_47 : f32 to vector<80x128xf32>
    %gt3A_49 = arith.cmpf ogt, %get3A_46, %gt3A_48 : vector<80x128xf32>
    %iota3A_50 = tpu.iota {dimensions = array<i32: 0>} : vector<80x128xi32>
    %mul3A_51 = arith.constant 128 : i32
    %mul3A_52 = vector.broadcast %mul3A_51 : i32 to vector<80x128xi32>
    %mul3A_53 = arith.muli %iota3A_50, %mul3A_52 : vector<80x128xi32>
    %iota3A_54 = tpu.iota {dimensions = array<i32: 1>} : vector<80x128xi32>
    %add3A_55 = arith.addi %mul3A_53, %iota3A_54 : vector<80x128xi32>
    %lt3A_56 = arith.constant 10000 : i32
    %lt3A_57 = vector.broadcast %lt3A_56 : i32 to vector<80x128xi32>
    %lt3A_58 = arith.cmpi slt, %add3A_55, %lt3A_57 : vector<80x128xi32>
    %and3A_59 = arith.andi %gt3A_49, %lt3A_58 : vector<80x128xi1>
    %iota3A_60 = tpu.iota {dimensions = array<i32: 0>} : vector<80x128xi32>
    %mul3A_61 = arith.constant 128 : i32
    %mul3A_62 = vector.broadcast %mul3A_61 : i32 to vector<80x128xi32>
    %mul3A_63 = arith.muli %iota3A_60, %mul3A_62 : vector<80x128xi32>
    %iota3A_64 = tpu.iota {dimensions = array<i32: 1>} : vector<80x128xi32>
    %add3A_65 = arith.addi %mul3A_63, %iota3A_64 : vector<80x128xi32>
    %broadcast_in_dim3A_66 = arith.constant false
    %broadcast_in_dim3A_67 = vector.broadcast %broadcast_in_dim3A_66 : i1 to vector<80x128xi1>
    %jit3A_68 = arith.constant -2147483648 : i32
    %broadcast_in_dim3A_69 = vector.broadcast %jit3A_68 : i32 to vector<80x128xi32>
    %select_n3A_70 = arith.select %and3A_59, %select_n3A, %broadcast_in_dim3A_69 : vector<80x128xi1>, vector<80x128xi32>
    %gt3A_71 = vector.broadcast %xor3A_26 : i32 to vector<80x128xi32>
    %gt3A_72 = arith.cmpi sgt, %select_n3A_70, %gt3A_71 : vector<80x128xi32>
    %and3A_73 = arith.andi %and3A_59, %gt3A_72 : vector<80x128xi1>
    %or3A = arith.ori %broadcast_in_dim3A_67, %and3A_73 : vector<80x128xi1>
    %eq3A_74 = vector.broadcast %xor3A_26 : i32 to vector<80x128xi32>
    %eq3A_75 = arith.cmpi eq, %select_n3A_70, %eq3A_74 : vector<80x128xi32>
    %and3A_76 = arith.andi %and3A_59, %eq3A_75 : vector<80x128xi1>
    %le3A = vector.broadcast %scan3A_42 : i32 to vector<80x128xi32>
    %le3A_77 = arith.cmpi sle, %add3A_65, %le3A : vector<80x128xi32>
    %and3A_78 = arith.andi %and3A_76, %le3A_77 : vector<80x128xi1>
    %gt3A_79 = arith.constant 0 : i32
    %gt3A_80 = arith.cmpi sgt, %sub3A_34, %gt3A_79 : i32
    %and3A_81 = vector.broadcast %gt3A_80 : i1 to vector<80x128xi1>
    %and3A_82 = arith.andi %and3A_78, %and3A_81 : vector<80x128xi1>
    %or3A_83 = arith.ori %or3A, %and3A_82 : vector<80x128xi1>
    %get3A_84 = arith.constant 0 : index
    %get3A_85 = arith.constant 0 : index
    %get3A_86 = vector.load %arg1[%get3A_84, %get3A_85] : memref<10000x1xf32, #tpu.memory_space<vmem>>, vector<10000x1xf32>
    %bitcast_convert_type3A_87 = tpu.bitcast %get3A_86 : vector<10000x1xf32> -> vector<10000x1xi32>
    %lt3A_88 = arith.constant 0 : i32
    %lt3A_89 = vector.broadcast %lt3A_88 : i32 to vector<10000x1xi32>
    %lt3A_90 = arith.cmpi slt, %bitcast_convert_type3A_87, %lt3A_89 : vector<10000x1xi32>
    %xor3A_91 = arith.constant 2147483647 : i32
    %xor3A_92 = vector.broadcast %xor3A_91 : i32 to vector<10000x1xi32>
    %xor3A_93 = arith.xori %bitcast_convert_type3A_87, %xor3A_92 : vector<10000x1xi32>
    %select_n3A_94 = arith.select %lt3A_90, %xor3A_93, %bitcast_convert_type3A_87 : vector<10000x1xi1>, vector<10000x1xi32>
    %iota3A_95 = tpu.iota {dimensions = array<i32: 0>} : vector<10000x1xi32>
    %get3A_96 = arith.constant 0 : index
    %get3A_97 = arith.constant 0 : index
    %get3A_98 = vector.load %arg4[%get3A_96, %get3A_97] : memref<10000x1xf32, #tpu.memory_space<vmem>>, vector<10000x1xf32>
    %gt3A_99 = arith.constant 0.000000e+00 : f32
    %gt3A_100 = vector.broadcast %gt3A_99 : f32 to vector<10000x1xf32>
    %gt3A_101 = arith.cmpf ogt, %get3A_98, %gt3A_100 : vector<10000x1xf32>
    %broadcast_in_dim3A_102 = arith.constant false
    %broadcast_in_dim3A_103 = vector.broadcast %broadcast_in_dim3A_102 : i1 to vector<10000x1xi1>
    %jit3A_104 = arith.constant -2147483648 : i32
    %broadcast_in_dim3A_105 = vector.broadcast %jit3A_104 : i32 to vector<10000x1xi32>
    %select_n3A_106 = arith.select %gt3A_101, %select_n3A_94, %broadcast_in_dim3A_105 : vector<10000x1xi1>, vector<10000x1xi32>
    %gt3A_107 = vector.broadcast %xor3A_26 : i32 to vector<10000x1xi32>
    %gt3A_108 = arith.cmpi sgt, %select_n3A_106, %gt3A_107 : vector<10000x1xi32>
    %and3A_109 = arith.andi %gt3A_101, %gt3A_108 : vector<10000x1xi1>
    %or3A_110 = arith.ori %broadcast_in_dim3A_103, %and3A_109 : vector<10000x1xi1>
    %eq3A_111 = vector.broadcast %xor3A_26 : i32 to vector<10000x1xi32>
    %eq3A_112 = arith.cmpi eq, %select_n3A_106, %eq3A_111 : vector<10000x1xi32>
    %and3A_113 = arith.andi %gt3A_101, %eq3A_112 : vector<10000x1xi1>
    %le3A_114 = vector.broadcast %scan3A_42 : i32 to vector<10000x1xi32>
    %le3A_115 = arith.cmpi sle, %iota3A_95, %le3A_114 : vector<10000x1xi32>
    %and3A_116 = arith.andi %and3A_113, %le3A_115 : vector<10000x1xi1>
    %gt3A_117 = arith.constant 0 : i32
    %gt3A_118 = arith.cmpi sgt, %sub3A_34, %gt3A_117 : i32
    %and3A_119 = vector.broadcast %gt3A_118 : i1 to vector<10000x1xi1>
    %and3A_120 = arith.andi %and3A_116, %and3A_119 : vector<10000x1xi1>
    %or3A_121 = arith.ori %or3A_110, %and3A_120 : vector<10000x1xi1>
    %convert_element_type3A_122 = arith.extui %or3A_121 : vector<10000x1xi1> to vector<10000x1xi32>
    %convert_element_type3A_123 = arith.sitofp %convert_element_type3A_122 : vector<10000x1xi32> to vector<10000x1xf32>
    %get3A_124 = arith.constant 0 : index
    %get3A_125 = arith.constant 0 : index
    %get3A_126 = vector.load %arg0[%get3A_124, %get3A_125] : memref<10000x128xf32, #tpu.memory_space<vmem>>, vector<10000x128xf32>
    %mul3A_127 = arith.mulf %get3A_86, %convert_element_type3A_123 : vector<10000x1xf32>
    %mul3A_128 = vector.broadcast %mul3A_127 : vector<10000x1xf32> to vector<10000x128xf32>
    %mul3A_129 = arith.mulf %get3A_126, %mul3A_128 : vector<10000x128xf32>
    %jit3A_130 = arith.constant 0xFF800000 : f32
    %broadcast_in_dim3A_131 = vector.shape_cast %or3A_121 : vector<10000x1xi1> to vector<10000x1xi1>
    %broadcast_in_dim3A_132 = vector.broadcast %broadcast_in_dim3A_131 : vector<10000x1xi1> to vector<10000x128xi1>
    %broadcast_in_dim3A_133 = vector.broadcast %jit3A_130 : f32 to vector<10000x128xf32>
    %select_n3A_134 = arith.select %broadcast_in_dim3A_132, %mul3A_129, %broadcast_in_dim3A_133 : vector<10000x128xi1>, vector<10000x128xf32>
    %reduce_max3A = arith.constant dense<0xFF800000> : vector<128xf32>
    %reduce_max3A_135 = vector.multi_reduction <maximumf>, %select_n3A_134, %reduce_max3A [0] : vector<10000x128xf32> to vector<128xf32>
    %broadcast_in_dim3A_136 = vector.shape_cast %reduce_max3A_135 : vector<128xf32> to vector<1x128xf32>
    %reduce_sum3A_137 = arith.constant dense<0.000000e+00> : vector<128xf32>
    %reduce_sum3A_138 = vector.multi_reduction <add>, %mul3A_129, %reduce_sum3A_137 [0] : vector<10000x128xf32> to vector<128xf32>
    %broadcast_in_dim3A_139 = vector.shape_cast %reduce_sum3A_138 : vector<128xf32> to vector<1x128xf32>
    %swap3A = arith.constant 0 : index
    %swap3A_140 = arith.constant 0 : index
    %swap3A_141 = vector.load %arg5[%swap3A, %swap3A_140] : memref<10000x128xf32, #tpu.memory_space<vmem>>, vector<10000x128xf32>
    tpu.vector_store %arg5[%swap3A, %swap3A_140], %mul3A_129 {strides = array<i32>} : memref<10000x128xf32, #tpu.memory_space<vmem>>, vector<10000x128xf32>,
    %convert_element_type3A_142 = arith.extui %or3A_83 : vector<80x128xi1> to vector<80x128xi32>
    %convert_element_type3A_143 = arith.sitofp %convert_element_type3A_142 : vector<80x128xi32> to vector<80x128xf32>
    %swap3A_144 = arith.constant 0 : index
    %swap3A_145 = arith.constant 0 : index
    %swap3A_146 = vector.load %arg6[%swap3A_144, %swap3A_145] : memref<80x128xf32, #tpu.memory_space<vmem>>, vector<80x128xf32>
    tpu.vector_store %arg6[%swap3A_144, %swap3A_145], %convert_element_type3A_143 {strides = array<i32>} : memref<80x128xf32, #tpu.memory_space<vmem>>, vector<80x128xf32>,
    %swap3A_147 = arith.constant 0 : index
    %swap3A_148 = arith.constant 0 : index
    %swap3A_149 = vector.load %arg7[%swap3A_147, %swap3A_148] : memref<10000x1xf32, #tpu.memory_space<vmem>>, vector<10000x1xf32>
    tpu.vector_store %arg7[%swap3A_147, %swap3A_148], %convert_element_type3A_123 {strides = array<i32>} : memref<10000x1xf32, #tpu.memory_space<vmem>>, vector<10000x1xf32>,
    %swap3A_150 = arith.constant 0 : index
    %swap3A_151 = arith.constant 0 : index
    %swap3A_152 = vector.load %arg8[%swap3A_150, %swap3A_151] : memref<80x128xi32, #tpu.memory_space<vmem>>, vector<80x128xi32>
    tpu.vector_store %arg8[%swap3A_150, %swap3A_151], %select_n3A {strides = array<i32>} : memref<80x128xi32, #tpu.memory_space<vmem>>, vector<80x128xi32>,
    %swap3A_153 = arith.constant 0 : index
    %swap3A_154 = arith.constant 0 : index
    %swap3A_155 = vector.load %arg9[%swap3A_153, %swap3A_154] : memref<10000x1xi32, #tpu.memory_space<vmem>>, vector<10000x1xi32>
    tpu.vector_store %arg9[%swap3A_153, %swap3A_154], %select_n3A_94 {strides = array<i32>} : memref<10000x1xi32, #tpu.memory_space<vmem>>, vector<10000x1xi32>,
    %swap3A_156 = arith.constant 0 : index
    %swap3A_157 = arith.constant 0 : index
    %swap3A_158 = vector.load %arg10[%swap3A_156, %swap3A_157] : memref<1x128xf32, #tpu.memory_space<vmem>>, vector<1x128xf32>
    tpu.vector_store %arg10[%swap3A_156, %swap3A_157], %broadcast_in_dim3A_136 {strides = array<i32>} : memref<1x128xf32, #tpu.memory_space<vmem>>, vector<1x128xf32>,
    %swap3A_159 = arith.constant 0 : index
    %swap3A_160 = arith.constant 0 : index
    %swap3A_161 = vector.load %arg11[%swap3A_159, %swap3A_160] : memref<1x128xf32, #tpu.memory_space<vmem>>, vector<1x128xf32>
    tpu.vector_store %arg11[%swap3A_159, %swap3A_160], %broadcast_in_dim3A_139 {strides = array<i32>} : memref<1x128xf32, #tpu.memory_space<vmem>>, vector<1x128xf32>,
    return
  }
}

module attributes {stable_mosaic.version = 14 : i64} {
  func.func @_layerB_body(%arg0: memref<10000x128xf32, #tpu.memory_space<vmem>>, %arg1: memref<10000x1xf32, #tpu.memory_space<vmem>>, %arg2: memref<80x128xf32, #tpu.memory_space<vmem>>, %arg3: memref<80x128xf32, #tpu.memory_space<vmem>>, %arg4: memref<10000x1xf32, #tpu.memory_space<vmem>>, %arg5: memref<80x128xi32, #tpu.memory_space<vmem>>, %arg6: memref<10000x1xi32, #tpu.memory_space<vmem>>, %arg7: memref<10000x128xf32, #tpu.memory_space<vmem>>, %arg8: memref<80x128xf32, #tpu.memory_space<vmem>>, %arg9: memref<10000x1xf32, #tpu.memory_space<vmem>>, %arg10: memref<80x128xi32, #tpu.memory_space<vmem>>, %arg11: memref<10000x1xi32, #tpu.memory_space<vmem>>, %arg12: memref<1x128xf32, #tpu.memory_space<vmem>>, %arg13: memref<1x128xf32, #tpu.memory_space<vmem>>) attributes {dimension_semantics = [], scalar_prefetch = 0 : i64, scratch_operands = 0 : i64, tpu.core_type = #tpu.core_type<tc>} {
    %get3A = arith.constant 0 : index
    %get3A_0 = arith.constant 0 : index
    %get3A_1 = vector.load %arg5[%get3A, %get3A_0] : memref<80x128xi32, #tpu.memory_space<vmem>>, vector<80x128xi32>
    %get3A_2 = arith.constant 0 : index
    %get3A_3 = arith.constant 0 : index
    %get3A_4 = vector.load %arg6[%get3A_2, %get3A_3] : memref<10000x1xi32, #tpu.memory_space<vmem>>, vector<10000x1xi32>
    %get3A_5 = arith.constant 0 : index
    %get3A_6 = arith.constant 0 : index
    %get3A_7 = vector.load %arg2[%get3A_5, %get3A_6] : memref<80x128xf32, #tpu.memory_space<vmem>>, vector<80x128xf32>
    %get3A_8 = arith.constant 0 : index
    %get3A_9 = arith.constant 0 : index
    %get3A_10 = vector.load %arg3[%get3A_8, %get3A_9] : memref<80x128xf32, #tpu.memory_space<vmem>>, vector<80x128xf32>
    %bitcast_convert_type3A = tpu.bitcast %get3A_7 : vector<80x128xf32> -> vector<80x128xi32>
    %lt3A = arith.constant 0 : i32
    %lt3A_11 = vector.broadcast %lt3A : i32 to vector<80x128xi32>
    %lt3A_12 = arith.cmpi slt, %bitcast_convert_type3A, %lt3A_11 : vector<80x128xi32>
    %xor3A = arith.constant 2147483647 : i32
    %xor3A_13 = vector.broadcast %xor3A : i32 to vector<80x128xi32>
    %xor3A_14 = arith.xori %bitcast_convert_type3A, %xor3A_13 : vector<80x128xi32>
    %select_n3A = arith.select %lt3A_12, %xor3A_14, %bitcast_convert_type3A : vector<80x128xi1>, vector<80x128xi32>
    %iota3A = tpu.iota {dimensions = array<i32: 0>} : vector<80x128xi32>
    %iota3A_15 = tpu.iota {dimensions = array<i32: 1>} : vector<80x128xi32>
    %mul3A = arith.constant 128 : i32
    %mul3A_16 = vector.broadcast %mul3A : i32 to vector<80x128xi32>
    %mul3A_17 = arith.muli %iota3A, %mul3A_16 : vector<80x128xi32>
    %add3A = arith.addi %mul3A_17, %iota3A_15 : vector<80x128xi32>
    %gt3A = arith.constant 0.000000e+00 : f32
    %gt3A_18 = vector.broadcast %gt3A : f32 to vector<80x128xf32>
    %gt3A_19 = arith.cmpf ogt, %get3A_10, %gt3A_18 : vector<80x128xf32>
    %lt3A_20 = arith.constant 10000 : i32
    %lt3A_21 = vector.broadcast %lt3A_20 : i32 to vector<80x128xi32>
    %lt3A_22 = arith.cmpi slt, %add3A, %lt3A_21 : vector<80x128xi32>
    %and3A = arith.andi %gt3A_19, %lt3A_22 : vector<80x128xi1>
    %jit3A = arith.constant -2147483648 : i32
    %broadcast_in_dim3A = vector.broadcast %jit3A : i32 to vector<80x128xi32>
    %select_n3A_23 = arith.select %and3A, %select_n3A, %broadcast_in_dim3A : vector<80x128xi1>, vector<80x128xi32>
    %scan3A = arith.constant 2500 : i32
    %scan3A_24 = arith.constant 0 : i32
    %scan3A_25 = arith.constant 0 : i32
    %scan3A_26 = arith.constant 32 : i32
    %scan3A_27 = arith.addi %scan3A_25, %scan3A_26 : i32
    %scan3A_28 = arith.constant 1 : i32
    %scan3A_29 = scf.for %scan3A_213 = %scan3A_25 to %scan3A_27 step %scan3A_28 iter_args(%scan3A_214 = %scan3A_24) -> (i32)  : i32 {
      %sub3A_215 = arith.constant 31 : i32
      %sub3A_216 = arith.subi %sub3A_215, %scan3A_213 : i32
      %shift_left3A = arith.constant 1 : i32
      %shift_left3A_217 = arith.shli %shift_left3A, %sub3A_216 : i32
      %or3A_218 = arith.ori %scan3A_214, %shift_left3A_217 : i32
      %xor3A_219 = arith.constant -2147483648 : i32
      %xor3A_220 = arith.xori %or3A_218, %xor3A_219 : i32
      %ge3A = vector.broadcast %xor3A_220 : i32 to vector<80x128xi32>
      %ge3A_221 = arith.cmpi sge, %select_n3A_23, %ge3A : vector<80x128xi32>
      %convert_element_type3A_222 = arith.extui %ge3A_221 : vector<80x128xi1> to vector<80x128xi32>
      %reduce_sum3A_223 = vector.shape_cast %convert_element_type3A_222 : vector<80x128xi32> to vector<1x80x128xi32>
      %reduce_sum3A_224 = arith.constant dense<0> : vector<1xi32>
      %reduce_sum3A_225 = vector.multi_reduction <add>, %reduce_sum3A_223, %reduce_sum3A_224 [1, 2] : vector<1x80x128xi32> to vector<1xi32>
      %reduce_sum3A_226 = vector.shape_cast %reduce_sum3A_225 : vector<1xi32> to vector<1x1x1xi32>
      %reduce_sum3A_227 = vector.extract %reduce_sum3A_226[0, 0, 0] : i32 from vector<1x1x1xi32>
      %ge3A_228 = arith.cmpi sge, %reduce_sum3A_227, %scan3A : i32
      %select_n3A_229 = arith.select %ge3A_228, %or3A_218, %scan3A_214 : i32
      scf.yield %select_n3A_229 : i32
    }
    %scan3A_30 = arith.constant 32 : i32
    %xor3A_31 = arith.constant -2147483648 : i32
    %xor3A_32 = arith.xori %scan3A_29, %xor3A_31 : i32
    %gt3A_33 = vector.broadcast %xor3A_32 : i32 to vector<80x128xi32>
    %gt3A_34 = arith.cmpi sgt, %select_n3A_23, %gt3A_33 : vector<80x128xi32>
    %and3A_35 = arith.andi %and3A, %gt3A_34 : vector<80x128xi1>
    %convert_element_type3A = arith.extui %and3A_35 : vector<80x128xi1> to vector<80x128xi32>
    %reduce_sum3A = vector.shape_cast %convert_element_type3A : vector<80x128xi32> to vector<1x80x128xi32>
    %reduce_sum3A_36 = arith.constant dense<0> : vector<1xi32>
    %reduce_sum3A_37 = vector.multi_reduction <add>, %reduce_sum3A, %reduce_sum3A_36 [1, 2] : vector<1x80x128xi32> to vector<1xi32>
    %reduce_sum3A_38 = vector.shape_cast %reduce_sum3A_37 : vector<1xi32> to vector<1x1x1xi32>
    %reduce_sum3A_39 = vector.extract %reduce_sum3A_38[0, 0, 0] : i32 from vector<1x1x1xi32>
    %sub3A = arith.constant 2500 : i32
    %sub3A_40 = arith.subi %sub3A, %reduce_sum3A_39 : i32
    %eq3A = vector.broadcast %xor3A_32 : i32 to vector<80x128xi32>
    %eq3A_41 = arith.cmpi eq, %select_n3A_23, %eq3A : vector<80x128xi32>
    %and3A_42 = arith.andi %and3A, %eq3A_41 : vector<80x128xi1>
    %jit3A_43 = arith.constant -2147483648 : i32
    %broadcast_in_dim3A_44 = vector.broadcast %jit3A_43 : i32 to vector<80x128xi32>
    %select_n3A_45 = arith.select %and3A_42, %get3A_1, %broadcast_in_dim3A_44 : vector<80x128xi1>, vector<80x128xi32>
    %scan3A_46 = arith.constant 0 : i32
    %scan3A_47 = arith.constant 0 : i32
    %scan3A_48 = arith.constant 32 : i32
    %scan3A_49 = arith.addi %scan3A_47, %scan3A_48 : i32
    %scan3A_50 = arith.constant 1 : i32
    %scan3A_51 = scf.for %scan3A_213 = %scan3A_47 to %scan3A_49 step %scan3A_50 iter_args(%scan3A_214 = %scan3A_46) -> (i32)  : i32 {
      %sub3A_215 = arith.constant 31 : i32
      %sub3A_216 = arith.subi %sub3A_215, %scan3A_213 : i32
      %shift_left3A = arith.constant 1 : i32
      %shift_left3A_217 = arith.shli %shift_left3A, %sub3A_216 : i32
      %or3A_218 = arith.ori %scan3A_214, %shift_left3A_217 : i32
      %xor3A_219 = arith.constant -2147483648 : i32
      %xor3A_220 = arith.xori %or3A_218, %xor3A_219 : i32
      %ge3A = vector.broadcast %xor3A_220 : i32 to vector<80x128xi32>
      %ge3A_221 = arith.cmpi sge, %select_n3A_45, %ge3A : vector<80x128xi32>
      %convert_element_type3A_222 = arith.extui %ge3A_221 : vector<80x128xi1> to vector<80x128xi32>
      %reduce_sum3A_223 = vector.shape_cast %convert_element_type3A_222 : vector<80x128xi32> to vector<1x80x128xi32>
      %reduce_sum3A_224 = arith.constant dense<0> : vector<1xi32>
      %reduce_sum3A_225 = vector.multi_reduction <add>, %reduce_sum3A_223, %reduce_sum3A_224 [1, 2] : vector<1x80x128xi32> to vector<1xi32>
      %reduce_sum3A_226 = vector.shape_cast %reduce_sum3A_225 : vector<1xi32> to vector<1x1x1xi32>
      %reduce_sum3A_227 = vector.extract %reduce_sum3A_226[0, 0, 0] : i32 from vector<1x1x1xi32>
      %ge3A_228 = arith.cmpi sge, %reduce_sum3A_227, %sub3A_40 : i32
      %select_n3A_229 = arith.select %ge3A_228, %or3A_218, %scan3A_214 : i32
      scf.yield %select_n3A_229 : i32
    }
    %scan3A_52 = arith.constant 32 : i32
    %xor3A_53 = arith.constant -2147483648 : i32
    %xor3A_54 = arith.xori %scan3A_51, %xor3A_53 : i32
    %gt3A_55 = vector.broadcast %xor3A_54 : i32 to vector<80x128xi32>
    %gt3A_56 = arith.cmpi sgt, %select_n3A_45, %gt3A_55 : vector<80x128xi32>
    %and3A_57 = arith.andi %and3A_42, %gt3A_56 : vector<80x128xi1>
    %convert_element_type3A_58 = arith.extui %and3A_57 : vector<80x128xi1> to vector<80x128xi32>
    %reduce_sum3A_59 = vector.shape_cast %convert_element_type3A_58 : vector<80x128xi32> to vector<1x80x128xi32>
    %reduce_sum3A_60 = arith.constant dense<0> : vector<1xi32>
    %reduce_sum3A_61 = vector.multi_reduction <add>, %reduce_sum3A_59, %reduce_sum3A_60 [1, 2] : vector<1x80x128xi32> to vector<1xi32>
    %reduce_sum3A_62 = vector.shape_cast %reduce_sum3A_61 : vector<1xi32> to vector<1x1x1xi32>
    %reduce_sum3A_63 = vector.extract %reduce_sum3A_62[0, 0, 0] : i32 from vector<1x1x1xi32>
    %sub3A_64 = arith.subi %sub3A_40, %reduce_sum3A_63 : i32
    %eq3A_65 = vector.broadcast %xor3A_54 : i32 to vector<80x128xi32>
    %eq3A_66 = arith.cmpi eq, %select_n3A_45, %eq3A_65 : vector<80x128xi32>
    %and3A_67 = arith.andi %and3A_42, %eq3A_66 : vector<80x128xi1>
    %scan3A_68 = arith.constant 0 : i32
    %scan3A_69 = arith.constant 0 : i32
    %scan3A_70 = arith.constant 14 : i32
    %scan3A_71 = arith.addi %scan3A_69, %scan3A_70 : i32
    %scan3A_72 = arith.constant 1 : i32
    %scan3A_73 = scf.for %scan3A_213 = %scan3A_69 to %scan3A_71 step %scan3A_72 iter_args(%scan3A_214 = %scan3A_68) -> (i32)  : i32 {
      %sub3A_215 = arith.constant 13 : i32
      %sub3A_216 = arith.subi %sub3A_215, %scan3A_213 : i32
      %shift_left3A = arith.constant 1 : i32
      %shift_left3A_217 = arith.shli %shift_left3A, %sub3A_216 : i32
      %or3A_218 = arith.ori %scan3A_214, %shift_left3A_217 : i32
      %lt3A_219 = vector.broadcast %or3A_218 : i32 to vector<80x128xi32>
      %lt3A_220 = arith.cmpi slt, %add3A, %lt3A_219 : vector<80x128xi32>
      %and3A_221 = arith.andi %and3A_67, %lt3A_220 : vector<80x128xi1>
      %convert_element_type3A_222 = arith.extui %and3A_221 : vector<80x128xi1> to vector<80x128xi32>
      %reduce_sum3A_223 = vector.shape_cast %convert_element_type3A_222 : vector<80x128xi32> to vector<1x80x128xi32>
      %reduce_sum3A_224 = arith.constant dense<0> : vector<1xi32>
      %reduce_sum3A_225 = vector.multi_reduction <add>, %reduce_sum3A_223, %reduce_sum3A_224 [1, 2] : vector<1x80x128xi32> to vector<1xi32>
      %reduce_sum3A_226 = vector.shape_cast %reduce_sum3A_225 : vector<1xi32> to vector<1x1x1xi32>
      %reduce_sum3A_227 = vector.extract %reduce_sum3A_226[0, 0, 0] : i32 from vector<1x1x1xi32>
      %lt3A_228 = arith.cmpi slt, %reduce_sum3A_227, %sub3A_64 : i32
      %select_n3A_229 = arith.select %lt3A_228, %or3A_218, %scan3A_214 : i32
      scf.yield %select_n3A_229 : i32
    }
    %scan3A_74 = arith.constant 14 : i32
    %get3A_75 = arith.constant 0 : index
    %get3A_76 = arith.constant 0 : index
    %get3A_77 = vector.load %arg3[%get3A_75, %get3A_76] : memref<80x128xf32, #tpu.memory_space<vmem>>, vector<80x128xf32>
    %gt3A_78 = arith.constant 0.000000e+00 : f32
    %gt3A_79 = vector.broadcast %gt3A_78 : f32 to vector<80x128xf32>
    %gt3A_80 = arith.cmpf ogt, %get3A_77, %gt3A_79 : vector<80x128xf32>
    %iota3A_81 = tpu.iota {dimensions = array<i32: 0>} : vector<80x128xi32>
    %mul3A_82 = arith.constant 128 : i32
    %mul3A_83 = vector.broadcast %mul3A_82 : i32 to vector<80x128xi32>
    %mul3A_84 = arith.muli %iota3A_81, %mul3A_83 : vector<80x128xi32>
    %iota3A_85 = tpu.iota {dimensions = array<i32: 1>} : vector<80x128xi32>
    %add3A_86 = arith.addi %mul3A_84, %iota3A_85 : vector<80x128xi32>
    %lt3A_87 = arith.constant 10000 : i32
    %lt3A_88 = vector.broadcast %lt3A_87 : i32 to vector<80x128xi32>
    %lt3A_89 = arith.cmpi slt, %add3A_86, %lt3A_88 : vector<80x128xi32>
    %and3A_90 = arith.andi %gt3A_80, %lt3A_89 : vector<80x128xi1>
    %iota3A_91 = tpu.iota {dimensions = array<i32: 0>} : vector<80x128xi32>
    %mul3A_92 = arith.constant 128 : i32
    %mul3A_93 = vector.broadcast %mul3A_92 : i32 to vector<80x128xi32>
    %mul3A_94 = arith.muli %iota3A_91, %mul3A_93 : vector<80x128xi32>
    %iota3A_95 = tpu.iota {dimensions = array<i32: 1>} : vector<80x128xi32>
    %add3A_96 = arith.addi %mul3A_94, %iota3A_95 : vector<80x128xi32>
    %broadcast_in_dim3A_97 = arith.constant false
    %broadcast_in_dim3A_98 = vector.broadcast %broadcast_in_dim3A_97 : i1 to vector<80x128xi1>
    %jit3A_99 = arith.constant -2147483648 : i32
    %broadcast_in_dim3A_100 = vector.broadcast %jit3A_99 : i32 to vector<80x128xi32>
    %select_n3A_101 = arith.select %and3A_90, %select_n3A, %broadcast_in_dim3A_100 : vector<80x128xi1>, vector<80x128xi32>
    %gt3A_102 = vector.broadcast %xor3A_32 : i32 to vector<80x128xi32>
    %gt3A_103 = arith.cmpi sgt, %select_n3A_101, %gt3A_102 : vector<80x128xi32>
    %and3A_104 = arith.andi %and3A_90, %gt3A_103 : vector<80x128xi1>
    %or3A = arith.ori %broadcast_in_dim3A_98, %and3A_104 : vector<80x128xi1>
    %eq3A_105 = vector.broadcast %xor3A_32 : i32 to vector<80x128xi32>
    %eq3A_106 = arith.cmpi eq, %select_n3A_101, %eq3A_105 : vector<80x128xi32>
    %and3A_107 = arith.andi %and3A_90, %eq3A_106 : vector<80x128xi1>
    %jit3A_108 = arith.constant -2147483648 : i32
    %broadcast_in_dim3A_109 = vector.broadcast %jit3A_108 : i32 to vector<80x128xi32>
    %select_n3A_110 = arith.select %and3A_107, %get3A_1, %broadcast_in_dim3A_109 : vector<80x128xi1>, vector<80x128xi32>
    %gt3A_111 = vector.broadcast %xor3A_54 : i32 to vector<80x128xi32>
    %gt3A_112 = arith.cmpi sgt, %select_n3A_110, %gt3A_111 : vector<80x128xi32>
    %and3A_113 = arith.andi %and3A_107, %gt3A_112 : vector<80x128xi1>
    %or3A_114 = arith.ori %or3A, %and3A_113 : vector<80x128xi1>
    %eq3A_115 = vector.broadcast %xor3A_54 : i32 to vector<80x128xi32>
    %eq3A_116 = arith.cmpi eq, %select_n3A_110, %eq3A_115 : vector<80x128xi32>
    %and3A_117 = arith.andi %and3A_107, %eq3A_116 : vector<80x128xi1>
    %le3A = vector.broadcast %scan3A_73 : i32 to vector<80x128xi32>
    %le3A_118 = arith.cmpi sle, %add3A_96, %le3A : vector<80x128xi32>
    %and3A_119 = arith.andi %and3A_117, %le3A_118 : vector<80x128xi1>
    %gt3A_120 = arith.constant 0 : i32
    %gt3A_121 = arith.cmpi sgt, %sub3A_64, %gt3A_120 : i32
    %and3A_122 = vector.broadcast %gt3A_121 : i1 to vector<80x128xi1>
    %and3A_123 = arith.andi %and3A_119, %and3A_122 : vector<80x128xi1>
    %or3A_124 = arith.ori %or3A_114, %and3A_123 : vector<80x128xi1>
    %get3A_125 = arith.constant 0 : index
    %get3A_126 = arith.constant 0 : index
    %get3A_127 = vector.load %arg1[%get3A_125, %get3A_126] : memref<10000x1xf32, #tpu.memory_space<vmem>>, vector<10000x1xf32>
    %bitcast_convert_type3A_128 = tpu.bitcast %get3A_127 : vector<10000x1xf32> -> vector<10000x1xi32>
    %lt3A_129 = arith.constant 0 : i32
    %lt3A_130 = vector.broadcast %lt3A_129 : i32 to vector<10000x1xi32>
    %lt3A_131 = arith.cmpi slt, %bitcast_convert_type3A_128, %lt3A_130 : vector<10000x1xi32>
    %xor3A_132 = arith.constant 2147483647 : i32
    %xor3A_133 = vector.broadcast %xor3A_132 : i32 to vector<10000x1xi32>
    %xor3A_134 = arith.xori %bitcast_convert_type3A_128, %xor3A_133 : vector<10000x1xi32>
    %select_n3A_135 = arith.select %lt3A_131, %xor3A_134, %bitcast_convert_type3A_128 : vector<10000x1xi1>, vector<10000x1xi32>
    %iota3A_136 = tpu.iota {dimensions = array<i32: 0>} : vector<10000x1xi32>
    %get3A_137 = arith.constant 0 : index
    %get3A_138 = arith.constant 0 : index
    %get3A_139 = vector.load %arg4[%get3A_137, %get3A_138] : memref<10000x1xf32, #tpu.memory_space<vmem>>, vector<10000x1xf32>
    %gt3A_140 = arith.constant 0.000000e+00 : f32
    %gt3A_141 = vector.broadcast %gt3A_140 : f32 to vector<10000x1xf32>
    %gt3A_142 = arith.cmpf ogt, %get3A_139, %gt3A_141 : vector<10000x1xf32>
    %broadcast_in_dim3A_143 = arith.constant false
    %broadcast_in_dim3A_144 = vector.broadcast %broadcast_in_dim3A_143 : i1 to vector<10000x1xi1>
    %jit3A_145 = arith.constant -2147483648 : i32
    %broadcast_in_dim3A_146 = vector.broadcast %jit3A_145 : i32 to vector<10000x1xi32>
    %select_n3A_147 = arith.select %gt3A_142, %select_n3A_135, %broadcast_in_dim3A_146 : vector<10000x1xi1>, vector<10000x1xi32>
    %gt3A_148 = vector.broadcast %xor3A_32 : i32 to vector<10000x1xi32>
    %gt3A_149 = arith.cmpi sgt, %select_n3A_147, %gt3A_148 : vector<10000x1xi32>
    %and3A_150 = arith.andi %gt3A_142, %gt3A_149 : vector<10000x1xi1>
    %or3A_151 = arith.ori %broadcast_in_dim3A_144, %and3A_150 : vector<10000x1xi1>
    %eq3A_152 = vector.broadcast %xor3A_32 : i32 to vector<10000x1xi32>
    %eq3A_153 = arith.cmpi eq, %select_n3A_147, %eq3A_152 : vector<10000x1xi32>
    %and3A_154 = arith.andi %gt3A_142, %eq3A_153 : vector<10000x1xi1>
    %jit3A_155 = arith.constant -2147483648 : i32
    %broadcast_in_dim3A_156 = vector.broadcast %jit3A_155 : i32 to vector<10000x1xi32>
    %select_n3A_157 = arith.select %and3A_154, %get3A_4, %broadcast_in_dim3A_156 : vector<10000x1xi1>, vector<10000x1xi32>
    %gt3A_158 = vector.broadcast %xor3A_54 : i32 to vector<10000x1xi32>
    %gt3A_159 = arith.cmpi sgt, %select_n3A_157, %gt3A_158 : vector<10000x1xi32>
    %and3A_160 = arith.andi %and3A_154, %gt3A_159 : vector<10000x1xi1>
    %or3A_161 = arith.ori %or3A_151, %and3A_160 : vector<10000x1xi1>
    %eq3A_162 = vector.broadcast %xor3A_54 : i32 to vector<10000x1xi32>
    %eq3A_163 = arith.cmpi eq, %select_n3A_157, %eq3A_162 : vector<10000x1xi32>
    %and3A_164 = arith.andi %and3A_154, %eq3A_163 : vector<10000x1xi1>
    %le3A_165 = vector.broadcast %scan3A_73 : i32 to vector<10000x1xi32>
    %le3A_166 = arith.cmpi sle, %iota3A_136, %le3A_165 : vector<10000x1xi32>
    %and3A_167 = arith.andi %and3A_164, %le3A_166 : vector<10000x1xi1>
    %gt3A_168 = arith.constant 0 : i32
    %gt3A_169 = arith.cmpi sgt, %sub3A_64, %gt3A_168 : i32
    %and3A_170 = vector.broadcast %gt3A_169 : i1 to vector<10000x1xi1>
    %and3A_171 = arith.andi %and3A_167, %and3A_170 : vector<10000x1xi1>
    %or3A_172 = arith.ori %or3A_161, %and3A_171 : vector<10000x1xi1>
    %convert_element_type3A_173 = arith.extui %or3A_172 : vector<10000x1xi1> to vector<10000x1xi32>
    %convert_element_type3A_174 = arith.sitofp %convert_element_type3A_173 : vector<10000x1xi32> to vector<10000x1xf32>
    %get3A_175 = arith.constant 0 : index
    %get3A_176 = arith.constant 0 : index
    %get3A_177 = vector.load %arg0[%get3A_175, %get3A_176] : memref<10000x128xf32, #tpu.memory_space<vmem>>, vector<10000x128xf32>
    %mul3A_178 = arith.mulf %get3A_127, %convert_element_type3A_174 : vector<10000x1xf32>
    %mul3A_179 = vector.broadcast %mul3A_178 : vector<10000x1xf32> to vector<10000x128xf32>
    %mul3A_180 = arith.mulf %get3A_177, %mul3A_179 : vector<10000x128xf32>
    %jit3A_181 = arith.constant 0xFF800000 : f32
    %broadcast_in_dim3A_182 = vector.shape_cast %or3A_172 : vector<10000x1xi1> to vector<10000x1xi1>
    %broadcast_in_dim3A_183 = vector.broadcast %broadcast_in_dim3A_182 : vector<10000x1xi1> to vector<10000x128xi1>
    %broadcast_in_dim3A_184 = vector.broadcast %jit3A_181 : f32 to vector<10000x128xf32>
    %select_n3A_185 = arith.select %broadcast_in_dim3A_183, %mul3A_180, %broadcast_in_dim3A_184 : vector<10000x128xi1>, vector<10000x128xf32>
    %reduce_max3A = arith.constant dense<0xFF800000> : vector<128xf32>
    %reduce_max3A_186 = vector.multi_reduction <maximumf>, %select_n3A_185, %reduce_max3A [0] : vector<10000x128xf32> to vector<128xf32>
    %broadcast_in_dim3A_187 = vector.shape_cast %reduce_max3A_186 : vector<128xf32> to vector<1x128xf32>
    %reduce_sum3A_188 = arith.constant dense<0.000000e+00> : vector<128xf32>
    %reduce_sum3A_189 = vector.multi_reduction <add>, %mul3A_180, %reduce_sum3A_188 [0] : vector<10000x128xf32> to vector<128xf32>
    %broadcast_in_dim3A_190 = vector.shape_cast %reduce_sum3A_189 : vector<128xf32> to vector<1x128xf32>
    %swap3A = arith.constant 0 : index
    %swap3A_191 = arith.constant 0 : index
    %swap3A_192 = vector.load %arg7[%swap3A, %swap3A_191] : memref<10000x128xf32, #tpu.memory_space<vmem>>, vector<10000x128xf32>
    tpu.vector_store %arg7[%swap3A, %swap3A_191], %mul3A_180 {strides = array<i32>} : memref<10000x128xf32, #tpu.memory_space<vmem>>, vector<10000x128xf32>,
    %convert_element_type3A_193 = arith.extui %or3A_124 : vector<80x128xi1> to vector<80x128xi32>
    %convert_element_type3A_194 = arith.sitofp %convert_element_type3A_193 : vector<80x128xi32> to vector<80x128xf32>
    %swap3A_195 = arith.constant 0 : index
    %swap3A_196 = arith.constant 0 : index
    %swap3A_197 = vector.load %arg8[%swap3A_195, %swap3A_196] : memref<80x128xf32, #tpu.memory_space<vmem>>, vector<80x128xf32>
    tpu.vector_store %arg8[%swap3A_195, %swap3A_196], %convert_element_type3A_194 {strides = array<i32>} : memref<80x128xf32, #tpu.memory_space<vmem>>, vector<80x128xf32>,
    %swap3A_198 = arith.constant 0 : index
    %swap3A_199 = arith.constant 0 : index
    %swap3A_200 = vector.load %arg9[%swap3A_198, %swap3A_199] : memref<10000x1xf32, #tpu.memory_space<vmem>>, vector<10000x1xf32>
    tpu.vector_store %arg9[%swap3A_198, %swap3A_199], %convert_element_type3A_174 {strides = array<i32>} : memref<10000x1xf32, #tpu.memory_space<vmem>>, vector<10000x1xf32>,
    %swap3A_201 = arith.constant 0 : index
    %swap3A_202 = arith.constant 0 : index
    %swap3A_203 = vector.load %arg10[%swap3A_201, %swap3A_202] : memref<80x128xi32, #tpu.memory_space<vmem>>, vector<80x128xi32>
    tpu.vector_store %arg10[%swap3A_201, %swap3A_202], %select_n3A {strides = array<i32>} : memref<80x128xi32, #tpu.memory_space<vmem>>, vector<80x128xi32>,
    %swap3A_204 = arith.constant 0 : index
    %swap3A_205 = arith.constant 0 : index
    %swap3A_206 = vector.load %arg11[%swap3A_204, %swap3A_205] : memref<10000x1xi32, #tpu.memory_space<vmem>>, vector<10000x1xi32>
    tpu.vector_store %arg11[%swap3A_204, %swap3A_205], %select_n3A_135 {strides = array<i32>} : memref<10000x1xi32, #tpu.memory_space<vmem>>, vector<10000x1xi32>,
    %swap3A_207 = arith.constant 0 : index
    %swap3A_208 = arith.constant 0 : index
    %swap3A_209 = vector.load %arg12[%swap3A_207, %swap3A_208] : memref<1x128xf32, #tpu.memory_space<vmem>>, vector<1x128xf32>
    tpu.vector_store %arg12[%swap3A_207, %swap3A_208], %broadcast_in_dim3A_187 {strides = array<i32>} : memref<1x128xf32, #tpu.memory_space<vmem>>, vector<1x128xf32>,
    %swap3A_210 = arith.constant 0 : index
    %swap3A_211 = arith.constant 0 : index
    %swap3A_212 = vector.load %arg13[%swap3A_210, %swap3A_211] : memref<1x128xf32, #tpu.memory_space<vmem>>, vector<1x128xf32>
    tpu.vector_store %arg13[%swap3A_210, %swap3A_211], %broadcast_in_dim3A_190 {strides = array<i32>} : memref<1x128xf32, #tpu.memory_space<vmem>>, vector<1x128xf32>,
    return
  }
}

module attributes {stable_mosaic.version = 14 : i64} {
  func.func @_layer3B_body(%arg0: memref<10000x128xf32, #tpu.memory_space<vmem>>, %arg1: memref<10000x1xf32, #tpu.memory_space<vmem>>, %arg2: memref<80x128xf32, #tpu.memory_space<vmem>>, %arg3: memref<80x128xf32, #tpu.memory_space<vmem>>, %arg4: memref<10000x1xf32, #tpu.memory_space<vmem>>, %arg5: memref<80x128xi32, #tpu.memory_space<vmem>>, %arg6: memref<80x128xi32, #tpu.memory_space<vmem>>, %arg7: memref<10000x1xi32, #tpu.memory_space<vmem>>, %arg8: memref<10000x1xi32, #tpu.memory_space<vmem>>, %arg9: memref<1x128xf32, #tpu.memory_space<vmem>>, %arg10: memref<1x128xf32, #tpu.memory_space<vmem>>, %arg11: memref<1x128xf32, #tpu.memory_space<vmem>>, %arg12: memref<1x128xf32, #tpu.memory_space<vmem>>, %arg13: memref<128x128xf32, #tpu.memory_space<vmem>>, %arg14: memref<128x128xf32, #tpu.memory_space<vmem>>, %arg15: memref<1x128xf32, #tpu.memory_space<vmem>>, %arg16: memref<128x64xf32, #tpu.memory_space<vmem>>, %arg17: memref<1x64xf32, #tpu.memory_space<vmem>>, %arg18: memref<64x16xf32, #tpu.memory_space<vmem>>, %arg19: memref<1x16xf32, #tpu.memory_space<vmem>>, %arg20: memref<1x16xf32, #tpu.memory_space<vmem>>) attributes {dimension_semantics = [], scalar_prefetch = 0 : i64, scratch_operands = 0 : i64, tpu.core_type = #tpu.core_type<tc>} {
    %get3A = arith.constant 0 : index
    %get3A_0 = arith.constant 0 : index
    %get3A_1 = vector.load %arg5[%get3A, %get3A_0] : memref<80x128xi32, #tpu.memory_space<vmem>>, vector<80x128xi32>
    %get3A_2 = arith.constant 0 : index
    %get3A_3 = arith.constant 0 : index
    %get3A_4 = vector.load %arg6[%get3A_2, %get3A_3] : memref<80x128xi32, #tpu.memory_space<vmem>>, vector<80x128xi32>
    %get3A_5 = arith.constant 0 : index
    %get3A_6 = arith.constant 0 : index
    %get3A_7 = vector.load %arg7[%get3A_5, %get3A_6] : memref<10000x1xi32, #tpu.memory_space<vmem>>, vector<10000x1xi32>
    %get3A_8 = arith.constant 0 : index
    %get3A_9 = arith.constant 0 : index
    %get3A_10 = vector.load %arg8[%get3A_8, %get3A_9] : memref<10000x1xi32, #tpu.memory_space<vmem>>, vector<10000x1xi32>
    %get3A_11 = arith.constant 0 : index
    %get3A_12 = arith.constant 0 : index
    %get3A_13 = vector.load %arg2[%get3A_11, %get3A_12] : memref<80x128xf32, #tpu.memory_space<vmem>>, vector<80x128xf32>
    %get3A_14 = arith.constant 0 : index
    %get3A_15 = arith.constant 0 : index
    %get3A_16 = vector.load %arg3[%get3A_14, %get3A_15] : memref<80x128xf32, #tpu.memory_space<vmem>>, vector<80x128xf32>
    %bitcast_convert_type3A = tpu.bitcast %get3A_13 : vector<80x128xf32> -> vector<80x128xi32>
    %lt3A = arith.constant 0 : i32
    %lt3A_17 = vector.broadcast %lt3A : i32 to vector<80x128xi32>
    %lt3A_18 = arith.cmpi slt, %bitcast_convert_type3A, %lt3A_17 : vector<80x128xi32>
    %xor3A = arith.constant 2147483647 : i32
    %xor3A_19 = vector.broadcast %xor3A : i32 to vector<80x128xi32>
    %xor3A_20 = arith.xori %bitcast_convert_type3A, %xor3A_19 : vector<80x128xi32>
    %select_n3A = arith.select %lt3A_18, %xor3A_20, %bitcast_convert_type3A : vector<80x128xi1>, vector<80x128xi32>
    %iota3A = tpu.iota {dimensions = array<i32: 0>} : vector<80x128xi32>
    %iota3A_21 = tpu.iota {dimensions = array<i32: 1>} : vector<80x128xi32>
    %mul3A = arith.constant 128 : i32
    %mul3A_22 = vector.broadcast %mul3A : i32 to vector<80x128xi32>
    %mul3A_23 = arith.muli %iota3A, %mul3A_22 : vector<80x128xi32>
    %add3A = arith.addi %mul3A_23, %iota3A_21 : vector<80x128xi32>
    %gt3A = arith.constant 0.000000e+00 : f32
    %gt3A_24 = vector.broadcast %gt3A : f32 to vector<80x128xf32>
    %gt3A_25 = arith.cmpf ogt, %get3A_16, %gt3A_24 : vector<80x128xf32>
    %lt3A_26 = arith.constant 10000 : i32
    %lt3A_27 = vector.broadcast %lt3A_26 : i32 to vector<80x128xi32>
    %lt3A_28 = arith.cmpi slt, %add3A, %lt3A_27 : vector<80x128xi32>
    %and3A = arith.andi %gt3A_25, %lt3A_28 : vector<80x128xi1>
    %jit3A = arith.constant -2147483648 : i32
    %broadcast_in_dim3A = vector.broadcast %jit3A : i32 to vector<80x128xi32>
    %select_n3A_29 = arith.select %and3A, %select_n3A, %broadcast_in_dim3A : vector<80x128xi1>, vector<80x128xi32>
    %scan3A = arith.constant 1250 : i32
    %scan3A_30 = arith.constant 0 : i32
    %scan3A_31 = arith.constant 0 : i32
    %scan3A_32 = arith.constant 32 : i32
    %scan3A_33 = arith.addi %scan3A_31, %scan3A_32 : i32
    %scan3A_34 = arith.constant 1 : i32
    %scan3A_35 = scf.for %scan3A_255 = %scan3A_31 to %scan3A_33 step %scan3A_34 iter_args(%scan3A_256 = %scan3A_30) -> (i32)  : i32 {
      %sub3A_257 = arith.constant 31 : i32
      %sub3A_258 = arith.subi %sub3A_257, %scan3A_255 : i32
      %shift_left3A = arith.constant 1 : i32
      %shift_left3A_259 = arith.shli %shift_left3A, %sub3A_258 : i32
      %or3A_260 = arith.ori %scan3A_256, %shift_left3A_259 : i32
      %xor3A_261 = arith.constant -2147483648 : i32
      %xor3A_262 = arith.xori %or3A_260, %xor3A_261 : i32
      %ge3A = vector.broadcast %xor3A_262 : i32 to vector<80x128xi32>
      %ge3A_263 = arith.cmpi sge, %select_n3A_29, %ge3A : vector<80x128xi32>
      %convert_element_type3A_264 = arith.extui %ge3A_263 : vector<80x128xi1> to vector<80x128xi32>
      %reduce_sum3A_265 = vector.shape_cast %convert_element_type3A_264 : vector<80x128xi32> to vector<1x80x128xi32>
      %reduce_sum3A_266 = arith.constant dense<0> : vector<1xi32>
      %reduce_sum3A_267 = vector.multi_reduction <add>, %reduce_sum3A_265, %reduce_sum3A_266 [1, 2] : vector<1x80x128xi32> to vector<1xi32>
      %reduce_sum3A_268 = vector.shape_cast %reduce_sum3A_267 : vector<1xi32> to vector<1x1x1xi32>
      %reduce_sum3A_269 = vector.extract %reduce_sum3A_268[0, 0, 0] : i32 from vector<1x1x1xi32>
      %ge3A_270 = arith.cmpi sge, %reduce_sum3A_269, %scan3A : i32
      %select_n3A_271 = arith.select %ge3A_270, %or3A_260, %scan3A_256 : i32
      scf.yield %select_n3A_271 : i32
    }
    %scan3A_36 = arith.constant 32 : i32
    %xor3A_37 = arith.constant -2147483648 : i32
    %xor3A_38 = arith.xori %scan3A_35, %xor3A_37 : i32
    %gt3A_39 = vector.broadcast %xor3A_38 : i32 to vector<80x128xi32>
    %gt3A_40 = arith.cmpi sgt, %select_n3A_29, %gt3A_39 : vector<80x128xi32>
    %and3A_41 = arith.andi %and3A, %gt3A_40 : vector<80x128xi1>
    %convert_element_type3A = arith.extui %and3A_41 : vector<80x128xi1> to vector<80x128xi32>
    %reduce_sum3A = vector.shape_cast %convert_element_type3A : vector<80x128xi32> to vector<1x80x128xi32>
    %reduce_sum3A_42 = arith.constant dense<0> : vector<1xi32>
    %reduce_sum3A_43 = vector.multi_reduction <add>, %reduce_sum3A, %reduce_sum3A_42 [1, 2] : vector<1x80x128xi32> to vector<1xi32>
    %reduce_sum3A_44 = vector.shape_cast %reduce_sum3A_43 : vector<1xi32> to vector<1x1x1xi32>
    %reduce_sum3A_45 = vector.extract %reduce_sum3A_44[0, 0, 0] : i32 from vector<1x1x1xi32>
    %sub3A = arith.constant 1250 : i32
    %sub3A_46 = arith.subi %sub3A, %reduce_sum3A_45 : i32
    %eq3A = vector.broadcast %xor3A_38 : i32 to vector<80x128xi32>
    %eq3A_47 = arith.cmpi eq, %select_n3A_29, %eq3A : vector<80x128xi32>
    %and3A_48 = arith.andi %and3A, %eq3A_47 : vector<80x128xi1>
    %jit3A_49 = arith.constant -2147483648 : i32
    %broadcast_in_dim3A_50 = vector.broadcast %jit3A_49 : i32 to vector<80x128xi32>
    %select_n3A_51 = arith.select %and3A_48, %get3A_1, %broadcast_in_dim3A_50 : vector<80x128xi1>, vector<80x128xi32>
    %scan3A_52 = arith.constant 0 : i32
    %scan3A_53 = arith.constant 0 : i32
    %scan3A_54 = arith.constant 32 : i32
    %scan3A_55 = arith.addi %scan3A_53, %scan3A_54 : i32
    %scan3A_56 = arith.constant 1 : i32
    %scan3A_57 = scf.for %scan3A_255 = %scan3A_53 to %scan3A_55 step %scan3A_56 iter_args(%scan3A_256 = %scan3A_52) -> (i32)  : i32 {
      %sub3A_257 = arith.constant 31 : i32
      %sub3A_258 = arith.subi %sub3A_257, %scan3A_255 : i32
      %shift_left3A = arith.constant 1 : i32
      %shift_left3A_259 = arith.shli %shift_left3A, %sub3A_258 : i32
      %or3A_260 = arith.ori %scan3A_256, %shift_left3A_259 : i32
      %xor3A_261 = arith.constant -2147483648 : i32
      %xor3A_262 = arith.xori %or3A_260, %xor3A_261 : i32
      %ge3A = vector.broadcast %xor3A_262 : i32 to vector<80x128xi32>
      %ge3A_263 = arith.cmpi sge, %select_n3A_51, %ge3A : vector<80x128xi32>
      %convert_element_type3A_264 = arith.extui %ge3A_263 : vector<80x128xi1> to vector<80x128xi32>
      %reduce_sum3A_265 = vector.shape_cast %convert_element_type3A_264 : vector<80x128xi32> to vector<1x80x128xi32>
      %reduce_sum3A_266 = arith.constant dense<0> : vector<1xi32>
      %reduce_sum3A_267 = vector.multi_reduction <add>, %reduce_sum3A_265, %reduce_sum3A_266 [1, 2] : vector<1x80x128xi32> to vector<1xi32>
      %reduce_sum3A_268 = vector.shape_cast %reduce_sum3A_267 : vector<1xi32> to vector<1x1x1xi32>
      %reduce_sum3A_269 = vector.extract %reduce_sum3A_268[0, 0, 0] : i32 from vector<1x1x1xi32>
      %ge3A_270 = arith.cmpi sge, %reduce_sum3A_269, %sub3A_46 : i32
      %select_n3A_271 = arith.select %ge3A_270, %or3A_260, %scan3A_256 : i32
      scf.yield %select_n3A_271 : i32
    }
    %scan3A_58 = arith.constant 32 : i32
    %xor3A_59 = arith.constant -2147483648 : i32
    %xor3A_60 = arith.xori %scan3A_57, %xor3A_59 : i32
    %gt3A_61 = vector.broadcast %xor3A_60 : i32 to vector<80x128xi32>
    %gt3A_62 = arith.cmpi sgt, %select_n3A_51, %gt3A_61 : vector<80x128xi32>
    %and3A_63 = arith.andi %and3A_48, %gt3A_62 : vector<80x128xi1>
    %convert_element_type3A_64 = arith.extui %and3A_63 : vector<80x128xi1> to vector<80x128xi32>
    %reduce_sum3A_65 = vector.shape_cast %convert_element_type3A_64 : vector<80x128xi32> to vector<1x80x128xi32>
    %reduce_sum3A_66 = arith.constant dense<0> : vector<1xi32>
    %reduce_sum3A_67 = vector.multi_reduction <add>, %reduce_sum3A_65, %reduce_sum3A_66 [1, 2] : vector<1x80x128xi32> to vector<1xi32>
    %reduce_sum3A_68 = vector.shape_cast %reduce_sum3A_67 : vector<1xi32> to vector<1x1x1xi32>
    %reduce_sum3A_69 = vector.extract %reduce_sum3A_68[0, 0, 0] : i32 from vector<1x1x1xi32>
    %sub3A_70 = arith.subi %sub3A_46, %reduce_sum3A_69 : i32
    %eq3A_71 = vector.broadcast %xor3A_60 : i32 to vector<80x128xi32>
    %eq3A_72 = arith.cmpi eq, %select_n3A_51, %eq3A_71 : vector<80x128xi32>
    %and3A_73 = arith.andi %and3A_48, %eq3A_72 : vector<80x128xi1>
    %jit3A_74 = arith.constant -2147483648 : i32
    %broadcast_in_dim3A_75 = vector.broadcast %jit3A_74 : i32 to vector<80x128xi32>
    %select_n3A_76 = arith.select %and3A_73, %get3A_4, %broadcast_in_dim3A_75 : vector<80x128xi1>, vector<80x128xi32>
    %scan3A_77 = arith.constant 0 : i32
    %scan3A_78 = arith.constant 0 : i32
    %scan3A_79 = arith.constant 32 : i32
    %scan3A_80 = arith.addi %scan3A_78, %scan3A_79 : i32
    %scan3A_81 = arith.constant 1 : i32
    %scan3A_82 = scf.for %scan3A_255 = %scan3A_78 to %scan3A_80 step %scan3A_81 iter_args(%scan3A_256 = %scan3A_77) -> (i32)  : i32 {
      %sub3A_257 = arith.constant 31 : i32
      %sub3A_258 = arith.subi %sub3A_257, %scan3A_255 : i32
      %shift_left3A = arith.constant 1 : i32
      %shift_left3A_259 = arith.shli %shift_left3A, %sub3A_258 : i32
      %or3A_260 = arith.ori %scan3A_256, %shift_left3A_259 : i32
      %xor3A_261 = arith.constant -2147483648 : i32
      %xor3A_262 = arith.xori %or3A_260, %xor3A_261 : i32
      %ge3A = vector.broadcast %xor3A_262 : i32 to vector<80x128xi32>
      %ge3A_263 = arith.cmpi sge, %select_n3A_76, %ge3A : vector<80x128xi32>
      %convert_element_type3A_264 = arith.extui %ge3A_263 : vector<80x128xi1> to vector<80x128xi32>
      %reduce_sum3A_265 = vector.shape_cast %convert_element_type3A_264 : vector<80x128xi32> to vector<1x80x128xi32>
      %reduce_sum3A_266 = arith.constant dense<0> : vector<1xi32>
      %reduce_sum3A_267 = vector.multi_reduction <add>, %reduce_sum3A_265, %reduce_sum3A_266 [1, 2] : vector<1x80x128xi32> to vector<1xi32>
      %reduce_sum3A_268 = vector.shape_cast %reduce_sum3A_267 : vector<1xi32> to vector<1x1x1xi32>
      %reduce_sum3A_269 = vector.extract %reduce_sum3A_268[0, 0, 0] : i32 from vector<1x1x1xi32>
      %ge3A_270 = arith.cmpi sge, %reduce_sum3A_269, %sub3A_70 : i32
      %select_n3A_271 = arith.select %ge3A_270, %or3A_260, %scan3A_256 : i32
      scf.yield %select_n3A_271 : i32
    }
    %scan3A_83 = arith.constant 32 : i32
    %xor3A_84 = arith.constant -2147483648 : i32
    %xor3A_85 = arith.xori %scan3A_82, %xor3A_84 : i32
    %gt3A_86 = vector.broadcast %xor3A_85 : i32 to vector<80x128xi32>
    %gt3A_87 = arith.cmpi sgt, %select_n3A_76, %gt3A_86 : vector<80x128xi32>
    %and3A_88 = arith.andi %and3A_73, %gt3A_87 : vector<80x128xi1>
    %convert_element_type3A_89 = arith.extui %and3A_88 : vector<80x128xi1> to vector<80x128xi32>
    %reduce_sum3A_90 = vector.shape_cast %convert_element_type3A_89 : vector<80x128xi32> to vector<1x80x128xi32>
    %reduce_sum3A_91 = arith.constant dense<0> : vector<1xi32>
    %reduce_sum3A_92 = vector.multi_reduction <add>, %reduce_sum3A_90, %reduce_sum3A_91 [1, 2] : vector<1x80x128xi32> to vector<1xi32>
    %reduce_sum3A_93 = vector.shape_cast %reduce_sum3A_92 : vector<1xi32> to vector<1x1x1xi32>
    %reduce_sum3A_94 = vector.extract %reduce_sum3A_93[0, 0, 0] : i32 from vector<1x1x1xi32>
    %sub3A_95 = arith.subi %sub3A_70, %reduce_sum3A_94 : i32
    %eq3A_96 = vector.broadcast %xor3A_85 : i32 to vector<80x128xi32>
    %eq3A_97 = arith.cmpi eq, %select_n3A_76, %eq3A_96 : vector<80x128xi32>
    %and3A_98 = arith.andi %and3A_73, %eq3A_97 : vector<80x128xi1>
    %scan3A_99 = arith.constant 0 : i32
    %scan3A_100 = arith.constant 0 : i32
    %scan3A_101 = arith.constant 14 : i32
    %scan3A_102 = arith.addi %scan3A_100, %scan3A_101 : i32
    %scan3A_103 = arith.constant 1 : i32
    %scan3A_104 = scf.for %scan3A_255 = %scan3A_100 to %scan3A_102 step %scan3A_103 iter_args(%scan3A_256 = %scan3A_99) -> (i32)  : i32 {
      %sub3A_257 = arith.constant 13 : i32
      %sub3A_258 = arith.subi %sub3A_257, %scan3A_255 : i32
      %shift_left3A = arith.constant 1 : i32
      %shift_left3A_259 = arith.shli %shift_left3A, %sub3A_258 : i32
      %or3A_260 = arith.ori %scan3A_256, %shift_left3A_259 : i32
      %lt3A_261 = vector.broadcast %or3A_260 : i32 to vector<80x128xi32>
      %lt3A_262 = arith.cmpi slt, %add3A, %lt3A_261 : vector<80x128xi32>
      %and3A_263 = arith.andi %and3A_98, %lt3A_262 : vector<80x128xi1>
      %convert_element_type3A_264 = arith.extui %and3A_263 : vector<80x128xi1> to vector<80x128xi32>
      %reduce_sum3A_265 = vector.shape_cast %convert_element_type3A_264 : vector<80x128xi32> to vector<1x80x128xi32>
      %reduce_sum3A_266 = arith.constant dense<0> : vector<1xi32>
      %reduce_sum3A_267 = vector.multi_reduction <add>, %reduce_sum3A_265, %reduce_sum3A_266 [1, 2] : vector<1x80x128xi32> to vector<1xi32>
      %reduce_sum3A_268 = vector.shape_cast %reduce_sum3A_267 : vector<1xi32> to vector<1x1x1xi32>
      %reduce_sum3A_269 = vector.extract %reduce_sum3A_268[0, 0, 0] : i32 from vector<1x1x1xi32>
      %lt3A_270 = arith.cmpi slt, %reduce_sum3A_269, %sub3A_95 : i32
      %select_n3A_271 = arith.select %lt3A_270, %or3A_260, %scan3A_256 : i32
      scf.yield %select_n3A_271 : i32
    }
    %scan3A_105 = arith.constant 14 : i32
    %get3A_106 = arith.constant 0 : index
    %get3A_107 = arith.constant 0 : index
    %get3A_108 = vector.load %arg1[%get3A_106, %get3A_107] : memref<10000x1xf32, #tpu.memory_space<vmem>>, vector<10000x1xf32>
    %bitcast_convert_type3A_109 = tpu.bitcast %get3A_108 : vector<10000x1xf32> -> vector<10000x1xi32>
    %lt3A_110 = arith.constant 0 : i32
    %lt3A_111 = vector.broadcast %lt3A_110 : i32 to vector<10000x1xi32>
    %lt3A_112 = arith.cmpi slt, %bitcast_convert_type3A_109, %lt3A_111 : vector<10000x1xi32>
    %xor3A_113 = arith.constant 2147483647 : i32
    %xor3A_114 = vector.broadcast %xor3A_113 : i32 to vector<10000x1xi32>
    %xor3A_115 = arith.xori %bitcast_convert_type3A_109, %xor3A_114 : vector<10000x1xi32>
    %select_n3A_116 = arith.select %lt3A_112, %xor3A_115, %bitcast_convert_type3A_109 : vector<10000x1xi1>, vector<10000x1xi32>
    %iota3A_117 = tpu.iota {dimensions = array<i32: 0>} : vector<10000x1xi32>
    %get3A_118 = arith.constant 0 : index
    %get3A_119 = arith.constant 0 : index
    %get3A_120 = vector.load %arg4[%get3A_118, %get3A_119] : memref<10000x1xf32, #tpu.memory_space<vmem>>, vector<10000x1xf32>
    %gt3A_121 = arith.constant 0.000000e+00 : f32
    %gt3A_122 = vector.broadcast %gt3A_121 : f32 to vector<10000x1xf32>
    %gt3A_123 = arith.cmpf ogt, %get3A_120, %gt3A_122 : vector<10000x1xf32>
    %broadcast_in_dim3A_124 = arith.constant false
    %broadcast_in_dim3A_125 = vector.broadcast %broadcast_in_dim3A_124 : i1 to vector<10000x1xi1>
    %jit3A_126 = arith.constant -2147483648 : i32
    %broadcast_in_dim3A_127 = vector.broadcast %jit3A_126 : i32 to vector<10000x1xi32>
    %select_n3A_128 = arith.select %gt3A_123, %select_n3A_116, %broadcast_in_dim3A_127 : vector<10000x1xi1>, vector<10000x1xi32>
    %gt3A_129 = vector.broadcast %xor3A_38 : i32 to vector<10000x1xi32>
    %gt3A_130 = arith.cmpi sgt, %select_n3A_128, %gt3A_129 : vector<10000x1xi32>
    %and3A_131 = arith.andi %gt3A_123, %gt3A_130 : vector<10000x1xi1>
    %or3A = arith.ori %broadcast_in_dim3A_125, %and3A_131 : vector<10000x1xi1>
    %eq3A_132 = vector.broadcast %xor3A_38 : i32 to vector<10000x1xi32>
    %eq3A_133 = arith.cmpi eq, %select_n3A_128, %eq3A_132 : vector<10000x1xi32>
    %and3A_134 = arith.andi %gt3A_123, %eq3A_133 : vector<10000x1xi1>
    %jit3A_135 = arith.constant -2147483648 : i32
    %broadcast_in_dim3A_136 = vector.broadcast %jit3A_135 : i32 to vector<10000x1xi32>
    %select_n3A_137 = arith.select %and3A_134, %get3A_7, %broadcast_in_dim3A_136 : vector<10000x1xi1>, vector<10000x1xi32>
    %gt3A_138 = vector.broadcast %xor3A_60 : i32 to vector<10000x1xi32>
    %gt3A_139 = arith.cmpi sgt, %select_n3A_137, %gt3A_138 : vector<10000x1xi32>
    %and3A_140 = arith.andi %and3A_134, %gt3A_139 : vector<10000x1xi1>
    %or3A_141 = arith.ori %or3A, %and3A_140 : vector<10000x1xi1>
    %eq3A_142 = vector.broadcast %xor3A_60 : i32 to vector<10000x1xi32>
    %eq3A_143 = arith.cmpi eq, %select_n3A_137, %eq3A_142 : vector<10000x1xi32>
    %and3A_144 = arith.andi %and3A_134, %eq3A_143 : vector<10000x1xi1>
    %jit3A_145 = arith.constant -2147483648 : i32
    %broadcast_in_dim3A_146 = vector.broadcast %jit3A_145 : i32 to vector<10000x1xi32>
    %select_n3A_147 = arith.select %and3A_144, %get3A_10, %broadcast_in_dim3A_146 : vector<10000x1xi1>, vector<10000x1xi32>
    %gt3A_148 = vector.broadcast %xor3A_85 : i32 to vector<10000x1xi32>
    %gt3A_149 = arith.cmpi sgt, %select_n3A_147, %gt3A_148 : vector<10000x1xi32>
    %and3A_150 = arith.andi %and3A_144, %gt3A_149 : vector<10000x1xi1>
    %or3A_151 = arith.ori %or3A_141, %and3A_150 : vector<10000x1xi1>
    %eq3A_152 = vector.broadcast %xor3A_85 : i32 to vector<10000x1xi32>
    %eq3A_153 = arith.cmpi eq, %select_n3A_147, %eq3A_152 : vector<10000x1xi32>
    %and3A_154 = arith.andi %and3A_144, %eq3A_153 : vector<10000x1xi1>
    %le3A = vector.broadcast %scan3A_104 : i32 to vector<10000x1xi32>
    %le3A_155 = arith.cmpi sle, %iota3A_117, %le3A : vector<10000x1xi32>
    %and3A_156 = arith.andi %and3A_154, %le3A_155 : vector<10000x1xi1>
    %gt3A_157 = arith.constant 0 : i32
    %gt3A_158 = arith.cmpi sgt, %sub3A_95, %gt3A_157 : i32
    %and3A_159 = vector.broadcast %gt3A_158 : i1 to vector<10000x1xi1>
    %and3A_160 = arith.andi %and3A_156, %and3A_159 : vector<10000x1xi1>
    %or3A_161 = arith.ori %or3A_151, %and3A_160 : vector<10000x1xi1>
    %convert_element_type3A_162 = arith.extui %or3A_161 : vector<10000x1xi1> to vector<10000x1xi32>
    %convert_element_type3A_163 = arith.sitofp %convert_element_type3A_162 : vector<10000x1xi32> to vector<10000x1xf32>
    %get3A_164 = arith.constant 0 : index
    %get3A_165 = arith.constant 0 : index
    %get3A_166 = vector.load %arg0[%get3A_164, %get3A_165] : memref<10000x128xf32, #tpu.memory_space<vmem>>, vector<10000x128xf32>
    %mul3A_167 = arith.mulf %get3A_108, %convert_element_type3A_163 : vector<10000x1xf32>
    %mul3A_168 = vector.broadcast %mul3A_167 : vector<10000x1xf32> to vector<10000x128xf32>
    %mul3A_169 = arith.mulf %get3A_166, %mul3A_168 : vector<10000x128xf32>
    %jit3A_170 = arith.constant 0xFF800000 : f32
    %broadcast_in_dim3A_171 = vector.shape_cast %or3A_161 : vector<10000x1xi1> to vector<10000x1xi1>
    %broadcast_in_dim3A_172 = vector.broadcast %broadcast_in_dim3A_171 : vector<10000x1xi1> to vector<10000x128xi1>
    %broadcast_in_dim3A_173 = vector.broadcast %jit3A_170 : f32 to vector<10000x128xf32>
    %select_n3A_174 = arith.select %broadcast_in_dim3A_172, %mul3A_169, %broadcast_in_dim3A_173 : vector<10000x128xi1>, vector<10000x128xf32>
    %reduce_max3A = arith.constant dense<0xFF800000> : vector<128xf32>
    %reduce_max3A_175 = vector.multi_reduction <maximumf>, %select_n3A_174, %reduce_max3A [0] : vector<10000x128xf32> to vector<128xf32>
    %broadcast_in_dim3A_176 = vector.shape_cast %reduce_max3A_175 : vector<128xf32> to vector<1x128xf32>
    %reduce_sum3A_177 = arith.constant dense<0.000000e+00> : vector<128xf32>
    %reduce_sum3A_178 = vector.multi_reduction <add>, %mul3A_169, %reduce_sum3A_177 [0] : vector<10000x128xf32> to vector<128xf32>
    %broadcast_in_dim3A_179 = vector.shape_cast %reduce_sum3A_178 : vector<128xf32> to vector<1x128xf32>
    %get3A_180 = arith.constant 0 : index
    %get3A_181 = arith.constant 0 : index
    %get3A_182 = vector.load %arg9[%get3A_180, %get3A_181] : memref<1x128xf32, #tpu.memory_space<vmem>>, vector<1x128xf32>
    %get3A_183 = arith.constant 0 : index
    %get3A_184 = arith.constant 0 : index
    %get3A_185 = vector.load %arg11[%get3A_183, %get3A_184] : memref<1x128xf32, #tpu.memory_space<vmem>>, vector<1x128xf32>
    %add3A_186 = arith.addf %get3A_182, %get3A_185 : vector<1x128xf32>
    %add3A_187 = arith.addf %add3A_186, %broadcast_in_dim3A_176 : vector<1x128xf32>
    %get3A_188 = arith.constant 0 : index
    %get3A_189 = arith.constant 0 : index
    %get3A_190 = vector.load %arg10[%get3A_188, %get3A_189] : memref<1x128xf32, #tpu.memory_space<vmem>>, vector<1x128xf32>
    %div3A = arith.constant 5.000000e+03 : f32
    %div3A_191 = vector.broadcast %div3A : f32 to vector<1x128xf32>
    %div3A_192 = arith.divf %get3A_190, %div3A_191 : vector<1x128xf32>
    %get3A_193 = arith.constant 0 : index
    %get3A_194 = arith.constant 0 : index
    %get3A_195 = vector.load %arg12[%get3A_193, %get3A_194] : memref<1x128xf32, #tpu.memory_space<vmem>>, vector<1x128xf32>
    %div3A_196 = arith.constant 2.500000e+03 : f32
    %div3A_197 = vector.broadcast %div3A_196 : f32 to vector<1x128xf32>
    %div3A_198 = arith.divf %get3A_195, %div3A_197 : vector<1x128xf32>
    %add3A_199 = arith.addf %div3A_192, %div3A_198 : vector<1x128xf32>
    %div3A_200 = arith.constant 1.250000e+03 : f32
    %div3A_201 = vector.broadcast %div3A_200 : f32 to vector<1x128xf32>
    %div3A_202 = arith.divf %broadcast_in_dim3A_179, %div3A_201 : vector<1x128xf32>
    %add3A_203 = arith.addf %add3A_199, %div3A_202 : vector<1x128xf32>
    %get3A_204 = arith.constant 0 : index
    %get3A_205 = arith.constant 0 : index
    %get3A_206 = vector.load %arg13[%get3A_204, %get3A_205] : memref<128x128xf32, #tpu.memory_space<vmem>>, vector<128x128xf32>
    %dot_general3A = arith.constant dense<0.000000e+00> : vector<1x128xf32>
    %dot_general3A_207 = tpu.matmul %add3A_187, %get3A_206, %dot_general3A {dimension_numbers = #tpu.dot_dimension_numbers<[1], [0], [0], [1], [0, 0, 1, 1], [], []>, transpose_lhs_hint = false} : vector<1x128xf32>, vector<128x128xf32>, vector<1x128xf32> -> vector<1x128xf32>
    %get3A_208 = arith.constant 0 : index
    %get3A_209 = arith.constant 0 : index
    %get3A_210 = vector.load %arg14[%get3A_208, %get3A_209] : memref<128x128xf32, #tpu.memory_space<vmem>>, vector<128x128xf32>
    %dot_general3A_211 = arith.constant dense<0.000000e+00> : vector<1x128xf32>
    %dot_general3A_212 = tpu.matmul %add3A_203, %get3A_210, %dot_general3A_211 {dimension_numbers = #tpu.dot_dimension_numbers<[1], [0], [0], [1], [0, 0, 1, 1], [], []>, transpose_lhs_hint = false} : vector<1x128xf32>, vector<128x128xf32>, vector<1x128xf32> -> vector<1x128xf32>
    %add3A_213 = arith.addf %dot_general3A_207, %dot_general3A_212 : vector<1x128xf32>
    %get3A_214 = arith.constant 0 : index
    %get3A_215 = arith.constant 0 : index
    %get3A_216 = vector.load %arg15[%get3A_214, %get3A_215] : memref<1x128xf32, #tpu.memory_space<vmem>>, vector<1x128xf32>
    %add3A_217 = arith.addf %add3A_213, %get3A_216 : vector<1x128xf32>
    %max3A = arith.constant 0.000000e+00 : f32
    %max3A_218 = vector.broadcast %max3A : f32 to vector<1x128xf32>
    %max3A_219 = arith.maximumf %add3A_217, %max3A_218 : vector<1x128xf32>
    %get3A_220 = arith.constant 0 : index
    %get3A_221 = arith.constant 0 : index
    %get3A_222 = vector.load %arg16[%get3A_220, %get3A_221] : memref<128x64xf32, #tpu.memory_space<vmem>>, vector<128x64xf32>
    %dot_general3A_223 = arith.constant dense<0.000000e+00> : vector<1x64xf32>
    %dot_general3A_224 = tpu.matmul %max3A_219, %get3A_222, %dot_general3A_223 {dimension_numbers = #tpu.dot_dimension_numbers<[1], [0], [0], [1], [0, 0, 1, 1], [], []>, transpose_lhs_hint = false} : vector<1x128xf32>, vector<128x64xf32>, vector<1x64xf32> -> vector<1x64xf32>
    %get3A_225 = arith.constant 0 : index
    %get3A_226 = arith.constant 0 : index
    %get3A_227 = vector.load %arg17[%get3A_225, %get3A_226] : memref<1x64xf32, #tpu.memory_space<vmem>>, vector<1x64xf32>
    %add3A_228 = arith.addf %dot_general3A_224, %get3A_227 : vector<1x64xf32>
    %max3A_229 = arith.constant 0.000000e+00 : f32
    %max3A_230 = vector.broadcast %max3A_229 : f32 to vector<1x64xf32>
    %max3A_231 = arith.maximumf %add3A_228, %max3A_230 : vector<1x64xf32>
    %get3A_232 = arith.constant 0 : index
    %get3A_233 = arith.constant 0 : index
    %get3A_234 = vector.load %arg18[%get3A_232, %get3A_233] : memref<64x16xf32, #tpu.memory_space<vmem>>, vector<64x16xf32>
    %dot_general3A_235 = arith.constant dense<0.000000e+00> : vector<1x16xf32>
    %dot_general3A_236 = tpu.matmul %max3A_231, %get3A_234, %dot_general3A_235 {dimension_numbers = #tpu.dot_dimension_numbers<[1], [0], [0], [1], [0, 0, 1, 1], [], []>, transpose_lhs_hint = false} : vector<1x64xf32>, vector<64x16xf32>, vector<1x16xf32> -> vector<1x16xf32>
    %get3A_237 = arith.constant 0 : index
    %get3A_238 = arith.constant 0 : index
    %get3A_239 = vector.load %arg19[%get3A_237, %get3A_238] : memref<1x16xf32, #tpu.memory_space<vmem>>, vector<1x16xf32>
    %add3A_240 = arith.addf %dot_general3A_236, %get3A_239 : vector<1x16xf32>
    %reduce_max3A_241 = arith.constant dense<0xFF800000> : vector<1xf32>
    %reduce_max3A_242 = vector.multi_reduction <maximumf>, %add3A_240, %reduce_max3A_241 [1] : vector<1x16xf32> to vector<1xf32>
    %broadcast_in_dim3A_243 = vector.shape_cast %reduce_max3A_242 : vector<1xf32> to vector<1x1xf32>
    %sub3A_244 = vector.broadcast %broadcast_in_dim3A_243 : vector<1x1xf32> to vector<1x16xf32>
    %sub3A_245 = arith.subf %add3A_240, %sub3A_244 : vector<1x16xf32>
    %exp3A = math.exp %sub3A_245 : vector<1x16xf32>
    %sub3A_246 = vector.broadcast %broadcast_in_dim3A_243 : vector<1x1xf32> to vector<1x16xf32>
    %sub3A_247 = arith.subf %add3A_240, %sub3A_246 : vector<1x16xf32>
    %reduce_sum3A_248 = arith.constant dense<0.000000e+00> : vector<1xf32>
    %reduce_sum3A_249 = vector.multi_reduction <add>, %exp3A, %reduce_sum3A_248 [1] : vector<1x16xf32> to vector<1xf32>
    %broadcast_in_dim3A_250 = vector.shape_cast %reduce_sum3A_249 : vector<1xf32> to vector<1x1xf32>
    %log3A = math.log %broadcast_in_dim3A_250 : vector<1x1xf32>
    %sub3A_251 = vector.broadcast %log3A : vector<1x1xf32> to vector<1x16xf32>
    %sub3A_252 = arith.subf %sub3A_247, %sub3A_251 : vector<1x16xf32>
    %swap3A = arith.constant 0 : index
    %swap3A_253 = arith.constant 0 : index
    %swap3A_254 = vector.load %arg20[%swap3A, %swap3A_253] : memref<1x16xf32, #tpu.memory_space<vmem>>, vector<1x16xf32>
    tpu.vector_store %arg20[%swap3A, %swap3A_253], %sub3A_252 {strides = array<i32>} : memref<1x16xf32, #tpu.memory_space<vmem>>, vector<1x16xf32>,
    return
  }
}

</mosaic_0001>

<sc_bundles>
// kernel: kernel.11.cloned.1.call-start
scs
__scs_entry_jumppad:
0x0: {  	(pc) =	sbr.rel $0x88, $3  }
0x1: {  	(tag) =	ssettag $0x0;
	lr =	simm.s32 $0x1  }
0x2: {  	[smem:$0x3F8D] =	sst lr;
	_ =	strace $0xD0000000  }
0x3: {  	_ = 	snop  }
0x4: {  	_ = 	snop  }
0x5: {  	_ = 	snop  }
0x6: {  	_ = 	snop  }
0x7: {  	_ = 	snop  }
__scs_overlays_trampoline_lowered:
0x8: {  	[smem:$0x3F9C] =	sst s0  }
0x9: {  	[smem:$0x3F9D] =	sst s1  }
0xa: {  	[smem:$0x3F9E] =	sst s2  }
0xb: {  	[smem:$0x3F9F] =	sst s3  }
0xc: {  	[smem:$0x3FA0] =	sst s4  }
0xd: {  	[smem:$0x3FA1] =	sst s5  }
0xe: {  	[smem:$0x3FA2] =	sst s6  }
0xf: {  	[smem:$0x3FA3] =	sst s7  }
0x10: {  	[smem:$0x3FA4] =	sst s8  }
0x11: {  	[smem:$0x3FA5] =	sst s9;
	s0 =	simm.s32 @!p0 $0x0  }
0x12: {  	s1 =	sld [smem:$0x3F8B];
	s0 =	simm.s32 @p0 $0x1  }
0x13: {  	[smem:$0x3FA6] =	sst s0;
	s0 =	simm.s32 @!p1 $0x0  }
0x14: {  	s2 =	sld [smem:$0x3F8A];
	s0 =	simm.s32 @p1 $0x1  }
0x15: {  	[smem:$0x3FA7] =	sst s0;
	s0 =	simm.s32 @!p2 $0x0  }
0x16: {  	s3 =	sld [smem:$0x3FDB];
	s0 =	simm.s32 @p2 $0x1  }
0x17: {  	s4 =	simm.s32 $0x1BF5;
	[smem:$0x3FA9] =	sst s0  }
0x18: {  	s0 =	sld [smem:$0x3F8C];
	_ =	swait.ge [sflag:s4], $0x0  }
0x19: {  	s7 =	sld [smem:$0x3F8D]  }
0x1a: {  	s8 =	sadd.s32 $0xFFFFE003, lr  }
0x1b: {  	s9 =	sadd.s32 $0xFFFFFEF7, lr;
	s5 =	simm.s32 $0xFFFFFFFF;
	p2 =	slt.u32 s8, $0xFFFFF086  }
0x1c: {  	p1 =	slt.u32 s9, $0xF7A;
	s5 =	simm.s32 @!p2 $0x0  }
0x1d: {  	s5 =	simm.s32 @p1 $0x1;
	p0 =	seq.s32 s7, s2  }
0x1e: {  	s7 =	smul.u32 @!p0 $0xF7A, s2;
	p2 =	seq.s32 @!p0 s5, $0x0  }
0x1f: {  	s9 =	smul.u32 $0xF7A, s1;
	s8 =	simm.s32 @!p0 $0x1BF5;
	p2 =	por !p2, p0  }
0x20: {  	[sflag:s8] =	ssyncset.s32 @!p0 $0xFFFFF086;
	s6 =	sadd.s32 @!p0 s3, s7;
	s7 =	simm.s32 @!p0 $0x108  }
0x21: {  	s3 =	sadd.s32 s3, s9;
	s6 =	sadd.s32 @!p0 $0x88, s6;
	s7 =	simm.s32 @p2 $0x1082  }
0x22: {  	[simem:s7], [sflag:s8] =	dma.local @!p0 [hbm:s6], $0xF7A  }
0x23: {  	s9 =	sor.u32 $0xD0000000, s2;
	s6 =	simm.s32 $0x108;
	_ =	swait.ge @!p0 [sflag:s8], $0x0  }
0x24: {  	s3 =	sadd.s32 $0x88, s3;
	s6 =	simm.s32 @!p1 $0x1082;
	[sflag:s4] =	ssyncset.s32 $0xFFFFF086  }
0x25: {  	[simem:s6], [sflag:s4] =	dma.local [hbm:s3], $0xF7A  }
0x26: {  	[smem:$0x3F8D] =	sst s1;
	(tag) =	ssettag s2;
	_ =	strace s9  }
0x27: {  	s1 =	sld [smem:$0x3F9D]  }
0x28: {  	s2 =	sld [smem:$0x3F9E]  }
0x29: {  	s4 =	sld [smem:$0x3FA0]  }
0x2a: {  	p0 =	seq.s32 s5, $0x0;
	s5 =	sld [smem:$0x3FA1]  }
0x2b: {  	s6 =	sld [smem:$0x3FA2]  }
0x2c: {  	s7 =	sld [smem:$0x3FA3]  }
0x2d: {  	s3 =	simm.s32 $0x108;
	s8 =	sld [smem:$0x3FA4]  }
0x2e: {  	s3 =	simm.s32 @!p0 $0x1082;
	s9 =	sld [smem:$0x3FA5]  }
0x2f: {  	lr =	sadd.s32 s0, s3;
	s0 =	sld [smem:$0x3F9C]  }
0x30: {  	s3 =	sld [smem:$0x3F9F]  }
0x31: {  	[smem:$0x3FA8] =	sst s10  }
0x32: {  	s10 =	sld [smem:$0x3FA6];
	_ =	sdelay $0x3  }
0x33: {  	p0 =	seq.s32 s10, $0x1;
	s10 =	sld [smem:$0x3FA8];
	_ =	sdelay $0x3  }
0x34: {  	[smem:$0x3FA8] =	sst s10  }
0x35: {  	s10 =	sld [smem:$0x3FA7];
	_ =	sdelay $0x3  }
0x36: {  	p1 =	seq.s32 s10, $0x1;
	s10 =	sld [smem:$0x3FA8];
	_ =	sdelay $0x3  }
0x37: {  	[smem:$0x3FA8] =	sst s10  }
0x38: {  	s10 =	sld [smem:$0x3FA9]  }
0x39: {  	_ = 	snop;
	(pc) =	sbr.ind lr, $3  }
0x3a: {  	_ = 	snop  }
0x3b: {  	_ = 	snop  }
0x3c: {  	p2 =	seq.s32 s10, $0x1;
	s10 =	sld [smem:$0x3FA8]  }
0x3d: {  	_ =	shalt  }
0x3e: {  	_ =	shalt  }
0x3f: {  	_ =	shalt  }
0x40: {  	_ =	shalt  }
0x41: {  	_ =	shalt  }
0x42: {  	_ =	shalt  }
0x43: {  	_ =	shalt  }
0x44: {  	_ =	shalt  }
0x45: {  	_ =	shalt  }
0x46: {  	_ =	shalt  }
0x47: {  	_ =	shalt  }
0x48: {  	_ =	shalt  }
0x49: {  	_ =	shalt  }
0x4a: {  	_ =	shalt  }
0x4b: {  	_ =	shalt  }
0x4c: {  	_ =	shalt  }
0x4d: {  	_ =	shalt  }
0x4e: {  	_ =	shalt  }
0x4f: {  	_ =	shalt  }
0x50: {  	_ =	shalt  }
0x51: {  	_ =	shalt  }
0x52: {  	_ =	shalt  }
0x53: {  	_ =	shalt  }
0x54: {  	_ =	shalt  }
0x55: {  	_ =	shalt  }
0x56: {  	_ =	shalt  }
0x57: {  	_ =	shalt  }
0x58: {  	_ =	shalt  }
0x59: {  	_ =	shalt  }
0x5a: {  	_ =	shalt  }
0x5b: {  	_ =	shalt  }
0x5c: {  	_ =	shalt  }
0x5d: {  	_ =	shalt  }
0x5e: {  	_ =	shalt  }
0x5f: {  	_ =	shalt  }
0x60: {  	_ =	shalt  }
0x61: {  	_ =	shalt  }
0x62: {  	_ =	shalt  }
0x63: {  	_ =	shalt  }
0x64: {  	_ =	shalt  }
0x65: {  	_ =	shalt  }
0x66: {  	_ =	shalt  }
0x67: {  	_ =	shalt  }
0x68: {  	_ =	shalt  }
0x69: {  	_ =	shalt  }
0x6a: {  	_ =	shalt  }
0x6b: {  	_ =	shalt  }
0x6c: {  	_ =	shalt  }
0x6d: {  	_ =	shalt  }
0x6e: {  	_ =	shalt  }
0x6f: {  	_ =	shalt  }
0x70: {  	_ =	shalt  }
0x71: {  	_ =	shalt  }
0x72: {  	_ =	shalt  }
0x73: {  	_ =	shalt  }
0x74: {  	_ =	shalt  }
0x75: {  	_ =	shalt  }
0x76: {  	_ =	shalt  }
0x77: {  	_ =	shalt  }
0x78: {  	_ =	shalt  }
0x79: {  	_ =	shalt  }
0x7a: {  	_ =	shalt  }
0x7b: {  	_ =	shalt  }
0x7c: {  	_ =	shalt  }
0x7d: {  	_ =	shalt  }
0x7e: {  	_ =	shalt  }
0x7f: {  	_ =	shalt  }
0x80: {  	_ =	shalt  }
0x81: {  	_ =	shalt  }
0x82: {  	_ =	shalt  }
0x83: {  	_ =	shalt  }
0x84: {  	_ =	shalt  }
0x85: {  	_ =	shalt  }
0x86: {  	_ =	shalt  }
0x87: {  	_ =	shalt  }
.Lfunc_end0:
.L_simem_size_0:
called_computation_lowered:
.L_overlay_start_0:
0x88: {  	s2 =	sld [smem:$0x3FD9]  }
0x89: {  	s3 =	sld [smem:$0x3FFE];
	_ =	sdelay $0x1  }
0x8a: {  	s1 =	srdreg.scid  }
0x8b: {  	s0 =	sand.u32 $0x1, s1  }
0x8c: {  	s17 =	sshll.u32 s0, $0xA;
	s2 =	sadd.s32 s3, s2  }
0x8d: {  	s2 =	sadd.s32 s2, s17  }
0x8e: {  	[smem:$0x3FB4] =	sst s2  }
0x8f: {  	_ = 	snop  }
0x90: {  	s2 =	sld [smem:$0x3FC9];
	(tm) =	ssettm $0x1  }
0x91: {  	s18 =	sld [smem:$0x3FFB];
	_ =	sdelay $0x3  }
0x92: {  	_ =	strace s18  }
0x93: {  	s3 =	sld [smem:$0x3FFC];
	_ =	sdelay $0x3  }
0x94: {  	_ =	strace s3  }
0x95: {  	s3 =	sld [smem:$0x3FFD];
	_ =	sdelay $0x3  }
0x96: {  	_ =	strace s3  }
0x97: {  	_ =	strace $0x8FFFFFFF  }
0x98: {  	s19 =	sld [smem:$0x3FDB];
	_ =	sdelay $0x1  }
0x99: {  	s4 =	simm.s32 $_scs_section_size  }
0x9a: {  	s5 =	simm.s32 $_size__tile_overlayer_lowered;
	s6 =	simm.s32 $_tile_overlayer_lowered  }
0x9b: {  	s22 =	simm.s32 $0x1BFF;
	s21 =	sshll.u32 s6, $0x1;
	s3 =	sadd.s32 s4, s19  }
0x9c: {  	s7 =	simm.s32 $0x0;
	s20 =	sshll.u32 s5, $0x1;
	s5 =	sadd.s32 s21, s3  }
0x9d: {  	[timem:s7], [sflag:s22] =	dma.local [hbm:s5], s20  }
0x9e: {  	_ =	swait.ge [sflag:s22], s20  }
0x9f: {  	s4 =	ssub.s32 $0x0, s20;
	[sflag:s22] =	ssyncset.done $0x0  }
0xa0: {  	[sflag:s22] =	ssyncadd.s32 s4;
	_ =	sdelay $0x1  }
0xa1: {  	s23 =	simm.s32 $0x1B8B  }
0xa2: {  	_ =	swait.ge [sflag:s23], $0x1  }
0xa3: {  	[sflag:s23] =	ssyncset.done $0x0  }
0xa4: {  	s25 =	simm.s32 $0x1B8E;
	s24 =	sld [smem:$0x3FFE];
	[sflag:s23] =	ssyncadd.s32 $0xFFFFFFFF  }
0xa5: {  	s26 =	simm.s32 $execute0_lowered;
	[smem:$0x3FD2] =	sst s25  }
0xa6: {  	s5 =	sshll.u32 s26, $0x1;
	_ =	strace $0x80000046;
	[dreg:$0x1] =	wrdreg $0xFFFFFFFF  }
0xa7: {  	s28 =	simm.s32 $_size_execute0_lowered;
	s3 =	sadd.s32 s3, s5;
	[dreg:$0x0] =	wrdreg $0x0  }
0xa8: {  	s5 =	sshll.u32 s28, $0x1;
	[dreg:$0x2] =	wrdreg s3  }
0xa9: {  	[dreg:$0x3] =	wrdreg s5  }
0xaa: {  	[dreg:$0x4] =	wrdreg $0xC0  }
0xab: {  	_ =	task [dreg:s7], $0x5FFFF  }
0xac: {  	[dreg:$0x1] =	wrdreg $0xFFFFFFFF  }
0xad: {  	[dreg:$0x0] =	wrdreg $0x60  }
0xae: {  	[dreg:$0x2] =	wrdreg s2  }
0xaf: {  	[dreg:$0x3] =	wrdreg s24  }
0xb0: {  	[dreg:$0x4] =	wrdreg $0xC6000  }
0xb1: {  	[dreg:$0x5] =	wrdreg $0x9  }
0xb2: {  	_ =	task.clear_ibuf [dreg:s7], $0x6FFFF;
	_ =	strace $0x90000046  }
0xb3: {  	s29 =	simm.s32 $0x9;
	_ =	strace $0x80000048  }
0xb4: {  	_ =	swait.ge [sflag:s29], $0x1  }
0xb5: {  	[sflag:s29] =	ssyncadd.s32 $0xFFFFFFFF  }
0xb6: {  	_ =	strace $0x90000048  }
0xb7: {  	_ =	sfence  }
0xb8: {  	s30 =	sld [smem:$0x0];
	_ =	sdelay $0x2  }
0xb9: {  	s31 =	sshll.u32 s1, $0xD;
	s1 =	sshrl.u32 s1, $0x2  }
0xba: {  	s3 =	sand.u32 $0x4000, s31;
	s1 =	sadd.s32 s1, s30  }
0xbb: {  	s0 =	sor.u32 s3, s0;
	s1 =	sshll.u32 s1, $0x11  }
0xbc: {  	s0 =	sor.u32 s1, s0  }
0xbd: {  	s0 =	sadd.s32 $0x8F2B, s0  }
0xbe: {  	[sflag:s0] =	ssyncadd.remote.s32 $0x1  }
0xbf: {  	_ =	sfence.sel $0xFFFF  }
0xc0: {  	[dreg:$0x0] =	wrdreg $0xFFFFFFFF;
	(pc) =	sbr.abs _section_cstart, $3  }
0xc1: {  	[dreg:$0x1] =	wrdreg $0xFFFFFFFF  }
0xc2: {  	_ =	task.clear_ibuf [dreg:s7], $0x2FFFF;
	_ =	strace $0x9FFFFFFF  }
0xc3: {  	(tm) =	ssettm $0x7FFFFFFF  }
tec
execute0_lowered:
.L_overlay_start_1:
0x0: {  	(tag) =	ssettag $0x1  }
0x1: {  	s1 =	rddreg [dreg:$0x0]  }
0x2: {  	s0 =	rddreg [dreg:$0x1]  }
0x3: {  	s2 =	rddreg [dreg:$0x2];
	s3 =	simm.s32 $0x0;
	s4 =	srdreg.scid  }
0x4: {  	s5 =	stileid.u32;
	s28 =	simm.s32 $0x80;
	s30 =	simm.s32 $0x200  }
0x5: {  	s29 =	simm.s32 $0x500;
	[smem:$0x7FF] =	sst s3;
	s31 =	sadd.s32 $0xE200, s0  }
0x6: {  	s6 =	sadd.s32 $0x4400, s0;
	s4 =	sand.u32 $0x1, s4;
	s8 =	smul.u32 $0x4E000, s5  }
0x7: {  	s7 =	sshll.u32 s5, $0x1;
	s0 =	sadd.s32 $0x18000, s0;
	s25 =	smul.u32 $0x4E20, s5  }
0x8: {  	s24 =	sadd.s32 $0x138000, s2;
	s21 =	smul.u32 $0x13800, s5;
	p0 =	sne.s32 s5, $0xF  }
0x9: {  	s5 =	simm.s32 $0x180;
	_ =	strace $0x80000047;
	s12 =	smul.u32 $0x2710, s4  }
0xa: {  	s9 =	ssub.s32 $0x2, s4;
	s7 =	sor.u32 s4, s7;
	s4 =	smul.u32 $0x138800, s4  }
0xb: {  	[dreg:$0x13] =	wrdreg s24;
	s10 =	sshrl.u32 s9, $0x1;
	s8 =	sshrl.u32 s8, $0x2  }
0xc: {  	s7 =	smul.u32 $0x2710, s7;
	s9 =	ssub.s32 s9, s10;
	s23 =	sadd.s32 s8, s2  }
0xd: {  	s8 =	sadd.s32 s12, s25;
	s26 =	sadd.s32 $0x4000, s23;
	s11 =	sadd.s32 $0x8000, s23  }
0xe: {  	s13 =	sadd.s32 $0x10000, s23;
	s7 =	sshrl.u32 s7, $0x3;
	[dreg:$0xe] =	wrdreg s23  }
0xf: {  	s17 =	sadd.s32 $0x400, s8;
	s19 =	sadd.s32 $0x380, s8;
	[dreg:$0xf] =	wrdreg s26  }
0x10: {  	s25 =	sadd.s32 $0x280, s8;
	[dreg:$0x10] =	wrdreg s11;
	s11 =	sadd.s32 $0xC000, s23  }
0x11: {  	[dreg:$0x12] =	wrdreg s13;
	s14 =	sadd.s32 s31, s7;
	s15 =	sadd.s32 s6, s7  }
0x12: {  	s16 =	sadd.s32 $0x10, s7;
	s18 =	sshrl.u32 s17, $0x3;
	[dreg:$0x11] =	wrdreg s11  }
0x13: {  	s20 =	sshrl.u32 s19, $0x3;
	s13 =	sadd.s32 $0x20, s7;
	[dreg:$0x14] =	wrdreg s14  }
0x14: {  	s17 =	sadd.s32 $0x180, s8;
	[dreg:$0x15] =	wrdreg s15;
	s12 =	sadd.s32 s31, s16  }
0x15: {  	s7 =	sadd.s32 $0x4E0, s7;
	s10 =	sadd.s32 s6, s16;
	[dreg:$0x16] =	wrdreg s12  }
0x16: {  	s11 =	sadd.s32 s18, s6;
	s22 =	sadd.s32 s20, s6;
	[dreg:$0x17] =	wrdreg s10  }
0x17: {  	s14 =	sadd.s32 $0x200, s8;
	s16 =	sadd.s32 s31, s13;
	[dreg:$0x4] =	wrdreg s11  }
0x18: {  	s10 =	sadd.s32 s18, s31;
	[dreg:$0x6] =	wrdreg s22;
	s12 =	sadd.s32 s21, s4  }
0x19: {  	s11 =	sadd.s32 s20, s31;
	s4 =	sshrl.u32 s4, $0x3;
	[dreg:$0x19] =	wrdreg s16  }
0x1a: {  	s18 =	sadd.s32 s6, s13;
	s21 =	sadd.s32 s31, s7;
	[dreg:$0x5] =	wrdreg s10  }
0x1b: {  	s7 =	sadd.s32 s6, s7;
	s22 =	smax.u32 s9, $0x1;
	[dreg:$0x7] =	wrdreg s11  }
0x1c: {  	s9 =	simm.s32 $0x280;
	s13 =	simm.s32 $0x400;
	[dreg:$0x1a] =	wrdreg s18  }
0x1d: {  	s16 =	simm.s32 $0x8600;
	s10 =	sshrl.u32 s25, $0x3;
	[dreg:$0x1b] =	wrdreg s21  }
0x1e: {  	s12 =	sshrl.u32 s12, $0x3;
	s11 =	sshrl.u32 s14, $0x3;
	[dreg:$0x1c] =	wrdreg s7  }
0x1f: {  	[dreg:$0x1e] =	wrdreg s22;
	s14 =	simm.s32 $0x1;
	s18 =	simm.s32 $0x3  }
0x20: {  	s21 =	simm.s32 $0x6;
	s22 =	simm.s32 $0x7;
	s12 =	sadd.s32 s0, s12  }
0x21: {  	s7 =	simm.s32 $0x0;
	s26 =	sadd.s32 s10, s6;
	[dreg:$0x18] =	wrdreg s12  }
0x22: {  	s10 =	sadd.s32 s10, s31;
	s0 =	sadd.s32 s0, s4;
	[dreg:$0x8] =	wrdreg s26  }
0x23: {  	s15 =	sadd.s32 s11, s6;
	s19 =	sadd.s32 s11, s31;
	[dreg:$0x9] =	wrdreg s10  }
0x24: {  	s4 =	sshrl.u32 s17, $0x3;
	s11 =	simm.s32 $0x380;
	[dreg:$0xa] =	wrdreg s15  }
0x25: {  	s17 =	simm.s32 $0x2;
	[dreg:$0xb] =	wrdreg s19;
	s20 =	sadd.s32 s4, s6  }
0x26: {  	s0 =	sadd.s32 $0x27000, s0;
	s25 =	sadd.s32 s4, s31;
	[dreg:$0xc] =	wrdreg s20  }
0x27: {  	s26 =	sadd.s32 $0x300, s8;
	s4 =	simm.s32 $0x100;
	[dreg:$0x1d] =	wrdreg s0  }
0x28: {  	s10 =	simm.s32 $0x300;
	s15 =	simm.s32 $0x4600;
	[dreg:$0x1f] =	wrdreg s26  }
0x29: {  	s19 =	simm.s32 $0x4;
	s8 =	simm.s32 $0x580;
	[dreg:$0xd] =	wrdreg s25  }
0x2a: {  	v0 =	vimm.f32 $0.0e+00;
	s25 =	simm.s32 $0x600;
	s26 =	simm.s32 $0x8;
	s20 =	simm.s32 $0x5  }
.LBB2_1:
0x2b: {  	[smem:$0x7FD] =	sst s7;
	s7 =	simm.s32 $0x0;
	s12 =	simm.s32 $0x200  }
.LBB2_2:
0x2c: {  	p1 =	sne.s32 s12, $0xFE00;
	[tilespmem:s7+$0x670] =	vst v0  }
0x2d: {  	[tilespmem:s7+$0x600] =	vst v0  }
0x2e: {  	[tilespmem:s7+$0x610] =	vst v0  }
.Ltmp0:
0x2f: {  	[tilespmem:s7+$0x620] =	vst v0;
	(pc) =	sbr.rel @p1 .LBB2_2-.Ltmp0, $4  }
0x30: {  	[tilespmem:s7+$0x630] =	vst v0  }
0x31: {  	[tilespmem:s7+$0x640] =	vst v0  }
0x32: {  	[tilespmem:s7+$0x650] =	vst v0  }
0x33: {  	[tilespmem:s7+$0x660] =	vst v0;
	s7 =	sshra.s32 s12, $0x2;
	s12 =	sadd.s32 $0x200, s12  }
0x34: {  	[tilespmem:s7+$0x670] =	vst v0  }
0x35: {  	[tilespmem:s7+$0x600] =	vst v0  }
0x36: {  	[tilespmem:s7+$0x610] =	vst v0  }
0x37: {  	[tilespmem:s7+$0x620] =	vst v0  }
0x38: {  	[tilespmem:s7+$0x630] =	vst v0  }
0x39: {  	[tilespmem:s7+$0x640] =	vst v0  }
0x3a: {  	[tilespmem:s7+$0x650] =	vst v0  }
0x3b: {  	[tilespmem:s7+$0x660] =	vst v0  }
0x3c: {  	[spmem:s23] =	stream.linear.scatter [tilespmem:s25], [sflag:$0x8], $0x4000, $0x38;
	[tilespmem:$0x1FE80] =	vst v63  }
0x3d: {  	_ =	swait.ge [sflag:s26], $0x4000  }
0x3e: {  	[sflag:s26] =	ssyncset.done $0x0  }
0x3f: {  	s0 =	rddreg [dreg:$0xf];
	[sflag:s26] =	ssyncadd.s32 $0xFFFFC000  }
0x40: {  	[spmem:s0] =	stream.linear.scatter [tilespmem:s25], [sflag:$0x8], $0x4000, $0x38;
	[tilespmem:$0x1FE80] =	vst v63  }
0x41: {  	_ =	swait.ge [sflag:s26], $0x4000  }
0x42: {  	[sflag:s26] =	ssyncset.done $0x0  }
0x43: {  	s7 =	rddreg [dreg:$0x10];
	[sflag:s26] =	ssyncadd.s32 $0xFFFFC000  }
0x44: {  	[spmem:s7] =	stream.linear.scatter [tilespmem:s25], [sflag:$0x8], $0x4000, $0x38;
	[tilespmem:$0x1FE80] =	vst v63  }
0x45: {  	_ =	swait.ge [sflag:s26], $0x4000  }
0x46: {  	[sflag:s26] =	ssyncset.done $0x0  }
0x47: {  	s12 =	rddreg [dreg:$0x11];
	[sflag:s26] =	ssyncadd.s32 $0xFFFFC000  }
0x48: {  	[spmem:s12] =	stream.linear.scatter [tilespmem:s25], [sflag:$0x8], $0x4000, $0x38;
	[tilespmem:$0x1FE80] =	vst v63  }
0x49: {  	_ =	swait.ge [sflag:s26], $0x4000  }
0x4a: {  	[sflag:s26] =	ssyncset.done $0x0  }
0x4b: {  	s23 =	rddreg [dreg:$0x12];
	[sflag:s26] =	ssyncadd.s32 $0xFFFFC000  }
0x4c: {  	[spmem:s23] =	stream.linear.scatter [tilespmem:s25], [sflag:$0x8], $0x3800, $0x38;
	[tilespmem:$0x1FE80] =	vst v63  }
0x4d: {  	_ =	swait.ge [sflag:s26], $0x3800  }
0x4e: {  	[sflag:s26] =	ssyncset.done $0x0  }
0x4f: {  	s7 =	simm.s32 @!p0 $0x600;
	[sflag:s26] =	ssyncadd.s32 $0xFFFFC800  }
0x50: {  	[spmem:s24] =	stream.linear.scatter @!p0 [tilespmem:s7], [sflag:$0x8], $0x800, $0x38;
	[tilespmem:$0x1FE80] =	vst v63  }
0x51: {  	s7 =	simm.s32 @!p0 $0x8  }
0x52: {  	_ =	swait.ge @!p0 [sflag:s7], $0x800  }
0x53: {  	[sflag:s7] =	ssyncset.done @!p0 $0x0  }
0x54: {  	[sflag:s7] =	ssyncadd.s32 @!p0 $0xFFFFF800  }
0x55: {  	[bflag:$0x0] =	sbarrier.arrive $0xFFFF  }
0x56: {  	s24 =	rddreg [dreg:$0x14]  }
0x57: {  	s7 =	simm.s32 $0x0;
	s26 =	rddreg [dreg:$0x15]  }
0x58: {  	[tilespmem:s7], [sflag:$0x1] =	stream.linear.gather [hbm4b:s24+s7], $0x80, $0x38;
	[tilespmem:$0x1FE80] =	vst v63  }
0x59: {  	s12 =	rddreg [dreg:$0x16]  }
0x5a: {  	[tilespmem:s28], [sflag:$0x1] =	stream.linear.gather [hbm4b:s26+s7], $0x80, $0x38;
	[tilespmem:$0x1FE80] =	vst v63  }
0x5b: {  	s23 =	rddreg [dreg:$0x17]  }
0x5c: {  	[tilespmem:s4], [sflag:$0x1] =	stream.linear.gather [hbm4b:s12+s7], $0x80, $0x38;
	[tilespmem:$0x1FE80] =	vst v63  }
0x5d: {  	s24 =	rddreg [dreg:$0x19]  }
0x5e: {  	[tilespmem:s5], [sflag:$0x1] =	stream.linear.gather [hbm4b:s23+s7], $0x80, $0x38;
	[tilespmem:$0x1FE80] =	vst v63  }
0x5f: {  	s26 =	rddreg [dreg:$0x1a]  }
0x60: {  	[tilespmem:s30], [sflag:$0x1] =	stream.linear.gather [hbm4b:s24+s7], $0x80, $0x38;
	[tilespmem:$0x1FE80] =	vst v63  }
0x61: {  	s12 =	rddreg [dreg:$0xd]  }
0x62: {  	[tilespmem:s9], [sflag:$0x1] =	stream.linear.gather [hbm4b:s26+s7], $0x80, $0x38;
	[tilespmem:$0x1FE80] =	vst v63  }
0x63: {  	s12 =	sadd.s32 $0x0, s12;
	s23 =	rddreg [dreg:$0xc]  }
0x64: {  	[tilespmem:s10], [sflag:$0x1] =	stream.linear.gather [hbm4b:s12+s3], $0x80, $0x38;
	[tilespmem:$0x1FE80] =	vst v63  }
0x65: {  	s24 =	rddreg [dreg:$0xb];
	s7 =	sadd.s32 $0x0, s23  }
0x66: {  	[tilespmem:s11], [sflag:$0x1] =	stream.linear.gather [hbm4b:s7+s3], $0x80, $0x38;
	[tilespmem:$0x1FE80] =	vst v63  }
0x67: {  	s0 =	sadd.s32 $0x0, s24;
	s26 =	rddreg [dreg:$0xa]  }
0x68: {  	[tilespmem:s13], [sflag:$0x1] =	stream.linear.gather [hbm4b:s0+s3], $0x80, $0x38;
	[tilespmem:$0x1FE80] =	vst v63  }
0x69: {  	s23 =	rddreg [dreg:$0x9];
	s24 =	sadd.s32 $0x0, s26;
	s26 =	simm.s32 $0x480  }
0x6a: {  	[tilespmem:s26], [sflag:$0x1] =	stream.linear.gather [hbm4b:s24+s3], $0x80, $0x38;
	[tilespmem:$0x1FE80] =	vst v63  }
0x6b: {  	s23 =	sadd.s32 $0x0, s23;
	s0 =	rddreg [dreg:$0x8]  }
0x6c: {  	[tilespmem:s29], [sflag:$0x1] =	stream.linear.gather [hbm4b:s23+s3], $0x80, $0x38;
	[tilespmem:$0x1FE80] =	vst v63  }
0x6d: {  	s24 =	sadd.s32 $0x0, s0  }
0x6e: {  	[tilespmem:s8], [sflag:$0x1] =	stream.linear.gather [hbm4b:s24+s3], $0x80, $0x38;
	[tilespmem:$0x1FE80] =	vst v63  }
0x6f: {  	_ =	swait.ge [sflag:s14], $0x80  }
0x70: {  	[sflag:s14] =	ssyncset.done $0x0  }
0x71: {  	[sflag:s14] =	ssyncadd.s32 $0xFFFFFF80  }
0x72: {  	_ =	swait.ge [sflag:s14], $0x80  }
0x73: {  	[sflag:s14] =	ssyncset.done $0x0  }
0x74: {  	[sflag:s14] =	ssyncadd.s32 $0xFFFFFF80  }
0x75: {  	_ =	swait.ge [sflag:s14], $0x80  }
0x76: {  	[sflag:s14] =	ssyncset.done $0x0  }
0x77: {  	[sflag:s14] =	ssyncadd.s32 $0xFFFFFF80  }
0x78: {  	_ =	swait.ge [sflag:s14], $0x80  }
0x79: {  	[sflag:s14] =	ssyncset.done $0x0  }
0x7a: {  	[sflag:s14] =	ssyncadd.s32 $0xFFFFFF80  }
0x7b: {  	_ =	swait.ge [sflag:s14], $0x80  }
0x7c: {  	[sflag:s14] =	ssyncset.done $0x0  }
0x7d: {  	[sflag:s14] =	ssyncadd.s32 $0xFFFFFF80  }
0x7e: {  	_ =	swait.ge [sflag:s14], $0x80  }
0x7f: {  	[sflag:s14] =	ssyncset.done $0x0  }
0x80: {  	[sflag:s14] =	ssyncadd.s32 $0xFFFFFF80  }
0x81: {  	[tilespmem:s25], [sflag:$0x2] =	stream.indirect.gather [hbm4b:s1+s28], $0x80, s3, s28, $0xb8;
	[tilespmem:$0x1FE80] =	vst v63  }
0x82: {  	_ = 	snop  }
0x83: {  	[tilespmem:s15], [sflag:$0x3] =	stream.indirect.gather [hbm4b:s1+s28], $0x80, s4, s28, $0xb8;
	[tilespmem:$0x1FE80] =	vst v63  }
0x84: {  	_ = 	snop  }
0x85: {  	[tilespmem:s16], [sflag:$0x4] =	stream.indirect.gather [hbm4b:s1+s28], $0x80, s30, s28, $0xb8;
	[tilespmem:$0x1FE80] =	vst v63  }
0x86: {  	_ =	swait.ge [sflag:s17], $0x4000  }
0x87: {  	[sflag:s17] =	ssyncset.done $0x0  }
0x88: {  	[sflag:s17] =	ssyncadd.s32 $0xFFFFC000  }
0x89: {  	[spmem:s2] =	stream.indirect.scatter.add.f32 [tilespmem:s25], [sflag:$0x5], $0x80, s28, s28, $0xb8;
	[tilespmem:$0x1FE80] =	vst v63  }
0x8a: {  	_ =	swait.ge [sflag:s18], $0x4000  }
0x8b: {  	[sflag:s18] =	ssyncset.done $0x0  }
0x8c: {  	[sflag:s18] =	ssyncadd.s32 $0xFFFFC000  }
0x8d: {  	[spmem:s2] =	stream.indirect.scatter.add.f32 [tilespmem:s15], [sflag:$0x6], $0x80, s5, s28, $0xb8;
	[tilespmem:$0x1FE80] =	vst v63  }
0x8e: {  	_ =	swait.ge [sflag:s19], $0x4000  }
0x8f: {  	[sflag:s19] =	ssyncset.done $0x0  }
0x90: {  	[sflag:s19] =	ssyncadd.s32 $0xFFFFC000  }
0x91: {  	[spmem:s2] =	stream.indirect.scatter.add.f32 [tilespmem:s16], [sflag:$0x7], $0x80, s9, s28, $0xb8;
	[tilespmem:$0x1FE80] =	vst v63  }
0x92: {  	_ =	swait.ge [sflag:s14], $0x80  }
0x93: {  	[sflag:s14] =	ssyncset.done $0x0  }
0x94: {  	[sflag:s14] =	ssyncadd.s32 $0xFFFFFF80  }
0x95: {  	_ =	swait.ge [sflag:s14], $0x80  }
0x96: {  	[sflag:s14] =	ssyncset.done $0x0  }
0x97: {  	[sflag:s14] =	ssyncadd.s32 $0xFFFFFF80  }
0x98: {  	_ =	swait.ge [sflag:s14], $0x80  }
0x99: {  	[sflag:s14] =	ssyncset.done $0x0  }
0x9a: {  	[sflag:s14] =	ssyncadd.s32 $0xFFFFFF80  }
0x9b: {  	_ =	swait.ge [sflag:s14], $0x80  }
0x9c: {  	[sflag:s14] =	ssyncset.done $0x0  }
0x9d: {  	[sflag:s14] =	ssyncadd.s32 $0xFFFFFF80  }
0x9e: {  	_ =	swait.ge [sflag:s14], $0x80  }
0x9f: {  	[sflag:s14] =	ssyncset.done $0x0  }
0xa0: {  	[sflag:s14] =	ssyncadd.s32 $0xFFFFFF80  }
0xa1: {  	_ =	swait.ge [sflag:s14], $0x80  }
0xa2: {  	[sflag:s14] =	ssyncset.done $0x0  }
0xa3: {  	[sflag:s14] =	ssyncadd.s32 $0xFFFFFF80  }
0xa4: {  	_ =	swait.ge [sflag:s20], $0x4000  }
0xa5: {  	[sflag:s20] =	ssyncset.done $0x0  }
0xa6: {  	[sflag:s20] =	ssyncadd.s32 $0xFFFFC000  }
0xa7: {  	[tilespmem:s25], [sflag:$0x2] =	stream.indirect.gather [hbm4b:s1+s28], $0x80, s10, s28, $0xb8;
	[tilespmem:$0x1FE80] =	vst v63  }
0xa8: {  	_ =	swait.ge [sflag:s21], $0x4000  }
0xa9: {  	[sflag:s21] =	ssyncset.done $0x0  }
0xaa: {  	[sflag:s21] =	ssyncadd.s32 $0xFFFFC000  }
0xab: {  	[tilespmem:s15], [sflag:$0x3] =	stream.indirect.gather [hbm4b:s1+s28], $0x80, s13, s28, $0xb8;
	[tilespmem:$0x1FE80] =	vst v63  }
0xac: {  	_ =	swait.ge [sflag:s22], $0x4000  }
0xad: {  	p1 =	por $0x0, $0x0;
	[sflag:s22] =	ssyncset.done $0x0;
	s0 =	rddreg [dreg:$0x1f]  }
0xae: {  	s7 =	sshrl.u32 @!p1 s0, $0x3;
	[sflag:s22] =	ssyncadd.s32 $0xFFFFC000  }
0xaf: {  	[tilespmem:s16], [sflag:$0x4] =	stream.indirect.gather [hbm4b:s1+s28], $0x80, s29, s28, $0xb8;
	[tilespmem:$0x1FE80] =	vst v63  }
0xb0: {  	s12 =	simm.s32 @!p1 $0x0;
	s23 =	sadd.s32 @!p1 s31, s7  }
0xb1: {  	[tilespmem:s12], [sflag:$0x1] =	stream.linear.gather @!p1 [hbm4b:s23+s12], $0x80, $0x38;
	[tilespmem:$0x1FE80] =	vst v63  }
0xb2: {  	s24 =	simm.s32 @!p1 $0x80;
	s7 =	sadd.s32 @!p1 s6, s7;
	s23 =	rddreg [dreg:$0x7]  }
0xb3: {  	[tilespmem:s24], [sflag:$0x1] =	stream.linear.gather @!p1 [hbm4b:s7+s12], $0x80, $0x38;
	[tilespmem:$0x1FE80] =	vst v63  }
0xb4: {  	s23 =	sadd.s32 @!p1 $0x0, s23;
	s7 =	rddreg [dreg:$0x6];
	s24 =	simm.s32 @!p1 $0x100  }
0xb5: {  	[tilespmem:s24], [sflag:$0x1] =	stream.linear.gather @!p1 [hbm4b:s23+s12], $0x80, $0x38;
	[tilespmem:$0x1FE80] =	vst v63  }
0xb6: {  	s7 =	sadd.s32 @!p1 $0x0, s7;
	s23 =	rddreg [dreg:$0x5];
	s24 =	simm.s32 @!p1 $0x180  }
0xb7: {  	[tilespmem:s24], [sflag:$0x1] =	stream.linear.gather @!p1 [hbm4b:s7+s12], $0x80, $0x38;
	[tilespmem:$0x1FE80] =	vst v63  }
0xb8: {  	s23 =	sadd.s32 @!p1 $0x0, s23;
	s7 =	rddreg [dreg:$0x4];
	s24 =	simm.s32 @!p1 $0x200  }
0xb9: {  	[tilespmem:s24], [sflag:$0x1] =	stream.linear.gather @!p1 [hbm4b:s23+s12], $0x80, $0x38;
	[tilespmem:$0x1FE80] =	vst v63  }
0xba: {  	s7 =	sadd.s32 @!p1 $0x0, s7;
	s23 =	simm.s32 @!p1 $0x280  }
0xbb: {  	[tilespmem:s23], [sflag:$0x1] =	stream.linear.gather @!p1 [hbm4b:s7+s12], $0x80, $0x38;
	[tilespmem:$0x1FE80] =	vst v63  }
0xbc: {  	_ =	swait.ge [sflag:s17], $0x4000  }
0xbd: {  	[sflag:s17] =	ssyncset.done $0x0  }
0xbe: {  	[sflag:s17] =	ssyncadd.s32 $0xFFFFC000  }
0xbf: {  	[spmem:s2] =	stream.indirect.scatter.add.f32 [tilespmem:s25], [sflag:$0x5], $0x80, s11, s28, $0xb8;
	[tilespmem:$0x1FE80] =	vst v63  }
0xc0: {  	_ =	swait.ge [sflag:s18], $0x4000  }
0xc1: {  	[sflag:s18] =	ssyncset.done $0x0  }
0xc2: {  	[sflag:s18] =	ssyncadd.s32 $0xFFFFC000  }
0xc3: {  	[spmem:s2] =	stream.indirect.scatter.add.f32 [tilespmem:s15], [sflag:$0x6], $0x80, s26, s28, $0xb8;
	[tilespmem:$0x1FE80] =	vst v63  }
0xc4: {  	_ =	swait.ge [sflag:s19], $0x4000  }
0xc5: {  	[sflag:s19] =	ssyncset.done $0x0  }
0xc6: {  	[sflag:s19] =	ssyncadd.s32 $0xFFFFC000  }
0xc7: {  	[spmem:s2] =	stream.indirect.scatter.add.f32 [tilespmem:s16], [sflag:$0x7], $0x80, s8, s28, $0xb8;
	[tilespmem:$0x1FE80] =	vst v63  }
0xc8: {  	_ =	swait.ge [sflag:s20], $0x4000  }
0xc9: {  	s4 =	smov.u32 s6;
	[sflag:s20] =	ssyncset.done $0x0  }
0xca: {  	s9 =	simm.s32 $0x400;
	s10 =	simm.s32 $0x500;
	[sflag:s20] =	ssyncadd.s32 $0xFFFFC000  }
0xcb: {  	s13 =	simm.s32 $0x380;
	s6 =	simm.s32 $0x480;
	_ =	swait.ge [sflag:s21], $0x4000  }
0xcc: {  	s24 =	smov.u32 s0;
	s12 =	simm.s32 $0x60;
	[sflag:s21] =	ssyncset.done $0x0  }
0xcd: {  	s7 =	simm.s32 $0xC0;
	s11 =	simm.s32 $0x300;
	[sflag:s21] =	ssyncadd.s32 $0xFFFFC000  }
.LBB2_4:
0xce: {  	_ =	swait.ge [sflag:s22], $0x4000  }
0xcf: {  	s26 =	rddreg [dreg:$0xd];
	[sflag:s22] =	ssyncset.done $0x0  }
0xd0: {  	s30 =	rddreg [dreg:$0xc];
	[sflag:s22] =	ssyncadd.s32 $0xFFFFC000;
	s26 =	sadd.s32 s12, s26  }
0xd1: {  	[tilespmem:s11], [sflag:$0x1] =	stream.linear.gather [hbm4b:s26+s3], $0x80, $0x38;
	[tilespmem:$0x1FE80] =	vst v63  }
0xd2: {  	s29 =	rddreg [dreg:$0xb];
	s0 =	sadd.s32 s12, s30  }
0xd3: {  	[tilespmem:s13], [sflag:$0x1] =	stream.linear.gather [hbm4b:s0+s3], $0x80, $0x38;
	[tilespmem:$0x1FE80] =	vst v63  }
0xd4: {  	s5 =	rddreg [dreg:$0xa];
	s0 =	sadd.s32 s12, s29  }
0xd5: {  	[tilespmem:s9], [sflag:$0x1] =	stream.linear.gather [hbm4b:s0+s3], $0x80, $0x38;
	[tilespmem:$0x1FE80] =	vst v63  }
0xd6: {  	s5 =	sadd.s32 s12, s5;
	s29 =	rddreg [dreg:$0x9]  }
0xd7: {  	[tilespmem:s6], [sflag:$0x1] =	stream.linear.gather [hbm4b:s5+s3], $0x80, $0x38;
	[tilespmem:$0x1FE80] =	vst v63  }
0xd8: {  	s0 =	rddreg [dreg:$0x8];
	s5 =	sadd.s32 s12, s29  }
0xd9: {  	[tilespmem:s10], [sflag:$0x1] =	stream.linear.gather [hbm4b:s5+s3], $0x80, $0x38;
	[tilespmem:$0x1FE80] =	vst v63  }
0xda: {  	s6 =	sadd.s32 s12, s0  }
0xdb: {  	[tilespmem:s8], [sflag:$0x1] =	stream.linear.gather [hbm4b:s6+s3], $0x80, $0x38;
	[tilespmem:$0x1FE80] =	vst v63  }
0xdc: {  	_ =	swait.ge [sflag:s14], $0x80  }
0xdd: {  	[sflag:s14] =	ssyncset.done $0x0  }
0xde: {  	[sflag:s14] =	ssyncadd.s32 $0xFFFFFF80  }
0xdf: {  	_ =	swait.ge [sflag:s14], $0x80  }
0xe0: {  	[sflag:s14] =	ssyncset.done $0x0  }
0xe1: {  	[sflag:s14] =	ssyncadd.s32 $0xFFFFFF80  }
0xe2: {  	_ =	swait.ge [sflag:s14], $0x80  }
0xe3: {  	[sflag:s14] =	ssyncset.done $0x0  }
0xe4: {  	[sflag:s14] =	ssyncadd.s32 $0xFFFFFF80  }
0xe5: {  	_ =	swait.ge [sflag:s14], $0x80  }
0xe6: {  	[sflag:s14] =	ssyncset.done $0x0  }
0xe7: {  	[sflag:s14] =	ssyncadd.s32 $0xFFFFFF80  }
0xe8: {  	_ =	swait.ge [sflag:s14], $0x80  }
0xe9: {  	[sflag:s14] =	ssyncset.done $0x0  }
0xea: {  	[sflag:s14] =	ssyncadd.s32 $0xFFFFFF80  }
0xeb: {  	_ =	swait.ge [sflag:s14], $0x80  }
0xec: {  	[sflag:s14] =	ssyncset.done $0x0  }
0xed: {  	[sflag:s14] =	ssyncadd.s32 $0xFFFFFF80  }
0xee: {  	[tilespmem:s25], [sflag:$0x2] =	stream.indirect.gather [hbm4b:s1+s28], $0x80, s3, s28, $0xb8;
	[tilespmem:$0x1FE80] =	vst v63  }
0xef: {  	s0 =	simm.s32 $0x100  }
0xf0: {  	[tilespmem:s15], [sflag:$0x3] =	stream.indirect.gather [hbm4b:s1+s28], $0x80, s0, s28, $0xb8;
	[tilespmem:$0x1FE80] =	vst v63  }
0xf1: {  	s26 =	simm.s32 $0x200  }
0xf2: {  	[tilespmem:s16], [sflag:$0x4] =	stream.indirect.gather [hbm4b:s1+s28], $0x80, s26, s28, $0xb8;
	[tilespmem:$0x1FE80] =	vst v63  }
0xf3: {  	_ =	swait.ge [sflag:s17], $0x4000  }
0xf4: {  	[sflag:s17] =	ssyncset.done $0x0  }
0xf5: {  	[sflag:s17] =	ssyncadd.s32 $0xFFFFC000  }
0xf6: {  	[spmem:s2] =	stream.indirect.scatter.add.f32 [tilespmem:s25], [sflag:$0x5], $0x80, s28, s28, $0xb8;
	[tilespmem:$0x1FE80] =	vst v63  }
0xf7: {  	_ =	swait.ge [sflag:s18], $0x4000  }
0xf8: {  	[sflag:s18] =	ssyncset.done $0x0  }
0xf9: {  	s29 =	simm.s32 $0x180;
	[sflag:s18] =	ssyncadd.s32 $0xFFFFC000  }
0xfa: {  	[spmem:s2] =	stream.indirect.scatter.add.f32 [tilespmem:s15], [sflag:$0x6], $0x80, s29, s28, $0xb8;
	[tilespmem:$0x1FE80] =	vst v63  }
0xfb: {  	_ =	swait.ge [sflag:s19], $0x4000  }
0xfc: {  	[sflag:s19] =	ssyncset.done $0x0  }
0xfd: {  	s30 =	simm.s32 $0x280;
	[sflag:s19] =	ssyncadd.s32 $0xFFFFC000  }
0xfe: {  	[spmem:s2] =	stream.indirect.scatter.add.f32 [tilespmem:s16], [sflag:$0x7], $0x80, s30, s28, $0xb8;
	[tilespmem:$0x1FE80] =	vst v63  }
0xff: {  	_ =	swait.ge [sflag:s14], $0x80  }
0x100: {  	[sflag:s14] =	ssyncset.done $0x0  }
0x101: {  	[sflag:s14] =	ssyncadd.s32 $0xFFFFFF80  }
0x102: {  	_ =	swait.ge [sflag:s14], $0x80  }
0x103: {  	[sflag:s14] =	ssyncset.done $0x0  }
0x104: {  	[sflag:s14] =	ssyncadd.s32 $0xFFFFFF80  }
0x105: {  	_ =	swait.ge [sflag:s14], $0x80  }
0x106: {  	[sflag:s14] =	ssyncset.done $0x0  }
0x107: {  	[sflag:s14] =	ssyncadd.s32 $0xFFFFFF80  }
0x108: {  	_ =	swait.ge [sflag:s14], $0x80  }
0x109: {  	[sflag:s14] =	ssyncset.done $0x0  }
0x10a: {  	[sflag:s14] =	ssyncadd.s32 $0xFFFFFF80  }
0x10b: {  	_ =	swait.ge [sflag:s14], $0x80  }
0x10c: {  	[sflag:s14] =	ssyncset.done $0x0  }
0x10d: {  	[sflag:s14] =	ssyncadd.s32 $0xFFFFFF80  }
0x10e: {  	_ =	swait.ge [sflag:s14], $0x80  }
0x10f: {  	[sflag:s14] =	ssyncset.done $0x0  }
0x110: {  	[sflag:s14] =	ssyncadd.s32 $0xFFFFFF80  }
0x111: {  	_ =	swait.ge [sflag:s20], $0x4000  }
0x112: {  	[sflag:s20] =	ssyncset.done $0x0  }
0x113: {  	[sflag:s20] =	ssyncadd.s32 $0xFFFFC000  }
0x114: {  	[tilespmem:s25], [sflag:$0x2] =	stream.indirect.gather [hbm4b:s1+s28], $0x80, s11, s28, $0xb8;
	[tilespmem:$0x1FE80] =	vst v63  }
0x115: {  	_ =	swait.ge [sflag:s21], $0x4000  }
0x116: {  	[sflag:s21] =	ssyncset.done $0x0  }
0x117: {  	[sflag:s21] =	ssyncadd.s32 $0xFFFFC000  }
0x118: {  	[tilespmem:s15], [sflag:$0x3] =	stream.indirect.gather [hbm4b:s1+s28], $0x80, s9, s28, $0xb8;
	[tilespmem:$0x1FE80] =	vst v63  }
0x119: {  	_ =	swait.ge [sflag:s22], $0x4000  }
0x11a: {  	s24 =	sadd.s32 $0x300, s24;
	p2 =	seq.s32 s12, $0x480;
	[sflag:s22] =	ssyncset.done $0x0  }
0x11b: {  	s26 =	sshrl.u32 @!p2 s24, $0x3;
	[sflag:s22] =	ssyncadd.s32 $0xFFFFC000  }
0x11c: {  	[tilespmem:s16], [sflag:$0x4] =	stream.indirect.gather [hbm4b:s1+s28], $0x80, s10, s28, $0xb8;
	[tilespmem:$0x1FE80] =	vst v63  }
0x11d: {  	s6 =	smov.u32 s31;
	s29 =	simm.s32 @!p2 $0x0;
	s30 =	sadd.s32 @!p2 s31, s26  }
0x11e: {  	[tilespmem:s29], [sflag:$0x1] =	stream.linear.gather @!p2 [hbm4b:s30+s29], $0x80, $0x38;
	[tilespmem:$0x1FE80] =	vst v63  }
0x11f: {  	s0 =	simm.s32 @!p2 $0x80;
	s26 =	sadd.s32 @!p2 s4, s26;
	s31 =	rddreg [dreg:$0x7]  }
0x120: {  	[tilespmem:s0], [sflag:$0x1] =	stream.linear.gather @!p2 [hbm4b:s26+s29], $0x80, $0x38;
	[tilespmem:$0x1FE80] =	vst v63  }
0x121: {  	s5 =	rddreg [dreg:$0x6];
	s30 =	sadd.s32 @!p2 s12, s31;
	s0 =	simm.s32 @!p2 $0x100  }
0x122: {  	[tilespmem:s0], [sflag:$0x1] =	stream.linear.gather @!p2 [hbm4b:s30+s29], $0x80, $0x38;
	[tilespmem:$0x1FE80] =	vst v63  }
0x123: {  	s5 =	sadd.s32 @!p2 s12, s5;
	s26 =	rddreg [dreg:$0x5];
	s0 =	simm.s32 @!p2 $0x180  }
0x124: {  	[tilespmem:s0], [sflag:$0x1] =	stream.linear.gather @!p2 [hbm4b:s5+s29], $0x80, $0x38;
	[tilespmem:$0x1FE80] =	vst v63  }
0x125: {  	s30 =	rddreg [dreg:$0x4];
	s0 =	sadd.s32 @!p2 s12, s26;
	s5 =	simm.s32 @!p2 $0x200  }
0x126: {  	[tilespmem:s5], [sflag:$0x1] =	stream.linear.gather @!p2 [hbm4b:s0+s29], $0x80, $0x38;
	[tilespmem:$0x1FE80] =	vst v63  }
0x127: {  	s26 =	simm.s32 @!p2 $0x280;
	s0 =	sadd.s32 @!p2 s12, s30  }
0x128: {  	[tilespmem:s26], [sflag:$0x1] =	stream.linear.gather @!p2 [hbm4b:s0+s29], $0x80, $0x38;
	[tilespmem:$0x1FE80] =	vst v63  }
0x129: {  	_ =	swait.ge [sflag:s17], $0x4000  }
0x12a: {  	[sflag:s17] =	ssyncset.done $0x0  }
0x12b: {  	[sflag:s17] =	ssyncadd.s32 $0xFFFFC000  }
0x12c: {  	[spmem:s2] =	stream.indirect.scatter.add.f32 [tilespmem:s25], [sflag:$0x5], $0x80, s13, s28, $0xb8;
	[tilespmem:$0x1FE80] =	vst v63  }
0x12d: {  	_ =	swait.ge [sflag:s18], $0x4000  }
0x12e: {  	[sflag:s18] =	ssyncset.done $0x0  }
0x12f: {  	s31 =	smov.u32 s6;
	s6 =	simm.s32 $0x480;
	[sflag:s18] =	ssyncadd.s32 $0xFFFFC000  }
0x130: {  	[spmem:s2] =	stream.indirect.scatter.add.f32 [tilespmem:s15], [sflag:$0x6], $0x80, s6, s28, $0xb8;
	[tilespmem:$0x1FE80] =	vst v63  }
0x131: {  	_ =	swait.ge [sflag:s19], $0x4000  }
0x132: {  	[sflag:s19] =	ssyncset.done $0x0  }
0x133: {  	s23 =	smov.u32 s7;
	s7 =	sadd.s32 $0x60, s7;
	[sflag:s19] =	ssyncadd.s32 $0xFFFFC000  }
0x134: {  	[spmem:s2] =	stream.indirect.scatter.add.f32 [tilespmem:s16], [sflag:$0x7], $0x80, s8, s28, $0xb8;
	[tilespmem:$0x1FE80] =	vst v63  }
0x135: {  	p1 =	sne.s32 s7, $0x4E0;
	_ =	swait.ge [sflag:s20], $0x4000  }
.Ltmp1:
0x136: {  	[sflag:s20] =	ssyncset.done $0x0;
	(pc) =	sbr.rel @p1 .LBB2_4-.Ltmp1, $4  }
0x137: {  	[sflag:s20] =	ssyncadd.s32 $0xFFFFC000  }
0x138: {  	_ =	swait.ge [sflag:s21], $0x4000  }
0x139: {  	[sflag:s21] =	ssyncset.done $0x0  }
0x13a: {  	s12 =	smov.u32 s23;
	[sflag:s21] =	ssyncadd.s32 $0xFFFFC000  }
0x13b: {  	_ =	swait.ge [sflag:s22], $0x4000  }
0x13c: {  	s0 =	rddreg [dreg:$0xd];
	[sflag:s22] =	ssyncset.done $0x0  }
0x13d: {  	s5 =	rddreg [dreg:$0xc];
	[sflag:s22] =	ssyncadd.s32 $0xFFFFC000;
	s0 =	sadd.s32 s12, s0  }
0x13e: {  	[tilespmem:s11], [sflag:$0x1] =	stream.linear.gather [hbm4b:s0+s3], $0x80, $0x38;
	[tilespmem:$0x1FE80] =	vst v63  }
0x13f: {  	s7 =	rddreg [dreg:$0xb];
	s5 =	sadd.s32 s12, s5  }
0x140: {  	[tilespmem:s13], [sflag:$0x1] =	stream.linear.gather [hbm4b:s5+s3], $0x80, $0x38;
	[tilespmem:$0x1FE80] =	vst v63  }
0x141: {  	s23 =	rddreg [dreg:$0xa];
	s26 =	sadd.s32 s12, s7  }
0x142: {  	[tilespmem:s9], [sflag:$0x1] =	stream.linear.gather [hbm4b:s26+s3], $0x80, $0x38;
	[tilespmem:$0x1FE80] =	vst v63  }
0x143: {  	s7 =	rddreg [dreg:$0x9];
	s23 =	sadd.s32 s12, s23  }
0x144: {  	[tilespmem:s6], [sflag:$0x1] =	stream.linear.gather [hbm4b:s23+s3], $0x80, $0x38;
	[tilespmem:$0x1FE80] =	vst v63  }
0x145: {  	s26 =	rddreg [dreg:$0x8];
	s23 =	sadd.s32 s12, s7  }
0x146: {  	[tilespmem:s10], [sflag:$0x1] =	stream.linear.gather [hbm4b:s23+s3], $0x80, $0x38;
	[tilespmem:$0x1FE80] =	vst v63  }
0x147: {  	s26 =	sadd.s32 s12, s26  }
0x148: {  	[tilespmem:s8], [sflag:$0x1] =	stream.linear.gather [hbm4b:s26+s3], $0x80, $0x38;
	[tilespmem:$0x1FE80] =	vst v63  }
0x149: {  	_ =	swait.ge [sflag:s14], $0x80  }
0x14a: {  	[sflag:s14] =	ssyncset.done $0x0  }
0x14b: {  	[sflag:s14] =	ssyncadd.s32 $0xFFFFFF80  }
0x14c: {  	_ =	swait.ge [sflag:s14], $0x80  }
0x14d: {  	[sflag:s14] =	ssyncset.done $0x0  }
0x14e: {  	[sflag:s14] =	ssyncadd.s32 $0xFFFFFF80  }
0x14f: {  	_ =	swait.ge [sflag:s14], $0x80  }
0x150: {  	[sflag:s14] =	ssyncset.done $0x0  }
0x151: {  	[sflag:s14] =	ssyncadd.s32 $0xFFFFFF80  }
0x152: {  	_ =	swait.ge [sflag:s14], $0x80  }
0x153: {  	[sflag:s14] =	ssyncset.done $0x0  }
0x154: {  	[sflag:s14] =	ssyncadd.s32 $0xFFFFFF80  }
0x155: {  	_ =	swait.ge [sflag:s14], $0x80  }
0x156: {  	[sflag:s14] =	ssyncset.done $0x0  }
0x157: {  	[sflag:s14] =	ssyncadd.s32 $0xFFFFFF80  }
0x158: {  	_ =	swait.ge [sflag:s14], $0x80  }
0x159: {  	[sflag:s14] =	ssyncset.done $0x0  }
0x15a: {  	[sflag:s14] =	ssyncadd.s32 $0xFFFFFF80  }
0x15b: {  	[tilespmem:s25], [sflag:$0x2] =	stream.indirect.gather [hbm4b:s1+s28], $0x80, s3, s28, $0xb8;
	[tilespmem:$0x1FE80] =	vst v63  }
0x15c: {  	s5 =	simm.s32 $0x100  }
0x15d: {  	[tilespmem:s15], [sflag:$0x3] =	stream.indirect.gather [hbm4b:s1+s28], $0x80, s5, s28, $0xb8;
	[tilespmem:$0x1FE80] =	vst v63  }
0x15e: {  	s7 =	simm.s32 $0x200  }
0x15f: {  	[tilespmem:s16], [sflag:$0x4] =	stream.indirect.gather [hbm4b:s1+s28], $0x80, s7, s28, $0xb8;
	[tilespmem:$0x1FE80] =	vst v63  }
0x160: {  	_ =	swait.ge [sflag:s17], $0x4000  }
0x161: {  	[sflag:s17] =	ssyncset.done $0x0  }
0x162: {  	[sflag:s17] =	ssyncadd.s32 $0xFFFFC000  }
0x163: {  	[spmem:s2] =	stream.indirect.scatter.add.f32 [tilespmem:s25], [sflag:$0x5], $0x80, s28, s28, $0xb8;
	[tilespmem:$0x1FE80] =	vst v63  }
0x164: {  	_ =	swait.ge [sflag:s18], $0x4000  }
0x165: {  	[sflag:s18] =	ssyncset.done $0x0  }
0x166: {  	s23 =	simm.s32 $0x180;
	[sflag:s18] =	ssyncadd.s32 $0xFFFFC000  }
0x167: {  	[spmem:s2] =	stream.indirect.scatter.add.f32 [tilespmem:s15], [sflag:$0x6], $0x80, s23, s28, $0xb8;
	[tilespmem:$0x1FE80] =	vst v63  }
0x168: {  	_ =	swait.ge [sflag:s19], $0x4000  }
0x169: {  	[sflag:s19] =	ssyncset.done $0x0  }
0x16a: {  	s26 =	simm.s32 $0x280;
	[sflag:s19] =	ssyncadd.s32 $0xFFFFC000  }
0x16b: {  	[spmem:s2] =	stream.indirect.scatter.add.f32 [tilespmem:s16], [sflag:$0x7], $0x80, s26, s28, $0xb8;
	[tilespmem:$0x1FE80] =	vst v63  }
0x16c: {  	_ =	swait.ge [sflag:s14], $0x80  }
0x16d: {  	[sflag:s14] =	ssyncset.done $0x0  }
0x16e: {  	[sflag:s14] =	ssyncadd.s32 $0xFFFFFF80  }
0x16f: {  	_ =	swait.ge [sflag:s14], $0x80  }
0x170: {  	[sflag:s14] =	ssyncset.done $0x0  }
0x171: {  	[sflag:s14] =	ssyncadd.s32 $0xFFFFFF80  }
0x172: {  	_ =	swait.ge [sflag:s14], $0x80  }
0x173: {  	[sflag:s14] =	ssyncset.done $0x0  }
0x174: {  	[sflag:s14] =	ssyncadd.s32 $0xFFFFFF80  }
0x175: {  	_ =	swait.ge [sflag:s14], $0x80  }
0x176: {  	[sflag:s14] =	ssyncset.done $0x0  }
0x177: {  	[sflag:s14] =	ssyncadd.s32 $0xFFFFFF80  }
0x178: {  	_ =	swait.ge [sflag:s14], $0x80  }
0x179: {  	[sflag:s14] =	ssyncset.done $0x0  }
0x17a: {  	[sflag:s14] =	ssyncadd.s32 $0xFFFFFF80  }
0x17b: {  	_ =	swait.ge [sflag:s14], $0x80  }
0x17c: {  	[sflag:s14] =	ssyncset.done $0x0  }
0x17d: {  	[sflag:s14] =	ssyncadd.s32 $0xFFFFFF80  }
0x17e: {  	_ =	swait.ge [sflag:s20], $0x4000  }
0x17f: {  	[sflag:s20] =	ssyncset.done $0x0  }
0x180: {  	[sflag:s20] =	ssyncadd.s32 $0xFFFFC000  }
0x181: {  	[tilespmem:s25], [sflag:$0x2] =	stream.indirect.gather [hbm4b:s1+s28], $0x80, s11, s28, $0xb8;
	[tilespmem:$0x1FE80] =	vst v63  }
0x182: {  	_ =	swait.ge [sflag:s21], $0x4000  }
0x183: {  	[sflag:s21] =	ssyncset.done $0x0  }
0x184: {  	[sflag:s21] =	ssyncadd.s32 $0xFFFFC000  }
0x185: {  	[tilespmem:s15], [sflag:$0x3] =	stream.indirect.gather [hbm4b:s1+s28], $0x80, s9, s28, $0xb8;
	[tilespmem:$0x1FE80] =	vst v63  }
0x186: {  	_ =	swait.ge [sflag:s22], $0x4000  }
0x187: {  	p1 =	seq.s32 s12, $0x480;
	s0 =	sadd.s32 $0x300, s24;
	[sflag:s22] =	ssyncset.done $0x0  }
0x188: {  	s0 =	sshrl.u32 @!p1 s0, $0x3;
	[sflag:s22] =	ssyncadd.s32 $0xFFFFC000  }
0x189: {  	[tilespmem:s16], [sflag:$0x4] =	stream.indirect.gather [hbm4b:s1+s28], $0x80, s10, s28, $0xb8;
	[tilespmem:$0x1FE80] =	vst v63  }
0x18a: {  	s5 =	simm.s32 @!p1 $0x0;
	s7 =	sadd.s32 @!p1 s31, s0  }
0x18b: {  	[tilespmem:s5], [sflag:$0x1] =	stream.linear.gather @!p1 [hbm4b:s7+s5], $0x80, $0x38;
	[tilespmem:$0x1FE80] =	vst v63  }
0x18c: {  	s0 =	sadd.s32 @!p1 s4, s0;
	s23 =	simm.s32 @!p1 $0x80;
	s7 =	rddreg [dreg:$0x7]  }
0x18d: {  	[tilespmem:s23], [sflag:$0x1] =	stream.linear.gather @!p1 [hbm4b:s0+s5], $0x80, $0x38;
	[tilespmem:$0x1FE80] =	vst v63  }
0x18e: {  	s7 =	sadd.s32 @!p1 s12, s7;
	s0 =	rddreg [dreg:$0x6];
	s23 =	simm.s32 @!p1 $0x100  }
0x18f: {  	[tilespmem:s23], [sflag:$0x1] =	stream.linear.gather @!p1 [hbm4b:s7+s5], $0x80, $0x38;
	[tilespmem:$0x1FE80] =	vst v63  }
0x190: {  	s0 =	sadd.s32 @!p1 s12, s0;
	s7 =	rddreg [dreg:$0x5];
	s23 =	simm.s32 @!p1 $0x180  }
0x191: {  	[tilespmem:s23], [sflag:$0x1] =	stream.linear.gather @!p1 [hbm4b:s0+s5], $0x80, $0x38;
	[tilespmem:$0x1FE80] =	vst v63  }
0x192: {  	s7 =	sadd.s32 @!p1 s12, s7;
	s0 =	rddreg [dreg:$0x4];
	s23 =	simm.s32 @!p1 $0x200  }
0x193: {  	[tilespmem:s23], [sflag:$0x1] =	stream.linear.gather @!p1 [hbm4b:s7+s5], $0x80, $0x38;
	[tilespmem:$0x1FE80] =	vst v63  }
0x194: {  	s0 =	sadd.s32 @!p1 s12, s0;
	s7 =	simm.s32 @!p1 $0x280  }
0x195: {  	[tilespmem:s7], [sflag:$0x1] =	stream.linear.gather @!p1 [hbm4b:s0+s5], $0x80, $0x38;
	[tilespmem:$0x1FE80] =	vst v63  }
0x196: {  	_ =	swait.ge [sflag:s17], $0x4000  }
0x197: {  	[sflag:s17] =	ssyncset.done $0x0  }
0x198: {  	[sflag:s17] =	ssyncadd.s32 $0xFFFFC000  }
0x199: {  	[spmem:s2] =	stream.indirect.scatter.add.f32 [tilespmem:s25], [sflag:$0x5], $0x80, s13, s28, $0xb8;
	[tilespmem:$0x1FE80] =	vst v63  }
0x19a: {  	_ =	swait.ge [sflag:s18], $0x4000  }
0x19b: {  	[sflag:s18] =	ssyncset.done $0x0  }
0x19c: {  	[sflag:s18] =	ssyncadd.s32 $0xFFFFC000  }
0x19d: {  	[spmem:s2] =	stream.indirect.scatter.add.f32 [tilespmem:s15], [sflag:$0x6], $0x80, s6, s28, $0xb8;
	[tilespmem:$0x1FE80] =	vst v63  }
0x19e: {  	_ =	swait.ge [sflag:s19], $0x4000  }
0x19f: {  	[sflag:s19] =	ssyncset.done $0x0  }
0x1a0: {  	[sflag:s19] =	ssyncadd.s32 $0xFFFFC000  }
0x1a1: {  	[spmem:s2] =	stream.indirect.scatter.add.f32 [tilespmem:s16], [sflag:$0x7], $0x80, s8, s28, $0xb8;
	[tilespmem:$0x1FE80] =	vst v63  }
0x1a2: {  	_ =	swait.ge [sflag:s20], $0x4000  }
0x1a3: {  	[sflag:s20] =	ssyncset.done $0x0  }
0x1a4: {  	[sflag:s20] =	ssyncadd.s32 $0xFFFFC000  }
0x1a5: {  	_ =	swait.ge [sflag:s21], $0x4000  }
0x1a6: {  	[sflag:s21] =	ssyncset.done $0x0  }
0x1a7: {  	[sflag:s21] =	ssyncadd.s32 $0xFFFFC000  }
0x1a8: {  	_ =	swait.ge [sflag:s22], $0x4000  }
0x1a9: {  	[sflag:s22] =	ssyncset.done $0x0  }
0x1aa: {  	s26 =	simm.s32 $0x8;
	s5 =	rddreg [dreg:$0x1b];
	[sflag:s22] =	ssyncadd.s32 $0xFFFFC000  }
0x1ab: {  	[tilespmem:s3], [sflag:$0x8] =	stream.linear.gather [hbm4b:s5+s3], $0x10, $0x38;
	[tilespmem:$0x1FE80] =	vst v63  }
0x1ac: {  	_ =	swait.ge [sflag:s26], $0x10  }
0x1ad: {  	[sflag:s26] =	ssyncset.done $0x0  }
0x1ae: {  	s6 =	rddreg [dreg:$0x1c];
	[sflag:s26] =	ssyncadd.s32 $0xFFFFFFF0  }
0x1af: {  	[tilespmem:s28], [sflag:$0x8] =	stream.linear.gather [hbm4b:s6+s3], $0x10, $0x38;
	[tilespmem:$0x1FE80] =	vst v63  }
0x1b0: {  	_ =	swait.ge [sflag:s26], $0x10  }
0x1b1: {  	[sflag:s26] =	ssyncset.done $0x0  }
0x1b2: {  	s7 =	simm.s32 $0x10;
	[sflag:s26] =	ssyncadd.s32 $0xFFFFFFF0  }
0x1b3: {  	[tilespmem:s25], [sflag:$0x2] =	stream.indirect.gather [hbm4b:s1+s7], $0x80, s3, s7, $0xb8;
	[tilespmem:$0x1FE80] =	vst v63  }
0x1b4: {  	_ =	swait.ge [sflag:s17], $0x800  }
0x1b5: {  	[sflag:s17] =	ssyncset.done $0x0  }
0x1b6: {  	[sflag:s17] =	ssyncadd.s32 $0xFFFFF800  }
0x1b7: {  	[spmem:s2] =	stream.indirect.scatter.add.f32 [tilespmem:s25], [sflag:$0x8], $0x80, s28, s7, $0xb8;
	[tilespmem:$0x1FE80] =	vst v63  }
0x1b8: {  	_ =	swait.ge [sflag:s26], $0x800  }
0x1b9: {  	[sflag:s26] =	ssyncset.done $0x0  }
0x1ba: {  	[sflag:s26] =	ssyncadd.s32 $0xFFFFF800  }
0x1bb: {  	s9 =	stileid.u32;
	[bflag:$0x0] =	sbarrier.arrive $0xFFFF  }
0x1bc: {  	s0 =	sshll.u32 s9, $0x6;
	s23 =	rddreg [dreg:$0xe]  }
0x1bd: {  	s0 =	sor.u32 $0x1C08, s0;
	s11 =	rddreg [dreg:$0x18];
	s10 =	sshrl.u32 s23, $0x3  }
0x1be: {  	[hbm:s11], [sflag:s0] =	dma.local [spmem:s10], $0x2700  }
0x1bf: {  	_ =	swait.ge [sflag:s26], $0x2700  }
0x1c0: {  	[sflag:s26] =	ssyncset.done $0x0;
	s24 =	rddreg [dreg:$0x13]  }
0x1c1: {  	s6 =	rddreg [dreg:$0x1d];
	[sflag:s26] =	ssyncadd.s32 $0xFFFFD900;
	s5 =	sshrl.u32 @!p0 s24, $0x3  }
0x1c2: {  	[hbm:s6], [sflag:s0] =	dma.local @!p0 [spmem:s5], $0x100  }
0x1c3: {  	s0 =	simm.s32 @!p0 $0x8  }
0x1c4: {  	_ =	swait.ge @!p0 [sflag:s0], $0x100  }
0x1c5: {  	s12 =	sld [smem:$0x7FD];
	_ =	sdelay $0x2  }
0x1c6: {  	s13 =	rddreg [dreg:$0x1e];
	s7 =	sadd.s32 $0x1, s12  }
0x1c7: {  	p1 =	sne.s32 s7, s13  }
.Ltmp2:
0x1c8: {  	_ = 	snop;
	(pc) =	sbr.rel @p1 .LBB2_1-.Ltmp2, $4  }
0x1c9: {  	s30 =	simm.s32 $0x200;
	s29 =	simm.s32 $0x500  }
0x1ca: {  	s9 =	simm.s32 $0x280;
	s10 =	simm.s32 $0x300;
	s11 =	simm.s32 $0x380  }
0x1cb: {  	s6 =	smov.u32 s4;
	s4 =	simm.s32 $0x100;
	[sflag:s0] =	ssyncset.done @!p0 $0x0  }
0x1cc: {  	s5 =	simm.s32 $0x180;
	[sflag:s0] =	ssyncadd.s32 @!p0 $0xFFFFFF00;
	s13 =	simm.s32 $0x400  }
0x1cd: {  	_ =	sfence.sel $0x180000  }
0x1ce: {  	[bflag:$0x0] =	sbarrier.arrive $0xFFFF  }
0x1cf: {  	_ =	strace $0x90000047  }
0x1d0: {  	s0 =	stileid.u32;
	[bflag:$0x2] =	sbarrier.arrive $0xFFFF  }
0x1d1: {  	p0 =	sne.s32 s0, $0x0;
	s0 =	rddreg [dreg:$0x3]  }
0x1d2: {  	s0 =	sadd.s32 @!p0 $0x100000, s0  }
0x1d3: {  	[sflag:s0] =	ssyncadd.tile.s32 @!p0 $0x1;
	_ =	shalt  }
.Lfunc_end2:
_tile_overlayer_lowered:
.L_overlay_start_2:
0x1d4: {  	(tag) =	ssettag $0x2  }
0x1d5: {  	s0 =	rddreg [dreg:$0x0];
	s2 =	stileid.u32  }
0x1d6: {  	s1 =	rddreg [dreg:$0x1];
	p0 =	sne.s32 s2, $0x0  }
0x1d7: {  	s3 =	rddreg [dreg:$0x2];
	[bflag:$0x3] =	sbarrier.arrive $0xFFFF;
	s2 =	simm.s32 @!p0 $0x1C08  }
0x1d8: {  	[timem:s3], [sflag:s2] =	dma.local @!p0 [hbm:s0], s1  }
0x1d9: {  	s0 =	simm.s32 @!p0 $0x8  }
0x1da: {  	_ =	swait.ge @!p0 [sflag:s0], s1  }
0x1db: {  	s1 =	ssub.s32 @!p0 $0x0, s1;
	[sflag:s0] =	ssyncset.done @!p0 $0x0  }
0x1dc: {  	[sflag:s0] =	ssyncadd.s32 @!p0 s1  }
0x1dd: {  	[bflag:$0x3] =	sbarrier.arrive $0xFFFF  }
0x1de: {  	_ =	shalt  }

// kernel: kernel.14.cloned.1.call-start
scs
__scs_entry_jumppad:
0x0: {  	(pc) =	sbr.rel $0x88, $3  }
0x1: {  	(tag) =	ssettag $0x0;
	lr =	simm.s32 $0x1  }
0x2: {  	[smem:$0x3F8D] =	sst lr;
	_ =	strace $0xD0000000  }
0x3: {  	_ = 	snop  }
0x4: {  	_ = 	snop  }
0x5: {  	_ = 	snop  }
0x6: {  	_ = 	snop  }
0x7: {  	_ = 	snop  }
__scs_overlays_trampoline_lowered:
0x8: {  	[smem:$0x3F9C] =	sst s0  }
0x9: {  	[smem:$0x3F9D] =	sst s1  }
0xa: {  	[smem:$0x3F9E] =	sst s2  }
0xb: {  	[smem:$0x3F9F] =	sst s3  }
0xc: {  	[smem:$0x3FA0] =	sst s4  }
0xd: {  	[smem:$0x3FA1] =	sst s5  }
0xe: {  	[smem:$0x3FA2] =	sst s6  }
0xf: {  	[smem:$0x3FA3] =	sst s7  }
0x10: {  	[smem:$0x3FA4] =	sst s8  }
0x11: {  	[smem:$0x3FA5] =	sst s9;
	s0 =	simm.s32 @!p0 $0x0  }
0x12: {  	s1 =	sld [smem:$0x3F8B];
	s0 =	simm.s32 @p0 $0x1  }
0x13: {  	[smem:$0x3FA6] =	sst s0;
	s0 =	simm.s32 @!p1 $0x0  }
0x14: {  	s2 =	sld [smem:$0x3F8A];
	s0 =	simm.s32 @p1 $0x1  }
0x15: {  	[smem:$0x3FA7] =	sst s0;
	s0 =	simm.s32 @!p2 $0x0  }
0x16: {  	s3 =	sld [smem:$0x3FDB];
	s0 =	simm.s32 @p2 $0x1  }
0x17: {  	s4 =	simm.s32 $0x1BF5;
	[smem:$0x3FA9] =	sst s0  }
0x18: {  	s0 =	sld [smem:$0x3F8C];
	_ =	swait.ge [sflag:s4], $0x0  }
0x19: {  	s7 =	sld [smem:$0x3F8D]  }
0x1a: {  	s8 =	sadd.s32 $0xFFFFE003, lr  }
0x1b: {  	s9 =	sadd.s32 $0xFFFFFEF7, lr;
	s5 =	simm.s32 $0xFFFFFFFF;
	p2 =	slt.u32 s8, $0xFFFFF086  }
0x1c: {  	p1 =	slt.u32 s9, $0xF7A;
	s5 =	simm.s32 @!p2 $0x0  }
0x1d: {  	s5 =	simm.s32 @p1 $0x1;
	p0 =	seq.s32 s7, s2  }
0x1e: {  	s7 =	smul.u32 @!p0 $0xF7A, s2;
	p2 =	seq.s32 @!p0 s5, $0x0  }
0x1f: {  	s9 =	smul.u32 $0xF7A, s1;
	s8 =	simm.s32 @!p0 $0x1BF5;
	p2 =	por !p2, p0  }
0x20: {  	[sflag:s8] =	ssyncset.s32 @!p0 $0xFFFFF086;
	s6 =	sadd.s32 @!p0 s3, s7;
	s7 =	simm.s32 @!p0 $0x108  }
0x21: {  	s3 =	sadd.s32 s3, s9;
	s6 =	sadd.s32 @!p0 $0x88, s6;
	s7 =	simm.s32 @p2 $0x1082  }
0x22: {  	[simem:s7], [sflag:s8] =	dma.local @!p0 [hbm:s6], $0xF7A  }
0x23: {  	s9 =	sor.u32 $0xD0000000, s2;
	s6 =	simm.s32 $0x108;
	_ =	swait.ge @!p0 [sflag:s8], $0x0  }
0x24: {  	s3 =	sadd.s32 $0x88, s3;
	s6 =	simm.s32 @!p1 $0x1082;
	[sflag:s4] =	ssyncset.s32 $0xFFFFF086  }
0x25: {  	[simem:s6], [sflag:s4] =	dma.local [hbm:s3], $0xF7A  }
0x26: {  	[smem:$0x3F8D] =	sst s1;
	(tag) =	ssettag s2;
	_ =	strace s9  }
0x27: {  	s1 =	sld [smem:$0x3F9D]  }
0x28: {  	s2 =	sld [smem:$0x3F9E]  }
0x29: {  	s4 =	sld [smem:$0x3FA0]  }
0x2a: {  	p0 =	seq.s32 s5, $0x0;
	s5 =	sld [smem:$0x3FA1]  }
0x2b: {  	s6 =	sld [smem:$0x3FA2]  }
0x2c: {  	s7 =	sld [smem:$0x3FA3]  }
0x2d: {  	s3 =	simm.s32 $0x108;
	s8 =	sld [smem:$0x3FA4]  }
0x2e: {  	s3 =	simm.s32 @!p0 $0x1082;
	s9 =	sld [smem:$0x3FA5]  }
0x2f: {  	lr =	sadd.s32 s0, s3;
	s0 =	sld [smem:$0x3F9C]  }
0x30: {  	s3 =	sld [smem:$0x3F9F]  }
0x31: {  	[smem:$0x3FA8] =	sst s10  }
0x32: {  	s10 =	sld [smem:$0x3FA6];
	_ =	sdelay $0x3  }
0x33: {  	p0 =	seq.s32 s10, $0x1;
	s10 =	sld [smem:$0x3FA8];
	_ =	sdelay $0x3  }
0x34: {  	[smem:$0x3FA8] =	sst s10  }
0x35: {  	s10 =	sld [smem:$0x3FA7];
	_ =	sdelay $0x3  }
0x36: {  	p1 =	seq.s32 s10, $0x1;
	s10 =	sld [smem:$0x3FA8];
	_ =	sdelay $0x3  }
0x37: {  	[smem:$0x3FA8] =	sst s10  }
0x38: {  	s10 =	sld [smem:$0x3FA9]  }
0x39: {  	_ = 	snop;
	(pc) =	sbr.ind lr, $3  }
0x3a: {  	_ = 	snop  }
0x3b: {  	_ = 	snop  }
0x3c: {  	p2 =	seq.s32 s10, $0x1;
	s10 =	sld [smem:$0x3FA8]  }
0x3d: {  	_ =	shalt  }
0x3e: {  	_ =	shalt  }
0x3f: {  	_ =	shalt  }
0x40: {  	_ =	shalt  }
0x41: {  	_ =	shalt  }
0x42: {  	_ =	shalt  }
0x43: {  	_ =	shalt  }
0x44: {  	_ =	shalt  }
0x45: {  	_ =	shalt  }
0x46: {  	_ =	shalt  }
0x47: {  	_ =	shalt  }
0x48: {  	_ =	shalt  }
0x49: {  	_ =	shalt  }
0x4a: {  	_ =	shalt  }
0x4b: {  	_ =	shalt  }
0x4c: {  	_ =	shalt  }
0x4d: {  	_ =	shalt  }
0x4e: {  	_ =	shalt  }
0x4f: {  	_ =	shalt  }
0x50: {  	_ =	shalt  }
0x51: {  	_ =	shalt  }
0x52: {  	_ =	shalt  }
0x53: {  	_ =	shalt  }
0x54: {  	_ =	shalt  }
0x55: {  	_ =	shalt  }
0x56: {  	_ =	shalt  }
0x57: {  	_ =	shalt  }
0x58: {  	_ =	shalt  }
0x59: {  	_ =	shalt  }
0x5a: {  	_ =	shalt  }
0x5b: {  	_ =	shalt  }
0x5c: {  	_ =	shalt  }
0x5d: {  	_ =	shalt  }
0x5e: {  	_ =	shalt  }
0x5f: {  	_ =	shalt  }
0x60: {  	_ =	shalt  }
0x61: {  	_ =	shalt  }
0x62: {  	_ =	shalt  }
0x63: {  	_ =	shalt  }
0x64: {  	_ =	shalt  }
0x65: {  	_ =	shalt  }
0x66: {  	_ =	shalt  }
0x67: {  	_ =	shalt  }
0x68: {  	_ =	shalt  }
0x69: {  	_ =	shalt  }
0x6a: {  	_ =	shalt  }
0x6b: {  	_ =	shalt  }
0x6c: {  	_ =	shalt  }
0x6d: {  	_ =	shalt  }
0x6e: {  	_ =	shalt  }
0x6f: {  	_ =	shalt  }
0x70: {  	_ =	shalt  }
0x71: {  	_ =	shalt  }
0x72: {  	_ =	shalt  }
0x73: {  	_ =	shalt  }
0x74: {  	_ =	shalt  }
0x75: {  	_ =	shalt  }
0x76: {  	_ =	shalt  }
0x77: {  	_ =	shalt  }
0x78: {  	_ =	shalt  }
0x79: {  	_ =	shalt  }
0x7a: {  	_ =	shalt  }
0x7b: {  	_ =	shalt  }
0x7c: {  	_ =	shalt  }
0x7d: {  	_ =	shalt  }
0x7e: {  	_ =	shalt  }
0x7f: {  	_ =	shalt  }
0x80: {  	_ =	shalt  }
0x81: {  	_ =	shalt  }
0x82: {  	_ =	shalt  }
0x83: {  	_ =	shalt  }
0x84: {  	_ =	shalt  }
0x85: {  	_ =	shalt  }
0x86: {  	_ =	shalt  }
0x87: {  	_ =	shalt  }
.Lfunc_end0:
.L_simem_size_0:
called_computation.1_lowered:
.L_overlay_start_0:
0x88: {  	s2 =	sld [smem:$0x3FD9]  }
0x89: {  	s3 =	sld [smem:$0x3FFE];
	_ =	sdelay $0x1  }
0x8a: {  	s1 =	srdreg.scid  }
0x8b: {  	s0 =	sand.u32 $0x1, s1  }
0x8c: {  	s16 =	sshll.u32 s0, $0xA;
	s2 =	sadd.s32 s3, s2  }
0x8d: {  	s2 =	sadd.s32 s2, s16  }
0x8e: {  	[smem:$0x3FB4] =	sst s2  }
0x8f: {  	_ = 	snop  }
0x90: {  	(tm) =	ssettm $0x1  }
0x91: {  	s17 =	sld [smem:$0x3FFB];
	_ =	sdelay $0x3  }
0x92: {  	_ =	strace s17  }
0x93: {  	s2 =	sld [smem:$0x3FFC];
	_ =	sdelay $0x3  }
0x94: {  	_ =	strace s2  }
0x95: {  	s2 =	sld [smem:$0x3FFD];
	_ =	sdelay $0x3  }
0x96: {  	_ =	strace s2  }
0x97: {  	_ =	strace $0x8FFFFFFF  }
0x98: {  	s18 =	sld [smem:$0x3FDB];
	_ =	sdelay $0x1  }
0x99: {  	s19 =	simm.s32 $_scs_section_size  }
0x9a: {  	s4 =	simm.s32 $_size__tile_overlayer_lowered;
	s5 =	simm.s32 $_tile_overlayer_lowered  }
0x9b: {  	s22 =	simm.s32 $0x1BFF;
	s21 =	sshll.u32 s5, $0x1;
	s2 =	sadd.s32 s19, s18  }
0x9c: {  	s6 =	simm.s32 $0x0;
	s20 =	sshll.u32 s4, $0x1;
	s4 =	sadd.s32 s21, s2  }
0x9d: {  	[timem:s6], [sflag:s22] =	dma.local [hbm:s4], s20  }
0x9e: {  	_ =	swait.ge [sflag:s22], s20  }
0x9f: {  	s3 =	ssub.s32 $0x0, s20;
	[sflag:s22] =	ssyncset.done $0x0  }
0xa0: {  	[sflag:s22] =	ssyncadd.s32 s3;
	_ =	sdelay $0x1  }
0xa1: {  	s23 =	simm.s32 $0x1B8B  }
0xa2: {  	_ =	swait.ge [sflag:s23], $0x1  }
0xa3: {  	[sflag:s23] =	ssyncset.done $0x0  }
0xa4: {  	s25 =	simm.s32 $0x1B8E;
	s24 =	sld [smem:$0x3FFE];
	[sflag:s23] =	ssyncadd.s32 $0xFFFFFFFF  }
0xa5: {  	s26 =	simm.s32 $execute0_lowered;
	[smem:$0x3FD2] =	sst s25  }
0xa6: {  	s4 =	sshll.u32 s26, $0x1;
	_ =	strace $0x80000049;
	[dreg:$0x1] =	wrdreg $0xFFFFFFFF  }
0xa7: {  	s28 =	simm.s32 $_size_execute0_lowered;
	s2 =	sadd.s32 s2, s4;
	[dreg:$0x0] =	wrdreg $0x0  }
0xa8: {  	s4 =	sshll.u32 s28, $0x1;
	[dreg:$0x2] =	wrdreg s2  }
0xa9: {  	[dreg:$0x3] =	wrdreg s4  }
0xaa: {  	[dreg:$0x4] =	wrdreg $0xC0  }
0xab: {  	_ =	task [dreg:s6], $0x5FFFF  }
0xac: {  	[dreg:$0x1] =	wrdreg $0xFFFFFFFF  }
0xad: {  	[dreg:$0x0] =	wrdreg $0x60  }
0xae: {  	[dreg:$0x2] =	wrdreg s24  }
0xaf: {  	[dreg:$0x3] =	wrdreg $0xC6000  }
0xb0: {  	[dreg:$0x4] =	wrdreg $0x9  }
0xb1: {  	_ =	task.clear_ibuf [dreg:s6], $0x5FFFF;
	_ =	strace $0x90000049  }
0xb2: {  	s29 =	simm.s32 $0x9;
	_ =	strace $0x8000004B  }
0xb3: {  	_ =	swait.ge [sflag:s29], $0x1  }
0xb4: {  	[sflag:s29] =	ssyncadd.s32 $0xFFFFFFFF  }
0xb5: {  	_ =	strace $0x9000004B  }
0xb6: {  	_ =	sfence  }
0xb7: {  	s30 =	sld [smem:$0x0];
	_ =	sdelay $0x2  }
0xb8: {  	s31 =	sshll.u32 s1, $0xD;
	s1 =	sshrl.u32 s1, $0x2  }
0xb9: {  	s3 =	sand.u32 $0x4000, s31;
	s1 =	sadd.s32 s1, s30  }
0xba: {  	s0 =	sor.u32 s3, s0;
	s1 =	sshll.u32 s1, $0x11  }
0xbb: {  	s0 =	sor.u32 s1, s0  }
0xbc: {  	s0 =	sadd.s32 $0x8F2B, s0  }
0xbd: {  	[sflag:s0] =	ssyncadd.remote.s32 $0x1  }
0xbe: {  	_ =	sfence.sel $0xFFFF  }
0xbf: {  	[dreg:$0x0] =	wrdreg $0xFFFFFFFF;
	(pc) =	sbr.abs _section_cstart, $3  }
0xc0: {  	[dreg:$0x1] =	wrdreg $0xFFFFFFFF  }
0xc1: {  	_ =	task.clear_ibuf [dreg:s6], $0x2FFFF;
	_ =	strace $0x9FFFFFFF  }
0xc2: {  	(tm) =	ssettm $0x7FFFFFFF  }
0xc3: {  	_ =	shalt  }
tec
execute0_lowered:
.L_overlay_start_1:
0x0: {  	(tag) =	ssettag $0x1  }
0x1: {  	s0 =	rddreg [dreg:$0x0]  }
0x2: {  	s1 =	rddreg [dreg:$0x1]  }
0x3: {  	s2 =	simm.s32 $0x0;
	s3 =	srdreg.scid;
	s5 =	stileid.u32  }
0x4: {  	s28 =	simm.s32 $0x80;
	s30 =	simm.s32 $0x200;
	s29 =	simm.s32 $0x500  }
0x5: {  	[smem:$0x7FF] =	sst s2;
	s4 =	sadd.s32 $0x18000, s0;
	s31 =	sadd.s32 $0xE200, s0  }
0x6: {  	s6 =	sadd.s32 $0x4400, s0;
	s3 =	sand.u32 $0x1, s3;
	s8 =	smul.u32 $0x4E000, s5  }
0x7: {  	s7 =	sshll.u32 s5, $0x1;
	s0 =	sadd.s32 $0x8D600, s0;
	s25 =	smul.u32 $0x4E20, s5  }
0x8: {  	s24 =	sadd.s32 $0x138000, s1;
	s21 =	smul.u32 $0x13800, s5;
	p0 =	sne.s32 s5, $0xF  }
0x9: {  	s5 =	simm.s32 $0x180;
	_ =	strace $0x8000004A;
	s12 =	smul.u32 $0x2710, s3  }
0xa: {  	s9 =	ssub.s32 $0x2, s3;
	s7 =	sor.u32 s3, s7;
	s3 =	smul.u32 $0x138800, s3  }
0xb: {  	[dreg:$0x12] =	wrdreg s24;
	s10 =	sshrl.u32 s9, $0x1;
	s8 =	sshrl.u32 s8, $0x2  }
0xc: {  	s7 =	smul.u32 $0x2710, s7;
	s9 =	ssub.s32 s9, s10;
	s23 =	sadd.s32 s8, s1  }
0xd: {  	s8 =	sadd.s32 s12, s25;
	s26 =	sadd.s32 $0x4000, s23;
	s11 =	sadd.s32 $0x8000, s23  }
0xe: {  	s13 =	sadd.s32 $0x10000, s23;
	s7 =	sshrl.u32 s7, $0x3;
	[dreg:$0xd] =	wrdreg s23  }
0xf: {  	s17 =	sadd.s32 $0x400, s8;
	s19 =	sadd.s32 $0x380, s8;
	[dreg:$0xe] =	wrdreg s26  }
0x10: {  	s25 =	sadd.s32 $0x280, s8;
	[dreg:$0xf] =	wrdreg s11;
	s11 =	sadd.s32 $0xC000, s23  }
0x11: {  	[dreg:$0x11] =	wrdreg s13;
	s14 =	sadd.s32 s31, s7;
	s15 =	sadd.s32 s6, s7  }
0x12: {  	s16 =	sadd.s32 $0x10, s7;
	s18 =	sshrl.u32 s17, $0x3;
	[dreg:$0x10] =	wrdreg s11  }
0x13: {  	s20 =	sshrl.u32 s19, $0x3;
	s13 =	sadd.s32 $0x20, s7;
	[dreg:$0x13] =	wrdreg s14  }
0x14: {  	s17 =	sadd.s32 $0x180, s8;
	[dreg:$0x14] =	wrdreg s15;
	s12 =	sadd.s32 s31, s16  }
0x15: {  	s7 =	sadd.s32 $0x4E0, s7;
	s10 =	sadd.s32 s6, s16;
	[dreg:$0x15] =	wrdreg s12  }
0x16: {  	s11 =	sadd.s32 s18, s6;
	s22 =	sadd.s32 s20, s6;
	[dreg:$0x16] =	wrdreg s10  }
0x17: {  	s14 =	sadd.s32 $0x200, s8;
	s16 =	sadd.s32 s31, s13;
	[dreg:$0x3] =	wrdreg s11  }
0x18: {  	s10 =	sadd.s32 s18, s31;
	[dreg:$0x5] =	wrdreg s22;
	s12 =	sadd.s32 s21, s3  }
0x19: {  	s11 =	sadd.s32 s20, s31;
	s3 =	sshrl.u32 s3, $0x3;
	[dreg:$0x18] =	wrdreg s16  }
0x1a: {  	s18 =	sadd.s32 s6, s13;
	s21 =	sadd.s32 s31, s7;
	[dreg:$0x4] =	wrdreg s10  }
0x1b: {  	s7 =	sadd.s32 s6, s7;
	s22 =	smax.u32 s9, $0x1;
	[dreg:$0x6] =	wrdreg s11  }
0x1c: {  	s9 =	simm.s32 $0x280;
	s13 =	simm.s32 $0x400;
	[dreg:$0x19] =	wrdreg s18  }
0x1d: {  	s16 =	simm.s32 $0x8600;
	s10 =	sshrl.u32 s25, $0x3;
	[dreg:$0x1a] =	wrdreg s21  }
0x1e: {  	s12 =	sshrl.u32 s12, $0x3;
	s11 =	sshrl.u32 s14, $0x3;
	[dreg:$0x1b] =	wrdreg s7  }
0x1f: {  	[dreg:$0x1d] =	wrdreg s22;
	s14 =	simm.s32 $0x1;
	s18 =	simm.s32 $0x3  }
0x20: {  	s21 =	simm.s32 $0x6;
	s22 =	simm.s32 $0x7;
	s12 =	sadd.s32 s0, s12  }
0x21: {  	s7 =	simm.s32 $0x0;
	s26 =	sadd.s32 s10, s6;
	[dreg:$0x17] =	wrdreg s12  }
0x22: {  	s10 =	sadd.s32 s10, s31;
	s0 =	sadd.s32 s0, s3;
	[dreg:$0x7] =	wrdreg s26  }
0x23: {  	s15 =	sadd.s32 s11, s6;
	s19 =	sadd.s32 s11, s31;
	[dreg:$0x8] =	wrdreg s10  }
0x24: {  	s3 =	sshrl.u32 s17, $0x3;
	s11 =	simm.s32 $0x380;
	[dreg:$0x9] =	wrdreg s15  }
0x25: {  	s17 =	simm.s32 $0x2;
	[dreg:$0xa] =	wrdreg s19;
	s20 =	sadd.s32 s3, s6  }
0x26: {  	s0 =	sadd.s32 $0x27000, s0;
	s25 =	sadd.s32 s3, s31;
	[dreg:$0xb] =	wrdreg s20  }
0x27: {  	s26 =	sadd.s32 $0x300, s8;
	s3 =	simm.s32 $0x100;
	[dreg:$0x1c] =	wrdreg s0  }
0x28: {  	s10 =	simm.s32 $0x300;
	s15 =	simm.s32 $0x4600;
	[dreg:$0x1e] =	wrdreg s26  }
0x29: {  	s19 =	simm.s32 $0x4;
	s8 =	simm.s32 $0x580;
	[dreg:$0xc] =	wrdreg s25  }
0x2a: {  	v0 =	vimm.f32 $0.0e+00;
	s25 =	simm.s32 $0x600;
	s26 =	simm.s32 $0x8;
	s20 =	simm.s32 $0x5  }
.LBB2_1:
0x2b: {  	[dreg:$0x1f] =	wrdreg s7;
	s7 =	simm.s32 $0x0;
	s12 =	simm.s32 $0x200  }
.LBB2_2:
0x2c: {  	p1 =	sne.s32 s12, $0xFE00;
	[tilespmem:s7+$0x670] =	vst v0  }
0x2d: {  	[tilespmem:s7+$0x600] =	vst v0  }
0x2e: {  	[tilespmem:s7+$0x610] =	vst v0  }
.Ltmp0:
0x2f: {  	[tilespmem:s7+$0x620] =	vst v0;
	(pc) =	sbr.rel @p1 .LBB2_2-.Ltmp0, $4  }
0x30: {  	[tilespmem:s7+$0x630] =	vst v0  }
0x31: {  	[tilespmem:s7+$0x640] =	vst v0  }
0x32: {  	[tilespmem:s7+$0x650] =	vst v0  }
0x33: {  	[tilespmem:s7+$0x660] =	vst v0;
	s7 =	sshra.s32 s12, $0x2;
	s12 =	sadd.s32 $0x200, s12  }
0x34: {  	[tilespmem:s7+$0x670] =	vst v0  }
0x35: {  	[tilespmem:s7+$0x600] =	vst v0  }
0x36: {  	[tilespmem:s7+$0x610] =	vst v0  }
0x37: {  	[tilespmem:s7+$0x620] =	vst v0  }
0x38: {  	[tilespmem:s7+$0x630] =	vst v0  }
0x39: {  	[tilespmem:s7+$0x640] =	vst v0  }
0x3a: {  	[tilespmem:s7+$0x650] =	vst v0  }
0x3b: {  	[tilespmem:s7+$0x660] =	vst v0  }
0x3c: {  	[spmem:s23] =	stream.linear.scatter [tilespmem:s25], [sflag:$0x8], $0x4000, $0x38;
	[tilespmem:$0x1FE80] =	vst v63  }
0x3d: {  	_ =	swait.ge [sflag:s26], $0x4000  }
0x3e: {  	[sflag:s26] =	ssyncset.done $0x0  }
0x3f: {  	s0 =	rddreg [dreg:$0xe];
	[sflag:s26] =	ssyncadd.s32 $0xFFFFC000  }
0x40: {  	[spmem:s0] =	stream.linear.scatter [tilespmem:s25], [sflag:$0x8], $0x4000, $0x38;
	[tilespmem:$0x1FE80] =	vst v63  }
0x41: {  	_ =	swait.ge [sflag:s26], $0x4000  }
0x42: {  	[sflag:s26] =	ssyncset.done $0x0  }
0x43: {  	s7 =	rddreg [dreg:$0xf];
	[sflag:s26] =	ssyncadd.s32 $0xFFFFC000  }
0x44: {  	[spmem:s7] =	stream.linear.scatter [tilespmem:s25], [sflag:$0x8], $0x4000, $0x38;
	[tilespmem:$0x1FE80] =	vst v63  }
0x45: {  	_ =	swait.ge [sflag:s26], $0x4000  }
0x46: {  	[sflag:s26] =	ssyncset.done $0x0  }
0x47: {  	s12 =	rddreg [dreg:$0x10];
	[sflag:s26] =	ssyncadd.s32 $0xFFFFC000  }
0x48: {  	[spmem:s12] =	stream.linear.scatter [tilespmem:s25], [sflag:$0x8], $0x4000, $0x38;
	[tilespmem:$0x1FE80] =	vst v63  }
0x49: {  	_ =	swait.ge [sflag:s26], $0x4000  }
0x4a: {  	[sflag:s26] =	ssyncset.done $0x0  }
0x4b: {  	s23 =	rddreg [dreg:$0x11];
	[sflag:s26] =	ssyncadd.s32 $0xFFFFC000  }
0x4c: {  	[spmem:s23] =	stream.linear.scatter [tilespmem:s25], [sflag:$0x8], $0x3800, $0x38;
	[tilespmem:$0x1FE80] =	vst v63  }
0x4d: {  	_ =	swait.ge [sflag:s26], $0x3800  }
0x4e: {  	[sflag:s26] =	ssyncset.done $0x0  }
0x4f: {  	s7 =	simm.s32 @!p0 $0x600;
	[sflag:s26] =	ssyncadd.s32 $0xFFFFC800  }
0x50: {  	[spmem:s24] =	stream.linear.scatter @!p0 [tilespmem:s7], [sflag:$0x8], $0x800, $0x38;
	[tilespmem:$0x1FE80] =	vst v63  }
0x51: {  	s7 =	simm.s32 @!p0 $0x8  }
0x52: {  	_ =	swait.ge @!p0 [sflag:s7], $0x800  }
0x53: {  	[sflag:s7] =	ssyncset.done @!p0 $0x0  }
0x54: {  	[sflag:s7] =	ssyncadd.s32 @!p0 $0xFFFFF800  }
0x55: {  	[bflag:$0x0] =	sbarrier.arrive $0xFFFF  }
0x56: {  	s24 =	rddreg [dreg:$0x13]  }
0x57: {  	s7 =	simm.s32 $0x0;
	s26 =	rddreg [dreg:$0x14]  }
0x58: {  	[tilespmem:s7], [sflag:$0x1] =	stream.linear.gather [hbm4b:s24+s7], $0x80, $0x38;
	[tilespmem:$0x1FE80] =	vst v63  }
0x59: {  	s12 =	rddreg [dreg:$0x15]  }
0x5a: {  	[tilespmem:s28], [sflag:$0x1] =	stream.linear.gather [hbm4b:s26+s7], $0x80, $0x38;
	[tilespmem:$0x1FE80] =	vst v63  }
0x5b: {  	s23 =	rddreg [dreg:$0x16]  }
0x5c: {  	[tilespmem:s3], [sflag:$0x1] =	stream.linear.gather [hbm4b:s12+s7], $0x80, $0x38;
	[tilespmem:$0x1FE80] =	vst v63  }
0x5d: {  	s24 =	rddreg [dreg:$0x18]  }
0x5e: {  	[tilespmem:s5], [sflag:$0x1] =	stream.linear.gather [hbm4b:s23+s7], $0x80, $0x38;
	[tilespmem:$0x1FE80] =	vst v63  }
0x5f: {  	s26 =	rddreg [dreg:$0x19]  }
0x60: {  	[tilespmem:s30], [sflag:$0x1] =	stream.linear.gather [hbm4b:s24+s7], $0x80, $0x38;
	[tilespmem:$0x1FE80] =	vst v63  }
0x61: {  	s12 =	rddreg [dreg:$0xc]  }
0x62: {  	[tilespmem:s9], [sflag:$0x1] =	stream.linear.gather [hbm4b:s26+s7], $0x80, $0x38;
	[tilespmem:$0x1FE80] =	vst v63  }
0x63: {  	s12 =	sadd.s32 $0x0, s12;
	s23 =	rddreg [dreg:$0xb]  }
0x64: {  	[tilespmem:s10], [sflag:$0x1] =	stream.linear.gather [hbm4b:s12+s2], $0x80, $0x38;
	[tilespmem:$0x1FE80] =	vst v63  }
0x65: {  	s24 =	rddreg [dreg:$0xa];
	s7 =	sadd.s32 $0x0, s23  }
0x66: {  	[tilespmem:s11], [sflag:$0x1] =	stream.linear.gather [hbm4b:s7+s2], $0x80, $0x38;
	[tilespmem:$0x1FE80] =	vst v63  }
0x67: {  	s0 =	sadd.s32 $0x0, s24;
	s26 =	rddreg [dreg:$0x9]  }
0x68: {  	[tilespmem:s13], [sflag:$0x1] =	stream.linear.gather [hbm4b:s0+s2], $0x80, $0x38;
	[tilespmem:$0x1FE80] =	vst v63  }
0x69: {  	s23 =	rddreg [dreg:$0x8];
	s24 =	sadd.s32 $0x0, s26;
	s26 =	simm.s32 $0x480  }
0x6a: {  	[tilespmem:s26], [sflag:$0x1] =	stream.linear.gather [hbm4b:s24+s2], $0x80, $0x38;
	[tilespmem:$0x1FE80] =	vst v63  }
0x6b: {  	s23 =	sadd.s32 $0x0, s23;
	s0 =	rddreg [dreg:$0x7]  }
0x6c: {  	[tilespmem:s29], [sflag:$0x1] =	stream.linear.gather [hbm4b:s23+s2], $0x80, $0x38;
	[tilespmem:$0x1FE80] =	vst v63  }
0x6d: {  	s24 =	sadd.s32 $0x0, s0  }
0x6e: {  	[tilespmem:s8], [sflag:$0x1] =	stream.linear.gather [hbm4b:s24+s2], $0x80, $0x38;
	[tilespmem:$0x1FE80] =	vst v63  }
0x6f: {  	_ =	swait.ge [sflag:s14], $0x80  }
0x70: {  	[sflag:s14] =	ssyncset.done $0x0  }
0x71: {  	[sflag:s14] =	ssyncadd.s32 $0xFFFFFF80  }
0x72: {  	_ =	swait.ge [sflag:s14], $0x80  }
0x73: {  	[sflag:s14] =	ssyncset.done $0x0  }
0x74: {  	[sflag:s14] =	ssyncadd.s32 $0xFFFFFF80  }
0x75: {  	_ =	swait.ge [sflag:s14], $0x80  }
0x76: {  	[sflag:s14] =	ssyncset.done $0x0  }
0x77: {  	[sflag:s14] =	ssyncadd.s32 $0xFFFFFF80  }
0x78: {  	_ =	swait.ge [sflag:s14], $0x80  }
0x79: {  	[sflag:s14] =	ssyncset.done $0x0  }
0x7a: {  	[sflag:s14] =	ssyncadd.s32 $0xFFFFFF80  }
0x7b: {  	_ =	swait.ge [sflag:s14], $0x80  }
0x7c: {  	[sflag:s14] =	ssyncset.done $0x0  }
0x7d: {  	[sflag:s14] =	ssyncadd.s32 $0xFFFFFF80  }
0x7e: {  	_ =	swait.ge [sflag:s14], $0x80  }
0x7f: {  	[sflag:s14] =	ssyncset.done $0x0  }
0x80: {  	[sflag:s14] =	ssyncadd.s32 $0xFFFFFF80  }
0x81: {  	[tilespmem:s25], [sflag:$0x2] =	stream.indirect.gather [hbm4b:s4+s28], $0x80, s2, s28, $0xb8;
	[tilespmem:$0x1FE80] =	vst v63  }
0x82: {  	_ = 	snop  }
0x83: {  	[tilespmem:s15], [sflag:$0x3] =	stream.indirect.gather [hbm4b:s4+s28], $0x80, s3, s28, $0xb8;
	[tilespmem:$0x1FE80] =	vst v63  }
0x84: {  	_ = 	snop  }
0x85: {  	[tilespmem:s16], [sflag:$0x4] =	stream.indirect.gather [hbm4b:s4+s28], $0x80, s30, s28, $0xb8;
	[tilespmem:$0x1FE80] =	vst v63  }
0x86: {  	_ =	swait.ge [sflag:s17], $0x4000  }
0x87: {  	[sflag:s17] =	ssyncset.done $0x0  }
0x88: {  	[sflag:s17] =	ssyncadd.s32 $0xFFFFC000  }
0x89: {  	[spmem:s1] =	stream.indirect.scatter.add.f32 [tilespmem:s25], [sflag:$0x5], $0x80, s28, s28, $0xb8;
	[tilespmem:$0x1FE80] =	vst v63  }
0x8a: {  	_ =	swait.ge [sflag:s18], $0x4000  }
0x8b: {  	[sflag:s18] =	ssyncset.done $0x0  }
0x8c: {  	[sflag:s18] =	ssyncadd.s32 $0xFFFFC000  }
0x8d: {  	[spmem:s1] =	stream.indirect.scatter.add.f32 [tilespmem:s15], [sflag:$0x6], $0x80, s5, s28, $0xb8;
	[tilespmem:$0x1FE80] =	vst v63  }
0x8e: {  	_ =	swait.ge [sflag:s19], $0x4000  }
0x8f: {  	[sflag:s19] =	ssyncset.done $0x0  }
0x90: {  	[sflag:s19] =	ssyncadd.s32 $0xFFFFC000  }
0x91: {  	[spmem:s1] =	stream.indirect.scatter.add.f32 [tilespmem:s16], [sflag:$0x7], $0x80, s9, s28, $0xb8;
	[tilespmem:$0x1FE80] =	vst v63  }
0x92: {  	_ =	swait.ge [sflag:s14], $0x80  }
0x93: {  	[sflag:s14] =	ssyncset.done $0x0  }
0x94: {  	[sflag:s14] =	ssyncadd.s32 $0xFFFFFF80  }
0x95: {  	_ =	swait.ge [sflag:s14], $0x80  }
0x96: {  	[sflag:s14] =	ssyncset.done $0x0  }
0x97: {  	[sflag:s14] =	ssyncadd.s32 $0xFFFFFF80  }
0x98: {  	_ =	swait.ge [sflag:s14], $0x80  }
0x99: {  	[sflag:s14] =	ssyncset.done $0x0  }
0x9a: {  	[sflag:s14] =	ssyncadd.s32 $0xFFFFFF80  }
0x9b: {  	_ =	swait.ge [sflag:s14], $0x80  }
0x9c: {  	[sflag:s14] =	ssyncset.done $0x0  }
0x9d: {  	[sflag:s14] =	ssyncadd.s32 $0xFFFFFF80  }
0x9e: {  	_ =	swait.ge [sflag:s14], $0x80  }
0x9f: {  	[sflag:s14] =	ssyncset.done $0x0  }
0xa0: {  	[sflag:s14] =	ssyncadd.s32 $0xFFFFFF80  }
0xa1: {  	_ =	swait.ge [sflag:s14], $0x80  }
0xa2: {  	[sflag:s14] =	ssyncset.done $0x0  }
0xa3: {  	[sflag:s14] =	ssyncadd.s32 $0xFFFFFF80  }
0xa4: {  	_ =	swait.ge [sflag:s20], $0x4000  }
0xa5: {  	[sflag:s20] =	ssyncset.done $0x0  }
0xa6: {  	[sflag:s20] =	ssyncadd.s32 $0xFFFFC000  }
0xa7: {  	[tilespmem:s25], [sflag:$0x2] =	stream.indirect.gather [hbm4b:s4+s28], $0x80, s10, s28, $0xb8;
	[tilespmem:$0x1FE80] =	vst v63  }
0xa8: {  	_ =	swait.ge [sflag:s21], $0x4000  }
0xa9: {  	[sflag:s21] =	ssyncset.done $0x0  }
0xaa: {  	[sflag:s21] =	ssyncadd.s32 $0xFFFFC000  }
0xab: {  	[tilespmem:s15], [sflag:$0x3] =	stream.indirect.gather [hbm4b:s4+s28], $0x80, s13, s28, $0xb8;
	[tilespmem:$0x1FE80] =	vst v63  }
0xac: {  	_ =	swait.ge [sflag:s22], $0x4000  }
0xad: {  	p1 =	por $0x0, $0x0;
	[sflag:s22] =	ssyncset.done $0x0;
	s0 =	rddreg [dreg:$0x1e]  }
0xae: {  	s7 =	sshrl.u32 @!p1 s0, $0x3;
	[sflag:s22] =	ssyncadd.s32 $0xFFFFC000  }
0xaf: {  	[tilespmem:s16], [sflag:$0x4] =	stream.indirect.gather [hbm4b:s4+s28], $0x80, s29, s28, $0xb8;
	[tilespmem:$0x1FE80] =	vst v63  }
0xb0: {  	s12 =	simm.s32 @!p1 $0x0;
	s23 =	sadd.s32 @!p1 s31, s7  }
0xb1: {  	[tilespmem:s12], [sflag:$0x1] =	stream.linear.gather @!p1 [hbm4b:s23+s12], $0x80, $0x38;
	[tilespmem:$0x1FE80] =	vst v63  }
0xb2: {  	s24 =	simm.s32 @!p1 $0x80;
	s7 =	sadd.s32 @!p1 s6, s7;
	s23 =	rddreg [dreg:$0x6]  }
0xb3: {  	[tilespmem:s24], [sflag:$0x1] =	stream.linear.gather @!p1 [hbm4b:s7+s12], $0x80, $0x38;
	[tilespmem:$0x1FE80] =	vst v63  }
0xb4: {  	s23 =	sadd.s32 @!p1 $0x0, s23;
	s7 =	rddreg [dreg:$0x5];
	s24 =	simm.s32 @!p1 $0x100  }
0xb5: {  	[tilespmem:s24], [sflag:$0x1] =	stream.linear.gather @!p1 [hbm4b:s23+s12], $0x80, $0x38;
	[tilespmem:$0x1FE80] =	vst v63  }
0xb6: {  	s7 =	sadd.s32 @!p1 $0x0, s7;
	s23 =	rddreg [dreg:$0x4];
	s24 =	simm.s32 @!p1 $0x180  }
0xb7: {  	[tilespmem:s24], [sflag:$0x1] =	stream.linear.gather @!p1 [hbm4b:s7+s12], $0x80, $0x38;
	[tilespmem:$0x1FE80] =	vst v63  }
0xb8: {  	s23 =	sadd.s32 @!p1 $0x0, s23;
	s7 =	rddreg [dreg:$0x3];
	s24 =	simm.s32 @!p1 $0x200  }
0xb9: {  	[tilespmem:s24], [sflag:$0x1] =	stream.linear.gather @!p1 [hbm4b:s23+s12], $0x80, $0x38;
	[tilespmem:$0x1FE80] =	vst v63  }
0xba: {  	s7 =	sadd.s32 @!p1 $0x0, s7;
	s23 =	simm.s32 @!p1 $0x280  }
0xbb: {  	[tilespmem:s23], [sflag:$0x1] =	stream.linear.gather @!p1 [hbm4b:s7+s12], $0x80, $0x38;
	[tilespmem:$0x1FE80] =	vst v63  }
0xbc: {  	_ =	swait.ge [sflag:s17], $0x4000  }
0xbd: {  	[sflag:s17] =	ssyncset.done $0x0  }
0xbe: {  	[sflag:s17] =	ssyncadd.s32 $0xFFFFC000  }
0xbf: {  	[spmem:s1] =	stream.indirect.scatter.add.f32 [tilespmem:s25], [sflag:$0x5], $0x80, s11, s28, $0xb8;
	[tilespmem:$0x1FE80] =	vst v63  }
0xc0: {  	_ =	swait.ge [sflag:s18], $0x4000  }
0xc1: {  	[sflag:s18] =	ssyncset.done $0x0  }
0xc2: {  	[sflag:s18] =	ssyncadd.s32 $0xFFFFC000  }
0xc3: {  	[spmem:s1] =	stream.indirect.scatter.add.f32 [tilespmem:s15], [sflag:$0x6], $0x80, s26, s28, $0xb8;
	[tilespmem:$0x1FE80] =	vst v63  }
0xc4: {  	_ =	swait.ge [sflag:s19], $0x4000  }
0xc5: {  	[sflag:s19] =	ssyncset.done $0x0  }
0xc6: {  	[sflag:s19] =	ssyncadd.s32 $0xFFFFC000  }
0xc7: {  	[spmem:s1] =	stream.indirect.scatter.add.f32 [tilespmem:s16], [sflag:$0x7], $0x80, s8, s28, $0xb8;
	[tilespmem:$0x1FE80] =	vst v63  }
0xc8: {  	_ =	swait.ge [sflag:s20], $0x4000  }
0xc9: {  	s3 =	smov.u32 s6;
	[sflag:s20] =	ssyncset.done $0x0  }
0xca: {  	s9 =	simm.s32 $0x400;
	s10 =	simm.s32 $0x500;
	[sflag:s20] =	ssyncadd.s32 $0xFFFFC000  }
0xcb: {  	s13 =	simm.s32 $0x380;
	s6 =	simm.s32 $0x480;
	_ =	swait.ge [sflag:s21], $0x4000  }
0xcc: {  	s24 =	smov.u32 s0;
	s12 =	simm.s32 $0x60;
	[sflag:s21] =	ssyncset.done $0x0  }
0xcd: {  	s7 =	simm.s32 $0xC0;
	s11 =	simm.s32 $0x300;
	[sflag:s21] =	ssyncadd.s32 $0xFFFFC000  }
.LBB2_4:
0xce: {  	_ =	swait.ge [sflag:s22], $0x4000  }
0xcf: {  	s26 =	rddreg [dreg:$0xc];
	[sflag:s22] =	ssyncset.done $0x0  }
0xd0: {  	s30 =	rddreg [dreg:$0xb];
	[sflag:s22] =	ssyncadd.s32 $0xFFFFC000;
	s26 =	sadd.s32 s12, s26  }
0xd1: {  	[tilespmem:s11], [sflag:$0x1] =	stream.linear.gather [hbm4b:s26+s2], $0x80, $0x38;
	[tilespmem:$0x1FE80] =	vst v63  }
0xd2: {  	s29 =	rddreg [dreg:$0xa];
	s0 =	sadd.s32 s12, s30  }
0xd3: {  	[tilespmem:s13], [sflag:$0x1] =	stream.linear.gather [hbm4b:s0+s2], $0x80, $0x38;
	[tilespmem:$0x1FE80] =	vst v63  }
0xd4: {  	s5 =	rddreg [dreg:$0x9];
	s0 =	sadd.s32 s12, s29  }
0xd5: {  	[tilespmem:s9], [sflag:$0x1] =	stream.linear.gather [hbm4b:s0+s2], $0x80, $0x38;
	[tilespmem:$0x1FE80] =	vst v63  }
0xd6: {  	s5 =	sadd.s32 s12, s5;
	s29 =	rddreg [dreg:$0x8]  }
0xd7: {  	[tilespmem:s6], [sflag:$0x1] =	stream.linear.gather [hbm4b:s5+s2], $0x80, $0x38;
	[tilespmem:$0x1FE80] =	vst v63  }
0xd8: {  	s0 =	rddreg [dreg:$0x7];
	s5 =	sadd.s32 s12, s29  }
0xd9: {  	[tilespmem:s10], [sflag:$0x1] =	stream.linear.gather [hbm4b:s5+s2], $0x80, $0x38;
	[tilespmem:$0x1FE80] =	vst v63  }
0xda: {  	s6 =	sadd.s32 s12, s0  }
0xdb: {  	[tilespmem:s8], [sflag:$0x1] =	stream.linear.gather [hbm4b:s6+s2], $0x80, $0x38;
	[tilespmem:$0x1FE80] =	vst v63  }
0xdc: {  	_ =	swait.ge [sflag:s14], $0x80  }
0xdd: {  	[sflag:s14] =	ssyncset.done $0x0  }
0xde: {  	[sflag:s14] =	ssyncadd.s32 $0xFFFFFF80  }
0xdf: {  	_ =	swait.ge [sflag:s14], $0x80  }
0xe0: {  	[sflag:s14] =	ssyncset.done $0x0  }
0xe1: {  	[sflag:s14] =	ssyncadd.s32 $0xFFFFFF80  }
0xe2: {  	_ =	swait.ge [sflag:s14], $0x80  }
0xe3: {  	[sflag:s14] =	ssyncset.done $0x0  }
0xe4: {  	[sflag:s14] =	ssyncadd.s32 $0xFFFFFF80  }
0xe5: {  	_ =	swait.ge [sflag:s14], $0x80  }
0xe6: {  	[sflag:s14] =	ssyncset.done $0x0  }
0xe7: {  	[sflag:s14] =	ssyncadd.s32 $0xFFFFFF80  }
0xe8: {  	_ =	swait.ge [sflag:s14], $0x80  }
0xe9: {  	[sflag:s14] =	ssyncset.done $0x0  }
0xea: {  	[sflag:s14] =	ssyncadd.s32 $0xFFFFFF80  }
0xeb: {  	_ =	swait.ge [sflag:s14], $0x80  }
0xec: {  	[sflag:s14] =	ssyncset.done $0x0  }
0xed: {  	[sflag:s14] =	ssyncadd.s32 $0xFFFFFF80  }
0xee: {  	[tilespmem:s25], [sflag:$0x2] =	stream.indirect.gather [hbm4b:s4+s28], $0x80, s2, s28, $0xb8;
	[tilespmem:$0x1FE80] =	vst v63  }
0xef: {  	s0 =	simm.s32 $0x100  }
0xf0: {  	[tilespmem:s15], [sflag:$0x3] =	stream.indirect.gather [hbm4b:s4+s28], $0x80, s0, s28, $0xb8;
	[tilespmem:$0x1FE80] =	vst v63  }
0xf1: {  	s26 =	simm.s32 $0x200  }
0xf2: {  	[tilespmem:s16], [sflag:$0x4] =	stream.indirect.gather [hbm4b:s4+s28], $0x80, s26, s28, $0xb8;
	[tilespmem:$0x1FE80] =	vst v63  }
0xf3: {  	_ =	swait.ge [sflag:s17], $0x4000  }
0xf4: {  	[sflag:s17] =	ssyncset.done $0x0  }
0xf5: {  	[sflag:s17] =	ssyncadd.s32 $0xFFFFC000  }
0xf6: {  	[spmem:s1] =	stream.indirect.scatter.add.f32 [tilespmem:s25], [sflag:$0x5], $0x80, s28, s28, $0xb8;
	[tilespmem:$0x1FE80] =	vst v63  }
0xf7: {  	_ =	swait.ge [sflag:s18], $0x4000  }
0xf8: {  	[sflag:s18] =	ssyncset.done $0x0  }
0xf9: {  	s29 =	simm.s32 $0x180;
	[sflag:s18] =	ssyncadd.s32 $0xFFFFC000  }
0xfa: {  	[spmem:s1] =	stream.indirect.scatter.add.f32 [tilespmem:s15], [sflag:$0x6], $0x80, s29, s28, $0xb8;
	[tilespmem:$0x1FE80] =	vst v63  }
0xfb: {  	_ =	swait.ge [sflag:s19], $0x4000  }
0xfc: {  	[sflag:s19] =	ssyncset.done $0x0  }
0xfd: {  	s30 =	simm.s32 $0x280;
	[sflag:s19] =	ssyncadd.s32 $0xFFFFC000  }
0xfe: {  	[spmem:s1] =	stream.indirect.scatter.add.f32 [tilespmem:s16], [sflag:$0x7], $0x80, s30, s28, $0xb8;
	[tilespmem:$0x1FE80] =	vst v63  }
0xff: {  	_ =	swait.ge [sflag:s14], $0x80  }
0x100: {  	[sflag:s14] =	ssyncset.done $0x0  }
0x101: {  	[sflag:s14] =	ssyncadd.s32 $0xFFFFFF80  }
0x102: {  	_ =	swait.ge [sflag:s14], $0x80  }
0x103: {  	[sflag:s14] =	ssyncset.done $0x0  }
0x104: {  	[sflag:s14] =	ssyncadd.s32 $0xFFFFFF80  }
0x105: {  	_ =	swait.ge [sflag:s14], $0x80  }
0x106: {  	[sflag:s14] =	ssyncset.done $0x0  }
0x107: {  	[sflag:s14] =	ssyncadd.s32 $0xFFFFFF80  }
0x108: {  	_ =	swait.ge [sflag:s14], $0x80  }
0x109: {  	[sflag:s14] =	ssyncset.done $0x0  }
0x10a: {  	[sflag:s14] =	ssyncadd.s32 $0xFFFFFF80  }
0x10b: {  	_ =	swait.ge [sflag:s14], $0x80  }
0x10c: {  	[sflag:s14] =	ssyncset.done $0x0  }
0x10d: {  	[sflag:s14] =	ssyncadd.s32 $0xFFFFFF80  }
0x10e: {  	_ =	swait.ge [sflag:s14], $0x80  }
0x10f: {  	[sflag:s14] =	ssyncset.done $0x0  }
0x110: {  	[sflag:s14] =	ssyncadd.s32 $0xFFFFFF80  }
0x111: {  	_ =	swait.ge [sflag:s20], $0x4000  }
0x112: {  	[sflag:s20] =	ssyncset.done $0x0  }
0x113: {  	[sflag:s20] =	ssyncadd.s32 $0xFFFFC000  }
0x114: {  	[tilespmem:s25], [sflag:$0x2] =	stream.indirect.gather [hbm4b:s4+s28], $0x80, s11, s28, $0xb8;
	[tilespmem:$0x1FE80] =	vst v63  }
0x115: {  	_ =	swait.ge [sflag:s21], $0x4000  }
0x116: {  	[sflag:s21] =	ssyncset.done $0x0  }
0x117: {  	[sflag:s21] =	ssyncadd.s32 $0xFFFFC000  }
0x118: {  	[tilespmem:s15], [sflag:$0x3] =	stream.indirect.gather [hbm4b:s4+s28], $0x80, s9, s28, $0xb8;
	[tilespmem:$0x1FE80] =	vst v63  }
0x119: {  	_ =	swait.ge [sflag:s22], $0x4000  }
0x11a: {  	s24 =	sadd.s32 $0x300, s24;
	p2 =	seq.s32 s12, $0x480;
	[sflag:s22] =	ssyncset.done $0x0  }
0x11b: {  	s26 =	sshrl.u32 @!p2 s24, $0x3;
	[sflag:s22] =	ssyncadd.s32 $0xFFFFC000  }
0x11c: {  	[tilespmem:s16], [sflag:$0x4] =	stream.indirect.gather [hbm4b:s4+s28], $0x80, s10, s28, $0xb8;
	[tilespmem:$0x1FE80] =	vst v63  }
0x11d: {  	s6 =	smov.u32 s31;
	s29 =	simm.s32 @!p2 $0x0;
	s30 =	sadd.s32 @!p2 s31, s26  }
0x11e: {  	[tilespmem:s29], [sflag:$0x1] =	stream.linear.gather @!p2 [hbm4b:s30+s29], $0x80, $0x38;
	[tilespmem:$0x1FE80] =	vst v63  }
0x11f: {  	s0 =	simm.s32 @!p2 $0x80;
	s26 =	sadd.s32 @!p2 s3, s26;
	s31 =	rddreg [dreg:$0x6]  }
0x120: {  	[tilespmem:s0], [sflag:$0x1] =	stream.linear.gather @!p2 [hbm4b:s26+s29], $0x80, $0x38;
	[tilespmem:$0x1FE80] =	vst v63  }
0x121: {  	s5 =	rddreg [dreg:$0x5];
	s30 =	sadd.s32 @!p2 s12, s31;
	s0 =	simm.s32 @!p2 $0x100  }
0x122: {  	[tilespmem:s0], [sflag:$0x1] =	stream.linear.gather @!p2 [hbm4b:s30+s29], $0x80, $0x38;
	[tilespmem:$0x1FE80] =	vst v63  }
0x123: {  	s5 =	sadd.s32 @!p2 s12, s5;
	s26 =	rddreg [dreg:$0x4];
	s0 =	simm.s32 @!p2 $0x180  }
0x124: {  	[tilespmem:s0], [sflag:$0x1] =	stream.linear.gather @!p2 [hbm4b:s5+s29], $0x80, $0x38;
	[tilespmem:$0x1FE80] =	vst v63  }
0x125: {  	s30 =	rddreg [dreg:$0x3];
	s0 =	sadd.s32 @!p2 s12, s26;
	s5 =	simm.s32 @!p2 $0x200  }
0x126: {  	[tilespmem:s5], [sflag:$0x1] =	stream.linear.gather @!p2 [hbm4b:s0+s29], $0x80, $0x38;
	[tilespmem:$0x1FE80] =	vst v63  }
0x127: {  	s26 =	simm.s32 @!p2 $0x280;
	s0 =	sadd.s32 @!p2 s12, s30  }
0x128: {  	[tilespmem:s26], [sflag:$0x1] =	stream.linear.gather @!p2 [hbm4b:s0+s29], $0x80, $0x38;
	[tilespmem:$0x1FE80] =	vst v63  }
0x129: {  	_ =	swait.ge [sflag:s17], $0x4000  }
0x12a: {  	[sflag:s17] =	ssyncset.done $0x0  }
0x12b: {  	[sflag:s17] =	ssyncadd.s32 $0xFFFFC000  }
0x12c: {  	[spmem:s1] =	stream.indirect.scatter.add.f32 [tilespmem:s25], [sflag:$0x5], $0x80, s13, s28, $0xb8;
	[tilespmem:$0x1FE80] =	vst v63  }
0x12d: {  	_ =	swait.ge [sflag:s18], $0x4000  }
0x12e: {  	[sflag:s18] =	ssyncset.done $0x0  }
0x12f: {  	s31 =	smov.u32 s6;
	s6 =	simm.s32 $0x480;
	[sflag:s18] =	ssyncadd.s32 $0xFFFFC000  }
0x130: {  	[spmem:s1] =	stream.indirect.scatter.add.f32 [tilespmem:s15], [sflag:$0x6], $0x80, s6, s28, $0xb8;
	[tilespmem:$0x1FE80] =	vst v63  }
0x131: {  	_ =	swait.ge [sflag:s19], $0x4000  }
0x132: {  	[sflag:s19] =	ssyncset.done $0x0  }
0x133: {  	s23 =	smov.u32 s7;
	s7 =	sadd.s32 $0x60, s7;
	[sflag:s19] =	ssyncadd.s32 $0xFFFFC000  }
0x134: {  	[spmem:s1] =	stream.indirect.scatter.add.f32 [tilespmem:s16], [sflag:$0x7], $0x80, s8, s28, $0xb8;
	[tilespmem:$0x1FE80] =	vst v63  }
0x135: {  	p1 =	sne.s32 s7, $0x4E0;
	_ =	swait.ge [sflag:s20], $0x4000  }
.Ltmp1:
0x136: {  	[sflag:s20] =	ssyncset.done $0x0;
	(pc) =	sbr.rel @p1 .LBB2_4-.Ltmp1, $4  }
0x137: {  	[sflag:s20] =	ssyncadd.s32 $0xFFFFC000  }
0x138: {  	_ =	swait.ge [sflag:s21], $0x4000  }
0x139: {  	[sflag:s21] =	ssyncset.done $0x0  }
0x13a: {  	s12 =	smov.u32 s23;
	[sflag:s21] =	ssyncadd.s32 $0xFFFFC000  }
0x13b: {  	_ =	swait.ge [sflag:s22], $0x4000  }
0x13c: {  	s0 =	rddreg [dreg:$0xc];
	[sflag:s22] =	ssyncset.done $0x0  }
0x13d: {  	s5 =	rddreg [dreg:$0xb];
	[sflag:s22] =	ssyncadd.s32 $0xFFFFC000;
	s0 =	sadd.s32 s12, s0  }
0x13e: {  	[tilespmem:s11], [sflag:$0x1] =	stream.linear.gather [hbm4b:s0+s2], $0x80, $0x38;
	[tilespmem:$0x1FE80] =	vst v63  }
0x13f: {  	s7 =	rddreg [dreg:$0xa];
	s5 =	sadd.s32 s12, s5  }
0x140: {  	[tilespmem:s13], [sflag:$0x1] =	stream.linear.gather [hbm4b:s5+s2], $0x80, $0x38;
	[tilespmem:$0x1FE80] =	vst v63  }
0x141: {  	s23 =	rddreg [dreg:$0x9];
	s26 =	sadd.s32 s12, s7  }
0x142: {  	[tilespmem:s9], [sflag:$0x1] =	stream.linear.gather [hbm4b:s26+s2], $0x80, $0x38;
	[tilespmem:$0x1FE80] =	vst v63  }
0x143: {  	s7 =	rddreg [dreg:$0x8];
	s23 =	sadd.s32 s12, s23  }
0x144: {  	[tilespmem:s6], [sflag:$0x1] =	stream.linear.gather [hbm4b:s23+s2], $0x80, $0x38;
	[tilespmem:$0x1FE80] =	vst v63  }
0x145: {  	s26 =	rddreg [dreg:$0x7];
	s23 =	sadd.s32 s12, s7  }
0x146: {  	[tilespmem:s10], [sflag:$0x1] =	stream.linear.gather [hbm4b:s23+s2], $0x80, $0x38;
	[tilespmem:$0x1FE80] =	vst v63  }
0x147: {  	s26 =	sadd.s32 s12, s26  }
0x148: {  	[tilespmem:s8], [sflag:$0x1] =	stream.linear.gather [hbm4b:s26+s2], $0x80, $0x38;
	[tilespmem:$0x1FE80] =	vst v63  }
0x149: {  	_ =	swait.ge [sflag:s14], $0x80  }
0x14a: {  	[sflag:s14] =	ssyncset.done $0x0  }
0x14b: {  	[sflag:s14] =	ssyncadd.s32 $0xFFFFFF80  }
0x14c: {  	_ =	swait.ge [sflag:s14], $0x80  }
0x14d: {  	[sflag:s14] =	ssyncset.done $0x0  }
0x14e: {  	[sflag:s14] =	ssyncadd.s32 $0xFFFFFF80  }
0x14f: {  	_ =	swait.ge [sflag:s14], $0x80  }
0x150: {  	[sflag:s14] =	ssyncset.done $0x0  }
0x151: {  	[sflag:s14] =	ssyncadd.s32 $0xFFFFFF80  }
0x152: {  	_ =	swait.ge [sflag:s14], $0x80  }
0x153: {  	[sflag:s14] =	ssyncset.done $0x0  }
0x154: {  	[sflag:s14] =	ssyncadd.s32 $0xFFFFFF80  }
0x155: {  	_ =	swait.ge [sflag:s14], $0x80  }
0x156: {  	[sflag:s14] =	ssyncset.done $0x0  }
0x157: {  	[sflag:s14] =	ssyncadd.s32 $0xFFFFFF80  }
0x158: {  	_ =	swait.ge [sflag:s14], $0x80  }
0x159: {  	[sflag:s14] =	ssyncset.done $0x0  }
0x15a: {  	[sflag:s14] =	ssyncadd.s32 $0xFFFFFF80  }
0x15b: {  	[tilespmem:s25], [sflag:$0x2] =	stream.indirect.gather [hbm4b:s4+s28], $0x80, s2, s28, $0xb8;
	[tilespmem:$0x1FE80] =	vst v63  }
0x15c: {  	s5 =	simm.s32 $0x100  }
0x15d: {  	[tilespmem:s15], [sflag:$0x3] =	stream.indirect.gather [hbm4b:s4+s28], $0x80, s5, s28, $0xb8;
	[tilespmem:$0x1FE80] =	vst v63  }
0x15e: {  	s7 =	simm.s32 $0x200  }
0x15f: {  	[tilespmem:s16], [sflag:$0x4] =	stream.indirect.gather [hbm4b:s4+s28], $0x80, s7, s28, $0xb8;
	[tilespmem:$0x1FE80] =	vst v63  }
0x160: {  	_ =	swait.ge [sflag:s17], $0x4000  }
0x161: {  	[sflag:s17] =	ssyncset.done $0x0  }
0x162: {  	[sflag:s17] =	ssyncadd.s32 $0xFFFFC000  }
0x163: {  	[spmem:s1] =	stream.indirect.scatter.add.f32 [tilespmem:s25], [sflag:$0x5], $0x80, s28, s28, $0xb8;
	[tilespmem:$0x1FE80] =	vst v63  }
0x164: {  	_ =	swait.ge [sflag:s18], $0x4000  }
0x165: {  	[sflag:s18] =	ssyncset.done $0x0  }
0x166: {  	s23 =	simm.s32 $0x180;
	[sflag:s18] =	ssyncadd.s32 $0xFFFFC000  }
0x167: {  	[spmem:s1] =	stream.indirect.scatter.add.f32 [tilespmem:s15], [sflag:$0x6], $0x80, s23, s28, $0xb8;
	[tilespmem:$0x1FE80] =	vst v63  }
0x168: {  	_ =	swait.ge [sflag:s19], $0x4000  }
0x169: {  	[sflag:s19] =	ssyncset.done $0x0  }
0x16a: {  	s26 =	simm.s32 $0x280;
	[sflag:s19] =	ssyncadd.s32 $0xFFFFC000  }
0x16b: {  	[spmem:s1] =	stream.indirect.scatter.add.f32 [tilespmem:s16], [sflag:$0x7], $0x80, s26, s28, $0xb8;
	[tilespmem:$0x1FE80] =	vst v63  }
0x16c: {  	_ =	swait.ge [sflag:s14], $0x80  }
0x16d: {  	[sflag:s14] =	ssyncset.done $0x0  }
0x16e: {  	[sflag:s14] =	ssyncadd.s32 $0xFFFFFF80  }
0x16f: {  	_ =	swait.ge [sflag:s14], $0x80  }
0x170: {  	[sflag:s14] =	ssyncset.done $0x0  }
0x171: {  	[sflag:s14] =	ssyncadd.s32 $0xFFFFFF80  }
0x172: {  	_ =	swait.ge [sflag:s14], $0x80  }
0x173: {  	[sflag:s14] =	ssyncset.done $0x0  }
0x174: {  	[sflag:s14] =	ssyncadd.s32 $0xFFFFFF80  }
0x175: {  	_ =	swait.ge [sflag:s14], $0x80  }
0x176: {  	[sflag:s14] =	ssyncset.done $0x0  }
0x177: {  	[sflag:s14] =	ssyncadd.s32 $0xFFFFFF80  }
0x178: {  	_ =	swait.ge [sflag:s14], $0x80  }
0x179: {  	[sflag:s14] =	ssyncset.done $0x0  }
0x17a: {  	[sflag:s14] =	ssyncadd.s32 $0xFFFFFF80  }
0x17b: {  	_ =	swait.ge [sflag:s14], $0x80  }
0x17c: {  	[sflag:s14] =	ssyncset.done $0x0  }
0x17d: {  	[sflag:s14] =	ssyncadd.s32 $0xFFFFFF80  }
0x17e: {  	_ =	swait.ge [sflag:s20], $0x4000  }
0x17f: {  	[sflag:s20] =	ssyncset.done $0x0  }
0x180: {  	[sflag:s20] =	ssyncadd.s32 $0xFFFFC000  }
0x181: {  	[tilespmem:s25], [sflag:$0x2] =	stream.indirect.gather [hbm4b:s4+s28], $0x80, s11, s28, $0xb8;
	[tilespmem:$0x1FE80] =	vst v63  }
0x182: {  	_ =	swait.ge [sflag:s21], $0x4000  }
0x183: {  	[sflag:s21] =	ssyncset.done $0x0  }
0x184: {  	[sflag:s21] =	ssyncadd.s32 $0xFFFFC000  }
0x185: {  	[tilespmem:s15], [sflag:$0x3] =	stream.indirect.gather [hbm4b:s4+s28], $0x80, s9, s28, $0xb8;
	[tilespmem:$0x1FE80] =	vst v63  }
0x186: {  	_ =	swait.ge [sflag:s22], $0x4000  }
0x187: {  	p1 =	seq.s32 s12, $0x480;
	s0 =	sadd.s32 $0x300, s24;
	[sflag:s22] =	ssyncset.done $0x0  }
0x188: {  	s0 =	sshrl.u32 @!p1 s0, $0x3;
	[sflag:s22] =	ssyncadd.s32 $0xFFFFC000  }
0x189: {  	[tilespmem:s16], [sflag:$0x4] =	stream.indirect.gather [hbm4b:s4+s28], $0x80, s10, s28, $0xb8;
	[tilespmem:$0x1FE80] =	vst v63  }
0x18a: {  	s5 =	simm.s32 @!p1 $0x0;
	s7 =	sadd.s32 @!p1 s31, s0  }
0x18b: {  	[tilespmem:s5], [sflag:$0x1] =	stream.linear.gather @!p1 [hbm4b:s7+s5], $0x80, $0x38;
	[tilespmem:$0x1FE80] =	vst v63  }
0x18c: {  	s0 =	sadd.s32 @!p1 s3, s0;
	s23 =	simm.s32 @!p1 $0x80;
	s7 =	rddreg [dreg:$0x6]  }
0x18d: {  	[tilespmem:s23], [sflag:$0x1] =	stream.linear.gather @!p1 [hbm4b:s0+s5], $0x80, $0x38;
	[tilespmem:$0x1FE80] =	vst v63  }
0x18e: {  	s7 =	sadd.s32 @!p1 s12, s7;
	s0 =	rddreg [dreg:$0x5];
	s23 =	simm.s32 @!p1 $0x100  }
0x18f: {  	[tilespmem:s23], [sflag:$0x1] =	stream.linear.gather @!p1 [hbm4b:s7+s5], $0x80, $0x38;
	[tilespmem:$0x1FE80] =	vst v63  }
0x190: {  	s0 =	sadd.s32 @!p1 s12, s0;
	s7 =	rddreg [dreg:$0x4];
	s23 =	simm.s32 @!p1 $0x180  }
0x191: {  	[tilespmem:s23], [sflag:$0x1] =	stream.linear.gather @!p1 [hbm4b:s0+s5], $0x80, $0x38;
	[tilespmem:$0x1FE80] =	vst v63  }
0x192: {  	s7 =	sadd.s32 @!p1 s12, s7;
	s0 =	rddreg [dreg:$0x3];
	s23 =	simm.s32 @!p1 $0x200  }
0x193: {  	[tilespmem:s23], [sflag:$0x1] =	stream.linear.gather @!p1 [hbm4b:s7+s5], $0x80, $0x38;
	[tilespmem:$0x1FE80] =	vst v63  }
0x194: {  	s0 =	sadd.s32 @!p1 s12, s0;
	s7 =	simm.s32 @!p1 $0x280  }
0x195: {  	[tilespmem:s7], [sflag:$0x1] =	stream.linear.gather @!p1 [hbm4b:s0+s5], $0x80, $0x38;
	[tilespmem:$0x1FE80] =	vst v63  }
0x196: {  	_ =	swait.ge [sflag:s17], $0x4000  }
0x197: {  	[sflag:s17] =	ssyncset.done $0x0  }
0x198: {  	[sflag:s17] =	ssyncadd.s32 $0xFFFFC000  }
0x199: {  	[spmem:s1] =	stream.indirect.scatter.add.f32 [tilespmem:s25], [sflag:$0x5], $0x80, s13, s28, $0xb8;
	[tilespmem:$0x1FE80] =	vst v63  }
0x19a: {  	_ =	swait.ge [sflag:s18], $0x4000  }
0x19b: {  	[sflag:s18] =	ssyncset.done $0x0  }
0x19c: {  	[sflag:s18] =	ssyncadd.s32 $0xFFFFC000  }
0x19d: {  	[spmem:s1] =	stream.indirect.scatter.add.f32 [tilespmem:s15], [sflag:$0x6], $0x80, s6, s28, $0xb8;
	[tilespmem:$0x1FE80] =	vst v63  }
0x19e: {  	_ =	swait.ge [sflag:s19], $0x4000  }
0x19f: {  	[sflag:s19] =	ssyncset.done $0x0  }
0x1a0: {  	[sflag:s19] =	ssyncadd.s32 $0xFFFFC000  }
0x1a1: {  	[spmem:s1] =	stream.indirect.scatter.add.f32 [tilespmem:s16], [sflag:$0x7], $0x80, s8, s28, $0xb8;
	[tilespmem:$0x1FE80] =	vst v63  }
0x1a2: {  	_ =	swait.ge [sflag:s20], $0x4000  }
0x1a3: {  	[sflag:s20] =	ssyncset.done $0x0  }
0x1a4: {  	[sflag:s20] =	ssyncadd.s32 $0xFFFFC000  }
0x1a5: {  	_ =	swait.ge [sflag:s21], $0x4000  }
0x1a6: {  	[sflag:s21] =	ssyncset.done $0x0  }
0x1a7: {  	[sflag:s21] =	ssyncadd.s32 $0xFFFFC000  }
0x1a8: {  	_ =	swait.ge [sflag:s22], $0x4000  }
0x1a9: {  	[sflag:s22] =	ssyncset.done $0x0  }
0x1aa: {  	s26 =	simm.s32 $0x8;
	s5 =	rddreg [dreg:$0x1a];
	[sflag:s22] =	ssyncadd.s32 $0xFFFFC000  }
0x1ab: {  	[tilespmem:s2], [sflag:$0x8] =	stream.linear.gather [hbm4b:s5+s2], $0x10, $0x38;
	[tilespmem:$0x1FE80] =	vst v63  }
0x1ac: {  	_ =	swait.ge [sflag:s26], $0x10  }
0x1ad: {  	[sflag:s26] =	ssyncset.done $0x0  }
0x1ae: {  	s6 =	rddreg [dreg:$0x1b];
	[sflag:s26] =	ssyncadd.s32 $0xFFFFFFF0  }
0x1af: {  	[tilespmem:s28], [sflag:$0x8] =	stream.linear.gather [hbm4b:s6+s2], $0x10, $0x38;
	[tilespmem:$0x1FE80] =	vst v63  }
0x1b0: {  	_ =	swait.ge [sflag:s26], $0x10  }
0x1b1: {  	[sflag:s26] =	ssyncset.done $0x0  }
0x1b2: {  	s7 =	simm.s32 $0x10;
	[sflag:s26] =	ssyncadd.s32 $0xFFFFFFF0  }
0x1b3: {  	[tilespmem:s25], [sflag:$0x2] =	stream.indirect.gather [hbm4b:s4+s7], $0x80, s2, s7, $0xb8;
	[tilespmem:$0x1FE80] =	vst v63  }
0x1b4: {  	_ =	swait.ge [sflag:s17], $0x800  }
0x1b5: {  	[sflag:s17] =	ssyncset.done $0x0  }
0x1b6: {  	[sflag:s17] =	ssyncadd.s32 $0xFFFFF800  }
0x1b7: {  	[spmem:s1] =	stream.indirect.scatter.add.f32 [tilespmem:s25], [sflag:$0x8], $0x80, s28, s7, $0xb8;
	[tilespmem:$0x1FE80] =	vst v63  }
0x1b8: {  	_ =	swait.ge [sflag:s26], $0x800  }
0x1b9: {  	[sflag:s26] =	ssyncset.done $0x0  }
0x1ba: {  	[sflag:s26] =	ssyncadd.s32 $0xFFFFF800  }
0x1bb: {  	s9 =	stileid.u32;
	[bflag:$0x0] =	sbarrier.arrive $0xFFFF  }
0x1bc: {  	s0 =	sshll.u32 s9, $0x6;
	s23 =	rddreg [dreg:$0xd]  }
0x1bd: {  	s0 =	sor.u32 $0x1C08, s0;
	s11 =	rddreg [dreg:$0x17];
	s10 =	sshrl.u32 s23, $0x3  }
0x1be: {  	[hbm:s11], [sflag:s0] =	dma.local [spmem:s10], $0x2700  }
0x1bf: {  	_ =	swait.ge [sflag:s26], $0x2700  }
0x1c0: {  	[sflag:s26] =	ssyncset.done $0x0;
	s24 =	rddreg [dreg:$0x12]  }
0x1c1: {  	s6 =	rddreg [dreg:$0x1c];
	[sflag:s26] =	ssyncadd.s32 $0xFFFFD900;
	s5 =	sshrl.u32 @!p0 s24, $0x3  }
0x1c2: {  	[hbm:s6], [sflag:s0] =	dma.local @!p0 [spmem:s5], $0x100  }
0x1c3: {  	s0 =	simm.s32 @!p0 $0x8  }
0x1c4: {  	_ =	swait.ge @!p0 [sflag:s0], $0x100  }
0x1c5: {  	s12 =	rddreg [dreg:$0x1f]  }
0x1c6: {  	s13 =	rddreg [dreg:$0x1d];
	s7 =	sadd.s32 $0x1, s12  }
0x1c7: {  	p1 =	sne.s32 s7, s13  }
.Ltmp2:
0x1c8: {  	_ = 	snop;
	(pc) =	sbr.rel @p1 .LBB2_1-.Ltmp2, $4  }
0x1c9: {  	s30 =	simm.s32 $0x200;
	s29 =	simm.s32 $0x500  }
0x1ca: {  	s9 =	simm.s32 $0x280;
	s10 =	simm.s32 $0x300;
	s11 =	simm.s32 $0x380  }
0x1cb: {  	s6 =	smov.u32 s3;
	s3 =	simm.s32 $0x100;
	[sflag:s0] =	ssyncset.done @!p0 $0x0  }
0x1cc: {  	s5 =	simm.s32 $0x180;
	[sflag:s0] =	ssyncadd.s32 @!p0 $0xFFFFFF00;
	s13 =	simm.s32 $0x400  }
0x1cd: {  	_ =	sfence.sel $0x180000  }
0x1ce: {  	[bflag:$0x0] =	sbarrier.arrive $0xFFFF  }
0x1cf: {  	_ =	strace $0x9000004A  }
0x1d0: {  	s0 =	stileid.u32;
	[bflag:$0x2] =	sbarrier.arrive $0xFFFF  }
0x1d1: {  	p0 =	sne.s32 s0, $0x0;
	s0 =	rddreg [dreg:$0x2]  }
0x1d2: {  	s0 =	sadd.s32 @!p0 $0x100000, s0  }
0x1d3: {  	[sflag:s0] =	ssyncadd.tile.s32 @!p0 $0x1;
	_ =	shalt  }
.Lfunc_end2:
_tile_overlayer_lowered:
.L_overlay_start_2:
0x1d4: {  	(tag) =	ssettag $0x2  }
0x1d5: {  	s0 =	rddreg [dreg:$0x0];
	s2 =	stileid.u32  }
0x1d6: {  	s1 =	rddreg [dreg:$0x1];
	p0 =	sne.s32 s2, $0x0  }
0x1d7: {  	s3 =	rddreg [dreg:$0x2];
	[bflag:$0x3] =	sbarrier.arrive $0xFFFF;
	s2 =	simm.s32 @!p0 $0x1C08  }
0x1d8: {  	[timem:s3], [sflag:s2] =	dma.local @!p0 [hbm:s0], s1  }
0x1d9: {  	s0 =	simm.s32 @!p0 $0x8  }
0x1da: {  	_ =	swait.ge @!p0 [sflag:s0], s1  }
0x1db: {  	s1 =	ssub.s32 @!p0 $0x0, s1;
	[sflag:s0] =	ssyncset.done @!p0 $0x0  }
0x1dc: {  	[sflag:s0] =	ssyncadd.s32 @!p0 s1  }
0x1dd: {  	[bflag:$0x3] =	sbarrier.arrive $0xFFFF  }
0x1de: {  	_ =	shalt  }

// kernel: kernel.17.cloned.1.call-start
scs
__scs_entry_jumppad:
0x0: {  	(pc) =	sbr.rel $0x88, $3  }
0x1: {  	(tag) =	ssettag $0x0;
	lr =	simm.s32 $0x1  }
0x2: {  	[smem:$0x3F8D] =	sst lr;
	_ =	strace $0xD0000000  }
0x3: {  	_ = 	snop  }
0x4: {  	_ = 	snop  }
0x5: {  	_ = 	snop  }
0x6: {  	_ = 	snop  }
0x7: {  	_ = 	snop  }
__scs_overlays_trampoline_lowered:
0x8: {  	[smem:$0x3F9C] =	sst s0  }
0x9: {  	[smem:$0x3F9D] =	sst s1  }
0xa: {  	[smem:$0x3F9E] =	sst s2  }
0xb: {  	[smem:$0x3F9F] =	sst s3  }
0xc: {  	[smem:$0x3FA0] =	sst s4  }
0xd: {  	[smem:$0x3FA1] =	sst s5  }
0xe: {  	[smem:$0x3FA2] =	sst s6  }
0xf: {  	[smem:$0x3FA3] =	sst s7  }
0x10: {  	[smem:$0x3FA4] =	sst s8  }
0x11: {  	[smem:$0x3FA5] =	sst s9;
	s0 =	simm.s32 @!p0 $0x0  }
0x12: {  	s1 =	sld [smem:$0x3F8B];
	s0 =	simm.s32 @p0 $0x1  }
0x13: {  	[smem:$0x3FA6] =	sst s0;
	s0 =	simm.s32 @!p1 $0x0  }
0x14: {  	s2 =	sld [smem:$0x3F8A];
	s0 =	simm.s32 @p1 $0x1  }
0x15: {  	[smem:$0x3FA7] =	sst s0;
	s0 =	simm.s32 @!p2 $0x0  }
0x16: {  	s3 =	sld [smem:$0x3FDB];
	s0 =	simm.s32 @p2 $0x1  }
0x17: {  	s4 =	simm.s32 $0x1BF5;
	[smem:$0x3FA9] =	sst s0  }
0x18: {  	s0 =	sld [smem:$0x3F8C];
	_ =	swait.ge [sflag:s4], $0x0  }
0x19: {  	s7 =	sld [smem:$0x3F8D]  }
0x1a: {  	s8 =	sadd.s32 $0xFFFFE003, lr  }
0x1b: {  	s9 =	sadd.s32 $0xFFFFFEF7, lr;
	s5 =	simm.s32 $0xFFFFFFFF;
	p2 =	slt.u32 s8, $0xFFFFF086  }
0x1c: {  	p1 =	slt.u32 s9, $0xF7A;
	s5 =	simm.s32 @!p2 $0x0  }
0x1d: {  	s5 =	simm.s32 @p1 $0x1;
	p0 =	seq.s32 s7, s2  }
0x1e: {  	s7 =	smul.u32 @!p0 $0xF7A, s2;
	p2 =	seq.s32 @!p0 s5, $0x0  }
0x1f: {  	s9 =	smul.u32 $0xF7A, s1;
	s8 =	simm.s32 @!p0 $0x1BF5;
	p2 =	por !p2, p0  }
0x20: {  	[sflag:s8] =	ssyncset.s32 @!p0 $0xFFFFF086;
	s6 =	sadd.s32 @!p0 s3, s7;
	s7 =	simm.s32 @!p0 $0x108  }
0x21: {  	s3 =	sadd.s32 s3, s9;
	s6 =	sadd.s32 @!p0 $0x88, s6;
	s7 =	simm.s32 @p2 $0x1082  }
0x22: {  	[simem:s7], [sflag:s8] =	dma.local @!p0 [hbm:s6], $0xF7A  }
0x23: {  	s9 =	sor.u32 $0xD0000000, s2;
	s6 =	simm.s32 $0x108;
	_ =	swait.ge @!p0 [sflag:s8], $0x0  }
0x24: {  	s3 =	sadd.s32 $0x88, s3;
	s6 =	simm.s32 @!p1 $0x1082;
	[sflag:s4] =	ssyncset.s32 $0xFFFFF086  }
0x25: {  	[simem:s6], [sflag:s4] =	dma.local [hbm:s3], $0xF7A  }
0x26: {  	[smem:$0x3F8D] =	sst s1;
	(tag) =	ssettag s2;
	_ =	strace s9  }
0x27: {  	s1 =	sld [smem:$0x3F9D]  }
0x28: {  	s2 =	sld [smem:$0x3F9E]  }
0x29: {  	s4 =	sld [smem:$0x3FA0]  }
0x2a: {  	p0 =	seq.s32 s5, $0x0;
	s5 =	sld [smem:$0x3FA1]  }
0x2b: {  	s6 =	sld [smem:$0x3FA2]  }
0x2c: {  	s7 =	sld [smem:$0x3FA3]  }
0x2d: {  	s3 =	simm.s32 $0x108;
	s8 =	sld [smem:$0x3FA4]  }
0x2e: {  	s3 =	simm.s32 @!p0 $0x1082;
	s9 =	sld [smem:$0x3FA5]  }
0x2f: {  	lr =	sadd.s32 s0, s3;
	s0 =	sld [smem:$0x3F9C]  }
0x30: {  	s3 =	sld [smem:$0x3F9F]  }
0x31: {  	[smem:$0x3FA8] =	sst s10  }
0x32: {  	s10 =	sld [smem:$0x3FA6];
	_ =	sdelay $0x3  }
0x33: {  	p0 =	seq.s32 s10, $0x1;
	s10 =	sld [smem:$0x3FA8];
	_ =	sdelay $0x3  }
0x34: {  	[smem:$0x3FA8] =	sst s10  }
0x35: {  	s10 =	sld [smem:$0x3FA7];
	_ =	sdelay $0x3  }
0x36: {  	p1 =	seq.s32 s10, $0x1;
	s10 =	sld [smem:$0x3FA8];
	_ =	sdelay $0x3  }
0x37: {  	[smem:$0x3FA8] =	sst s10  }
0x38: {  	s10 =	sld [smem:$0x3FA9]  }
0x39: {  	_ = 	snop;
	(pc) =	sbr.ind lr, $3  }
0x3a: {  	_ = 	snop  }
0x3b: {  	_ = 	snop  }
0x3c: {  	p2 =	seq.s32 s10, $0x1;
	s10 =	sld [smem:$0x3FA8]  }
0x3d: {  	_ =	shalt  }
0x3e: {  	_ =	shalt  }
0x3f: {  	_ =	shalt  }
0x40: {  	_ =	shalt  }
0x41: {  	_ =	shalt  }
0x42: {  	_ =	shalt  }
0x43: {  	_ =	shalt  }
0x44: {  	_ =	shalt  }
0x45: {  	_ =	shalt  }
0x46: {  	_ =	shalt  }
0x47: {  	_ =	shalt  }
0x48: {  	_ =	shalt  }
0x49: {  	_ =	shalt  }
0x4a: {  	_ =	shalt  }
0x4b: {  	_ =	shalt  }
0x4c: {  	_ =	shalt  }
0x4d: {  	_ =	shalt  }
0x4e: {  	_ =	shalt  }
0x4f: {  	_ =	shalt  }
0x50: {  	_ =	shalt  }
0x51: {  	_ =	shalt  }
0x52: {  	_ =	shalt  }
0x53: {  	_ =	shalt  }
0x54: {  	_ =	shalt  }
0x55: {  	_ =	shalt  }
0x56: {  	_ =	shalt  }
0x57: {  	_ =	shalt  }
0x58: {  	_ =	shalt  }
0x59: {  	_ =	shalt  }
0x5a: {  	_ =	shalt  }
0x5b: {  	_ =	shalt  }
0x5c: {  	_ =	shalt  }
0x5d: {  	_ =	shalt  }
0x5e: {  	_ =	shalt  }
0x5f: {  	_ =	shalt  }
0x60: {  	_ =	shalt  }
0x61: {  	_ =	shalt  }
0x62: {  	_ =	shalt  }
0x63: {  	_ =	shalt  }
0x64: {  	_ =	shalt  }
0x65: {  	_ =	shalt  }
0x66: {  	_ =	shalt  }
0x67: {  	_ =	shalt  }
0x68: {  	_ =	shalt  }
0x69: {  	_ =	shalt  }
0x6a: {  	_ =	shalt  }
0x6b: {  	_ =	shalt  }
0x6c: {  	_ =	shalt  }
0x6d: {  	_ =	shalt  }
0x6e: {  	_ =	shalt  }
0x6f: {  	_ =	shalt  }
0x70: {  	_ =	shalt  }
0x71: {  	_ =	shalt  }
0x72: {  	_ =	shalt  }
0x73: {  	_ =	shalt  }
0x74: {  	_ =	shalt  }
0x75: {  	_ =	shalt  }
0x76: {  	_ =	shalt  }
0x77: {  	_ =	shalt  }
0x78: {  	_ =	shalt  }
0x79: {  	_ =	shalt  }
0x7a: {  	_ =	shalt  }
0x7b: {  	_ =	shalt  }
0x7c: {  	_ =	shalt  }
0x7d: {  	_ =	shalt  }
0x7e: {  	_ =	shalt  }
0x7f: {  	_ =	shalt  }
0x80: {  	_ =	shalt  }
0x81: {  	_ =	shalt  }
0x82: {  	_ =	shalt  }
0x83: {  	_ =	shalt  }
0x84: {  	_ =	shalt  }
0x85: {  	_ =	shalt  }
0x86: {  	_ =	shalt  }
0x87: {  	_ =	shalt  }
.Lfunc_end0:
.L_simem_size_0:
called_computation.2_lowered:
.L_overlay_start_0:
0x88: {  	s2 =	sld [smem:$0x3FD9]  }
0x89: {  	s3 =	sld [smem:$0x3FFE];
	_ =	sdelay $0x1  }
0x8a: {  	s1 =	srdreg.scid  }
0x8b: {  	s0 =	sand.u32 $0x1, s1  }
0x8c: {  	s16 =	sshll.u32 s0, $0xA;
	s2 =	sadd.s32 s3, s2  }
0x8d: {  	s2 =	sadd.s32 s2, s16  }
0x8e: {  	[smem:$0x3FB4] =	sst s2  }
0x8f: {  	_ = 	snop  }
0x90: {  	(tm) =	ssettm $0x1  }
0x91: {  	s17 =	sld [smem:$0x3FFB];
	_ =	sdelay $0x3  }
0x92: {  	_ =	strace s17  }
0x93: {  	s2 =	sld [smem:$0x3FFC];
	_ =	sdelay $0x3  }
0x94: {  	_ =	strace s2  }
0x95: {  	s2 =	sld [smem:$0x3FFD];
	_ =	sdelay $0x3  }
0x96: {  	_ =	strace s2  }
0x97: {  	_ =	strace $0x8FFFFFFF  }
0x98: {  	s18 =	sld [smem:$0x3FDB];
	_ =	sdelay $0x1  }
0x99: {  	s19 =	simm.s32 $_scs_section_size  }
0x9a: {  	s4 =	simm.s32 $_size__tile_overlayer_lowered;
	s5 =	simm.s32 $_tile_overlayer_lowered  }
0x9b: {  	s22 =	simm.s32 $0x1BFF;
	s21 =	sshll.u32 s5, $0x1;
	s2 =	sadd.s32 s19, s18  }
0x9c: {  	s6 =	simm.s32 $0x0;
	s20 =	sshll.u32 s4, $0x1;
	s4 =	sadd.s32 s21, s2  }
0x9d: {  	[timem:s6], [sflag:s22] =	dma.local [hbm:s4], s20  }
0x9e: {  	_ =	swait.ge [sflag:s22], s20  }
0x9f: {  	s3 =	ssub.s32 $0x0, s20;
	[sflag:s22] =	ssyncset.done $0x0  }
0xa0: {  	[sflag:s22] =	ssyncadd.s32 s3;
	_ =	sdelay $0x1  }
0xa1: {  	s23 =	simm.s32 $0x1B8B  }
0xa2: {  	_ =	swait.ge [sflag:s23], $0x1  }
0xa3: {  	[sflag:s23] =	ssyncset.done $0x0  }
0xa4: {  	s25 =	simm.s32 $0x1B8E;
	s24 =	sld [smem:$0x3FFE];
	[sflag:s23] =	ssyncadd.s32 $0xFFFFFFFF  }
0xa5: {  	s26 =	simm.s32 $execute0_lowered;
	[smem:$0x3FD2] =	sst s25  }
0xa6: {  	s4 =	sshll.u32 s26, $0x1;
	_ =	strace $0x8000004C;
	[dreg:$0x1] =	wrdreg $0xFFFFFFFF  }
0xa7: {  	s28 =	simm.s32 $_size_execute0_lowered;
	s2 =	sadd.s32 s2, s4;
	[dreg:$0x0] =	wrdreg $0x0  }
0xa8: {  	s4 =	sshll.u32 s28, $0x1;
	[dreg:$0x2] =	wrdreg s2  }
0xa9: {  	[dreg:$0x3] =	wrdreg s4  }
0xaa: {  	[dreg:$0x4] =	wrdreg $0xC0  }
0xab: {  	_ =	task [dreg:s6], $0x5FFFF  }
0xac: {  	[dreg:$0x1] =	wrdreg $0xFFFFFFFF  }
0xad: {  	[dreg:$0x0] =	wrdreg $0x60  }
0xae: {  	[dreg:$0x2] =	wrdreg s24  }
0xaf: {  	[dreg:$0x3] =	wrdreg $0xC6000  }
0xb0: {  	[dreg:$0x4] =	wrdreg $0x9  }
0xb1: {  	_ =	task.clear_ibuf [dreg:s6], $0x5FFFF;
	_ =	strace $0x9000004C  }
0xb2: {  	s29 =	simm.s32 $0x9;
	_ =	strace $0x8000004E  }
0xb3: {  	_ =	swait.ge [sflag:s29], $0x1  }
0xb4: {  	[sflag:s29] =	ssyncadd.s32 $0xFFFFFFFF  }
0xb5: {  	_ =	strace $0x9000004E  }
0xb6: {  	_ =	sfence  }
0xb7: {  	s30 =	sld [smem:$0x0];
	_ =	sdelay $0x2  }
0xb8: {  	s31 =	sshll.u32 s1, $0xD;
	s1 =	sshrl.u32 s1, $0x2  }
0xb9: {  	s3 =	sand.u32 $0x4000, s31;
	s1 =	sadd.s32 s1, s30  }
0xba: {  	s0 =	sor.u32 s3, s0;
	s1 =	sshll.u32 s1, $0x11  }
0xbb: {  	s0 =	sor.u32 s1, s0  }
0xbc: {  	s0 =	sadd.s32 $0x8F2B, s0  }
0xbd: {  	[sflag:s0] =	ssyncadd.remote.s32 $0x1  }
0xbe: {  	_ =	sfence.sel $0xFFFF  }
0xbf: {  	[dreg:$0x0] =	wrdreg $0xFFFFFFFF;
	(pc) =	sbr.abs _section_cstart, $3  }
0xc0: {  	[dreg:$0x1] =	wrdreg $0xFFFFFFFF  }
0xc1: {  	_ =	task.clear_ibuf [dreg:s6], $0x2FFFF;
	_ =	strace $0x9FFFFFFF  }
0xc2: {  	(tm) =	ssettm $0x7FFFFFFF  }
0xc3: {  	_ =	shalt  }
tec
execute0_lowered:
.L_overlay_start_1:
0x0: {  	(tag) =	ssettag $0x1  }
0x1: {  	s0 =	rddreg [dreg:$0x0]  }
0x2: {  	s1 =	rddreg [dreg:$0x1]  }
0x3: {  	s2 =	simm.s32 $0x0;
	s3 =	srdreg.scid;
	s5 =	stileid.u32  }
0x4: {  	s28 =	simm.s32 $0x80;
	s30 =	simm.s32 $0x200;
	s29 =	simm.s32 $0x500  }
0x5: {  	[smem:$0x7FF] =	sst s2;
	s4 =	sadd.s32 $0x18000, s0;
	s31 =	sadd.s32 $0xE200, s0  }
0x6: {  	s6 =	sadd.s32 $0x4400, s0;
	s3 =	sand.u32 $0x1, s3;
	s8 =	smul.u32 $0x4E000, s5  }
0x7: {  	s7 =	sshll.u32 s5, $0x1;
	s0 =	sadd.s32 $0x8D600, s0;
	s25 =	smul.u32 $0x4E20, s5  }
0x8: {  	s24 =	sadd.s32 $0x138000, s1;
	s21 =	smul.u32 $0x13800, s5;
	p0 =	sne.s32 s5, $0xF  }
0x9: {  	s5 =	simm.s32 $0x180;
	_ =	strace $0x8000004D;
	s12 =	smul.u32 $0x2710, s3  }
0xa: {  	s9 =	ssub.s32 $0x2, s3;
	s7 =	sor.u32 s3, s7;
	s3 =	smul.u32 $0x138800, s3  }
0xb: {  	[dreg:$0x12] =	wrdreg s24;
	s10 =	sshrl.u32 s9, $0x1;
	s8 =	sshrl.u32 s8, $0x2  }
0xc: {  	s7 =	smul.u32 $0x2710, s7;
	s9 =	ssub.s32 s9, s10;
	s23 =	sadd.s32 s8, s1  }
0xd: {  	s8 =	sadd.s32 s12, s25;
	s26 =	sadd.s32 $0x4000, s23;
	s11 =	sadd.s32 $0x8000, s23  }
0xe: {  	s13 =	sadd.s32 $0x10000, s23;
	s7 =	sshrl.u32 s7, $0x3;
	[dreg:$0xd] =	wrdreg s23  }
0xf: {  	s17 =	sadd.s32 $0x400, s8;
	s19 =	sadd.s32 $0x380, s8;
	[dreg:$0xe] =	wrdreg s26  }
0x10: {  	s25 =	sadd.s32 $0x280, s8;
	[dreg:$0xf] =	wrdreg s11;
	s11 =	sadd.s32 $0xC000, s23  }
0x11: {  	[dreg:$0x11] =	wrdreg s13;
	s14 =	sadd.s32 s31, s7;
	s15 =	sadd.s32 s6, s7  }
0x12: {  	s16 =	sadd.s32 $0x10, s7;
	s18 =	sshrl.u32 s17, $0x3;
	[dreg:$0x10] =	wrdreg s11  }
0x13: {  	s20 =	sshrl.u32 s19, $0x3;
	s13 =	sadd.s32 $0x20, s7;
	[dreg:$0x13] =	wrdreg s14  }
0x14: {  	s17 =	sadd.s32 $0x180, s8;
	[dreg:$0x14] =	wrdreg s15;
	s12 =	sadd.s32 s31, s16  }
0x15: {  	s7 =	sadd.s32 $0x4E0, s7;
	s10 =	sadd.s32 s6, s16;
	[dreg:$0x15] =	wrdreg s12  }
0x16: {  	s11 =	sadd.s32 s18, s6;
	s22 =	sadd.s32 s20, s6;
	[dreg:$0x16] =	wrdreg s10  }
0x17: {  	s14 =	sadd.s32 $0x200, s8;
	s16 =	sadd.s32 s31, s13;
	[dreg:$0x3] =	wrdreg s11  }
0x18: {  	s10 =	sadd.s32 s18, s31;
	[dreg:$0x5] =	wrdreg s22;
	s12 =	sadd.s32 s21, s3  }
0x19: {  	s11 =	sadd.s32 s20, s31;
	s3 =	sshrl.u32 s3, $0x3;
	[dreg:$0x18] =	wrdreg s16  }
0x1a: {  	s18 =	sadd.s32 s6, s13;
	s21 =	sadd.s32 s31, s7;
	[dreg:$0x4] =	wrdreg s10  }
0x1b: {  	s7 =	sadd.s32 s6, s7;
	s22 =	smax.u32 s9, $0x1;
	[dreg:$0x6] =	wrdreg s11  }
0x1c: {  	s9 =	simm.s32 $0x280;
	s13 =	simm.s32 $0x400;
	[dreg:$0x19] =	wrdreg s18  }
0x1d: {  	s16 =	simm.s32 $0x8600;
	s10 =	sshrl.u32 s25, $0x3;
	[dreg:$0x1a] =	wrdreg s21  }
0x1e: {  	s12 =	sshrl.u32 s12, $0x3;
	s11 =	sshrl.u32 s14, $0x3;
	[dreg:$0x1b] =	wrdreg s7  }
0x1f: {  	[dreg:$0x1d] =	wrdreg s22;
	s14 =	simm.s32 $0x1;
	s18 =	simm.s32 $0x3  }
0x20: {  	s21 =	simm.s32 $0x6;
	s22 =	simm.s32 $0x7;
	s12 =	sadd.s32 s0, s12  }
0x21: {  	s7 =	simm.s32 $0x0;
	s26 =	sadd.s32 s10, s6;
	[dreg:$0x17] =	wrdreg s12  }
0x22: {  	s10 =	sadd.s32 s10, s31;
	s0 =	sadd.s32 s0, s3;
	[dreg:$0x7] =	wrdreg s26  }
0x23: {  	s15 =	sadd.s32 s11, s6;
	s19 =	sadd.s32 s11, s31;
	[dreg:$0x8] =	wrdreg s10  }
0x24: {  	s3 =	sshrl.u32 s17, $0x3;
	s11 =	simm.s32 $0x380;
	[dreg:$0x9] =	wrdreg s15  }
0x25: {  	s17 =	simm.s32 $0x2;
	[dreg:$0xa] =	wrdreg s19;
	s20 =	sadd.s32 s3, s6  }
0x26: {  	s0 =	sadd.s32 $0x27000, s0;
	s25 =	sadd.s32 s3, s31;
	[dreg:$0xb] =	wrdreg s20  }
0x27: {  	s26 =	sadd.s32 $0x300, s8;
	s3 =	simm.s32 $0x100;
	[dreg:$0x1c] =	wrdreg s0  }
0x28: {  	s10 =	simm.s32 $0x300;
	s15 =	simm.s32 $0x4600;
	[dreg:$0x1e] =	wrdreg s26  }
0x29: {  	s19 =	simm.s32 $0x4;
	s8 =	simm.s32 $0x580;
	[dreg:$0xc] =	wrdreg s25  }
0x2a: {  	v0 =	vimm.f32 $0.0e+00;
	s25 =	simm.s32 $0x600;
	s26 =	simm.s32 $0x8;
	s20 =	simm.s32 $0x5  }
.LBB2_1:
0x2b: {  	[dreg:$0x1f] =	wrdreg s7;
	s7 =	simm.s32 $0x0;
	s12 =	simm.s32 $0x200  }
.LBB2_2:
0x2c: {  	p1 =	sne.s32 s12, $0xFE00;
	[tilespmem:s7+$0x670] =	vst v0  }
0x2d: {  	[tilespmem:s7+$0x600] =	vst v0  }
0x2e: {  	[tilespmem:s7+$0x610] =	vst v0  }
.Ltmp0:
0x2f: {  	[tilespmem:s7+$0x620] =	vst v0;
	(pc) =	sbr.rel @p1 .LBB2_2-.Ltmp0, $4  }
0x30: {  	[tilespmem:s7+$0x630] =	vst v0  }
0x31: {  	[tilespmem:s7+$0x640] =	vst v0  }
0x32: {  	[tilespmem:s7+$0x650] =	vst v0  }
0x33: {  	[tilespmem:s7+$0x660] =	vst v0;
	s7 =	sshra.s32 s12, $0x2;
	s12 =	sadd.s32 $0x200, s12  }
0x34: {  	[tilespmem:s7+$0x670] =	vst v0  }
0x35: {  	[tilespmem:s7+$0x600] =	vst v0  }
0x36: {  	[tilespmem:s7+$0x610] =	vst v0  }
0x37: {  	[tilespmem:s7+$0x620] =	vst v0  }
0x38: {  	[tilespmem:s7+$0x630] =	vst v0  }
0x39: {  	[tilespmem:s7+$0x640] =	vst v0  }
0x3a: {  	[tilespmem:s7+$0x650] =	vst v0  }
0x3b: {  	[tilespmem:s7+$0x660] =	vst v0  }
0x3c: {  	[spmem:s23] =	stream.linear.scatter [tilespmem:s25], [sflag:$0x8], $0x4000, $0x38;
	[tilespmem:$0x1FE80] =	vst v63  }
0x3d: {  	_ =	swait.ge [sflag:s26], $0x4000  }
0x3e: {  	[sflag:s26] =	ssyncset.done $0x0  }
0x3f: {  	s0 =	rddreg [dreg:$0xe];
	[sflag:s26] =	ssyncadd.s32 $0xFFFFC000  }
0x40: {  	[spmem:s0] =	stream.linear.scatter [tilespmem:s25], [sflag:$0x8], $0x4000, $0x38;
	[tilespmem:$0x1FE80] =	vst v63  }
0x41: {  	_ =	swait.ge [sflag:s26], $0x4000  }
0x42: {  	[sflag:s26] =	ssyncset.done $0x0  }
0x43: {  	s7 =	rddreg [dreg:$0xf];
	[sflag:s26] =	ssyncadd.s32 $0xFFFFC000  }
0x44: {  	[spmem:s7] =	stream.linear.scatter [tilespmem:s25], [sflag:$0x8], $0x4000, $0x38;
	[tilespmem:$0x1FE80] =	vst v63  }
0x45: {  	_ =	swait.ge [sflag:s26], $0x4000  }
0x46: {  	[sflag:s26] =	ssyncset.done $0x0  }
0x47: {  	s12 =	rddreg [dreg:$0x10];
	[sflag:s26] =	ssyncadd.s32 $0xFFFFC000  }
0x48: {  	[spmem:s12] =	stream.linear.scatter [tilespmem:s25], [sflag:$0x8], $0x4000, $0x38;
	[tilespmem:$0x1FE80] =	vst v63  }
0x49: {  	_ =	swait.ge [sflag:s26], $0x4000  }
0x4a: {  	[sflag:s26] =	ssyncset.done $0x0  }
0x4b: {  	s23 =	rddreg [dreg:$0x11];
	[sflag:s26] =	ssyncadd.s32 $0xFFFFC000  }
0x4c: {  	[spmem:s23] =	stream.linear.scatter [tilespmem:s25], [sflag:$0x8], $0x3800, $0x38;
	[tilespmem:$0x1FE80] =	vst v63  }
0x4d: {  	_ =	swait.ge [sflag:s26], $0x3800  }
0x4e: {  	[sflag:s26] =	ssyncset.done $0x0  }
0x4f: {  	s7 =	simm.s32 @!p0 $0x600;
	[sflag:s26] =	ssyncadd.s32 $0xFFFFC800  }
0x50: {  	[spmem:s24] =	stream.linear.scatter @!p0 [tilespmem:s7], [sflag:$0x8], $0x800, $0x38;
	[tilespmem:$0x1FE80] =	vst v63  }
0x51: {  	s7 =	simm.s32 @!p0 $0x8  }
0x52: {  	_ =	swait.ge @!p0 [sflag:s7], $0x800  }
0x53: {  	[sflag:s7] =	ssyncset.done @!p0 $0x0  }
0x54: {  	[sflag:s7] =	ssyncadd.s32 @!p0 $0xFFFFF800  }
0x55: {  	[bflag:$0x0] =	sbarrier.arrive $0xFFFF  }
0x56: {  	s24 =	rddreg [dreg:$0x13]  }
0x57: {  	s7 =	simm.s32 $0x0;
	s26 =	rddreg [dreg:$0x14]  }
0x58: {  	[tilespmem:s7], [sflag:$0x1] =	stream.linear.gather [hbm4b:s24+s7], $0x80, $0x38;
	[tilespmem:$0x1FE80] =	vst v63  }
0x59: {  	s12 =	rddreg [dreg:$0x15]  }
0x5a: {  	[tilespmem:s28], [sflag:$0x1] =	stream.linear.gather [hbm4b:s26+s7], $0x80, $0x38;
	[tilespmem:$0x1FE80] =	vst v63  }
0x5b: {  	s23 =	rddreg [dreg:$0x16]  }
0x5c: {  	[tilespmem:s3], [sflag:$0x1] =	stream.linear.gather [hbm4b:s12+s7], $0x80, $0x38;
	[tilespmem:$0x1FE80] =	vst v63  }
0x5d: {  	s24 =	rddreg [dreg:$0x18]  }
0x5e: {  	[tilespmem:s5], [sflag:$0x1] =	stream.linear.gather [hbm4b:s23+s7], $0x80, $0x38;
	[tilespmem:$0x1FE80] =	vst v63  }
0x5f: {  	s26 =	rddreg [dreg:$0x19]  }
0x60: {  	[tilespmem:s30], [sflag:$0x1] =	stream.linear.gather [hbm4b:s24+s7], $0x80, $0x38;
	[tilespmem:$0x1FE80] =	vst v63  }
0x61: {  	s12 =	rddreg [dreg:$0xc]  }
0x62: {  	[tilespmem:s9], [sflag:$0x1] =	stream.linear.gather [hbm4b:s26+s7], $0x80, $0x38;
	[tilespmem:$0x1FE80] =	vst v63  }
0x63: {  	s12 =	sadd.s32 $0x0, s12;
	s23 =	rddreg [dreg:$0xb]  }
0x64: {  	[tilespmem:s10], [sflag:$0x1] =	stream.linear.gather [hbm4b:s12+s2], $0x80, $0x38;
	[tilespmem:$0x1FE80] =	vst v63  }
0x65: {  	s24 =	rddreg [dreg:$0xa];
	s7 =	sadd.s32 $0x0, s23  }
0x66: {  	[tilespmem:s11], [sflag:$0x1] =	stream.linear.gather [hbm4b:s7+s2], $0x80, $0x38;
	[tilespmem:$0x1FE80] =	vst v63  }
0x67: {  	s0 =	sadd.s32 $0x0, s24;
	s26 =	rddreg [dreg:$0x9]  }
0x68: {  	[tilespmem:s13], [sflag:$0x1] =	stream.linear.gather [hbm4b:s0+s2], $0x80, $0x38;
	[tilespmem:$0x1FE80] =	vst v63  }
0x69: {  	s23 =	rddreg [dreg:$0x8];
	s24 =	sadd.s32 $0x0, s26;
	s26 =	simm.s32 $0x480  }
0x6a: {  	[tilespmem:s26], [sflag:$0x1] =	stream.linear.gather [hbm4b:s24+s2], $0x80, $0x38;
	[tilespmem:$0x1FE80] =	vst v63  }
0x6b: {  	s23 =	sadd.s32 $0x0, s23;
	s0 =	rddreg [dreg:$0x7]  }
0x6c: {  	[tilespmem:s29], [sflag:$0x1] =	stream.linear.gather [hbm4b:s23+s2], $0x80, $0x38;
	[tilespmem:$0x1FE80] =	vst v63  }
0x6d: {  	s24 =	sadd.s32 $0x0, s0  }
0x6e: {  	[tilespmem:s8], [sflag:$0x1] =	stream.linear.gather [hbm4b:s24+s2], $0x80, $0x38;
	[tilespmem:$0x1FE80] =	vst v63  }
0x6f: {  	_ =	swait.ge [sflag:s14], $0x80  }
0x70: {  	[sflag:s14] =	ssyncset.done $0x0  }
0x71: {  	[sflag:s14] =	ssyncadd.s32 $0xFFFFFF80  }
0x72: {  	_ =	swait.ge [sflag:s14], $0x80  }
0x73: {  	[sflag:s14] =	ssyncset.done $0x0  }
0x74: {  	[sflag:s14] =	ssyncadd.s32 $0xFFFFFF80  }
0x75: {  	_ =	swait.ge [sflag:s14], $0x80  }
0x76: {  	[sflag:s14] =	ssyncset.done $0x0  }
0x77: {  	[sflag:s14] =	ssyncadd.s32 $0xFFFFFF80  }
0x78: {  	_ =	swait.ge [sflag:s14], $0x80  }
0x79: {  	[sflag:s14] =	ssyncset.done $0x0  }
0x7a: {  	[sflag:s14] =	ssyncadd.s32 $0xFFFFFF80  }
0x7b: {  	_ =	swait.ge [sflag:s14], $0x80  }
0x7c: {  	[sflag:s14] =	ssyncset.done $0x0  }
0x7d: {  	[sflag:s14] =	ssyncadd.s32 $0xFFFFFF80  }
0x7e: {  	_ =	swait.ge [sflag:s14], $0x80  }
0x7f: {  	[sflag:s14] =	ssyncset.done $0x0  }
0x80: {  	[sflag:s14] =	ssyncadd.s32 $0xFFFFFF80  }
0x81: {  	[tilespmem:s25], [sflag:$0x2] =	stream.indirect.gather [hbm4b:s4+s28], $0x80, s2, s28, $0xb8;
	[tilespmem:$0x1FE80] =	vst v63  }
0x82: {  	_ = 	snop  }
0x83: {  	[tilespmem:s15], [sflag:$0x3] =	stream.indirect.gather [hbm4b:s4+s28], $0x80, s3, s28, $0xb8;
	[tilespmem:$0x1FE80] =	vst v63  }
0x84: {  	_ = 	snop  }
0x85: {  	[tilespmem:s16], [sflag:$0x4] =	stream.indirect.gather [hbm4b:s4+s28], $0x80, s30, s28, $0xb8;
	[tilespmem:$0x1FE80] =	vst v63  }
0x86: {  	_ =	swait.ge [sflag:s17], $0x4000  }
0x87: {  	[sflag:s17] =	ssyncset.done $0x0  }
0x88: {  	[sflag:s17] =	ssyncadd.s32 $0xFFFFC000  }
0x89: {  	[spmem:s1] =	stream.indirect.scatter.add.f32 [tilespmem:s25], [sflag:$0x5], $0x80, s28, s28, $0xb8;
	[tilespmem:$0x1FE80] =	vst v63  }
0x8a: {  	_ =	swait.ge [sflag:s18], $0x4000  }
0x8b: {  	[sflag:s18] =	ssyncset.done $0x0  }
0x8c: {  	[sflag:s18] =	ssyncadd.s32 $0xFFFFC000  }
0x8d: {  	[spmem:s1] =	stream.indirect.scatter.add.f32 [tilespmem:s15], [sflag:$0x6], $0x80, s5, s28, $0xb8;
	[tilespmem:$0x1FE80] =	vst v63  }
0x8e: {  	_ =	swait.ge [sflag:s19], $0x4000  }
0x8f: {  	[sflag:s19] =	ssyncset.done $0x0  }
0x90: {  	[sflag:s19] =	ssyncadd.s32 $0xFFFFC000  }
0x91: {  	[spmem:s1] =	stream.indirect.scatter.add.f32 [tilespmem:s16], [sflag:$0x7], $0x80, s9, s28, $0xb8;
	[tilespmem:$0x1FE80] =	vst v63  }
0x92: {  	_ =	swait.ge [sflag:s14], $0x80  }
0x93: {  	[sflag:s14] =	ssyncset.done $0x0  }
0x94: {  	[sflag:s14] =	ssyncadd.s32 $0xFFFFFF80  }
0x95: {  	_ =	swait.ge [sflag:s14], $0x80  }
0x96: {  	[sflag:s14] =	ssyncset.done $0x0  }
0x97: {  	[sflag:s14] =	ssyncadd.s32 $0xFFFFFF80  }
0x98: {  	_ =	swait.ge [sflag:s14], $0x80  }
0x99: {  	[sflag:s14] =	ssyncset.done $0x0  }
0x9a: {  	[sflag:s14] =	ssyncadd.s32 $0xFFFFFF80  }
0x9b: {  	_ =	swait.ge [sflag:s14], $0x80  }
0x9c: {  	[sflag:s14] =	ssyncset.done $0x0  }
0x9d: {  	[sflag:s14] =	ssyncadd.s32 $0xFFFFFF80  }
0x9e: {  	_ =	swait.ge [sflag:s14], $0x80  }
0x9f: {  	[sflag:s14] =	ssyncset.done $0x0  }
0xa0: {  	[sflag:s14] =	ssyncadd.s32 $0xFFFFFF80  }
0xa1: {  	_ =	swait.ge [sflag:s14], $0x80  }
0xa2: {  	[sflag:s14] =	ssyncset.done $0x0  }
0xa3: {  	[sflag:s14] =	ssyncadd.s32 $0xFFFFFF80  }
0xa4: {  	_ =	swait.ge [sflag:s20], $0x4000  }
0xa5: {  	[sflag:s20] =	ssyncset.done $0x0  }
0xa6: {  	[sflag:s20] =	ssyncadd.s32 $0xFFFFC000  }
0xa7: {  	[tilespmem:s25], [sflag:$0x2] =	stream.indirect.gather [hbm4b:s4+s28], $0x80, s10, s28, $0xb8;
	[tilespmem:$0x1FE80] =	vst v63  }
0xa8: {  	_ =	swait.ge [sflag:s21], $0x4000  }
0xa9: {  	[sflag:s21] =	ssyncset.done $0x0  }
0xaa: {  	[sflag:s21] =	ssyncadd.s32 $0xFFFFC000  }
0xab: {  	[tilespmem:s15], [sflag:$0x3] =	stream.indirect.gather [hbm4b:s4+s28], $0x80, s13, s28, $0xb8;
	[tilespmem:$0x1FE80] =	vst v63  }
0xac: {  	_ =	swait.ge [sflag:s22], $0x4000  }
0xad: {  	p1 =	por $0x0, $0x0;
	[sflag:s22] =	ssyncset.done $0x0;
	s0 =	rddreg [dreg:$0x1e]  }
0xae: {  	s7 =	sshrl.u32 @!p1 s0, $0x3;
	[sflag:s22] =	ssyncadd.s32 $0xFFFFC000  }
0xaf: {  	[tilespmem:s16], [sflag:$0x4] =	stream.indirect.gather [hbm4b:s4+s28], $0x80, s29, s28, $0xb8;
	[tilespmem:$0x1FE80] =	vst v63  }
0xb0: {  	s12 =	simm.s32 @!p1 $0x0;
	s23 =	sadd.s32 @!p1 s31, s7  }
0xb1: {  	[tilespmem:s12], [sflag:$0x1] =	stream.linear.gather @!p1 [hbm4b:s23+s12], $0x80, $0x38;
	[tilespmem:$0x1FE80] =	vst v63  }
0xb2: {  	s24 =	simm.s32 @!p1 $0x80;
	s7 =	sadd.s32 @!p1 s6, s7;
	s23 =	rddreg [dreg:$0x6]  }
0xb3: {  	[tilespmem:s24], [sflag:$0x1] =	stream.linear.gather @!p1 [hbm4b:s7+s12], $0x80, $0x38;
	[tilespmem:$0x1FE80] =	vst v63  }
0xb4: {  	s23 =	sadd.s32 @!p1 $0x0, s23;
	s7 =	rddreg [dreg:$0x5];
	s24 =	simm.s32 @!p1 $0x100  }
0xb5: {  	[tilespmem:s24], [sflag:$0x1] =	stream.linear.gather @!p1 [hbm4b:s23+s12], $0x80, $0x38;
	[tilespmem:$0x1FE80] =	vst v63  }
0xb6: {  	s7 =	sadd.s32 @!p1 $0x0, s7;
	s23 =	rddreg [dreg:$0x4];
	s24 =	simm.s32 @!p1 $0x180  }
0xb7: {  	[tilespmem:s24], [sflag:$0x1] =	stream.linear.gather @!p1 [hbm4b:s7+s12], $0x80, $0x38;
	[tilespmem:$0x1FE80] =	vst v63  }
0xb8: {  	s23 =	sadd.s32 @!p1 $0x0, s23;
	s7 =	rddreg [dreg:$0x3];
	s24 =	simm.s32 @!p1 $0x200  }
0xb9: {  	[tilespmem:s24], [sflag:$0x1] =	stream.linear.gather @!p1 [hbm4b:s23+s12], $0x80, $0x38;
	[tilespmem:$0x1FE80] =	vst v63  }
0xba: {  	s7 =	sadd.s32 @!p1 $0x0, s7;
	s23 =	simm.s32 @!p1 $0x280  }
0xbb: {  	[tilespmem:s23], [sflag:$0x1] =	stream.linear.gather @!p1 [hbm4b:s7+s12], $0x80, $0x38;
	[tilespmem:$0x1FE80] =	vst v63  }
0xbc: {  	_ =	swait.ge [sflag:s17], $0x4000  }
0xbd: {  	[sflag:s17] =	ssyncset.done $0x0  }
0xbe: {  	[sflag:s17] =	ssyncadd.s32 $0xFFFFC000  }
0xbf: {  	[spmem:s1] =	stream.indirect.scatter.add.f32 [tilespmem:s25], [sflag:$0x5], $0x80, s11, s28, $0xb8;
	[tilespmem:$0x1FE80] =	vst v63  }
0xc0: {  	_ =	swait.ge [sflag:s18], $0x4000  }
0xc1: {  	[sflag:s18] =	ssyncset.done $0x0  }
0xc2: {  	[sflag:s18] =	ssyncadd.s32 $0xFFFFC000  }
0xc3: {  	[spmem:s1] =	stream.indirect.scatter.add.f32 [tilespmem:s15], [sflag:$0x6], $0x80, s26, s28, $0xb8;
	[tilespmem:$0x1FE80] =	vst v63  }
0xc4: {  	_ =	swait.ge [sflag:s19], $0x4000  }
0xc5: {  	[sflag:s19] =	ssyncset.done $0x0  }
0xc6: {  	[sflag:s19] =	ssyncadd.s32 $0xFFFFC000  }
0xc7: {  	[spmem:s1] =	stream.indirect.scatter.add.f32 [tilespmem:s16], [sflag:$0x7], $0x80, s8, s28, $0xb8;
	[tilespmem:$0x1FE80] =	vst v63  }
0xc8: {  	_ =	swait.ge [sflag:s20], $0x4000  }
0xc9: {  	s3 =	smov.u32 s6;
	[sflag:s20] =	ssyncset.done $0x0  }
0xca: {  	s9 =	simm.s32 $0x400;
	s10 =	simm.s32 $0x500;
	[sflag:s20] =	ssyncadd.s32 $0xFFFFC000  }
0xcb: {  	s13 =	simm.s32 $0x380;
	s6 =	simm.s32 $0x480;
	_ =	swait.ge [sflag:s21], $0x4000  }
0xcc: {  	s24 =	smov.u32 s0;
	s12 =	simm.s32 $0x60;
	[sflag:s21] =	ssyncset.done $0x0  }
0xcd: {  	s7 =	simm.s32 $0xC0;
	s11 =	simm.s32 $0x300;
	[sflag:s21] =	ssyncadd.s32 $0xFFFFC000  }
.LBB2_4:
0xce: {  	_ =	swait.ge [sflag:s22], $0x4000  }
0xcf: {  	s26 =	rddreg [dreg:$0xc];
	[sflag:s22] =	ssyncset.done $0x0  }
0xd0: {  	s30 =	rddreg [dreg:$0xb];
	[sflag:s22] =	ssyncadd.s32 $0xFFFFC000;
	s26 =	sadd.s32 s12, s26  }
0xd1: {  	[tilespmem:s11], [sflag:$0x1] =	stream.linear.gather [hbm4b:s26+s2], $0x80, $0x38;
	[tilespmem:$0x1FE80] =	vst v63  }
0xd2: {  	s29 =	rddreg [dreg:$0xa];
	s0 =	sadd.s32 s12, s30  }
0xd3: {  	[tilespmem:s13], [sflag:$0x1] =	stream.linear.gather [hbm4b:s0+s2], $0x80, $0x38;
	[tilespmem:$0x1FE80] =	vst v63  }
0xd4: {  	s5 =	rddreg [dreg:$0x9];
	s0 =	sadd.s32 s12, s29  }
0xd5: {  	[tilespmem:s9], [sflag:$0x1] =	stream.linear.gather [hbm4b:s0+s2], $0x80, $0x38;
	[tilespmem:$0x1FE80] =	vst v63  }
0xd6: {  	s5 =	sadd.s32 s12, s5;
	s29 =	rddreg [dreg:$0x8]  }
0xd7: {  	[tilespmem:s6], [sflag:$0x1] =	stream.linear.gather [hbm4b:s5+s2], $0x80, $0x38;
	[tilespmem:$0x1FE80] =	vst v63  }
0xd8: {  	s0 =	rddreg [dreg:$0x7];
	s5 =	sadd.s32 s12, s29  }
0xd9: {  	[tilespmem:s10], [sflag:$0x1] =	stream.linear.gather [hbm4b:s5+s2], $0x80, $0x38;
	[tilespmem:$0x1FE80] =	vst v63  }
0xda: {  	s6 =	sadd.s32 s12, s0  }
0xdb: {  	[tilespmem:s8], [sflag:$0x1] =	stream.linear.gather [hbm4b:s6+s2], $0x80, $0x38;
	[tilespmem:$0x1FE80] =	vst v63  }
0xdc: {  	_ =	swait.ge [sflag:s14], $0x80  }
0xdd: {  	[sflag:s14] =	ssyncset.done $0x0  }
0xde: {  	[sflag:s14] =	ssyncadd.s32 $0xFFFFFF80  }
0xdf: {  	_ =	swait.ge [sflag:s14], $0x80  }
0xe0: {  	[sflag:s14] =	ssyncset.done $0x0  }
0xe1: {  	[sflag:s14] =	ssyncadd.s32 $0xFFFFFF80  }
0xe2: {  	_ =	swait.ge [sflag:s14], $0x80  }
0xe3: {  	[sflag:s14] =	ssyncset.done $0x0  }
0xe4: {  	[sflag:s14] =	ssyncadd.s32 $0xFFFFFF80  }
0xe5: {  	_ =	swait.ge [sflag:s14], $0x80  }
0xe6: {  	[sflag:s14] =	ssyncset.done $0x0  }
0xe7: {  	[sflag:s14] =	ssyncadd.s32 $0xFFFFFF80  }
0xe8: {  	_ =	swait.ge [sflag:s14], $0x80  }
0xe9: {  	[sflag:s14] =	ssyncset.done $0x0  }
0xea: {  	[sflag:s14] =	ssyncadd.s32 $0xFFFFFF80  }
0xeb: {  	_ =	swait.ge [sflag:s14], $0x80  }
0xec: {  	[sflag:s14] =	ssyncset.done $0x0  }
0xed: {  	[sflag:s14] =	ssyncadd.s32 $0xFFFFFF80  }
0xee: {  	[tilespmem:s25], [sflag:$0x2] =	stream.indirect.gather [hbm4b:s4+s28], $0x80, s2, s28, $0xb8;
	[tilespmem:$0x1FE80] =	vst v63  }
0xef: {  	s0 =	simm.s32 $0x100  }
0xf0: {  	[tilespmem:s15], [sflag:$0x3] =	stream.indirect.gather [hbm4b:s4+s28], $0x80, s0, s28, $0xb8;
	[tilespmem:$0x1FE80] =	vst v63  }
0xf1: {  	s26 =	simm.s32 $0x200  }
0xf2: {  	[tilespmem:s16], [sflag:$0x4] =	stream.indirect.gather [hbm4b:s4+s28], $0x80, s26, s28, $0xb8;
	[tilespmem:$0x1FE80] =	vst v63  }
0xf3: {  	_ =	swait.ge [sflag:s17], $0x4000  }
0xf4: {  	[sflag:s17] =	ssyncset.done $0x0  }
0xf5: {  	[sflag:s17] =	ssyncadd.s32 $0xFFFFC000  }
0xf6: {  	[spmem:s1] =	stream.indirect.scatter.add.f32 [tilespmem:s25], [sflag:$0x5], $0x80, s28, s28, $0xb8;
	[tilespmem:$0x1FE80] =	vst v63  }
0xf7: {  	_ =	swait.ge [sflag:s18], $0x4000  }
0xf8: {  	[sflag:s18] =	ssyncset.done $0x0  }
0xf9: {  	s29 =	simm.s32 $0x180;
	[sflag:s18] =	ssyncadd.s32 $0xFFFFC000  }
0xfa: {  	[spmem:s1] =	stream.indirect.scatter.add.f32 [tilespmem:s15], [sflag:$0x6], $0x80, s29, s28, $0xb8;
	[tilespmem:$0x1FE80] =	vst v63  }
0xfb: {  	_ =	swait.ge [sflag:s19], $0x4000  }
0xfc: {  	[sflag:s19] =	ssyncset.done $0x0  }
0xfd: {  	s30 =	simm.s32 $0x280;
	[sflag:s19] =	ssyncadd.s32 $0xFFFFC000  }
0xfe: {  	[spmem:s1] =	stream.indirect.scatter.add.f32 [tilespmem:s16], [sflag:$0x7], $0x80, s30, s28, $0xb8;
	[tilespmem:$0x1FE80] =	vst v63  }
0xff: {  	_ =	swait.ge [sflag:s14], $0x80  }
0x100: {  	[sflag:s14] =	ssyncset.done $0x0  }
0x101: {  	[sflag:s14] =	ssyncadd.s32 $0xFFFFFF80  }
0x102: {  	_ =	swait.ge [sflag:s14], $0x80  }
0x103: {  	[sflag:s14] =	ssyncset.done $0x0  }
0x104: {  	[sflag:s14] =	ssyncadd.s32 $0xFFFFFF80  }
0x105: {  	_ =	swait.ge [sflag:s14], $0x80  }
0x106: {  	[sflag:s14] =	ssyncset.done $0x0  }
0x107: {  	[sflag:s14] =	ssyncadd.s32 $0xFFFFFF80  }
0x108: {  	_ =	swait.ge [sflag:s14], $0x80  }
0x109: {  	[sflag:s14] =	ssyncset.done $0x0  }
0x10a: {  	[sflag:s14] =	ssyncadd.s32 $0xFFFFFF80  }
0x10b: {  	_ =	swait.ge [sflag:s14], $0x80  }
0x10c: {  	[sflag:s14] =	ssyncset.done $0x0  }
0x10d: {  	[sflag:s14] =	ssyncadd.s32 $0xFFFFFF80  }
0x10e: {  	_ =	swait.ge [sflag:s14], $0x80  }
0x10f: {  	[sflag:s14] =	ssyncset.done $0x0  }
0x110: {  	[sflag:s14] =	ssyncadd.s32 $0xFFFFFF80  }
0x111: {  	_ =	swait.ge [sflag:s20], $0x4000  }
0x112: {  	[sflag:s20] =	ssyncset.done $0x0  }
0x113: {  	[sflag:s20] =	ssyncadd.s32 $0xFFFFC000  }
0x114: {  	[tilespmem:s25], [sflag:$0x2] =	stream.indirect.gather [hbm4b:s4+s28], $0x80, s11, s28, $0xb8;
	[tilespmem:$0x1FE80] =	vst v63  }
0x115: {  	_ =	swait.ge [sflag:s21], $0x4000  }
0x116: {  	[sflag:s21] =	ssyncset.done $0x0  }
0x117: {  	[sflag:s21] =	ssyncadd.s32 $0xFFFFC000  }
0x118: {  	[tilespmem:s15], [sflag:$0x3] =	stream.indirect.gather [hbm4b:s4+s28], $0x80, s9, s28, $0xb8;
	[tilespmem:$0x1FE80] =	vst v63  }
0x119: {  	_ =	swait.ge [sflag:s22], $0x4000  }
0x11a: {  	s24 =	sadd.s32 $0x300, s24;
	p2 =	seq.s32 s12, $0x480;
	[sflag:s22] =	ssyncset.done $0x0  }
0x11b: {  	s26 =	sshrl.u32 @!p2 s24, $0x3;
	[sflag:s22] =	ssyncadd.s32 $0xFFFFC000  }
0x11c: {  	[tilespmem:s16], [sflag:$0x4] =	stream.indirect.gather [hbm4b:s4+s28], $0x80, s10, s28, $0xb8;
	[tilespmem:$0x1FE80] =	vst v63  }
0x11d: {  	s6 =	smov.u32 s31;
	s29 =	simm.s32 @!p2 $0x0;
	s30 =	sadd.s32 @!p2 s31, s26  }
0x11e: {  	[tilespmem:s29], [sflag:$0x1] =	stream.linear.gather @!p2 [hbm4b:s30+s29], $0x80, $0x38;
	[tilespmem:$0x1FE80] =	vst v63  }
0x11f: {  	s0 =	simm.s32 @!p2 $0x80;
	s26 =	sadd.s32 @!p2 s3, s26;
	s31 =	rddreg [dreg:$0x6]  }
0x120: {  	[tilespmem:s0], [sflag:$0x1] =	stream.linear.gather @!p2 [hbm4b:s26+s29], $0x80, $0x38;
	[tilespmem:$0x1FE80] =	vst v63  }
0x121: {  	s5 =	rddreg [dreg:$0x5];
	s30 =	sadd.s32 @!p2 s12, s31;
	s0 =	simm.s32 @!p2 $0x100  }
0x122: {  	[tilespmem:s0], [sflag:$0x1] =	stream.linear.gather @!p2 [hbm4b:s30+s29], $0x80, $0x38;
	[tilespmem:$0x1FE80] =	vst v63  }
0x123: {  	s5 =	sadd.s32 @!p2 s12, s5;
	s26 =	rddreg [dreg:$0x4];
	s0 =	simm.s32 @!p2 $0x180  }
0x124: {  	[tilespmem:s0], [sflag:$0x1] =	stream.linear.gather @!p2 [hbm4b:s5+s29], $0x80, $0x38;
	[tilespmem:$0x1FE80] =	vst v63  }
0x125: {  	s30 =	rddreg [dreg:$0x3];
	s0 =	sadd.s32 @!p2 s12, s26;
	s5 =	simm.s32 @!p2 $0x200  }
0x126: {  	[tilespmem:s5], [sflag:$0x1] =	stream.linear.gather @!p2 [hbm4b:s0+s29], $0x80, $0x38;
	[tilespmem:$0x1FE80] =	vst v63  }
0x127: {  	s26 =	simm.s32 @!p2 $0x280;
	s0 =	sadd.s32 @!p2 s12, s30  }
0x128: {  	[tilespmem:s26], [sflag:$0x1] =	stream.linear.gather @!p2 [hbm4b:s0+s29], $0x80, $0x38;
	[tilespmem:$0x1FE80] =	vst v63  }
0x129: {  	_ =	swait.ge [sflag:s17], $0x4000  }
0x12a: {  	[sflag:s17] =	ssyncset.done $0x0  }
0x12b: {  	[sflag:s17] =	ssyncadd.s32 $0xFFFFC000  }
0x12c: {  	[spmem:s1] =	stream.indirect.scatter.add.f32 [tilespmem:s25], [sflag:$0x5], $0x80, s13, s28, $0xb8;
	[tilespmem:$0x1FE80] =	vst v63  }
0x12d: {  	_ =	swait.ge [sflag:s18], $0x4000  }
0x12e: {  	[sflag:s18] =	ssyncset.done $0x0  }
0x12f: {  	s31 =	smov.u32 s6;
	s6 =	simm.s32 $0x480;
	[sflag:s18] =	ssyncadd.s32 $0xFFFFC000  }
0x130: {  	[spmem:s1] =	stream.indirect.scatter.add.f32 [tilespmem:s15], [sflag:$0x6], $0x80, s6, s28, $0xb8;
	[tilespmem:$0x1FE80] =	vst v63  }
0x131: {  	_ =	swait.ge [sflag:s19], $0x4000  }
0x132: {  	[sflag:s19] =	ssyncset.done $0x0  }
0x133: {  	s23 =	smov.u32 s7;
	s7 =	sadd.s32 $0x60, s7;
	[sflag:s19] =	ssyncadd.s32 $0xFFFFC000  }
0x134: {  	[spmem:s1] =	stream.indirect.scatter.add.f32 [tilespmem:s16], [sflag:$0x7], $0x80, s8, s28, $0xb8;
	[tilespmem:$0x1FE80] =	vst v63  }
0x135: {  	p1 =	sne.s32 s7, $0x4E0;
	_ =	swait.ge [sflag:s20], $0x4000  }
.Ltmp1:
0x136: {  	[sflag:s20] =	ssyncset.done $0x0;
	(pc) =	sbr.rel @p1 .LBB2_4-.Ltmp1, $4  }
0x137: {  	[sflag:s20] =	ssyncadd.s32 $0xFFFFC000  }
0x138: {  	_ =	swait.ge [sflag:s21], $0x4000  }
0x139: {  	[sflag:s21] =	ssyncset.done $0x0  }
0x13a: {  	s12 =	smov.u32 s23;
	[sflag:s21] =	ssyncadd.s32 $0xFFFFC000  }
0x13b: {  	_ =	swait.ge [sflag:s22], $0x4000  }
0x13c: {  	s0 =	rddreg [dreg:$0xc];
	[sflag:s22] =	ssyncset.done $0x0  }
0x13d: {  	s5 =	rddreg [dreg:$0xb];
	[sflag:s22] =	ssyncadd.s32 $0xFFFFC000;
	s0 =	sadd.s32 s12, s0  }
0x13e: {  	[tilespmem:s11], [sflag:$0x1] =	stream.linear.gather [hbm4b:s0+s2], $0x80, $0x38;
	[tilespmem:$0x1FE80] =	vst v63  }
0x13f: {  	s7 =	rddreg [dreg:$0xa];
	s5 =	sadd.s32 s12, s5  }
0x140: {  	[tilespmem:s13], [sflag:$0x1] =	stream.linear.gather [hbm4b:s5+s2], $0x80, $0x38;
	[tilespmem:$0x1FE80] =	vst v63  }
0x141: {  	s23 =	rddreg [dreg:$0x9];
	s26 =	sadd.s32 s12, s7  }
0x142: {  	[tilespmem:s9], [sflag:$0x1] =	stream.linear.gather [hbm4b:s26+s2], $0x80, $0x38;
	[tilespmem:$0x1FE80] =	vst v63  }
0x143: {  	s7 =	rddreg [dreg:$0x8];
	s23 =	sadd.s32 s12, s23  }
0x144: {  	[tilespmem:s6], [sflag:$0x1] =	stream.linear.gather [hbm4b:s23+s2], $0x80, $0x38;
	[tilespmem:$0x1FE80] =	vst v63  }
0x145: {  	s26 =	rddreg [dreg:$0x7];
	s23 =	sadd.s32 s12, s7  }
0x146: {  	[tilespmem:s10], [sflag:$0x1] =	stream.linear.gather [hbm4b:s23+s2], $0x80, $0x38;
	[tilespmem:$0x1FE80] =	vst v63  }
0x147: {  	s26 =	sadd.s32 s12, s26  }
0x148: {  	[tilespmem:s8], [sflag:$0x1] =	stream.linear.gather [hbm4b:s26+s2], $0x80, $0x38;
	[tilespmem:$0x1FE80] =	vst v63  }
0x149: {  	_ =	swait.ge [sflag:s14], $0x80  }
0x14a: {  	[sflag:s14] =	ssyncset.done $0x0  }
0x14b: {  	[sflag:s14] =	ssyncadd.s32 $0xFFFFFF80  }
0x14c: {  	_ =	swait.ge [sflag:s14], $0x80  }
0x14d: {  	[sflag:s14] =	ssyncset.done $0x0  }
0x14e: {  	[sflag:s14] =	ssyncadd.s32 $0xFFFFFF80  }
0x14f: {  	_ =	swait.ge [sflag:s14], $0x80  }
0x150: {  	[sflag:s14] =	ssyncset.done $0x0  }
0x151: {  	[sflag:s14] =	ssyncadd.s32 $0xFFFFFF80  }
0x152: {  	_ =	swait.ge [sflag:s14], $0x80  }
0x153: {  	[sflag:s14] =	ssyncset.done $0x0  }
0x154: {  	[sflag:s14] =	ssyncadd.s32 $0xFFFFFF80  }
0x155: {  	_ =	swait.ge [sflag:s14], $0x80  }
0x156: {  	[sflag:s14] =	ssyncset.done $0x0  }
0x157: {  	[sflag:s14] =	ssyncadd.s32 $0xFFFFFF80  }
0x158: {  	_ =	swait.ge [sflag:s14], $0x80  }
0x159: {  	[sflag:s14] =	ssyncset.done $0x0  }
0x15a: {  	[sflag:s14] =	ssyncadd.s32 $0xFFFFFF80  }
0x15b: {  	[tilespmem:s25], [sflag:$0x2] =	stream.indirect.gather [hbm4b:s4+s28], $0x80, s2, s28, $0xb8;
	[tilespmem:$0x1FE80] =	vst v63  }
0x15c: {  	s5 =	simm.s32 $0x100  }
0x15d: {  	[tilespmem:s15], [sflag:$0x3] =	stream.indirect.gather [hbm4b:s4+s28], $0x80, s5, s28, $0xb8;
	[tilespmem:$0x1FE80] =	vst v63  }
0x15e: {  	s7 =	simm.s32 $0x200  }
0x15f: {  	[tilespmem:s16], [sflag:$0x4] =	stream.indirect.gather [hbm4b:s4+s28], $0x80, s7, s28, $0xb8;
	[tilespmem:$0x1FE80] =	vst v63  }
0x160: {  	_ =	swait.ge [sflag:s17], $0x4000  }
0x161: {  	[sflag:s17] =	ssyncset.done $0x0  }
0x162: {  	[sflag:s17] =	ssyncadd.s32 $0xFFFFC000  }
0x163: {  	[spmem:s1] =	stream.indirect.scatter.add.f32 [tilespmem:s25], [sflag:$0x5], $0x80, s28, s28, $0xb8;
	[tilespmem:$0x1FE80] =	vst v63  }
0x164: {  	_ =	swait.ge [sflag:s18], $0x4000  }
0x165: {  	[sflag:s18] =	ssyncset.done $0x0  }
0x166: {  	s23 =	simm.s32 $0x180;
	[sflag:s18] =	ssyncadd.s32 $0xFFFFC000  }
0x167: {  	[spmem:s1] =	stream.indirect.scatter.add.f32 [tilespmem:s15], [sflag:$0x6], $0x80, s23, s28, $0xb8;
	[tilespmem:$0x1FE80] =	vst v63  }
0x168: {  	_ =	swait.ge [sflag:s19], $0x4000  }
0x169: {  	[sflag:s19] =	ssyncset.done $0x0  }
0x16a: {  	s26 =	simm.s32 $0x280;
	[sflag:s19] =	ssyncadd.s32 $0xFFFFC000  }
0x16b: {  	[spmem:s1] =	stream.indirect.scatter.add.f32 [tilespmem:s16], [sflag:$0x7], $0x80, s26, s28, $0xb8;
	[tilespmem:$0x1FE80] =	vst v63  }
0x16c: {  	_ =	swait.ge [sflag:s14], $0x80  }
0x16d: {  	[sflag:s14] =	ssyncset.done $0x0  }
0x16e: {  	[sflag:s14] =	ssyncadd.s32 $0xFFFFFF80  }
0x16f: {  	_ =	swait.ge [sflag:s14], $0x80  }
0x170: {  	[sflag:s14] =	ssyncset.done $0x0  }
0x171: {  	[sflag:s14] =	ssyncadd.s32 $0xFFFFFF80  }
0x172: {  	_ =	swait.ge [sflag:s14], $0x80  }
0x173: {  	[sflag:s14] =	ssyncset.done $0x0  }
0x174: {  	[sflag:s14] =	ssyncadd.s32 $0xFFFFFF80  }
0x175: {  	_ =	swait.ge [sflag:s14], $0x80  }
0x176: {  	[sflag:s14] =	ssyncset.done $0x0  }
0x177: {  	[sflag:s14] =	ssyncadd.s32 $0xFFFFFF80  }
0x178: {  	_ =	swait.ge [sflag:s14], $0x80  }
0x179: {  	[sflag:s14] =	ssyncset.done $0x0  }
0x17a: {  	[sflag:s14] =	ssyncadd.s32 $0xFFFFFF80  }
0x17b: {  	_ =	swait.ge [sflag:s14], $0x80  }
0x17c: {  	[sflag:s14] =	ssyncset.done $0x0  }
0x17d: {  	[sflag:s14] =	ssyncadd.s32 $0xFFFFFF80  }
0x17e: {  	_ =	swait.ge [sflag:s20], $0x4000  }
0x17f: {  	[sflag:s20] =	ssyncset.done $0x0  }
0x180: {  	[sflag:s20] =	ssyncadd.s32 $0xFFFFC000  }
0x181: {  	[tilespmem:s25], [sflag:$0x2] =	stream.indirect.gather [hbm4b:s4+s28], $0x80, s11, s28, $0xb8;
	[tilespmem:$0x1FE80] =	vst v63  }
0x182: {  	_ =	swait.ge [sflag:s21], $0x4000  }
0x183: {  	[sflag:s21] =	ssyncset.done $0x0  }
0x184: {  	[sflag:s21] =	ssyncadd.s32 $0xFFFFC000  }
0x185: {  	[tilespmem:s15], [sflag:$0x3] =	stream.indirect.gather [hbm4b:s4+s28], $0x80, s9, s28, $0xb8;
	[tilespmem:$0x1FE80] =	vst v63  }
0x186: {  	_ =	swait.ge [sflag:s22], $0x4000  }
0x187: {  	p1 =	seq.s32 s12, $0x480;
	s0 =	sadd.s32 $0x300, s24;
	[sflag:s22] =	ssyncset.done $0x0  }
0x188: {  	s0 =	sshrl.u32 @!p1 s0, $0x3;
	[sflag:s22] =	ssyncadd.s32 $0xFFFFC000  }
0x189: {  	[tilespmem:s16], [sflag:$0x4] =	stream.indirect.gather [hbm4b:s4+s28], $0x80, s10, s28, $0xb8;
	[tilespmem:$0x1FE80] =	vst v63  }
0x18a: {  	s5 =	simm.s32 @!p1 $0x0;
	s7 =	sadd.s32 @!p1 s31, s0  }
0x18b: {  	[tilespmem:s5], [sflag:$0x1] =	stream.linear.gather @!p1 [hbm4b:s7+s5], $0x80, $0x38;
	[tilespmem:$0x1FE80] =	vst v63  }
0x18c: {  	s0 =	sadd.s32 @!p1 s3, s0;
	s23 =	simm.s32 @!p1 $0x80;
	s7 =	rddreg [dreg:$0x6]  }
0x18d: {  	[tilespmem:s23], [sflag:$0x1] =	stream.linear.gather @!p1 [hbm4b:s0+s5], $0x80, $0x38;
	[tilespmem:$0x1FE80] =	vst v63  }
0x18e: {  	s7 =	sadd.s32 @!p1 s12, s7;
	s0 =	rddreg [dreg:$0x5];
	s23 =	simm.s32 @!p1 $0x100  }
0x18f: {  	[tilespmem:s23], [sflag:$0x1] =	stream.linear.gather @!p1 [hbm4b:s7+s5], $0x80, $0x38;
	[tilespmem:$0x1FE80] =	vst v63  }
0x190: {  	s0 =	sadd.s32 @!p1 s12, s0;
	s7 =	rddreg [dreg:$0x4];
	s23 =	simm.s32 @!p1 $0x180  }
0x191: {  	[tilespmem:s23], [sflag:$0x1] =	stream.linear.gather @!p1 [hbm4b:s0+s5], $0x80, $0x38;
	[tilespmem:$0x1FE80] =	vst v63  }
0x192: {  	s7 =	sadd.s32 @!p1 s12, s7;
	s0 =	rddreg [dreg:$0x3];
	s23 =	simm.s32 @!p1 $0x200  }
0x193: {  	[tilespmem:s23], [sflag:$0x1] =	stream.linear.gather @!p1 [hbm4b:s7+s5], $0x80, $0x38;
	[tilespmem:$0x1FE80] =	vst v63  }
0x194: {  	s0 =	sadd.s32 @!p1 s12, s0;
	s7 =	simm.s32 @!p1 $0x280  }
0x195: {  	[tilespmem:s7], [sflag:$0x1] =	stream.linear.gather @!p1 [hbm4b:s0+s5], $0x80, $0x38;
	[tilespmem:$0x1FE80] =	vst v63  }
0x196: {  	_ =	swait.ge [sflag:s17], $0x4000  }
0x197: {  	[sflag:s17] =	ssyncset.done $0x0  }
0x198: {  	[sflag:s17] =	ssyncadd.s32 $0xFFFFC000  }
0x199: {  	[spmem:s1] =	stream.indirect.scatter.add.f32 [tilespmem:s25], [sflag:$0x5], $0x80, s13, s28, $0xb8;
	[tilespmem:$0x1FE80] =	vst v63  }
0x19a: {  	_ =	swait.ge [sflag:s18], $0x4000  }
0x19b: {  	[sflag:s18] =	ssyncset.done $0x0  }
0x19c: {  	[sflag:s18] =	ssyncadd.s32 $0xFFFFC000  }
0x19d: {  	[spmem:s1] =	stream.indirect.scatter.add.f32 [tilespmem:s15], [sflag:$0x6], $0x80, s6, s28, $0xb8;
	[tilespmem:$0x1FE80] =	vst v63  }
0x19e: {  	_ =	swait.ge [sflag:s19], $0x4000  }
0x19f: {  	[sflag:s19] =	ssyncset.done $0x0  }
0x1a0: {  	[sflag:s19] =	ssyncadd.s32 $0xFFFFC000  }
0x1a1: {  	[spmem:s1] =	stream.indirect.scatter.add.f32 [tilespmem:s16], [sflag:$0x7], $0x80, s8, s28, $0xb8;
	[tilespmem:$0x1FE80] =	vst v63  }
0x1a2: {  	_ =	swait.ge [sflag:s20], $0x4000  }
0x1a3: {  	[sflag:s20] =	ssyncset.done $0x0  }
0x1a4: {  	[sflag:s20] =	ssyncadd.s32 $0xFFFFC000  }
0x1a5: {  	_ =	swait.ge [sflag:s21], $0x4000  }
0x1a6: {  	[sflag:s21] =	ssyncset.done $0x0  }
0x1a7: {  	[sflag:s21] =	ssyncadd.s32 $0xFFFFC000  }
0x1a8: {  	_ =	swait.ge [sflag:s22], $0x4000  }
0x1a9: {  	[sflag:s22] =	ssyncset.done $0x0  }
0x1aa: {  	s26 =	simm.s32 $0x8;
	s5 =	rddreg [dreg:$0x1a];
	[sflag:s22] =	ssyncadd.s32 $0xFFFFC000  }
0x1ab: {  	[tilespmem:s2], [sflag:$0x8] =	stream.linear.gather [hbm4b:s5+s2], $0x10, $0x38;
	[tilespmem:$0x1FE80] =	vst v63  }
0x1ac: {  	_ =	swait.ge [sflag:s26], $0x10  }
0x1ad: {  	[sflag:s26] =	ssyncset.done $0x0  }
0x1ae: {  	s6 =	rddreg [dreg:$0x1b];
	[sflag:s26] =	ssyncadd.s32 $0xFFFFFFF0  }
0x1af: {  	[tilespmem:s28], [sflag:$0x8] =	stream.linear.gather [hbm4b:s6+s2], $0x10, $0x38;
	[tilespmem:$0x1FE80] =	vst v63  }
0x1b0: {  	_ =	swait.ge [sflag:s26], $0x10  }
0x1b1: {  	[sflag:s26] =	ssyncset.done $0x0  }
0x1b2: {  	s7 =	simm.s32 $0x10;
	[sflag:s26] =	ssyncadd.s32 $0xFFFFFFF0  }
0x1b3: {  	[tilespmem:s25], [sflag:$0x2] =	stream.indirect.gather [hbm4b:s4+s7], $0x80, s2, s7, $0xb8;
	[tilespmem:$0x1FE80] =	vst v63  }
0x1b4: {  	_ =	swait.ge [sflag:s17], $0x800  }
0x1b5: {  	[sflag:s17] =	ssyncset.done $0x0  }
0x1b6: {  	[sflag:s17] =	ssyncadd.s32 $0xFFFFF800  }
0x1b7: {  	[spmem:s1] =	stream.indirect.scatter.add.f32 [tilespmem:s25], [sflag:$0x8], $0x80, s28, s7, $0xb8;
	[tilespmem:$0x1FE80] =	vst v63  }
0x1b8: {  	_ =	swait.ge [sflag:s26], $0x800  }
0x1b9: {  	[sflag:s26] =	ssyncset.done $0x0  }
0x1ba: {  	[sflag:s26] =	ssyncadd.s32 $0xFFFFF800  }
0x1bb: {  	s9 =	stileid.u32;
	[bflag:$0x0] =	sbarrier.arrive $0xFFFF  }
0x1bc: {  	s0 =	sshll.u32 s9, $0x6;
	s23 =	rddreg [dreg:$0xd]  }
0x1bd: {  	s0 =	sor.u32 $0x1C08, s0;
	s11 =	rddreg [dreg:$0x17];
	s10 =	sshrl.u32 s23, $0x3  }
0x1be: {  	[hbm:s11], [sflag:s0] =	dma.local [spmem:s10], $0x2700  }
0x1bf: {  	_ =	swait.ge [sflag:s26], $0x2700  }
0x1c0: {  	[sflag:s26] =	ssyncset.done $0x0;
	s24 =	rddreg [dreg:$0x12]  }
0x1c1: {  	s6 =	rddreg [dreg:$0x1c];
	[sflag:s26] =	ssyncadd.s32 $0xFFFFD900;
	s5 =	sshrl.u32 @!p0 s24, $0x3  }
0x1c2: {  	[hbm:s6], [sflag:s0] =	dma.local @!p0 [spmem:s5], $0x100  }
0x1c3: {  	s0 =	simm.s32 @!p0 $0x8  }
0x1c4: {  	_ =	swait.ge @!p0 [sflag:s0], $0x100  }
0x1c5: {  	s12 =	rddreg [dreg:$0x1f]  }
0x1c6: {  	s13 =	rddreg [dreg:$0x1d];
	s7 =	sadd.s32 $0x1, s12  }
0x1c7: {  	p1 =	sne.s32 s7, s13  }
.Ltmp2:
0x1c8: {  	_ = 	snop;
	(pc) =	sbr.rel @p1 .LBB2_1-.Ltmp2, $4  }
0x1c9: {  	s30 =	simm.s32 $0x200;
	s29 =	simm.s32 $0x500  }
0x1ca: {  	s9 =	simm.s32 $0x280;
	s10 =	simm.s32 $0x300;
	s11 =	simm.s32 $0x380  }
0x1cb: {  	s6 =	smov.u32 s3;
	s3 =	simm.s32 $0x100;
	[sflag:s0] =	ssyncset.done @!p0 $0x0  }
0x1cc: {  	s5 =	simm.s32 $0x180;
	[sflag:s0] =	ssyncadd.s32 @!p0 $0xFFFFFF00;
	s13 =	simm.s32 $0x400  }
0x1cd: {  	_ =	sfence.sel $0x180000  }
0x1ce: {  	[bflag:$0x0] =	sbarrier.arrive $0xFFFF  }
0x1cf: {  	_ =	strace $0x9000004D  }
0x1d0: {  	s0 =	stileid.u32;
	[bflag:$0x2] =	sbarrier.arrive $0xFFFF  }
0x1d1: {  	p0 =	sne.s32 s0, $0x0;
	s0 =	rddreg [dreg:$0x2]  }
0x1d2: {  	s0 =	sadd.s32 @!p0 $0x100000, s0  }
0x1d3: {  	[sflag:s0] =	ssyncadd.tile.s32 @!p0 $0x1;
	_ =	shalt  }
.Lfunc_end2:
_tile_overlayer_lowered:
.L_overlay_start_2:
0x1d4: {  	(tag) =	ssettag $0x2  }
0x1d5: {  	s0 =	rddreg [dreg:$0x0];
	s2 =	stileid.u32  }
0x1d6: {  	s1 =	rddreg [dreg:$0x1];
	p0 =	sne.s32 s2, $0x0  }
0x1d7: {  	s3 =	rddreg [dreg:$0x2];
	[bflag:$0x3] =	sbarrier.arrive $0xFFFF;
	s2 =	simm.s32 @!p0 $0x1C08  }
0x1d8: {  	[timem:s3], [sflag:s2] =	dma.local @!p0 [hbm:s0], s1  }
0x1d9: {  	s0 =	simm.s32 @!p0 $0x8  }
0x1da: {  	_ =	swait.ge @!p0 [sflag:s0], s1  }
0x1db: {  	s1 =	ssub.s32 @!p0 $0x0, s1;
	[sflag:s0] =	ssyncset.done @!p0 $0x0  }
0x1dc: {  	[sflag:s0] =	ssyncadd.s32 @!p0 s1  }
0x1dd: {  	[bflag:$0x3] =	sbarrier.arrive $0xFFFF  }
0x1de: {  	_ =	shalt  }

</sc_bundles>
